<compile_context>
chip_gen: v7x
topology: tpu7x:2x2x1
jax: 0.10.2.dev20260603
libtpu: 0.0.44.dev20260713+nightly
codegen_flags: <defaults>
</compile_context>

<pallas_src>
import numpy as np

import jax
import jax.numpy as jnp
from jax import lax
from jax.experimental import pallas as pl
from jax.experimental.pallas import tpu as pltpu
from jax.experimental.pallas import tpu_sc as plsc

_NB = 10
_N = 16777216
_NC = 2
_NS = 16
_NW = _NC * _NS
_L = 16
_PER_W = _N // _NW
_C = 16384
_NCHUNK = _PER_W // _C
_ACC = _NB * _L
_U = 8

_TBL_N = 2048
_TBL_LO = -16.0
_TBL_SCALE = 64.0
_xs = _TBL_LO + np.arange(_TBL_N + 1, dtype=np.float64) / _TBL_SCALE
_sig = 1.0 / (1.0 + np.exp(-_xs))
_TBL_BASE = np.asarray(_sig[:-1], dtype=np.float32)
_TBL_SLOPE = np.asarray(_sig[1:] - _sig[:-1], dtype=np.float32)


def _pass_a_body(logits_hbm, tb_hbm, ts_hbm, outf_hbm, bins_hbm,
                 lbuf0, lbuf1, obuf0, obuf1, tb, ts,
                 acc_cnt, acc_conf, sem0, sem1, semo0, semo1):
    i32 = jnp.int32
    wid = lax.axis_index("s") * i32(_NC) + lax.axis_index("c")
    base = wid * i32(_PER_W)

    pltpu.sync_copy(tb_hbm, tb)
    pltpu.sync_copy(ts_hbm, ts)

    zf = jnp.zeros((_L,), jnp.float32)
    for k in range(_NB):
        acc_cnt[pl.ds(k * _L, _L)] = zf
        acc_conf[pl.ds(k * _L, _L)] = zf

    def start(i, lbuf, sem):
        off = base + i * i32(_C)
        pltpu.async_copy(logits_hbm.at[pl.ds(off, _C)], lbuf, sem)

    def wait_in(lbuf, sem):
        pltpu.make_async_copy(logits_hbm.at[pl.ds(0, _C)], lbuf, sem).wait()

    def start_out(i, obuf, semo):
        off = wid * i32(_PER_W // 2) + i * i32(_C // 2)
        pltpu.async_copy(obuf, bins_hbm.at[pl.ds(off, _C // 2)], semo)

    def wait_out(obuf, semo):
        pltpu.make_async_copy(obuf, bins_hbm.at[pl.ds(0, _C // 2)],
                              semo).wait()

    start(0, lbuf0, sem0)
    start(1, lbuf1, sem1)

    lane = lax.iota(jnp.int32, _L)
    ones = jnp.ones((_L,), jnp.float32)

    def consume(lbuf, obuf):
        def inner(j, carry):
            base_e = j * i32(_U * _L)
            offs = [base_e + i32(u * _L) for u in range(_U)]
            xs = [lbuf[pl.ds(o, _L)] for o in offs]
            tts = [x * _TBL_SCALE + (-_TBL_LO * _TBL_SCALE) for x in xs]
            tts = [jnp.minimum(jnp.maximum(t, 0.0), _TBL_N - 0.004)
                   for t in tts]
            iis = [t.astype(jnp.int32) for t in tts]
            fracs = [t - i.astype(jnp.float32) for t, i in zip(tts, iis)]
            bas = [plsc.load_gather(tb, [i]) for i in iis]
            sls = [plsc.load_gather(ts, [i]) for i in iis]
            confs = [b + f * s for b, f, s in zip(bas, fracs, sls)]
            bis = [(c * 10.0).astype(jnp.int32) for c in confs]
            addrs = [b * i32(_L) + lane for b in bis]
            for u in range(_U):
                plsc.addupdate_scatter(acc_cnt, [addrs[u]], ones)
                plsc.addupdate_scatter(acc_conf, [addrs[u]], confs[u])
            base_h = j * i32(_U * _L // 2)
            for g in range(_U // 2):
                p = plsc.pack(addrs[2 * g], addrs[2 * g + 1],
                              format=plsc.PackFormat.INTERLEAVED)
                obuf[pl.ds(base_h + i32(g * _L), _L)] = plsc.bitcast(
                    p, jnp.int32)
            return carry
        lax.fori_loop(i32(0), i32(_C // (_U * _L)), inner, i32(0))

    def outer(t, carry):
        i0 = t * i32(2)

        wait_in(lbuf0, sem0)

        @pl.when(i0 >= i32(2))
        def _():
            wait_out(obuf0, semo0)

        consume(lbuf0, obuf0)
        start_out(i0, obuf0, semo0)

        @pl.when(i0 + i32(2) < i32(_NCHUNK))
        def _():
            start(i0 + i32(2), lbuf0, sem0)

        wait_in(lbuf1, sem1)

        @pl.when(i0 >= i32(2))
        def _():
            wait_out(obuf1, semo1)

        consume(lbuf1, obuf1)
        start_out(i0 + i32(1), obuf1, semo1)

        @pl.when(i0 + i32(3) < i32(_NCHUNK))
        def _():
            start(i0 + i32(3), lbuf1, sem1)

        return carry

    lax.fori_loop(i32(0), i32(_NCHUNK // 2), outer, i32(0))

    wait_out(obuf0, semo0)
    wait_out(obuf1, semo1)

    obase = wid * i32(2 * _ACC)
    pltpu.sync_copy(acc_cnt, outf_hbm.at[pl.ds(obase, _ACC)])
    pltpu.sync_copy(acc_conf, outf_hbm.at[pl.ds(obase + i32(_ACC), _ACC)])


def _pass_b_body(labels_hbm, bins_hbm, outi_hbm,
                 bbuf0, bbuf1, qbuf0, qbuf1, acc_lab, sem0, sem1):
    i32 = jnp.int32
    wid = lax.axis_index("s") * i32(_NC) + lax.axis_index("c")
    base = wid * i32(_PER_W)

    zi = jnp.zeros((_L,), jnp.int32)
    for k in range(_NB):
        acc_lab[pl.ds(k * _L, _L)] = zi

    def start(i, bbuf, qbuf, sem):
        off = base + i * i32(_C)
        offh = wid * i32(_PER_W // 2) + i * i32(_C // 2)
        pltpu.async_copy(labels_hbm.at[pl.ds(off, _C)], bbuf, sem)
        pltpu.async_copy(bins_hbm.at[pl.ds(offh, _C // 2)], qbuf, sem)

    def wait(bbuf, qbuf, sem):
        pltpu.make_async_copy(labels_hbm.at[pl.ds(0, _C)], bbuf, sem).wait()
        pltpu.make_async_copy(bins_hbm.at[pl.ds(0, _C // 2)],
                              qbuf, sem).wait()

    start(0, bbuf0, qbuf0, sem0)
    start(1, bbuf1, qbuf1, sem1)

    lane = lax.iota(jnp.int32, _L)

    def consume(bbuf, qbuf):
        def inner(j, carry):
            base_e = j * i32(_U * _L)
            offs = [base_e + i32(u * _L) for u in range(_U)]
            labs = [plsc.bitcast(bbuf[pl.ds(o, _L)], jnp.int32)
                    for o in offs]
            base_h = j * i32(_U * _L // 2)
            addrs = []
            for g in range(_U // 2):
                w = qbuf[pl.ds(base_h + i32(g * _L), _L)]
                a0, a1 = plsc.unpack(plsc.bitcast(w, jnp.int16),
                                     format=plsc.PackFormat.INTERLEAVED)
                addrs += [a0, a1]
            for u in range(_U):
                plsc.addupdate_scatter(acc_lab, [addrs[u]], labs[u])
            return carry
        lax.fori_loop(i32(0), i32(_C // (_U * _L)), inner, i32(0))

    def outer(t, carry):
        i0 = t * i32(2)
        wait(bbuf0, qbuf0, sem0)
        consume(bbuf0, qbuf0)

        @pl.when(i0 + i32(2) < i32(_NCHUNK))
        def _():
            start(i0 + i32(2), bbuf0, qbuf0, sem0)

        wait(bbuf1, qbuf1, sem1)
        consume(bbuf1, qbuf1)

        @pl.when(i0 + i32(3) < i32(_NCHUNK))
        def _():
            start(i0 + i32(3), bbuf1, qbuf1, sem1)

        return carry

    lax.fori_loop(i32(0), i32(_NCHUNK // 2), outer, i32(0))

    pltpu.sync_copy(acc_lab, outi_hbm.at[pl.ds(wid * i32(_ACC), _ACC)])


_MESH = plsc.VectorSubcoreMesh(core_axis_name="c", subcore_axis_name="s",
                               num_cores=_NC, num_subcores=_NS)


@jax.jit
def _sc_run(logits, labels_u32, tbl_base, tbl_slope):
    pass_a = pl.kernel(
        _pass_a_body,
        out_type=(
            jax.ShapeDtypeStruct((_NW * 2 * _ACC,), jnp.float32),
            jax.ShapeDtypeStruct((_N // 2,), jnp.int32),
        ),
        mesh=_MESH,
        scratch_types=[
            pltpu.VMEM((_C,), jnp.float32),
            pltpu.VMEM((_C,), jnp.float32),
            pltpu.VMEM((_C // 2,), jnp.int32),
            pltpu.VMEM((_C // 2,), jnp.int32),
            pltpu.VMEM((_TBL_N,), jnp.float32),
            pltpu.VMEM((_TBL_N,), jnp.float32),
            pltpu.VMEM((_ACC,), jnp.float32),
            pltpu.VMEM((_ACC,), jnp.float32),
            pltpu.SemaphoreType.DMA,
            pltpu.SemaphoreType.DMA,
            pltpu.SemaphoreType.DMA,
            pltpu.SemaphoreType.DMA,
        ],
        compiler_params=pltpu.CompilerParams(needs_layout_passes=False),
    )
    outf, bins = pass_a(logits, tbl_base, tbl_slope)

    pass_b = pl.kernel(
        _pass_b_body,
        out_type=jax.ShapeDtypeStruct((_NW * _ACC,), jnp.int32),
        mesh=_MESH,
        scratch_types=[
            pltpu.VMEM((_C,), jnp.uint32),
            pltpu.VMEM((_C,), jnp.uint32),
            pltpu.VMEM((_C // 2,), jnp.int32),
            pltpu.VMEM((_C // 2,), jnp.int32),
            pltpu.VMEM((_ACC,), jnp.int32),
            pltpu.SemaphoreType.DMA,
            pltpu.SemaphoreType.DMA,
        ],
        compiler_params=pltpu.CompilerParams(needs_layout_passes=False),
    )
    outi = pass_b(labels_u32, bins)
    return outf, outi


def _combine_body(pf_ref, pi_ref, pc_ref, e_ref, m_ref):
    xf = pf_ref[...]
    xi = pi_ref[...]
    sf = jnp.sum(xf, axis=(0, 3))
    lab = jnp.sum(xi.astype(jnp.float32), axis=(0, 2))
    cnt = sf[0]
    cf = sf[1]
    nonempty = cnt > 0.0
    denom = jnp.maximum(cnt, 1.0)
    pos = jnp.where(nonempty, lab / denom, 0.0)
    cfm = jnp.where(nonempty, cf / denom, 0.0)
    ece_i = jnp.abs(pos - cfm)
    pc_ref[...] = jnp.stack([pos, cfm])
    e_ref[...] = jnp.sum(ece_i).reshape(1, 1)
    m_ref[...] = jnp.max(ece_i).reshape(1, 1)


def kernel(logits, labels):
    labels_u32 = labels.astype(jnp.uint32)
    partials_f, partials_i = _sc_run(
        logits, labels_u32, jnp.asarray(_TBL_BASE), jnp.asarray(_TBL_SLOPE))
    pf = partials_f.reshape(_NW, 2, _NB, _L)
    pi = partials_i.reshape(_NW, _NB, _L)
    pc, e, m = pl.pallas_call(
        _combine_body,
        out_shape=[
            jax.ShapeDtypeStruct((2, _NB), jnp.float32),
            jax.ShapeDtypeStruct((1, 1), jnp.float32),
            jax.ShapeDtypeStruct((1, 1), jnp.float32),
        ],
    )(pf, pi)
    return (pc[0], pc[1], e[0, 0], m[0, 0])

# --- scband reference (transcript-rebuilt; emitter-appended) ---
"""Pipeline reference for scband-reliability-diagram-43946105373039 (READ-ONLY COPY).

The authoritative reference and input builder live on the scoring server;
editing this copy changes nothing except your own understanding.
"""

import jax, jax.numpy as jnp
import numpy as np

jax.config.update("jax_enable_x64", True)

NB_BINS = 10
N = 16777216


def setup_inputs(seed: int = 0) -> dict:
    key = jax.random.key(seed)
    k1, k2 = jax.random.split(key)
    logits = jax.random.normal(k1, (N,), dtype=jnp.float32)
    labels = jax.random.randint(k2, (N,), 0, 2, dtype=jnp.int64)
    return {"logits": logits, "labels": labels}


def reference(logits, labels):
    confidences = jax.nn.sigmoid(logits)
    labels_f = labels.astype(jnp.float32)
    boundaries = np.linspace(0.0, 1.0, NB_BINS + 1)
    bin_lowers = boundaries[:-1]
    bin_uppers = boundaries[1:]

    pos_list = []
    conf_list = []
    for lo, hi in zip(bin_lowers, bin_uppers):
        in_bin = (confidences > float(lo)) & (confidences <= float(hi))
        in_bin_f = in_bin.astype(jnp.float32)
        cnt = jnp.sum(in_bin_f)
        nonempty = cnt > 0
        denom = jnp.maximum(cnt, 1.0)
        positives_in_bin = jnp.where(nonempty, jnp.sum(labels_f * in_bin_f) / denom, 0.0)
        confidences_in_bin = jnp.where(nonempty, jnp.sum(confidences * in_bin_f) / denom, 0.0)
        pos_list.append(positives_in_bin)
        conf_list.append(confidences_in_bin)

    positives_per_bin = jnp.stack(pos_list)
    confidence_per_bin = jnp.stack(conf_list)
    # empty bins contribute |0 - 0| = 0, matching the torch loop that skips them
    ece_i = jnp.abs(positives_per_bin - confidence_per_bin)
    ece = jnp.sum(ece_i)
    max_ece = jnp.max(ece_i)
    return (positives_per_bin, confidence_per_bin, ece, max_ece)

if __name__ == "__main__":
    import jax
    _d = setup_inputs()
    print(jax.jit(kernel)(*tuple(_d.values())))

</pallas_src>

<mosaic_0001>
#map = affine_map<(d0, d1) -> (0)>
module attributes {stable_mosaic.version = 14 : i64} {
  func.func @_pass_b_body(%arg0: i32, %arg1: i32, %arg2: memref<16777216xi32, #tpu.memory_space<hbm>>, %arg3: memref<8388608xi32, #tpu.memory_space<hbm>>, %arg4: memref<5120xi32, #tpu.memory_space<hbm>>, %arg5: memref<16384xi32, #tpu.memory_space<vmem>>, %arg6: memref<16384xi32, #tpu.memory_space<vmem>>, %arg7: memref<8192xi32, #tpu.memory_space<vmem>>, %arg8: memref<8192xi32, #tpu.memory_space<vmem>>, %arg9: memref<160xi32, #tpu.memory_space<vmem>>, %arg10: memref<!tpu.dma_semaphore, #tpu.memory_space<semaphore_mem>>, %arg11: memref<!tpu.dma_semaphore, #tpu.memory_space<semaphore_mem>>) attributes {dimension_semantics = [#tpu.dimension_semantics<core_parallel>, #tpu.dimension_semantics<subcore_parallel>], iteration_bounds = array<i64: 2, 16>, scalar_prefetch = 0 : i64, scratch_operands = 7 : i64, tpu.core_type = #tpu.core_type<sc_vector_subcore>, window_params = [{transform_indices = #map}, {transform_indices = #map}, {transform_indices = #map}]} {
    %mul3A = arith.constant 2 : i32
    %mul3A_0 = arith.muli %arg1, %mul3A : i32
    %add3A = arith.addi %mul3A_0, %arg0 : i32
    %mul3A_1 = arith.constant 524288 : i32
    %mul3A_2 = arith.muli %add3A, %mul3A_1 : i32
    %broadcast_in_dim3A = arith.constant 0 : i32
    %broadcast_in_dim3A_3 = vector.broadcast %broadcast_in_dim3A : i32 to vector<16xi32>
    %swap3A = arith.constant 0 : index
    %swap3A_4 = tpu.vector_load %arg9[%swap3A] {strides = array<i32>} : memref<160xi32, #tpu.memory_space<vmem>>, vector<16xi32>,
    tpu.vector_store %arg9[%swap3A], %broadcast_in_dim3A_3 {strides = array<i32>} : memref<160xi32, #tpu.memory_space<vmem>>, vector<16xi32>,
    %swap3A_5 = arith.constant 16 : index
    %swap3A_6 = tpu.vector_load %arg9[%swap3A_5] {strides = array<i32>} : memref<160xi32, #tpu.memory_space<vmem>>, vector<16xi32>,
    tpu.vector_store %arg9[%swap3A_5], %broadcast_in_dim3A_3 {strides = array<i32>} : memref<160xi32, #tpu.memory_space<vmem>>, vector<16xi32>,
    %swap3A_7 = arith.constant 32 : index
    %swap3A_8 = tpu.vector_load %arg9[%swap3A_7] {strides = array<i32>} : memref<160xi32, #tpu.memory_space<vmem>>, vector<16xi32>,
    tpu.vector_store %arg9[%swap3A_7], %broadcast_in_dim3A_3 {strides = array<i32>} : memref<160xi32, #tpu.memory_space<vmem>>, vector<16xi32>,
    %swap3A_9 = arith.constant 48 : index
    %swap3A_10 = tpu.vector_load %arg9[%swap3A_9] {strides = array<i32>} : memref<160xi32, #tpu.memory_space<vmem>>, vector<16xi32>,
    tpu.vector_store %arg9[%swap3A_9], %broadcast_in_dim3A_3 {strides = array<i32>} : memref<160xi32, #tpu.memory_space<vmem>>, vector<16xi32>,
    %swap3A_11 = arith.constant 64 : index
    %swap3A_12 = tpu.vector_load %arg9[%swap3A_11] {strides = array<i32>} : memref<160xi32, #tpu.memory_space<vmem>>, vector<16xi32>,
    tpu.vector_store %arg9[%swap3A_11], %broadcast_in_dim3A_3 {strides = array<i32>} : memref<160xi32, #tpu.memory_space<vmem>>, vector<16xi32>,
    %swap3A_13 = arith.constant 80 : index
    %swap3A_14 = tpu.vector_load %arg9[%swap3A_13] {strides = array<i32>} : memref<160xi32, #tpu.memory_space<vmem>>, vector<16xi32>,
    tpu.vector_store %arg9[%swap3A_13], %broadcast_in_dim3A_3 {strides = array<i32>} : memref<160xi32, #tpu.memory_space<vmem>>, vector<16xi32>,
    %swap3A_15 = arith.constant 96 : index
    %swap3A_16 = tpu.vector_load %arg9[%swap3A_15] {strides = array<i32>} : memref<160xi32, #tpu.memory_space<vmem>>, vector<16xi32>,
    tpu.vector_store %arg9[%swap3A_15], %broadcast_in_dim3A_3 {strides = array<i32>} : memref<160xi32, #tpu.memory_space<vmem>>, vector<16xi32>,
    %swap3A_17 = arith.constant 112 : index
    %swap3A_18 = tpu.vector_load %arg9[%swap3A_17] {strides = array<i32>} : memref<160xi32, #tpu.memory_space<vmem>>, vector<16xi32>,
    tpu.vector_store %arg9[%swap3A_17], %broadcast_in_dim3A_3 {strides = array<i32>} : memref<160xi32, #tpu.memory_space<vmem>>, vector<16xi32>,
    %swap3A_19 = arith.constant 128 : index
    %swap3A_20 = tpu.vector_load %arg9[%swap3A_19] {strides = array<i32>} : memref<160xi32, #tpu.memory_space<vmem>>, vector<16xi32>,
    tpu.vector_store %arg9[%swap3A_19], %broadcast_in_dim3A_3 {strides = array<i32>} : memref<160xi32, #tpu.memory_space<vmem>>, vector<16xi32>,
    %swap3A_21 = arith.constant 144 : index
    %swap3A_22 = tpu.vector_load %arg9[%swap3A_21] {strides = array<i32>} : memref<160xi32, #tpu.memory_space<vmem>>, vector<16xi32>,
    tpu.vector_store %arg9[%swap3A_21], %broadcast_in_dim3A_3 {strides = array<i32>} : memref<160xi32, #tpu.memory_space<vmem>>, vector<16xi32>,
    %mul3A_23 = arith.constant 0 : i32
    %mul3A_24 = arith.constant 16384 : i32
    %mul3A_25 = arith.muli %mul3A_23, %mul3A_24 : i32
    %add3A_26 = arith.addi %mul3A_2, %mul3A_25 : i32
    %mul3A_27 = arith.constant 262144 : i32
    %mul3A_28 = arith.muli %add3A, %mul3A_27 : i32
    %mul3A_29 = arith.constant 0 : i32
    %mul3A_30 = arith.constant 8192 : i32
    %mul3A_31 = arith.muli %mul3A_29, %mul3A_30 : i32
    %add3A_32 = arith.addi %mul3A_28, %mul3A_31 : i32
    %dma_start3A = tpu.memref_slice %arg2[%add3A_26] : memref<16777216xi32, #tpu.memory_space<hbm>> -> memref<16384xi32, #tpu.memory_space<hbm>>
    %dma_start3A_33 = tpu.memref_slice %arg2[%add3A_26] : memref<16777216xi32, #tpu.memory_space<hbm>> -> memref<16384xi32, #tpu.memory_space<hbm>>
    tpu.enqueue_dma source(%dma_start3A_33 : memref<16384xi32, #tpu.memory_space<hbm>>) target(%arg5 : memref<16384xi32, #tpu.memory_space<vmem>>) target_semaphore(%arg10 : memref<!tpu.dma_semaphore, #tpu.memory_space<semaphore_mem>>)
    %dma_start3A_34 = tpu.memref_slice %arg3[%add3A_32] : memref<8388608xi32, #tpu.memory_space<hbm>> -> memref<8192xi32, #tpu.memory_space<hbm>>
    %dma_start3A_35 = tpu.memref_slice %arg3[%add3A_32] : memref<8388608xi32, #tpu.memory_space<hbm>> -> memref<8192xi32, #tpu.memory_space<hbm>>
    tpu.enqueue_dma source(%dma_start3A_35 : memref<8192xi32, #tpu.memory_space<hbm>>) target(%arg7 : memref<8192xi32, #tpu.memory_space<vmem>>) target_semaphore(%arg10 : memref<!tpu.dma_semaphore, #tpu.memory_space<semaphore_mem>>)
    %mul3A_36 = arith.constant 1 : i32
    %mul3A_37 = arith.constant 16384 : i32
    %mul3A_38 = arith.muli %mul3A_36, %mul3A_37 : i32
    %add3A_39 = arith.addi %mul3A_2, %mul3A_38 : i32
    %mul3A_40 = arith.constant 262144 : i32
    %mul3A_41 = arith.muli %add3A, %mul3A_40 : i32
    %mul3A_42 = arith.constant 1 : i32
    %mul3A_43 = arith.constant 8192 : i32
    %mul3A_44 = arith.muli %mul3A_42, %mul3A_43 : i32
    %add3A_45 = arith.addi %mul3A_41, %mul3A_44 : i32
    %dma_start3A_46 = tpu.memref_slice %arg2[%add3A_39] : memref<16777216xi32, #tpu.memory_space<hbm>> -> memref<16384xi32, #tpu.memory_space<hbm>>
    %dma_start3A_47 = tpu.memref_slice %arg2[%add3A_39] : memref<16777216xi32, #tpu.memory_space<hbm>> -> memref<16384xi32, #tpu.memory_space<hbm>>
    tpu.enqueue_dma source(%dma_start3A_47 : memref<16384xi32, #tpu.memory_space<hbm>>) target(%arg6 : memref<16384xi32, #tpu.memory_space<vmem>>) target_semaphore(%arg11 : memref<!tpu.dma_semaphore, #tpu.memory_space<semaphore_mem>>)
    %dma_start3A_48 = tpu.memref_slice %arg3[%add3A_45] : memref<8388608xi32, #tpu.memory_space<hbm>> -> memref<8192xi32, #tpu.memory_space<hbm>>
    %dma_start3A_49 = tpu.memref_slice %arg3[%add3A_45] : memref<8388608xi32, #tpu.memory_space<hbm>> -> memref<8192xi32, #tpu.memory_space<hbm>>
    tpu.enqueue_dma source(%dma_start3A_49 : memref<8192xi32, #tpu.memory_space<hbm>>) target(%arg8 : memref<8192xi32, #tpu.memory_space<vmem>>) target_semaphore(%arg11 : memref<!tpu.dma_semaphore, #tpu.memory_space<semaphore_mem>>)
    %iota3A = tpu.iota {dimensions = array<i32: 0>} : vector<16xi32>
    %while3A = arith.constant 0 : i32
    %while3A_50 = arith.constant 0 : i32
    %while3A_51 = arith.constant 16 : i32
    %while3A_52 = arith.subi %while3A_51, %while3A_50 : i32
    %while3A_53 = arith.addi %while3A_50, %while3A_52 : i32
    %while3A_54 = arith.constant 1 : i32
    %while3A_55 = arith.divsi %while3A_52, %while3A_54 : i32
    %while3A_56 = arith.muli %while3A_55, %while3A_54 : i32
    %while3A_57 = arith.addi %while3A_50, %while3A_56 : i32
    %while3A_58 = arith.constant 1 : i32
    scf.for %while3A_62 = %while3A_50 to %while3A_57 step %while3A_58  : i32 {
      %mul3A_63 = arith.constant 2 : i32
      %mul3A_64 = arith.muli %while3A_62, %mul3A_63 : i32
      %dma_wait3A = arith.constant 0 : i32
      %dma_wait3A_65 = tpu.memref_slice %arg2[%dma_wait3A] : memref<16777216xi32, #tpu.memory_space<hbm>> -> memref<16384xi32, #tpu.memory_space<hbm>>
      %dma_wait3A_66 = arith.constant 0 : i32
      %dma_wait3A_67 = tpu.memref_slice %arg2[%dma_wait3A_66] : memref<16777216xi32, #tpu.memory_space<hbm>> -> memref<16384xi32, #tpu.memory_space<hbm>>
      tpu.wait_dma2 semaphore(%arg10 : memref<!tpu.dma_semaphore, #tpu.memory_space<semaphore_mem>>) src(%dma_wait3A_67 : memref<16384xi32, #tpu.memory_space<hbm>>) dst(%arg5 : memref<16384xi32, #tpu.memory_space<vmem>>)
      %dma_wait3A_68 = arith.constant 0 : i32
      %dma_wait3A_69 = tpu.memref_slice %arg3[%dma_wait3A_68] : memref<8388608xi32, #tpu.memory_space<hbm>> -> memref<8192xi32, #tpu.memory_space<hbm>>
      %dma_wait3A_70 = arith.constant 0 : i32
      %dma_wait3A_71 = tpu.memref_slice %arg3[%dma_wait3A_70] : memref<8388608xi32, #tpu.memory_space<hbm>> -> memref<8192xi32, #tpu.memory_space<hbm>>
      tpu.wait_dma2 semaphore(%arg10 : memref<!tpu.dma_semaphore, #tpu.memory_space<semaphore_mem>>) src(%dma_wait3A_71 : memref<8192xi32, #tpu.memory_space<hbm>>) dst(%arg7 : memref<8192xi32, #tpu.memory_space<vmem>>)
      %while3A_72 = arith.constant 0 : i32
      %while3A_73 = arith.constant 0 : i32
      %while3A_74 = arith.constant 128 : i32
      %while3A_75 = arith.subi %while3A_74, %while3A_73 : i32
      %while3A_76 = arith.addi %while3A_73, %while3A_75 : i32
      %while3A_77 = arith.constant 1 : i32
      %while3A_78 = arith.divsi %while3A_75, %while3A_77 : i32
      %while3A_79 = arith.muli %while3A_78, %while3A_77 : i32
      %while3A_80 = arith.addi %while3A_73, %while3A_79 : i32
      %while3A_81 = arith.constant 1 : i32
      scf.for %while3A_113 = %while3A_73 to %while3A_80 step %while3A_81  : i32 {
        %mul3A_114 = arith.constant 128 : i32
        %mul3A_115 = arith.muli %while3A_113, %mul3A_114 : i32
        %add3A_116 = arith.constant 0 : i32
        %add3A_117 = arith.addi %mul3A_115, %add3A_116 : i32
        %add3A_118 = arith.constant 16 : i32
        %add3A_119 = arith.addi %mul3A_115, %add3A_118 : i32
        %add3A_120 = arith.constant 32 : i32
        %add3A_121 = arith.addi %mul3A_115, %add3A_120 : i32
        %add3A_122 = arith.constant 48 : i32
        %add3A_123 = arith.addi %mul3A_115, %add3A_122 : i32
        %add3A_124 = arith.constant 64 : i32
        %add3A_125 = arith.addi %mul3A_115, %add3A_124 : i32
        %add3A_126 = arith.constant 80 : i32
        %add3A_127 = arith.addi %mul3A_115, %add3A_126 : i32
        %add3A_128 = arith.constant 96 : i32
        %add3A_129 = arith.addi %mul3A_115, %add3A_128 : i32
        %add3A_130 = arith.constant 112 : i32
        %add3A_131 = arith.addi %mul3A_115, %add3A_130 : i32
        %get3A = arith.index_cast %add3A_117 : i32 to index
        %get3A_132 = tpu.vector_load %arg5[%get3A] {strides = array<i32>} : memref<16384xi32, #tpu.memory_space<vmem>>, vector<16xi32>,
        %bitcast3A = vector.bitcast %get3A_132 : vector<16xi32> to vector<16xi32>
        %get3A_133 = arith.index_cast %add3A_119 : i32 to index
        %get3A_134 = tpu.vector_load %arg5[%get3A_133] {strides = array<i32>} : memref<16384xi32, #tpu.memory_space<vmem>>, vector<16xi32>,
        %bitcast3A_135 = vector.bitcast %get3A_134 : vector<16xi32> to vector<16xi32>
        %get3A_136 = arith.index_cast %add3A_121 : i32 to index
        %get3A_137 = tpu.vector_load %arg5[%get3A_136] {strides = array<i32>} : memref<16384xi32, #tpu.memory_space<vmem>>, vector<16xi32>,
        %bitcast3A_138 = vector.bitcast %get3A_137 : vector<16xi32> to vector<16xi32>
        %get3A_139 = arith.index_cast %add3A_123 : i32 to index
        %get3A_140 = tpu.vector_load %arg5[%get3A_139] {strides = array<i32>} : memref<16384xi32, #tpu.memory_space<vmem>>, vector<16xi32>,
        %bitcast3A_141 = vector.bitcast %get3A_140 : vector<16xi32> to vector<16xi32>
        %get3A_142 = arith.index_cast %add3A_125 : i32 to index
        %get3A_143 = tpu.vector_load %arg5[%get3A_142] {strides = array<i32>} : memref<16384xi32, #tpu.memory_space<vmem>>, vector<16xi32>,
        %bitcast3A_144 = vector.bitcast %get3A_143 : vector<16xi32> to vector<16xi32>
        %get3A_145 = arith.index_cast %add3A_127 : i32 to index
        %get3A_146 = tpu.vector_load %arg5[%get3A_145] {strides = array<i32>} : memref<16384xi32, #tpu.memory_space<vmem>>, vector<16xi32>,
        %bitcast3A_147 = vector.bitcast %get3A_146 : vector<16xi32> to vector<16xi32>
        %get3A_148 = arith.index_cast %add3A_129 : i32 to index
        %get3A_149 = tpu.vector_load %arg5[%get3A_148] {strides = array<i32>} : memref<16384xi32, #tpu.memory_space<vmem>>, vector<16xi32>,
        %bitcast3A_150 = vector.bitcast %get3A_149 : vector<16xi32> to vector<16xi32>
        %get3A_151 = arith.index_cast %add3A_131 : i32 to index
        %get3A_152 = tpu.vector_load %arg5[%get3A_151] {strides = array<i32>} : memref<16384xi32, #tpu.memory_space<vmem>>, vector<16xi32>,
        %bitcast3A_153 = vector.bitcast %get3A_152 : vector<16xi32> to vector<16xi32>
        %mul3A_154 = arith.constant 64 : i32
        %mul3A_155 = arith.muli %while3A_113, %mul3A_154 : i32
        %add3A_156 = arith.constant 0 : i32
        %add3A_157 = arith.addi %mul3A_155, %add3A_156 : i32
        %get3A_158 = arith.index_cast %add3A_157 : i32 to index
        %get3A_159 = tpu.vector_load %arg7[%get3A_158] {strides = array<i32>} : memref<8192xi32, #tpu.memory_space<vmem>>, vector<16xi32>,
        %bitcast3A_160 = vector.bitcast %get3A_159 : vector<16xi32> to vector<32xi16>
        %unpack3A = tpu.unpack_subelements %bitcast3A_160, 0 {pack_format = #tpu.pack_format<interleaved>} : vector<32xi16> -> vector<16xi32>
        %unpack3A_161 = tpu.unpack_subelements %bitcast3A_160, 1 {pack_format = #tpu.pack_format<interleaved>} : vector<32xi16> -> vector<16xi32>
        %add3A_162 = arith.constant 16 : i32
        %add3A_163 = arith.addi %mul3A_155, %add3A_162 : i32
        %get3A_164 = arith.index_cast %add3A_163 : i32 to index
        %get3A_165 = tpu.vector_load %arg7[%get3A_164] {strides = array<i32>} : memref<8192xi32, #tpu.memory_space<vmem>>, vector<16xi32>,
        %bitcast3A_166 = vector.bitcast %get3A_165 : vector<16xi32> to vector<32xi16>
        %unpack3A_167 = tpu.unpack_subelements %bitcast3A_166, 0 {pack_format = #tpu.pack_format<interleaved>} : vector<32xi16> -> vector<16xi32>
        %unpack3A_168 = tpu.unpack_subelements %bitcast3A_166, 1 {pack_format = #tpu.pack_format<interleaved>} : vector<32xi16> -> vector<16xi32>
        %add3A_169 = arith.constant 32 : i32
        %add3A_170 = arith.addi %mul3A_155, %add3A_169 : i32
        %get3A_171 = arith.index_cast %add3A_170 : i32 to index
        %get3A_172 = tpu.vector_load %arg7[%get3A_171] {strides = array<i32>} : memref<8192xi32, #tpu.memory_space<vmem>>, vector<16xi32>,
        %bitcast3A_173 = vector.bitcast %get3A_172 : vector<16xi32> to vector<32xi16>
        %unpack3A_174 = tpu.unpack_subelements %bitcast3A_173, 0 {pack_format = #tpu.pack_format<interleaved>} : vector<32xi16> -> vector<16xi32>
        %unpack3A_175 = tpu.unpack_subelements %bitcast3A_173, 1 {pack_format = #tpu.pack_format<interleaved>} : vector<32xi16> -> vector<16xi32>
        %add3A_176 = arith.constant 48 : i32
        %add3A_177 = arith.addi %mul3A_155, %add3A_176 : i32
        %get3A_178 = arith.index_cast %add3A_177 : i32 to index
        %get3A_179 = tpu.vector_load %arg7[%get3A_178] {strides = array<i32>} : memref<8192xi32, #tpu.memory_space<vmem>>, vector<16xi32>,
        %bitcast3A_180 = vector.bitcast %get3A_179 : vector<16xi32> to vector<32xi16>
        %unpack3A_181 = tpu.unpack_subelements %bitcast3A_180, 0 {pack_format = #tpu.pack_format<interleaved>} : vector<32xi16> -> vector<16xi32>
        %unpack3A_182 = tpu.unpack_subelements %bitcast3A_180, 1 {pack_format = #tpu.pack_format<interleaved>} : vector<32xi16> -> vector<16xi32>
        tpu.vector_store_idx %arg9[%unpack3A], %bitcast3A {add = true} : memref<160xi32, #tpu.memory_space<vmem>>[vector<16xi32>], vector<16xi32>,
        tpu.vector_store_idx %arg9[%unpack3A_161], %bitcast3A_135 {add = true} : memref<160xi32, #tpu.memory_space<vmem>>[vector<16xi32>], vector<16xi32>,
        tpu.vector_store_idx %arg9[%unpack3A_167], %bitcast3A_138 {add = true} : memref<160xi32, #tpu.memory_space<vmem>>[vector<16xi32>], vector<16xi32>,
        tpu.vector_store_idx %arg9[%unpack3A_168], %bitcast3A_141 {add = true} : memref<160xi32, #tpu.memory_space<vmem>>[vector<16xi32>], vector<16xi32>,
        tpu.vector_store_idx %arg9[%unpack3A_174], %bitcast3A_144 {add = true} : memref<160xi32, #tpu.memory_space<vmem>>[vector<16xi32>], vector<16xi32>,
        tpu.vector_store_idx %arg9[%unpack3A_175], %bitcast3A_147 {add = true} : memref<160xi32, #tpu.memory_space<vmem>>[vector<16xi32>], vector<16xi32>,
        tpu.vector_store_idx %arg9[%unpack3A_181], %bitcast3A_150 {add = true} : memref<160xi32, #tpu.memory_space<vmem>>[vector<16xi32>], vector<16xi32>,
        tpu.vector_store_idx %arg9[%unpack3A_182], %bitcast3A_153 {add = true} : memref<160xi32, #tpu.memory_space<vmem>>[vector<16xi32>], vector<16xi32>,
      }
      %while3A_82 = arith.constant 1 : i32
      scf.for %while3A_113 = %while3A_80 to %while3A_76 step %while3A_82  : i32 {
        %mul3A_114 = arith.constant 128 : i32
        %mul3A_115 = arith.muli %while3A_113, %mul3A_114 : i32
        %add3A_116 = arith.constant 0 : i32
        %add3A_117 = arith.addi %mul3A_115, %add3A_116 : i32
        %add3A_118 = arith.constant 16 : i32
        %add3A_119 = arith.addi %mul3A_115, %add3A_118 : i32
        %add3A_120 = arith.constant 32 : i32
        %add3A_121 = arith.addi %mul3A_115, %add3A_120 : i32
        %add3A_122 = arith.constant 48 : i32
        %add3A_123 = arith.addi %mul3A_115, %add3A_122 : i32
        %add3A_124 = arith.constant 64 : i32
        %add3A_125 = arith.addi %mul3A_115, %add3A_124 : i32
        %add3A_126 = arith.constant 80 : i32
        %add3A_127 = arith.addi %mul3A_115, %add3A_126 : i32
        %add3A_128 = arith.constant 96 : i32
        %add3A_129 = arith.addi %mul3A_115, %add3A_128 : i32
        %add3A_130 = arith.constant 112 : i32
        %add3A_131 = arith.addi %mul3A_115, %add3A_130 : i32
        %get3A = arith.index_cast %add3A_117 : i32 to index
        %get3A_132 = tpu.vector_load %arg5[%get3A] {strides = array<i32>} : memref<16384xi32, #tpu.memory_space<vmem>>, vector<16xi32>,
        %bitcast3A = vector.bitcast %get3A_132 : vector<16xi32> to vector<16xi32>
        %get3A_133 = arith.index_cast %add3A_119 : i32 to index
        %get3A_134 = tpu.vector_load %arg5[%get3A_133] {strides = array<i32>} : memref<16384xi32, #tpu.memory_space<vmem>>, vector<16xi32>,
        %bitcast3A_135 = vector.bitcast %get3A_134 : vector<16xi32> to vector<16xi32>
        %get3A_136 = arith.index_cast %add3A_121 : i32 to index
        %get3A_137 = tpu.vector_load %arg5[%get3A_136] {strides = array<i32>} : memref<16384xi32, #tpu.memory_space<vmem>>, vector<16xi32>,
        %bitcast3A_138 = vector.bitcast %get3A_137 : vector<16xi32> to vector<16xi32>
        %get3A_139 = arith.index_cast %add3A_123 : i32 to index
        %get3A_140 = tpu.vector_load %arg5[%get3A_139] {strides = array<i32>} : memref<16384xi32, #tpu.memory_space<vmem>>, vector<16xi32>,
        %bitcast3A_141 = vector.bitcast %get3A_140 : vector<16xi32> to vector<16xi32>
        %get3A_142 = arith.index_cast %add3A_125 : i32 to index
        %get3A_143 = tpu.vector_load %arg5[%get3A_142] {strides = array<i32>} : memref<16384xi32, #tpu.memory_space<vmem>>, vector<16xi32>,
        %bitcast3A_144 = vector.bitcast %get3A_143 : vector<16xi32> to vector<16xi32>
        %get3A_145 = arith.index_cast %add3A_127 : i32 to index
        %get3A_146 = tpu.vector_load %arg5[%get3A_145] {strides = array<i32>} : memref<16384xi32, #tpu.memory_space<vmem>>, vector<16xi32>,
        %bitcast3A_147 = vector.bitcast %get3A_146 : vector<16xi32> to vector<16xi32>
        %get3A_148 = arith.index_cast %add3A_129 : i32 to index
        %get3A_149 = tpu.vector_load %arg5[%get3A_148] {strides = array<i32>} : memref<16384xi32, #tpu.memory_space<vmem>>, vector<16xi32>,
        %bitcast3A_150 = vector.bitcast %get3A_149 : vector<16xi32> to vector<16xi32>
        %get3A_151 = arith.index_cast %add3A_131 : i32 to index
        %get3A_152 = tpu.vector_load %arg5[%get3A_151] {strides = array<i32>} : memref<16384xi32, #tpu.memory_space<vmem>>, vector<16xi32>,
        %bitcast3A_153 = vector.bitcast %get3A_152 : vector<16xi32> to vector<16xi32>
        %mul3A_154 = arith.constant 64 : i32
        %mul3A_155 = arith.muli %while3A_113, %mul3A_154 : i32
        %add3A_156 = arith.constant 0 : i32
        %add3A_157 = arith.addi %mul3A_155, %add3A_156 : i32
        %get3A_158 = arith.index_cast %add3A_157 : i32 to index
        %get3A_159 = tpu.vector_load %arg7[%get3A_158] {strides = array<i32>} : memref<8192xi32, #tpu.memory_space<vmem>>, vector<16xi32>,
        %bitcast3A_160 = vector.bitcast %get3A_159 : vector<16xi32> to vector<32xi16>
        %unpack3A = tpu.unpack_subelements %bitcast3A_160, 0 {pack_format = #tpu.pack_format<interleaved>} : vector<32xi16> -> vector<16xi32>
        %unpack3A_161 = tpu.unpack_subelements %bitcast3A_160, 1 {pack_format = #tpu.pack_format<interleaved>} : vector<32xi16> -> vector<16xi32>
        %add3A_162 = arith.constant 16 : i32
        %add3A_163 = arith.addi %mul3A_155, %add3A_162 : i32
        %get3A_164 = arith.index_cast %add3A_163 : i32 to index
        %get3A_165 = tpu.vector_load %arg7[%get3A_164] {strides = array<i32>} : memref<8192xi32, #tpu.memory_space<vmem>>, vector<16xi32>,
        %bitcast3A_166 = vector.bitcast %get3A_165 : vector<16xi32> to vector<32xi16>
        %unpack3A_167 = tpu.unpack_subelements %bitcast3A_166, 0 {pack_format = #tpu.pack_format<interleaved>} : vector<32xi16> -> vector<16xi32>
        %unpack3A_168 = tpu.unpack_subelements %bitcast3A_166, 1 {pack_format = #tpu.pack_format<interleaved>} : vector<32xi16> -> vector<16xi32>
        %add3A_169 = arith.constant 32 : i32
        %add3A_170 = arith.addi %mul3A_155, %add3A_169 : i32
        %get3A_171 = arith.index_cast %add3A_170 : i32 to index
        %get3A_172 = tpu.vector_load %arg7[%get3A_171] {strides = array<i32>} : memref<8192xi32, #tpu.memory_space<vmem>>, vector<16xi32>,
        %bitcast3A_173 = vector.bitcast %get3A_172 : vector<16xi32> to vector<32xi16>
        %unpack3A_174 = tpu.unpack_subelements %bitcast3A_173, 0 {pack_format = #tpu.pack_format<interleaved>} : vector<32xi16> -> vector<16xi32>
        %unpack3A_175 = tpu.unpack_subelements %bitcast3A_173, 1 {pack_format = #tpu.pack_format<interleaved>} : vector<32xi16> -> vector<16xi32>
        %add3A_176 = arith.constant 48 : i32
        %add3A_177 = arith.addi %mul3A_155, %add3A_176 : i32
        %get3A_178 = arith.index_cast %add3A_177 : i32 to index
        %get3A_179 = tpu.vector_load %arg7[%get3A_178] {strides = array<i32>} : memref<8192xi32, #tpu.memory_space<vmem>>, vector<16xi32>,
        %bitcast3A_180 = vector.bitcast %get3A_179 : vector<16xi32> to vector<32xi16>
        %unpack3A_181 = tpu.unpack_subelements %bitcast3A_180, 0 {pack_format = #tpu.pack_format<interleaved>} : vector<32xi16> -> vector<16xi32>
        %unpack3A_182 = tpu.unpack_subelements %bitcast3A_180, 1 {pack_format = #tpu.pack_format<interleaved>} : vector<32xi16> -> vector<16xi32>
        tpu.vector_store_idx %arg9[%unpack3A], %bitcast3A {add = true} : memref<160xi32, #tpu.memory_space<vmem>>[vector<16xi32>], vector<16xi32>,
        tpu.vector_store_idx %arg9[%unpack3A_161], %bitcast3A_135 {add = true} : memref<160xi32, #tpu.memory_space<vmem>>[vector<16xi32>], vector<16xi32>,
        tpu.vector_store_idx %arg9[%unpack3A_167], %bitcast3A_138 {add = true} : memref<160xi32, #tpu.memory_space<vmem>>[vector<16xi32>], vector<16xi32>,
        tpu.vector_store_idx %arg9[%unpack3A_168], %bitcast3A_141 {add = true} : memref<160xi32, #tpu.memory_space<vmem>>[vector<16xi32>], vector<16xi32>,
        tpu.vector_store_idx %arg9[%unpack3A_174], %bitcast3A_144 {add = true} : memref<160xi32, #tpu.memory_space<vmem>>[vector<16xi32>], vector<16xi32>,
        tpu.vector_store_idx %arg9[%unpack3A_175], %bitcast3A_147 {add = true} : memref<160xi32, #tpu.memory_space<vmem>>[vector<16xi32>], vector<16xi32>,
        tpu.vector_store_idx %arg9[%unpack3A_181], %bitcast3A_150 {add = true} : memref<160xi32, #tpu.memory_space<vmem>>[vector<16xi32>], vector<16xi32>,
        tpu.vector_store_idx %arg9[%unpack3A_182], %bitcast3A_153 {add = true} : memref<160xi32, #tpu.memory_space<vmem>>[vector<16xi32>], vector<16xi32>,
      }
      %add3A_83 = arith.constant 2 : i32
      %add3A_84 = arith.addi %mul3A_64, %add3A_83 : i32
      %lt3A = arith.constant 32 : i32
      %lt3A_85 = arith.cmpi slt, %add3A_84, %lt3A : i32
      %convert_element_type3A = arith.extui %lt3A_85 : i1 to i32
      %cond3A = arith.constant 0 : i32
      %cond3A_86 = arith.cmpi ne, %convert_element_type3A, %cond3A : i32
      scf.if %cond3A_86 {
        %add3A_113 = arith.constant 2 : i32
        %add3A_114 = arith.addi %mul3A_64, %add3A_113 : i32
        %mul3A_115 = arith.constant 16384 : i32
        %mul3A_116 = arith.muli %add3A_114, %mul3A_115 : i32
        %add3A_117 = arith.addi %mul3A_2, %mul3A_116 : i32
        %mul3A_118 = arith.constant 262144 : i32
        %mul3A_119 = arith.muli %add3A, %mul3A_118 : i32
        %mul3A_120 = arith.constant 8192 : i32
        %mul3A_121 = arith.muli %add3A_114, %mul3A_120 : i32
        %add3A_122 = arith.addi %mul3A_119, %mul3A_121 : i32
        %dma_start3A_123 = tpu.memref_slice %arg2[%add3A_117] : memref<16777216xi32, #tpu.memory_space<hbm>> -> memref<16384xi32, #tpu.memory_space<hbm>>
        %dma_start3A_124 = tpu.memref_slice %arg2[%add3A_117] : memref<16777216xi32, #tpu.memory_space<hbm>> -> memref<16384xi32, #tpu.memory_space<hbm>>
        tpu.enqueue_dma source(%dma_start3A_124 : memref<16384xi32, #tpu.memory_space<hbm>>) target(%arg5 : memref<16384xi32, #tpu.memory_space<vmem>>) target_semaphore(%arg10 : memref<!tpu.dma_semaphore, #tpu.memory_space<semaphore_mem>>)
        %dma_start3A_125 = tpu.memref_slice %arg3[%add3A_122] : memref<8388608xi32, #tpu.memory_space<hbm>> -> memref<8192xi32, #tpu.memory_space<hbm>>
        %dma_start3A_126 = tpu.memref_slice %arg3[%add3A_122] : memref<8388608xi32, #tpu.memory_space<hbm>> -> memref<8192xi32, #tpu.memory_space<hbm>>
        tpu.enqueue_dma source(%dma_start3A_126 : memref<8192xi32, #tpu.memory_space<hbm>>) target(%arg7 : memref<8192xi32, #tpu.memory_space<vmem>>) target_semaphore(%arg10 : memref<!tpu.dma_semaphore, #tpu.memory_space<semaphore_mem>>)
      } else {
      }
      %dma_wait3A_87 = arith.constant 0 : i32
      %dma_wait3A_88 = tpu.memref_slice %arg2[%dma_wait3A_87] : memref<16777216xi32, #tpu.memory_space<hbm>> -> memref<16384xi32, #tpu.memory_space<hbm>>
      %dma_wait3A_89 = arith.constant 0 : i32
      %dma_wait3A_90 = tpu.memref_slice %arg2[%dma_wait3A_89] : memref<16777216xi32, #tpu.memory_space<hbm>> -> memref<16384xi32, #tpu.memory_space<hbm>>
      tpu.wait_dma2 semaphore(%arg11 : memref<!tpu.dma_semaphore, #tpu.memory_space<semaphore_mem>>) src(%dma_wait3A_90 : memref<16384xi32, #tpu.memory_space<hbm>>) dst(%arg6 : memref<16384xi32, #tpu.memory_space<vmem>>)
      %dma_wait3A_91 = arith.constant 0 : i32
      %dma_wait3A_92 = tpu.memref_slice %arg3[%dma_wait3A_91] : memref<8388608xi32, #tpu.memory_space<hbm>> -> memref<8192xi32, #tpu.memory_space<hbm>>
      %dma_wait3A_93 = arith.constant 0 : i32
      %dma_wait3A_94 = tpu.memref_slice %arg3[%dma_wait3A_93] : memref<8388608xi32, #tpu.memory_space<hbm>> -> memref<8192xi32, #tpu.memory_space<hbm>>
      tpu.wait_dma2 semaphore(%arg11 : memref<!tpu.dma_semaphore, #tpu.memory_space<semaphore_mem>>) src(%dma_wait3A_94 : memref<8192xi32, #tpu.memory_space<hbm>>) dst(%arg8 : memref<8192xi32, #tpu.memory_space<vmem>>)
      %while3A_95 = arith.constant 0 : i32
      %while3A_96 = arith.constant 0 : i32
      %while3A_97 = arith.constant 128 : i32
      %while3A_98 = arith.subi %while3A_97, %while3A_96 : i32
      %while3A_99 = arith.addi %while3A_96, %while3A_98 : i32
      %while3A_100 = arith.constant 1 : i32
      %while3A_101 = arith.divsi %while3A_98, %while3A_100 : i32
      %while3A_102 = arith.muli %while3A_101, %while3A_100 : i32
      %while3A_103 = arith.addi %while3A_96, %while3A_102 : i32
      %while3A_104 = arith.constant 1 : i32
      scf.for %while3A_113 = %while3A_96 to %while3A_103 step %while3A_104  : i32 {
        %mul3A_114 = arith.constant 128 : i32
        %mul3A_115 = arith.muli %while3A_113, %mul3A_114 : i32
        %add3A_116 = arith.constant 0 : i32
        %add3A_117 = arith.addi %mul3A_115, %add3A_116 : i32
        %add3A_118 = arith.constant 16 : i32
        %add3A_119 = arith.addi %mul3A_115, %add3A_118 : i32
        %add3A_120 = arith.constant 32 : i32
        %add3A_121 = arith.addi %mul3A_115, %add3A_120 : i32
        %add3A_122 = arith.constant 48 : i32
        %add3A_123 = arith.addi %mul3A_115, %add3A_122 : i32
        %add3A_124 = arith.constant 64 : i32
        %add3A_125 = arith.addi %mul3A_115, %add3A_124 : i32
        %add3A_126 = arith.constant 80 : i32
        %add3A_127 = arith.addi %mul3A_115, %add3A_126 : i32
        %add3A_128 = arith.constant 96 : i32
        %add3A_129 = arith.addi %mul3A_115, %add3A_128 : i32
        %add3A_130 = arith.constant 112 : i32
        %add3A_131 = arith.addi %mul3A_115, %add3A_130 : i32
        %get3A = arith.index_cast %add3A_117 : i32 to index
        %get3A_132 = tpu.vector_load %arg6[%get3A] {strides = array<i32>} : memref<16384xi32, #tpu.memory_space<vmem>>, vector<16xi32>,
        %bitcast3A = vector.bitcast %get3A_132 : vector<16xi32> to vector<16xi32>
        %get3A_133 = arith.index_cast %add3A_119 : i32 to index
        %get3A_134 = tpu.vector_load %arg6[%get3A_133] {strides = array<i32>} : memref<16384xi32, #tpu.memory_space<vmem>>, vector<16xi32>,
        %bitcast3A_135 = vector.bitcast %get3A_134 : vector<16xi32> to vector<16xi32>
        %get3A_136 = arith.index_cast %add3A_121 : i32 to index
        %get3A_137 = tpu.vector_load %arg6[%get3A_136] {strides = array<i32>} : memref<16384xi32, #tpu.memory_space<vmem>>, vector<16xi32>,
        %bitcast3A_138 = vector.bitcast %get3A_137 : vector<16xi32> to vector<16xi32>
        %get3A_139 = arith.index_cast %add3A_123 : i32 to index
        %get3A_140 = tpu.vector_load %arg6[%get3A_139] {strides = array<i32>} : memref<16384xi32, #tpu.memory_space<vmem>>, vector<16xi32>,
        %bitcast3A_141 = vector.bitcast %get3A_140 : vector<16xi32> to vector<16xi32>
        %get3A_142 = arith.index_cast %add3A_125 : i32 to index
        %get3A_143 = tpu.vector_load %arg6[%get3A_142] {strides = array<i32>} : memref<16384xi32, #tpu.memory_space<vmem>>, vector<16xi32>,
        %bitcast3A_144 = vector.bitcast %get3A_143 : vector<16xi32> to vector<16xi32>
        %get3A_145 = arith.index_cast %add3A_127 : i32 to index
        %get3A_146 = tpu.vector_load %arg6[%get3A_145] {strides = array<i32>} : memref<16384xi32, #tpu.memory_space<vmem>>, vector<16xi32>,
        %bitcast3A_147 = vector.bitcast %get3A_146 : vector<16xi32> to vector<16xi32>
        %get3A_148 = arith.index_cast %add3A_129 : i32 to index
        %get3A_149 = tpu.vector_load %arg6[%get3A_148] {strides = array<i32>} : memref<16384xi32, #tpu.memory_space<vmem>>, vector<16xi32>,
        %bitcast3A_150 = vector.bitcast %get3A_149 : vector<16xi32> to vector<16xi32>
        %get3A_151 = arith.index_cast %add3A_131 : i32 to index
        %get3A_152 = tpu.vector_load %arg6[%get3A_151] {strides = array<i32>} : memref<16384xi32, #tpu.memory_space<vmem>>, vector<16xi32>,
        %bitcast3A_153 = vector.bitcast %get3A_152 : vector<16xi32> to vector<16xi32>
        %mul3A_154 = arith.constant 64 : i32
        %mul3A_155 = arith.muli %while3A_113, %mul3A_154 : i32
        %add3A_156 = arith.constant 0 : i32
        %add3A_157 = arith.addi %mul3A_155, %add3A_156 : i32
        %get3A_158 = arith.index_cast %add3A_157 : i32 to index
        %get3A_159 = tpu.vector_load %arg8[%get3A_158] {strides = array<i32>} : memref<8192xi32, #tpu.memory_space<vmem>>, vector<16xi32>,
        %bitcast3A_160 = vector.bitcast %get3A_159 : vector<16xi32> to vector<32xi16>
        %unpack3A = tpu.unpack_subelements %bitcast3A_160, 0 {pack_format = #tpu.pack_format<interleaved>} : vector<32xi16> -> vector<16xi32>
        %unpack3A_161 = tpu.unpack_subelements %bitcast3A_160, 1 {pack_format = #tpu.pack_format<interleaved>} : vector<32xi16> -> vector<16xi32>
        %add3A_162 = arith.constant 16 : i32
        %add3A_163 = arith.addi %mul3A_155, %add3A_162 : i32
        %get3A_164 = arith.index_cast %add3A_163 : i32 to index
        %get3A_165 = tpu.vector_load %arg8[%get3A_164] {strides = array<i32>} : memref<8192xi32, #tpu.memory_space<vmem>>, vector<16xi32>,
        %bitcast3A_166 = vector.bitcast %get3A_165 : vector<16xi32> to vector<32xi16>
        %unpack3A_167 = tpu.unpack_subelements %bitcast3A_166, 0 {pack_format = #tpu.pack_format<interleaved>} : vector<32xi16> -> vector<16xi32>
        %unpack3A_168 = tpu.unpack_subelements %bitcast3A_166, 1 {pack_format = #tpu.pack_format<interleaved>} : vector<32xi16> -> vector<16xi32>
        %add3A_169 = arith.constant 32 : i32
        %add3A_170 = arith.addi %mul3A_155, %add3A_169 : i32
        %get3A_171 = arith.index_cast %add3A_170 : i32 to index
        %get3A_172 = tpu.vector_load %arg8[%get3A_171] {strides = array<i32>} : memref<8192xi32, #tpu.memory_space<vmem>>, vector<16xi32>,
        %bitcast3A_173 = vector.bitcast %get3A_172 : vector<16xi32> to vector<32xi16>
        %unpack3A_174 = tpu.unpack_subelements %bitcast3A_173, 0 {pack_format = #tpu.pack_format<interleaved>} : vector<32xi16> -> vector<16xi32>
        %unpack3A_175 = tpu.unpack_subelements %bitcast3A_173, 1 {pack_format = #tpu.pack_format<interleaved>} : vector<32xi16> -> vector<16xi32>
        %add3A_176 = arith.constant 48 : i32
        %add3A_177 = arith.addi %mul3A_155, %add3A_176 : i32
        %get3A_178 = arith.index_cast %add3A_177 : i32 to index
        %get3A_179 = tpu.vector_load %arg8[%get3A_178] {strides = array<i32>} : memref<8192xi32, #tpu.memory_space<vmem>>, vector<16xi32>,
        %bitcast3A_180 = vector.bitcast %get3A_179 : vector<16xi32> to vector<32xi16>
        %unpack3A_181 = tpu.unpack_subelements %bitcast3A_180, 0 {pack_format = #tpu.pack_format<interleaved>} : vector<32xi16> -> vector<16xi32>
        %unpack3A_182 = tpu.unpack_subelements %bitcast3A_180, 1 {pack_format = #tpu.pack_format<interleaved>} : vector<32xi16> -> vector<16xi32>
        tpu.vector_store_idx %arg9[%unpack3A], %bitcast3A {add = true} : memref<160xi32, #tpu.memory_space<vmem>>[vector<16xi32>], vector<16xi32>,
        tpu.vector_store_idx %arg9[%unpack3A_161], %bitcast3A_135 {add = true} : memref<160xi32, #tpu.memory_space<vmem>>[vector<16xi32>], vector<16xi32>,
        tpu.vector_store_idx %arg9[%unpack3A_167], %bitcast3A_138 {add = true} : memref<160xi32, #tpu.memory_space<vmem>>[vector<16xi32>], vector<16xi32>,
        tpu.vector_store_idx %arg9[%unpack3A_168], %bitcast3A_141 {add = true} : memref<160xi32, #tpu.memory_space<vmem>>[vector<16xi32>], vector<16xi32>,
        tpu.vector_store_idx %arg9[%unpack3A_174], %bitcast3A_144 {add = true} : memref<160xi32, #tpu.memory_space<vmem>>[vector<16xi32>], vector<16xi32>,
        tpu.vector_store_idx %arg9[%unpack3A_175], %bitcast3A_147 {add = true} : memref<160xi32, #tpu.memory_space<vmem>>[vector<16xi32>], vector<16xi32>,
        tpu.vector_store_idx %arg9[%unpack3A_181], %bitcast3A_150 {add = true} : memref<160xi32, #tpu.memory_space<vmem>>[vector<16xi32>], vector<16xi32>,
        tpu.vector_store_idx %arg9[%unpack3A_182], %bitcast3A_153 {add = true} : memref<160xi32, #tpu.memory_space<vmem>>[vector<16xi32>], vector<16xi32>,
      }
      %while3A_105 = arith.constant 1 : i32
      scf.for %while3A_113 = %while3A_103 to %while3A_99 step %while3A_105  : i32 {
        %mul3A_114 = arith.constant 128 : i32
        %mul3A_115 = arith.muli %while3A_113, %mul3A_114 : i32
        %add3A_116 = arith.constant 0 : i32
        %add3A_117 = arith.addi %mul3A_115, %add3A_116 : i32
        %add3A_118 = arith.constant 16 : i32
        %add3A_119 = arith.addi %mul3A_115, %add3A_118 : i32
        %add3A_120 = arith.constant 32 : i32
        %add3A_121 = arith.addi %mul3A_115, %add3A_120 : i32
        %add3A_122 = arith.constant 48 : i32
        %add3A_123 = arith.addi %mul3A_115, %add3A_122 : i32
        %add3A_124 = arith.constant 64 : i32
        %add3A_125 = arith.addi %mul3A_115, %add3A_124 : i32
        %add3A_126 = arith.constant 80 : i32
        %add3A_127 = arith.addi %mul3A_115, %add3A_126 : i32
        %add3A_128 = arith.constant 96 : i32
        %add3A_129 = arith.addi %mul3A_115, %add3A_128 : i32
        %add3A_130 = arith.constant 112 : i32
        %add3A_131 = arith.addi %mul3A_115, %add3A_130 : i32
        %get3A = arith.index_cast %add3A_117 : i32 to index
        %get3A_132 = tpu.vector_load %arg6[%get3A] {strides = array<i32>} : memref<16384xi32, #tpu.memory_space<vmem>>, vector<16xi32>,
        %bitcast3A = vector.bitcast %get3A_132 : vector<16xi32> to vector<16xi32>
        %get3A_133 = arith.index_cast %add3A_119 : i32 to index
        %get3A_134 = tpu.vector_load %arg6[%get3A_133] {strides = array<i32>} : memref<16384xi32, #tpu.memory_space<vmem>>, vector<16xi32>,
        %bitcast3A_135 = vector.bitcast %get3A_134 : vector<16xi32> to vector<16xi32>
        %get3A_136 = arith.index_cast %add3A_121 : i32 to index
        %get3A_137 = tpu.vector_load %arg6[%get3A_136] {strides = array<i32>} : memref<16384xi32, #tpu.memory_space<vmem>>, vector<16xi32>,
        %bitcast3A_138 = vector.bitcast %get3A_137 : vector<16xi32> to vector<16xi32>
        %get3A_139 = arith.index_cast %add3A_123 : i32 to index
        %get3A_140 = tpu.vector_load %arg6[%get3A_139] {strides = array<i32>} : memref<16384xi32, #tpu.memory_space<vmem>>, vector<16xi32>,
        %bitcast3A_141 = vector.bitcast %get3A_140 : vector<16xi32> to vector<16xi32>
        %get3A_142 = arith.index_cast %add3A_125 : i32 to index
        %get3A_143 = tpu.vector_load %arg6[%get3A_142] {strides = array<i32>} : memref<16384xi32, #tpu.memory_space<vmem>>, vector<16xi32>,
        %bitcast3A_144 = vector.bitcast %get3A_143 : vector<16xi32> to vector<16xi32>
        %get3A_145 = arith.index_cast %add3A_127 : i32 to index
        %get3A_146 = tpu.vector_load %arg6[%get3A_145] {strides = array<i32>} : memref<16384xi32, #tpu.memory_space<vmem>>, vector<16xi32>,
        %bitcast3A_147 = vector.bitcast %get3A_146 : vector<16xi32> to vector<16xi32>
        %get3A_148 = arith.index_cast %add3A_129 : i32 to index
        %get3A_149 = tpu.vector_load %arg6[%get3A_148] {strides = array<i32>} : memref<16384xi32, #tpu.memory_space<vmem>>, vector<16xi32>,
        %bitcast3A_150 = vector.bitcast %get3A_149 : vector<16xi32> to vector<16xi32>
        %get3A_151 = arith.index_cast %add3A_131 : i32 to index
        %get3A_152 = tpu.vector_load %arg6[%get3A_151] {strides = array<i32>} : memref<16384xi32, #tpu.memory_space<vmem>>, vector<16xi32>,
        %bitcast3A_153 = vector.bitcast %get3A_152 : vector<16xi32> to vector<16xi32>
        %mul3A_154 = arith.constant 64 : i32
        %mul3A_155 = arith.muli %while3A_113, %mul3A_154 : i32
        %add3A_156 = arith.constant 0 : i32
        %add3A_157 = arith.addi %mul3A_155, %add3A_156 : i32
        %get3A_158 = arith.index_cast %add3A_157 : i32 to index
        %get3A_159 = tpu.vector_load %arg8[%get3A_158] {strides = array<i32>} : memref<8192xi32, #tpu.memory_space<vmem>>, vector<16xi32>,
        %bitcast3A_160 = vector.bitcast %get3A_159 : vector<16xi32> to vector<32xi16>
        %unpack3A = tpu.unpack_subelements %bitcast3A_160, 0 {pack_format = #tpu.pack_format<interleaved>} : vector<32xi16> -> vector<16xi32>
        %unpack3A_161 = tpu.unpack_subelements %bitcast3A_160, 1 {pack_format = #tpu.pack_format<interleaved>} : vector<32xi16> -> vector<16xi32>
        %add3A_162 = arith.constant 16 : i32
        %add3A_163 = arith.addi %mul3A_155, %add3A_162 : i32
        %get3A_164 = arith.index_cast %add3A_163 : i32 to index
        %get3A_165 = tpu.vector_load %arg8[%get3A_164] {strides = array<i32>} : memref<8192xi32, #tpu.memory_space<vmem>>, vector<16xi32>,
        %bitcast3A_166 = vector.bitcast %get3A_165 : vector<16xi32> to vector<32xi16>
        %unpack3A_167 = tpu.unpack_subelements %bitcast3A_166, 0 {pack_format = #tpu.pack_format<interleaved>} : vector<32xi16> -> vector<16xi32>
        %unpack3A_168 = tpu.unpack_subelements %bitcast3A_166, 1 {pack_format = #tpu.pack_format<interleaved>} : vector<32xi16> -> vector<16xi32>
        %add3A_169 = arith.constant 32 : i32
        %add3A_170 = arith.addi %mul3A_155, %add3A_169 : i32
        %get3A_171 = arith.index_cast %add3A_170 : i32 to index
        %get3A_172 = tpu.vector_load %arg8[%get3A_171] {strides = array<i32>} : memref<8192xi32, #tpu.memory_space<vmem>>, vector<16xi32>,
        %bitcast3A_173 = vector.bitcast %get3A_172 : vector<16xi32> to vector<32xi16>
        %unpack3A_174 = tpu.unpack_subelements %bitcast3A_173, 0 {pack_format = #tpu.pack_format<interleaved>} : vector<32xi16> -> vector<16xi32>
        %unpack3A_175 = tpu.unpack_subelements %bitcast3A_173, 1 {pack_format = #tpu.pack_format<interleaved>} : vector<32xi16> -> vector<16xi32>
        %add3A_176 = arith.constant 48 : i32
        %add3A_177 = arith.addi %mul3A_155, %add3A_176 : i32
        %get3A_178 = arith.index_cast %add3A_177 : i32 to index
        %get3A_179 = tpu.vector_load %arg8[%get3A_178] {strides = array<i32>} : memref<8192xi32, #tpu.memory_space<vmem>>, vector<16xi32>,
        %bitcast3A_180 = vector.bitcast %get3A_179 : vector<16xi32> to vector<32xi16>
        %unpack3A_181 = tpu.unpack_subelements %bitcast3A_180, 0 {pack_format = #tpu.pack_format<interleaved>} : vector<32xi16> -> vector<16xi32>
        %unpack3A_182 = tpu.unpack_subelements %bitcast3A_180, 1 {pack_format = #tpu.pack_format<interleaved>} : vector<32xi16> -> vector<16xi32>
        tpu.vector_store_idx %arg9[%unpack3A], %bitcast3A {add = true} : memref<160xi32, #tpu.memory_space<vmem>>[vector<16xi32>], vector<16xi32>,
        tpu.vector_store_idx %arg9[%unpack3A_161], %bitcast3A_135 {add = true} : memref<160xi32, #tpu.memory_space<vmem>>[vector<16xi32>], vector<16xi32>,
        tpu.vector_store_idx %arg9[%unpack3A_167], %bitcast3A_138 {add = true} : memref<160xi32, #tpu.memory_space<vmem>>[vector<16xi32>], vector<16xi32>,
        tpu.vector_store_idx %arg9[%unpack3A_168], %bitcast3A_141 {add = true} : memref<160xi32, #tpu.memory_space<vmem>>[vector<16xi32>], vector<16xi32>,
        tpu.vector_store_idx %arg9[%unpack3A_174], %bitcast3A_144 {add = true} : memref<160xi32, #tpu.memory_space<vmem>>[vector<16xi32>], vector<16xi32>,
        tpu.vector_store_idx %arg9[%unpack3A_175], %bitcast3A_147 {add = true} : memref<160xi32, #tpu.memory_space<vmem>>[vector<16xi32>], vector<16xi32>,
        tpu.vector_store_idx %arg9[%unpack3A_181], %bitcast3A_150 {add = true} : memref<160xi32, #tpu.memory_space<vmem>>[vector<16xi32>], vector<16xi32>,
        tpu.vector_store_idx %arg9[%unpack3A_182], %bitcast3A_153 {add = true} : memref<160xi32, #tpu.memory_space<vmem>>[vector<16xi32>], vector<16xi32>,
      }
      %add3A_106 = arith.constant 3 : i32
      %add3A_107 = arith.addi %mul3A_64, %add3A_106 : i32
      %lt3A_108 = arith.constant 32 : i32
      %lt3A_109 = arith.cmpi slt, %add3A_107, %lt3A_108 : i32
      %convert_element_type3A_110 = arith.extui %lt3A_109 : i1 to i32
      %cond3A_111 = arith.constant 0 : i32
      %cond3A_112 = arith.cmpi ne, %convert_element_type3A_110, %cond3A_111 : i32
      scf.if %cond3A_112 {
        %add3A_113 = arith.constant 3 : i32
        %add3A_114 = arith.addi %mul3A_64, %add3A_113 : i32
        %mul3A_115 = arith.constant 16384 : i32
        %mul3A_116 = arith.muli %add3A_114, %mul3A_115 : i32
        %add3A_117 = arith.addi %mul3A_2, %mul3A_116 : i32
        %mul3A_118 = arith.constant 262144 : i32
        %mul3A_119 = arith.muli %add3A, %mul3A_118 : i32
        %mul3A_120 = arith.constant 8192 : i32
        %mul3A_121 = arith.muli %add3A_114, %mul3A_120 : i32
        %add3A_122 = arith.addi %mul3A_119, %mul3A_121 : i32
        %dma_start3A_123 = tpu.memref_slice %arg2[%add3A_117] : memref<16777216xi32, #tpu.memory_space<hbm>> -> memref<16384xi32, #tpu.memory_space<hbm>>
        %dma_start3A_124 = tpu.memref_slice %arg2[%add3A_117] : memref<16777216xi32, #tpu.memory_space<hbm>> -> memref<16384xi32, #tpu.memory_space<hbm>>
        tpu.enqueue_dma source(%dma_start3A_124 : memref<16384xi32, #tpu.memory_space<hbm>>) target(%arg6 : memref<16384xi32, #tpu.memory_space<vmem>>) target_semaphore(%arg11 : memref<!tpu.dma_semaphore, #tpu.memory_space<semaphore_mem>>)
        %dma_start3A_125 = tpu.memref_slice %arg3[%add3A_122] : memref<8388608xi32, #tpu.memory_space<hbm>> -> memref<8192xi32, #tpu.memory_space<hbm>>
        %dma_start3A_126 = tpu.memref_slice %arg3[%add3A_122] : memref<8388608xi32, #tpu.memory_space<hbm>> -> memref<8192xi32, #tpu.memory_space<hbm>>
        tpu.enqueue_dma source(%dma_start3A_126 : memref<8192xi32, #tpu.memory_space<hbm>>) target(%arg8 : memref<8192xi32, #tpu.memory_space<vmem>>) target_semaphore(%arg11 : memref<!tpu.dma_semaphore, #tpu.memory_space<semaphore_mem>>)
      } else {
      }
    }
    %while3A_59 = arith.constant 1 : i32
    scf.for %while3A_62 = %while3A_57 to %while3A_53 step %while3A_59  : i32 {
      %mul3A_63 = arith.constant 2 : i32
      %mul3A_64 = arith.muli %while3A_62, %mul3A_63 : i32
      %dma_wait3A = arith.constant 0 : i32
      %dma_wait3A_65 = tpu.memref_slice %arg2[%dma_wait3A] : memref<16777216xi32, #tpu.memory_space<hbm>> -> memref<16384xi32, #tpu.memory_space<hbm>>
      %dma_wait3A_66 = arith.constant 0 : i32
      %dma_wait3A_67 = tpu.memref_slice %arg2[%dma_wait3A_66] : memref<16777216xi32, #tpu.memory_space<hbm>> -> memref<16384xi32, #tpu.memory_space<hbm>>
      tpu.wait_dma2 semaphore(%arg10 : memref<!tpu.dma_semaphore, #tpu.memory_space<semaphore_mem>>) src(%dma_wait3A_67 : memref<16384xi32, #tpu.memory_space<hbm>>) dst(%arg5 : memref<16384xi32, #tpu.memory_space<vmem>>)
      %dma_wait3A_68 = arith.constant 0 : i32
      %dma_wait3A_69 = tpu.memref_slice %arg3[%dma_wait3A_68] : memref<8388608xi32, #tpu.memory_space<hbm>> -> memref<8192xi32, #tpu.memory_space<hbm>>
      %dma_wait3A_70 = arith.constant 0 : i32
      %dma_wait3A_71 = tpu.memref_slice %arg3[%dma_wait3A_70] : memref<8388608xi32, #tpu.memory_space<hbm>> -> memref<8192xi32, #tpu.memory_space<hbm>>
      tpu.wait_dma2 semaphore(%arg10 : memref<!tpu.dma_semaphore, #tpu.memory_space<semaphore_mem>>) src(%dma_wait3A_71 : memref<8192xi32, #tpu.memory_space<hbm>>) dst(%arg7 : memref<8192xi32, #tpu.memory_space<vmem>>)
      %while3A_72 = arith.constant 0 : i32
      %while3A_73 = arith.constant 0 : i32
      %while3A_74 = arith.constant 128 : i32
      %while3A_75 = arith.subi %while3A_74, %while3A_73 : i32
      %while3A_76 = arith.addi %while3A_73, %while3A_75 : i32
      %while3A_77 = arith.constant 1 : i32
      %while3A_78 = arith.divsi %while3A_75, %while3A_77 : i32
      %while3A_79 = arith.muli %while3A_78, %while3A_77 : i32
      %while3A_80 = arith.addi %while3A_73, %while3A_79 : i32
      %while3A_81 = arith.constant 1 : i32
      scf.for %while3A_113 = %while3A_73 to %while3A_80 step %while3A_81  : i32 {
        %mul3A_114 = arith.constant 128 : i32
        %mul3A_115 = arith.muli %while3A_113, %mul3A_114 : i32
        %add3A_116 = arith.constant 0 : i32
        %add3A_117 = arith.addi %mul3A_115, %add3A_116 : i32
        %add3A_118 = arith.constant 16 : i32
        %add3A_119 = arith.addi %mul3A_115, %add3A_118 : i32
        %add3A_120 = arith.constant 32 : i32
        %add3A_121 = arith.addi %mul3A_115, %add3A_120 : i32
        %add3A_122 = arith.constant 48 : i32
        %add3A_123 = arith.addi %mul3A_115, %add3A_122 : i32
        %add3A_124 = arith.constant 64 : i32
        %add3A_125 = arith.addi %mul3A_115, %add3A_124 : i32
        %add3A_126 = arith.constant 80 : i32
        %add3A_127 = arith.addi %mul3A_115, %add3A_126 : i32
        %add3A_128 = arith.constant 96 : i32
        %add3A_129 = arith.addi %mul3A_115, %add3A_128 : i32
        %add3A_130 = arith.constant 112 : i32
        %add3A_131 = arith.addi %mul3A_115, %add3A_130 : i32
        %get3A = arith.index_cast %add3A_117 : i32 to index
        %get3A_132 = tpu.vector_load %arg5[%get3A] {strides = array<i32>} : memref<16384xi32, #tpu.memory_space<vmem>>, vector<16xi32>,
        %bitcast3A = vector.bitcast %get3A_132 : vector<16xi32> to vector<16xi32>
        %get3A_133 = arith.index_cast %add3A_119 : i32 to index
        %get3A_134 = tpu.vector_load %arg5[%get3A_133] {strides = array<i32>} : memref<16384xi32, #tpu.memory_space<vmem>>, vector<16xi32>,
        %bitcast3A_135 = vector.bitcast %get3A_134 : vector<16xi32> to vector<16xi32>
        %get3A_136 = arith.index_cast %add3A_121 : i32 to index
        %get3A_137 = tpu.vector_load %arg5[%get3A_136] {strides = array<i32>} : memref<16384xi32, #tpu.memory_space<vmem>>, vector<16xi32>,
        %bitcast3A_138 = vector.bitcast %get3A_137 : vector<16xi32> to vector<16xi32>
        %get3A_139 = arith.index_cast %add3A_123 : i32 to index
        %get3A_140 = tpu.vector_load %arg5[%get3A_139] {strides = array<i32>} : memref<16384xi32, #tpu.memory_space<vmem>>, vector<16xi32>,
        %bitcast3A_141 = vector.bitcast %get3A_140 : vector<16xi32> to vector<16xi32>
        %get3A_142 = arith.index_cast %add3A_125 : i32 to index
        %get3A_143 = tpu.vector_load %arg5[%get3A_142] {strides = array<i32>} : memref<16384xi32, #tpu.memory_space<vmem>>, vector<16xi32>,
        %bitcast3A_144 = vector.bitcast %get3A_143 : vector<16xi32> to vector<16xi32>
        %get3A_145 = arith.index_cast %add3A_127 : i32 to index
        %get3A_146 = tpu.vector_load %arg5[%get3A_145] {strides = array<i32>} : memref<16384xi32, #tpu.memory_space<vmem>>, vector<16xi32>,
        %bitcast3A_147 = vector.bitcast %get3A_146 : vector<16xi32> to vector<16xi32>
        %get3A_148 = arith.index_cast %add3A_129 : i32 to index
        %get3A_149 = tpu.vector_load %arg5[%get3A_148] {strides = array<i32>} : memref<16384xi32, #tpu.memory_space<vmem>>, vector<16xi32>,
        %bitcast3A_150 = vector.bitcast %get3A_149 : vector<16xi32> to vector<16xi32>
        %get3A_151 = arith.index_cast %add3A_131 : i32 to index
        %get3A_152 = tpu.vector_load %arg5[%get3A_151] {strides = array<i32>} : memref<16384xi32, #tpu.memory_space<vmem>>, vector<16xi32>,
        %bitcast3A_153 = vector.bitcast %get3A_152 : vector<16xi32> to vector<16xi32>
        %mul3A_154 = arith.constant 64 : i32
        %mul3A_155 = arith.muli %while3A_113, %mul3A_154 : i32
        %add3A_156 = arith.constant 0 : i32
        %add3A_157 = arith.addi %mul3A_155, %add3A_156 : i32
        %get3A_158 = arith.index_cast %add3A_157 : i32 to index
        %get3A_159 = tpu.vector_load %arg7[%get3A_158] {strides = array<i32>} : memref<8192xi32, #tpu.memory_space<vmem>>, vector<16xi32>,
        %bitcast3A_160 = vector.bitcast %get3A_159 : vector<16xi32> to vector<32xi16>
        %unpack3A = tpu.unpack_subelements %bitcast3A_160, 0 {pack_format = #tpu.pack_format<interleaved>} : vector<32xi16> -> vector<16xi32>
        %unpack3A_161 = tpu.unpack_subelements %bitcast3A_160, 1 {pack_format = #tpu.pack_format<interleaved>} : vector<32xi16> -> vector<16xi32>
        %add3A_162 = arith.constant 16 : i32
        %add3A_163 = arith.addi %mul3A_155, %add3A_162 : i32
        %get3A_164 = arith.index_cast %add3A_163 : i32 to index
        %get3A_165 = tpu.vector_load %arg7[%get3A_164] {strides = array<i32>} : memref<8192xi32, #tpu.memory_space<vmem>>, vector<16xi32>,
        %bitcast3A_166 = vector.bitcast %get3A_165 : vector<16xi32> to vector<32xi16>
        %unpack3A_167 = tpu.unpack_subelements %bitcast3A_166, 0 {pack_format = #tpu.pack_format<interleaved>} : vector<32xi16> -> vector<16xi32>
        %unpack3A_168 = tpu.unpack_subelements %bitcast3A_166, 1 {pack_format = #tpu.pack_format<interleaved>} : vector<32xi16> -> vector<16xi32>
        %add3A_169 = arith.constant 32 : i32
        %add3A_170 = arith.addi %mul3A_155, %add3A_169 : i32
        %get3A_171 = arith.index_cast %add3A_170 : i32 to index
        %get3A_172 = tpu.vector_load %arg7[%get3A_171] {strides = array<i32>} : memref<8192xi32, #tpu.memory_space<vmem>>, vector<16xi32>,
        %bitcast3A_173 = vector.bitcast %get3A_172 : vector<16xi32> to vector<32xi16>
        %unpack3A_174 = tpu.unpack_subelements %bitcast3A_173, 0 {pack_format = #tpu.pack_format<interleaved>} : vector<32xi16> -> vector<16xi32>
        %unpack3A_175 = tpu.unpack_subelements %bitcast3A_173, 1 {pack_format = #tpu.pack_format<interleaved>} : vector<32xi16> -> vector<16xi32>
        %add3A_176 = arith.constant 48 : i32
        %add3A_177 = arith.addi %mul3A_155, %add3A_176 : i32
        %get3A_178 = arith.index_cast %add3A_177 : i32 to index
        %get3A_179 = tpu.vector_load %arg7[%get3A_178] {strides = array<i32>} : memref<8192xi32, #tpu.memory_space<vmem>>, vector<16xi32>,
        %bitcast3A_180 = vector.bitcast %get3A_179 : vector<16xi32> to vector<32xi16>
        %unpack3A_181 = tpu.unpack_subelements %bitcast3A_180, 0 {pack_format = #tpu.pack_format<interleaved>} : vector<32xi16> -> vector<16xi32>
        %unpack3A_182 = tpu.unpack_subelements %bitcast3A_180, 1 {pack_format = #tpu.pack_format<interleaved>} : vector<32xi16> -> vector<16xi32>
        tpu.vector_store_idx %arg9[%unpack3A], %bitcast3A {add = true} : memref<160xi32, #tpu.memory_space<vmem>>[vector<16xi32>], vector<16xi32>,
        tpu.vector_store_idx %arg9[%unpack3A_161], %bitcast3A_135 {add = true} : memref<160xi32, #tpu.memory_space<vmem>>[vector<16xi32>], vector<16xi32>,
        tpu.vector_store_idx %arg9[%unpack3A_167], %bitcast3A_138 {add = true} : memref<160xi32, #tpu.memory_space<vmem>>[vector<16xi32>], vector<16xi32>,
        tpu.vector_store_idx %arg9[%unpack3A_168], %bitcast3A_141 {add = true} : memref<160xi32, #tpu.memory_space<vmem>>[vector<16xi32>], vector<16xi32>,
        tpu.vector_store_idx %arg9[%unpack3A_174], %bitcast3A_144 {add = true} : memref<160xi32, #tpu.memory_space<vmem>>[vector<16xi32>], vector<16xi32>,
        tpu.vector_store_idx %arg9[%unpack3A_175], %bitcast3A_147 {add = true} : memref<160xi32, #tpu.memory_space<vmem>>[vector<16xi32>], vector<16xi32>,
        tpu.vector_store_idx %arg9[%unpack3A_181], %bitcast3A_150 {add = true} : memref<160xi32, #tpu.memory_space<vmem>>[vector<16xi32>], vector<16xi32>,
        tpu.vector_store_idx %arg9[%unpack3A_182], %bitcast3A_153 {add = true} : memref<160xi32, #tpu.memory_space<vmem>>[vector<16xi32>], vector<16xi32>,
      }
      %while3A_82 = arith.constant 1 : i32
      scf.for %while3A_113 = %while3A_80 to %while3A_76 step %while3A_82  : i32 {
        %mul3A_114 = arith.constant 128 : i32
        %mul3A_115 = arith.muli %while3A_113, %mul3A_114 : i32
        %add3A_116 = arith.constant 0 : i32
        %add3A_117 = arith.addi %mul3A_115, %add3A_116 : i32
        %add3A_118 = arith.constant 16 : i32
        %add3A_119 = arith.addi %mul3A_115, %add3A_118 : i32
        %add3A_120 = arith.constant 32 : i32
        %add3A_121 = arith.addi %mul3A_115, %add3A_120 : i32
        %add3A_122 = arith.constant 48 : i32
        %add3A_123 = arith.addi %mul3A_115, %add3A_122 : i32
        %add3A_124 = arith.constant 64 : i32
        %add3A_125 = arith.addi %mul3A_115, %add3A_124 : i32
        %add3A_126 = arith.constant 80 : i32
        %add3A_127 = arith.addi %mul3A_115, %add3A_126 : i32
        %add3A_128 = arith.constant 96 : i32
        %add3A_129 = arith.addi %mul3A_115, %add3A_128 : i32
        %add3A_130 = arith.constant 112 : i32
        %add3A_131 = arith.addi %mul3A_115, %add3A_130 : i32
        %get3A = arith.index_cast %add3A_117 : i32 to index
        %get3A_132 = tpu.vector_load %arg5[%get3A] {strides = array<i32>} : memref<16384xi32, #tpu.memory_space<vmem>>, vector<16xi32>,
        %bitcast3A = vector.bitcast %get3A_132 : vector<16xi32> to vector<16xi32>
        %get3A_133 = arith.index_cast %add3A_119 : i32 to index
        %get3A_134 = tpu.vector_load %arg5[%get3A_133] {strides = array<i32>} : memref<16384xi32, #tpu.memory_space<vmem>>, vector<16xi32>,
        %bitcast3A_135 = vector.bitcast %get3A_134 : vector<16xi32> to vector<16xi32>
        %get3A_136 = arith.index_cast %add3A_121 : i32 to index
        %get3A_137 = tpu.vector_load %arg5[%get3A_136] {strides = array<i32>} : memref<16384xi32, #tpu.memory_space<vmem>>, vector<16xi32>,
        %bitcast3A_138 = vector.bitcast %get3A_137 : vector<16xi32> to vector<16xi32>
        %get3A_139 = arith.index_cast %add3A_123 : i32 to index
        %get3A_140 = tpu.vector_load %arg5[%get3A_139] {strides = array<i32>} : memref<16384xi32, #tpu.memory_space<vmem>>, vector<16xi32>,
        %bitcast3A_141 = vector.bitcast %get3A_140 : vector<16xi32> to vector<16xi32>
        %get3A_142 = arith.index_cast %add3A_125 : i32 to index
        %get3A_143 = tpu.vector_load %arg5[%get3A_142] {strides = array<i32>} : memref<16384xi32, #tpu.memory_space<vmem>>, vector<16xi32>,
        %bitcast3A_144 = vector.bitcast %get3A_143 : vector<16xi32> to vector<16xi32>
        %get3A_145 = arith.index_cast %add3A_127 : i32 to index
        %get3A_146 = tpu.vector_load %arg5[%get3A_145] {strides = array<i32>} : memref<16384xi32, #tpu.memory_space<vmem>>, vector<16xi32>,
        %bitcast3A_147 = vector.bitcast %get3A_146 : vector<16xi32> to vector<16xi32>
        %get3A_148 = arith.index_cast %add3A_129 : i32 to index
        %get3A_149 = tpu.vector_load %arg5[%get3A_148] {strides = array<i32>} : memref<16384xi32, #tpu.memory_space<vmem>>, vector<16xi32>,
        %bitcast3A_150 = vector.bitcast %get3A_149 : vector<16xi32> to vector<16xi32>
        %get3A_151 = arith.index_cast %add3A_131 : i32 to index
        %get3A_152 = tpu.vector_load %arg5[%get3A_151] {strides = array<i32>} : memref<16384xi32, #tpu.memory_space<vmem>>, vector<16xi32>,
        %bitcast3A_153 = vector.bitcast %get3A_152 : vector<16xi32> to vector<16xi32>
        %mul3A_154 = arith.constant 64 : i32
        %mul3A_155 = arith.muli %while3A_113, %mul3A_154 : i32
        %add3A_156 = arith.constant 0 : i32
        %add3A_157 = arith.addi %mul3A_155, %add3A_156 : i32
        %get3A_158 = arith.index_cast %add3A_157 : i32 to index
        %get3A_159 = tpu.vector_load %arg7[%get3A_158] {strides = array<i32>} : memref<8192xi32, #tpu.memory_space<vmem>>, vector<16xi32>,
        %bitcast3A_160 = vector.bitcast %get3A_159 : vector<16xi32> to vector<32xi16>
        %unpack3A = tpu.unpack_subelements %bitcast3A_160, 0 {pack_format = #tpu.pack_format<interleaved>} : vector<32xi16> -> vector<16xi32>
        %unpack3A_161 = tpu.unpack_subelements %bitcast3A_160, 1 {pack_format = #tpu.pack_format<interleaved>} : vector<32xi16> -> vector<16xi32>
        %add3A_162 = arith.constant 16 : i32
        %add3A_163 = arith.addi %mul3A_155, %add3A_162 : i32
        %get3A_164 = arith.index_cast %add3A_163 : i32 to index
        %get3A_165 = tpu.vector_load %arg7[%get3A_164] {strides = array<i32>} : memref<8192xi32, #tpu.memory_space<vmem>>, vector<16xi32>,
        %bitcast3A_166 = vector.bitcast %get3A_165 : vector<16xi32> to vector<32xi16>
        %unpack3A_167 = tpu.unpack_subelements %bitcast3A_166, 0 {pack_format = #tpu.pack_format<interleaved>} : vector<32xi16> -> vector<16xi32>
        %unpack3A_168 = tpu.unpack_subelements %bitcast3A_166, 1 {pack_format = #tpu.pack_format<interleaved>} : vector<32xi16> -> vector<16xi32>
        %add3A_169 = arith.constant 32 : i32
        %add3A_170 = arith.addi %mul3A_155, %add3A_169 : i32
        %get3A_171 = arith.index_cast %add3A_170 : i32 to index
        %get3A_172 = tpu.vector_load %arg7[%get3A_171] {strides = array<i32>} : memref<8192xi32, #tpu.memory_space<vmem>>, vector<16xi32>,
        %bitcast3A_173 = vector.bitcast %get3A_172 : vector<16xi32> to vector<32xi16>
        %unpack3A_174 = tpu.unpack_subelements %bitcast3A_173, 0 {pack_format = #tpu.pack_format<interleaved>} : vector<32xi16> -> vector<16xi32>
        %unpack3A_175 = tpu.unpack_subelements %bitcast3A_173, 1 {pack_format = #tpu.pack_format<interleaved>} : vector<32xi16> -> vector<16xi32>
        %add3A_176 = arith.constant 48 : i32
        %add3A_177 = arith.addi %mul3A_155, %add3A_176 : i32
        %get3A_178 = arith.index_cast %add3A_177 : i32 to index
        %get3A_179 = tpu.vector_load %arg7[%get3A_178] {strides = array<i32>} : memref<8192xi32, #tpu.memory_space<vmem>>, vector<16xi32>,
        %bitcast3A_180 = vector.bitcast %get3A_179 : vector<16xi32> to vector<32xi16>
        %unpack3A_181 = tpu.unpack_subelements %bitcast3A_180, 0 {pack_format = #tpu.pack_format<interleaved>} : vector<32xi16> -> vector<16xi32>
        %unpack3A_182 = tpu.unpack_subelements %bitcast3A_180, 1 {pack_format = #tpu.pack_format<interleaved>} : vector<32xi16> -> vector<16xi32>
        tpu.vector_store_idx %arg9[%unpack3A], %bitcast3A {add = true} : memref<160xi32, #tpu.memory_space<vmem>>[vector<16xi32>], vector<16xi32>,
        tpu.vector_store_idx %arg9[%unpack3A_161], %bitcast3A_135 {add = true} : memref<160xi32, #tpu.memory_space<vmem>>[vector<16xi32>], vector<16xi32>,
        tpu.vector_store_idx %arg9[%unpack3A_167], %bitcast3A_138 {add = true} : memref<160xi32, #tpu.memory_space<vmem>>[vector<16xi32>], vector<16xi32>,
        tpu.vector_store_idx %arg9[%unpack3A_168], %bitcast3A_141 {add = true} : memref<160xi32, #tpu.memory_space<vmem>>[vector<16xi32>], vector<16xi32>,
        tpu.vector_store_idx %arg9[%unpack3A_174], %bitcast3A_144 {add = true} : memref<160xi32, #tpu.memory_space<vmem>>[vector<16xi32>], vector<16xi32>,
        tpu.vector_store_idx %arg9[%unpack3A_175], %bitcast3A_147 {add = true} : memref<160xi32, #tpu.memory_space<vmem>>[vector<16xi32>], vector<16xi32>,
        tpu.vector_store_idx %arg9[%unpack3A_181], %bitcast3A_150 {add = true} : memref<160xi32, #tpu.memory_space<vmem>>[vector<16xi32>], vector<16xi32>,
        tpu.vector_store_idx %arg9[%unpack3A_182], %bitcast3A_153 {add = true} : memref<160xi32, #tpu.memory_space<vmem>>[vector<16xi32>], vector<16xi32>,
      }
      %add3A_83 = arith.constant 2 : i32
      %add3A_84 = arith.addi %mul3A_64, %add3A_83 : i32
      %lt3A = arith.constant 32 : i32
      %lt3A_85 = arith.cmpi slt, %add3A_84, %lt3A : i32
      %convert_element_type3A = arith.extui %lt3A_85 : i1 to i32
      %cond3A = arith.constant 0 : i32
      %cond3A_86 = arith.cmpi ne, %convert_element_type3A, %cond3A : i32
      scf.if %cond3A_86 {
        %add3A_113 = arith.constant 2 : i32
        %add3A_114 = arith.addi %mul3A_64, %add3A_113 : i32
        %mul3A_115 = arith.constant 16384 : i32
        %mul3A_116 = arith.muli %add3A_114, %mul3A_115 : i32
        %add3A_117 = arith.addi %mul3A_2, %mul3A_116 : i32
        %mul3A_118 = arith.constant 262144 : i32
        %mul3A_119 = arith.muli %add3A, %mul3A_118 : i32
        %mul3A_120 = arith.constant 8192 : i32
        %mul3A_121 = arith.muli %add3A_114, %mul3A_120 : i32
        %add3A_122 = arith.addi %mul3A_119, %mul3A_121 : i32
        %dma_start3A_123 = tpu.memref_slice %arg2[%add3A_117] : memref<16777216xi32, #tpu.memory_space<hbm>> -> memref<16384xi32, #tpu.memory_space<hbm>>
        %dma_start3A_124 = tpu.memref_slice %arg2[%add3A_117] : memref<16777216xi32, #tpu.memory_space<hbm>> -> memref<16384xi32, #tpu.memory_space<hbm>>
        tpu.enqueue_dma source(%dma_start3A_124 : memref<16384xi32, #tpu.memory_space<hbm>>) target(%arg5 : memref<16384xi32, #tpu.memory_space<vmem>>) target_semaphore(%arg10 : memref<!tpu.dma_semaphore, #tpu.memory_space<semaphore_mem>>)
        %dma_start3A_125 = tpu.memref_slice %arg3[%add3A_122] : memref<8388608xi32, #tpu.memory_space<hbm>> -> memref<8192xi32, #tpu.memory_space<hbm>>
        %dma_start3A_126 = tpu.memref_slice %arg3[%add3A_122] : memref<8388608xi32, #tpu.memory_space<hbm>> -> memref<8192xi32, #tpu.memory_space<hbm>>
        tpu.enqueue_dma source(%dma_start3A_126 : memref<8192xi32, #tpu.memory_space<hbm>>) target(%arg7 : memref<8192xi32, #tpu.memory_space<vmem>>) target_semaphore(%arg10 : memref<!tpu.dma_semaphore, #tpu.memory_space<semaphore_mem>>)
      } else {
      }
      %dma_wait3A_87 = arith.constant 0 : i32
      %dma_wait3A_88 = tpu.memref_slice %arg2[%dma_wait3A_87] : memref<16777216xi32, #tpu.memory_space<hbm>> -> memref<16384xi32, #tpu.memory_space<hbm>>
      %dma_wait3A_89 = arith.constant 0 : i32
      %dma_wait3A_90 = tpu.memref_slice %arg2[%dma_wait3A_89] : memref<16777216xi32, #tpu.memory_space<hbm>> -> memref<16384xi32, #tpu.memory_space<hbm>>
      tpu.wait_dma2 semaphore(%arg11 : memref<!tpu.dma_semaphore, #tpu.memory_space<semaphore_mem>>) src(%dma_wait3A_90 : memref<16384xi32, #tpu.memory_space<hbm>>) dst(%arg6 : memref<16384xi32, #tpu.memory_space<vmem>>)
      %dma_wait3A_91 = arith.constant 0 : i32
      %dma_wait3A_92 = tpu.memref_slice %arg3[%dma_wait3A_91] : memref<8388608xi32, #tpu.memory_space<hbm>> -> memref<8192xi32, #tpu.memory_space<hbm>>
      %dma_wait3A_93 = arith.constant 0 : i32
      %dma_wait3A_94 = tpu.memref_slice %arg3[%dma_wait3A_93] : memref<8388608xi32, #tpu.memory_space<hbm>> -> memref<8192xi32, #tpu.memory_space<hbm>>
      tpu.wait_dma2 semaphore(%arg11 : memref<!tpu.dma_semaphore, #tpu.memory_space<semaphore_mem>>) src(%dma_wait3A_94 : memref<8192xi32, #tpu.memory_space<hbm>>) dst(%arg8 : memref<8192xi32, #tpu.memory_space<vmem>>)
      %while3A_95 = arith.constant 0 : i32
      %while3A_96 = arith.constant 0 : i32
      %while3A_97 = arith.constant 128 : i32
      %while3A_98 = arith.subi %while3A_97, %while3A_96 : i32
      %while3A_99 = arith.addi %while3A_96, %while3A_98 : i32
      %while3A_100 = arith.constant 1 : i32
      %while3A_101 = arith.divsi %while3A_98, %while3A_100 : i32
      %while3A_102 = arith.muli %while3A_101, %while3A_100 : i32
      %while3A_103 = arith.addi %while3A_96, %while3A_102 : i32
      %while3A_104 = arith.constant 1 : i32
      scf.for %while3A_113 = %while3A_96 to %while3A_103 step %while3A_104  : i32 {
        %mul3A_114 = arith.constant 128 : i32
        %mul3A_115 = arith.muli %while3A_113, %mul3A_114 : i32
        %add3A_116 = arith.constant 0 : i32
        %add3A_117 = arith.addi %mul3A_115, %add3A_116 : i32
        %add3A_118 = arith.constant 16 : i32
        %add3A_119 = arith.addi %mul3A_115, %add3A_118 : i32
        %add3A_120 = arith.constant 32 : i32
        %add3A_121 = arith.addi %mul3A_115, %add3A_120 : i32
        %add3A_122 = arith.constant 48 : i32
        %add3A_123 = arith.addi %mul3A_115, %add3A_122 : i32
        %add3A_124 = arith.constant 64 : i32
        %add3A_125 = arith.addi %mul3A_115, %add3A_124 : i32
        %add3A_126 = arith.constant 80 : i32
        %add3A_127 = arith.addi %mul3A_115, %add3A_126 : i32
        %add3A_128 = arith.constant 96 : i32
        %add3A_129 = arith.addi %mul3A_115, %add3A_128 : i32
        %add3A_130 = arith.constant 112 : i32
        %add3A_131 = arith.addi %mul3A_115, %add3A_130 : i32
        %get3A = arith.index_cast %add3A_117 : i32 to index
        %get3A_132 = tpu.vector_load %arg6[%get3A] {strides = array<i32>} : memref<16384xi32, #tpu.memory_space<vmem>>, vector<16xi32>,
        %bitcast3A = vector.bitcast %get3A_132 : vector<16xi32> to vector<16xi32>
        %get3A_133 = arith.index_cast %add3A_119 : i32 to index
        %get3A_134 = tpu.vector_load %arg6[%get3A_133] {strides = array<i32>} : memref<16384xi32, #tpu.memory_space<vmem>>, vector<16xi32>,
        %bitcast3A_135 = vector.bitcast %get3A_134 : vector<16xi32> to vector<16xi32>
        %get3A_136 = arith.index_cast %add3A_121 : i32 to index
        %get3A_137 = tpu.vector_load %arg6[%get3A_136] {strides = array<i32>} : memref<16384xi32, #tpu.memory_space<vmem>>, vector<16xi32>,
        %bitcast3A_138 = vector.bitcast %get3A_137 : vector<16xi32> to vector<16xi32>
        %get3A_139 = arith.index_cast %add3A_123 : i32 to index
        %get3A_140 = tpu.vector_load %arg6[%get3A_139] {strides = array<i32>} : memref<16384xi32, #tpu.memory_space<vmem>>, vector<16xi32>,
        %bitcast3A_141 = vector.bitcast %get3A_140 : vector<16xi32> to vector<16xi32>
        %get3A_142 = arith.index_cast %add3A_125 : i32 to index
        %get3A_143 = tpu.vector_load %arg6[%get3A_142] {strides = array<i32>} : memref<16384xi32, #tpu.memory_space<vmem>>, vector<16xi32>,
        %bitcast3A_144 = vector.bitcast %get3A_143 : vector<16xi32> to vector<16xi32>
        %get3A_145 = arith.index_cast %add3A_127 : i32 to index
        %get3A_146 = tpu.vector_load %arg6[%get3A_145] {strides = array<i32>} : memref<16384xi32, #tpu.memory_space<vmem>>, vector<16xi32>,
        %bitcast3A_147 = vector.bitcast %get3A_146 : vector<16xi32> to vector<16xi32>
        %get3A_148 = arith.index_cast %add3A_129 : i32 to index
        %get3A_149 = tpu.vector_load %arg6[%get3A_148] {strides = array<i32>} : memref<16384xi32, #tpu.memory_space<vmem>>, vector<16xi32>,
        %bitcast3A_150 = vector.bitcast %get3A_149 : vector<16xi32> to vector<16xi32>
        %get3A_151 = arith.index_cast %add3A_131 : i32 to index
        %get3A_152 = tpu.vector_load %arg6[%get3A_151] {strides = array<i32>} : memref<16384xi32, #tpu.memory_space<vmem>>, vector<16xi32>,
        %bitcast3A_153 = vector.bitcast %get3A_152 : vector<16xi32> to vector<16xi32>
        %mul3A_154 = arith.constant 64 : i32
        %mul3A_155 = arith.muli %while3A_113, %mul3A_154 : i32
        %add3A_156 = arith.constant 0 : i32
        %add3A_157 = arith.addi %mul3A_155, %add3A_156 : i32
        %get3A_158 = arith.index_cast %add3A_157 : i32 to index
        %get3A_159 = tpu.vector_load %arg8[%get3A_158] {strides = array<i32>} : memref<8192xi32, #tpu.memory_space<vmem>>, vector<16xi32>,
        %bitcast3A_160 = vector.bitcast %get3A_159 : vector<16xi32> to vector<32xi16>
        %unpack3A = tpu.unpack_subelements %bitcast3A_160, 0 {pack_format = #tpu.pack_format<interleaved>} : vector<32xi16> -> vector<16xi32>
        %unpack3A_161 = tpu.unpack_subelements %bitcast3A_160, 1 {pack_format = #tpu.pack_format<interleaved>} : vector<32xi16> -> vector<16xi32>
        %add3A_162 = arith.constant 16 : i32
        %add3A_163 = arith.addi %mul3A_155, %add3A_162 : i32
        %get3A_164 = arith.index_cast %add3A_163 : i32 to index
        %get3A_165 = tpu.vector_load %arg8[%get3A_164] {strides = array<i32>} : memref<8192xi32, #tpu.memory_space<vmem>>, vector<16xi32>,
        %bitcast3A_166 = vector.bitcast %get3A_165 : vector<16xi32> to vector<32xi16>
        %unpack3A_167 = tpu.unpack_subelements %bitcast3A_166, 0 {pack_format = #tpu.pack_format<interleaved>} : vector<32xi16> -> vector<16xi32>
        %unpack3A_168 = tpu.unpack_subelements %bitcast3A_166, 1 {pack_format = #tpu.pack_format<interleaved>} : vector<32xi16> -> vector<16xi32>
        %add3A_169 = arith.constant 32 : i32
        %add3A_170 = arith.addi %mul3A_155, %add3A_169 : i32
        %get3A_171 = arith.index_cast %add3A_170 : i32 to index
        %get3A_172 = tpu.vector_load %arg8[%get3A_171] {strides = array<i32>} : memref<8192xi32, #tpu.memory_space<vmem>>, vector<16xi32>,
        %bitcast3A_173 = vector.bitcast %get3A_172 : vector<16xi32> to vector<32xi16>
        %unpack3A_174 = tpu.unpack_subelements %bitcast3A_173, 0 {pack_format = #tpu.pack_format<interleaved>} : vector<32xi16> -> vector<16xi32>
        %unpack3A_175 = tpu.unpack_subelements %bitcast3A_173, 1 {pack_format = #tpu.pack_format<interleaved>} : vector<32xi16> -> vector<16xi32>
        %add3A_176 = arith.constant 48 : i32
        %add3A_177 = arith.addi %mul3A_155, %add3A_176 : i32
        %get3A_178 = arith.index_cast %add3A_177 : i32 to index
        %get3A_179 = tpu.vector_load %arg8[%get3A_178] {strides = array<i32>} : memref<8192xi32, #tpu.memory_space<vmem>>, vector<16xi32>,
        %bitcast3A_180 = vector.bitcast %get3A_179 : vector<16xi32> to vector<32xi16>
        %unpack3A_181 = tpu.unpack_subelements %bitcast3A_180, 0 {pack_format = #tpu.pack_format<interleaved>} : vector<32xi16> -> vector<16xi32>
        %unpack3A_182 = tpu.unpack_subelements %bitcast3A_180, 1 {pack_format = #tpu.pack_format<interleaved>} : vector<32xi16> -> vector<16xi32>
        tpu.vector_store_idx %arg9[%unpack3A], %bitcast3A {add = true} : memref<160xi32, #tpu.memory_space<vmem>>[vector<16xi32>], vector<16xi32>,
        tpu.vector_store_idx %arg9[%unpack3A_161], %bitcast3A_135 {add = true} : memref<160xi32, #tpu.memory_space<vmem>>[vector<16xi32>], vector<16xi32>,
        tpu.vector_store_idx %arg9[%unpack3A_167], %bitcast3A_138 {add = true} : memref<160xi32, #tpu.memory_space<vmem>>[vector<16xi32>], vector<16xi32>,
        tpu.vector_store_idx %arg9[%unpack3A_168], %bitcast3A_141 {add = true} : memref<160xi32, #tpu.memory_space<vmem>>[vector<16xi32>], vector<16xi32>,
        tpu.vector_store_idx %arg9[%unpack3A_174], %bitcast3A_144 {add = true} : memref<160xi32, #tpu.memory_space<vmem>>[vector<16xi32>], vector<16xi32>,
        tpu.vector_store_idx %arg9[%unpack3A_175], %bitcast3A_147 {add = true} : memref<160xi32, #tpu.memory_space<vmem>>[vector<16xi32>], vector<16xi32>,
        tpu.vector_store_idx %arg9[%unpack3A_181], %bitcast3A_150 {add = true} : memref<160xi32, #tpu.memory_space<vmem>>[vector<16xi32>], vector<16xi32>,
        tpu.vector_store_idx %arg9[%unpack3A_182], %bitcast3A_153 {add = true} : memref<160xi32, #tpu.memory_space<vmem>>[vector<16xi32>], vector<16xi32>,
      }
      %while3A_105 = arith.constant 1 : i32
      scf.for %while3A_113 = %while3A_103 to %while3A_99 step %while3A_105  : i32 {
        %mul3A_114 = arith.constant 128 : i32
        %mul3A_115 = arith.muli %while3A_113, %mul3A_114 : i32
        %add3A_116 = arith.constant 0 : i32
        %add3A_117 = arith.addi %mul3A_115, %add3A_116 : i32
        %add3A_118 = arith.constant 16 : i32
        %add3A_119 = arith.addi %mul3A_115, %add3A_118 : i32
        %add3A_120 = arith.constant 32 : i32
        %add3A_121 = arith.addi %mul3A_115, %add3A_120 : i32
        %add3A_122 = arith.constant 48 : i32
        %add3A_123 = arith.addi %mul3A_115, %add3A_122 : i32
        %add3A_124 = arith.constant 64 : i32
        %add3A_125 = arith.addi %mul3A_115, %add3A_124 : i32
        %add3A_126 = arith.constant 80 : i32
        %add3A_127 = arith.addi %mul3A_115, %add3A_126 : i32
        %add3A_128 = arith.constant 96 : i32
        %add3A_129 = arith.addi %mul3A_115, %add3A_128 : i32
        %add3A_130 = arith.constant 112 : i32
        %add3A_131 = arith.addi %mul3A_115, %add3A_130 : i32
        %get3A = arith.index_cast %add3A_117 : i32 to index
        %get3A_132 = tpu.vector_load %arg6[%get3A] {strides = array<i32>} : memref<16384xi32, #tpu.memory_space<vmem>>, vector<16xi32>,
        %bitcast3A = vector.bitcast %get3A_132 : vector<16xi32> to vector<16xi32>
        %get3A_133 = arith.index_cast %add3A_119 : i32 to index
        %get3A_134 = tpu.vector_load %arg6[%get3A_133] {strides = array<i32>} : memref<16384xi32, #tpu.memory_space<vmem>>, vector<16xi32>,
        %bitcast3A_135 = vector.bitcast %get3A_134 : vector<16xi32> to vector<16xi32>
        %get3A_136 = arith.index_cast %add3A_121 : i32 to index
        %get3A_137 = tpu.vector_load %arg6[%get3A_136] {strides = array<i32>} : memref<16384xi32, #tpu.memory_space<vmem>>, vector<16xi32>,
        %bitcast3A_138 = vector.bitcast %get3A_137 : vector<16xi32> to vector<16xi32>
        %get3A_139 = arith.index_cast %add3A_123 : i32 to index
        %get3A_140 = tpu.vector_load %arg6[%get3A_139] {strides = array<i32>} : memref<16384xi32, #tpu.memory_space<vmem>>, vector<16xi32>,
        %bitcast3A_141 = vector.bitcast %get3A_140 : vector<16xi32> to vector<16xi32>
        %get3A_142 = arith.index_cast %add3A_125 : i32 to index
        %get3A_143 = tpu.vector_load %arg6[%get3A_142] {strides = array<i32>} : memref<16384xi32, #tpu.memory_space<vmem>>, vector<16xi32>,
        %bitcast3A_144 = vector.bitcast %get3A_143 : vector<16xi32> to vector<16xi32>
        %get3A_145 = arith.index_cast %add3A_127 : i32 to index
        %get3A_146 = tpu.vector_load %arg6[%get3A_145] {strides = array<i32>} : memref<16384xi32, #tpu.memory_space<vmem>>, vector<16xi32>,
        %bitcast3A_147 = vector.bitcast %get3A_146 : vector<16xi32> to vector<16xi32>
        %get3A_148 = arith.index_cast %add3A_129 : i32 to index
        %get3A_149 = tpu.vector_load %arg6[%get3A_148] {strides = array<i32>} : memref<16384xi32, #tpu.memory_space<vmem>>, vector<16xi32>,
        %bitcast3A_150 = vector.bitcast %get3A_149 : vector<16xi32> to vector<16xi32>
        %get3A_151 = arith.index_cast %add3A_131 : i32 to index
        %get3A_152 = tpu.vector_load %arg6[%get3A_151] {strides = array<i32>} : memref<16384xi32, #tpu.memory_space<vmem>>, vector<16xi32>,
        %bitcast3A_153 = vector.bitcast %get3A_152 : vector<16xi32> to vector<16xi32>
        %mul3A_154 = arith.constant 64 : i32
        %mul3A_155 = arith.muli %while3A_113, %mul3A_154 : i32
        %add3A_156 = arith.constant 0 : i32
        %add3A_157 = arith.addi %mul3A_155, %add3A_156 : i32
        %get3A_158 = arith.index_cast %add3A_157 : i32 to index
        %get3A_159 = tpu.vector_load %arg8[%get3A_158] {strides = array<i32>} : memref<8192xi32, #tpu.memory_space<vmem>>, vector<16xi32>,
        %bitcast3A_160 = vector.bitcast %get3A_159 : vector<16xi32> to vector<32xi16>
        %unpack3A = tpu.unpack_subelements %bitcast3A_160, 0 {pack_format = #tpu.pack_format<interleaved>} : vector<32xi16> -> vector<16xi32>
        %unpack3A_161 = tpu.unpack_subelements %bitcast3A_160, 1 {pack_format = #tpu.pack_format<interleaved>} : vector<32xi16> -> vector<16xi32>
        %add3A_162 = arith.constant 16 : i32
        %add3A_163 = arith.addi %mul3A_155, %add3A_162 : i32
        %get3A_164 = arith.index_cast %add3A_163 : i32 to index
        %get3A_165 = tpu.vector_load %arg8[%get3A_164] {strides = array<i32>} : memref<8192xi32, #tpu.memory_space<vmem>>, vector<16xi32>,
        %bitcast3A_166 = vector.bitcast %get3A_165 : vector<16xi32> to vector<32xi16>
        %unpack3A_167 = tpu.unpack_subelements %bitcast3A_166, 0 {pack_format = #tpu.pack_format<interleaved>} : vector<32xi16> -> vector<16xi32>
        %unpack3A_168 = tpu.unpack_subelements %bitcast3A_166, 1 {pack_format = #tpu.pack_format<interleaved>} : vector<32xi16> -> vector<16xi32>
        %add3A_169 = arith.constant 32 : i32
        %add3A_170 = arith.addi %mul3A_155, %add3A_169 : i32
        %get3A_171 = arith.index_cast %add3A_170 : i32 to index
        %get3A_172 = tpu.vector_load %arg8[%get3A_171] {strides = array<i32>} : memref<8192xi32, #tpu.memory_space<vmem>>, vector<16xi32>,
        %bitcast3A_173 = vector.bitcast %get3A_172 : vector<16xi32> to vector<32xi16>
        %unpack3A_174 = tpu.unpack_subelements %bitcast3A_173, 0 {pack_format = #tpu.pack_format<interleaved>} : vector<32xi16> -> vector<16xi32>
        %unpack3A_175 = tpu.unpack_subelements %bitcast3A_173, 1 {pack_format = #tpu.pack_format<interleaved>} : vector<32xi16> -> vector<16xi32>
        %add3A_176 = arith.constant 48 : i32
        %add3A_177 = arith.addi %mul3A_155, %add3A_176 : i32
        %get3A_178 = arith.index_cast %add3A_177 : i32 to index
        %get3A_179 = tpu.vector_load %arg8[%get3A_178] {strides = array<i32>} : memref<8192xi32, #tpu.memory_space<vmem>>, vector<16xi32>,
        %bitcast3A_180 = vector.bitcast %get3A_179 : vector<16xi32> to vector<32xi16>
        %unpack3A_181 = tpu.unpack_subelements %bitcast3A_180, 0 {pack_format = #tpu.pack_format<interleaved>} : vector<32xi16> -> vector<16xi32>
        %unpack3A_182 = tpu.unpack_subelements %bitcast3A_180, 1 {pack_format = #tpu.pack_format<interleaved>} : vector<32xi16> -> vector<16xi32>
        tpu.vector_store_idx %arg9[%unpack3A], %bitcast3A {add = true} : memref<160xi32, #tpu.memory_space<vmem>>[vector<16xi32>], vector<16xi32>,
        tpu.vector_store_idx %arg9[%unpack3A_161], %bitcast3A_135 {add = true} : memref<160xi32, #tpu.memory_space<vmem>>[vector<16xi32>], vector<16xi32>,
        tpu.vector_store_idx %arg9[%unpack3A_167], %bitcast3A_138 {add = true} : memref<160xi32, #tpu.memory_space<vmem>>[vector<16xi32>], vector<16xi32>,
        tpu.vector_store_idx %arg9[%unpack3A_168], %bitcast3A_141 {add = true} : memref<160xi32, #tpu.memory_space<vmem>>[vector<16xi32>], vector<16xi32>,
        tpu.vector_store_idx %arg9[%unpack3A_174], %bitcast3A_144 {add = true} : memref<160xi32, #tpu.memory_space<vmem>>[vector<16xi32>], vector<16xi32>,
        tpu.vector_store_idx %arg9[%unpack3A_175], %bitcast3A_147 {add = true} : memref<160xi32, #tpu.memory_space<vmem>>[vector<16xi32>], vector<16xi32>,
        tpu.vector_store_idx %arg9[%unpack3A_181], %bitcast3A_150 {add = true} : memref<160xi32, #tpu.memory_space<vmem>>[vector<16xi32>], vector<16xi32>,
        tpu.vector_store_idx %arg9[%unpack3A_182], %bitcast3A_153 {add = true} : memref<160xi32, #tpu.memory_space<vmem>>[vector<16xi32>], vector<16xi32>,
      }
      %add3A_106 = arith.constant 3 : i32
      %add3A_107 = arith.addi %mul3A_64, %add3A_106 : i32
      %lt3A_108 = arith.constant 32 : i32
      %lt3A_109 = arith.cmpi slt, %add3A_107, %lt3A_108 : i32
      %convert_element_type3A_110 = arith.extui %lt3A_109 : i1 to i32
      %cond3A_111 = arith.constant 0 : i32
      %cond3A_112 = arith.cmpi ne, %convert_element_type3A_110, %cond3A_111 : i32
      scf.if %cond3A_112 {
        %add3A_113 = arith.constant 3 : i32
        %add3A_114 = arith.addi %mul3A_64, %add3A_113 : i32
        %mul3A_115 = arith.constant 16384 : i32
        %mul3A_116 = arith.muli %add3A_114, %mul3A_115 : i32
        %add3A_117 = arith.addi %mul3A_2, %mul3A_116 : i32
        %mul3A_118 = arith.constant 262144 : i32
        %mul3A_119 = arith.muli %add3A, %mul3A_118 : i32
        %mul3A_120 = arith.constant 8192 : i32
        %mul3A_121 = arith.muli %add3A_114, %mul3A_120 : i32
        %add3A_122 = arith.addi %mul3A_119, %mul3A_121 : i32
        %dma_start3A_123 = tpu.memref_slice %arg2[%add3A_117] : memref<16777216xi32, #tpu.memory_space<hbm>> -> memref<16384xi32, #tpu.memory_space<hbm>>
        %dma_start3A_124 = tpu.memref_slice %arg2[%add3A_117] : memref<16777216xi32, #tpu.memory_space<hbm>> -> memref<16384xi32, #tpu.memory_space<hbm>>
        tpu.enqueue_dma source(%dma_start3A_124 : memref<16384xi32, #tpu.memory_space<hbm>>) target(%arg6 : memref<16384xi32, #tpu.memory_space<vmem>>) target_semaphore(%arg11 : memref<!tpu.dma_semaphore, #tpu.memory_space<semaphore_mem>>)
        %dma_start3A_125 = tpu.memref_slice %arg3[%add3A_122] : memref<8388608xi32, #tpu.memory_space<hbm>> -> memref<8192xi32, #tpu.memory_space<hbm>>
        %dma_start3A_126 = tpu.memref_slice %arg3[%add3A_122] : memref<8388608xi32, #tpu.memory_space<hbm>> -> memref<8192xi32, #tpu.memory_space<hbm>>
        tpu.enqueue_dma source(%dma_start3A_126 : memref<8192xi32, #tpu.memory_space<hbm>>) target(%arg8 : memref<8192xi32, #tpu.memory_space<vmem>>) target_semaphore(%arg11 : memref<!tpu.dma_semaphore, #tpu.memory_space<semaphore_mem>>)
      } else {
      }
    }
    %mul3A_60 = arith.constant 160 : i32
    %mul3A_61 = arith.muli %add3A, %mul3A_60 : i32
    "tpu.region"() ({
      %run_scoped3A = tpu.sem_alloc : memref<!tpu.dma_semaphore, #tpu.memory_space<semaphore_mem>>
      %dma_start3A_62 = tpu.memref_slice %arg4[%mul3A_61] : memref<5120xi32, #tpu.memory_space<hbm>> -> memref<160xi32, #tpu.memory_space<hbm>>
      %dma_start3A_63 = tpu.memref_slice %arg4[%mul3A_61] : memref<5120xi32, #tpu.memory_space<hbm>> -> memref<160xi32, #tpu.memory_space<hbm>>
      tpu.enqueue_dma source(%arg9 : memref<160xi32, #tpu.memory_space<vmem>>) target(%dma_start3A_63 : memref<160xi32, #tpu.memory_space<hbm>>) target_semaphore(%run_scoped3A : memref<!tpu.dma_semaphore, #tpu.memory_space<semaphore_mem>>)
      %dma_wait3A = tpu.memref_slice %arg4[%mul3A_61] : memref<5120xi32, #tpu.memory_space<hbm>> -> memref<160xi32, #tpu.memory_space<hbm>>
      %dma_wait3A_64 = tpu.memref_slice %arg4[%mul3A_61] : memref<5120xi32, #tpu.memory_space<hbm>> -> memref<160xi32, #tpu.memory_space<hbm>>
      tpu.wait_dma2 semaphore(%run_scoped3A : memref<!tpu.dma_semaphore, #tpu.memory_space<semaphore_mem>>) src(%arg9 : memref<160xi32, #tpu.memory_space<vmem>>) dst(%dma_wait3A_64 : memref<160xi32, #tpu.memory_space<hbm>>)
      tpu.yield
    }) : () -> ()
    return
  }
}

#map = affine_map<(d0, d1) -> (0)>
module attributes {stable_mosaic.version = 14 : i64} {
  func.func @_pass_a_body(%arg0: i32, %arg1: i32, %arg2: memref<16777216xf32, #tpu.memory_space<hbm>>, %arg3: memref<2048xf32, #tpu.memory_space<hbm>>, %arg4: memref<2048xf32, #tpu.memory_space<hbm>>, %arg5: memref<10240xf32, #tpu.memory_space<hbm>>, %arg6: memref<8388608xi32, #tpu.memory_space<hbm>>, %arg7: memref<16384xf32, #tpu.memory_space<vmem>>, %arg8: memref<16384xf32, #tpu.memory_space<vmem>>, %arg9: memref<8192xi32, #tpu.memory_space<vmem>>, %arg10: memref<8192xi32, #tpu.memory_space<vmem>>, %arg11: memref<2048xf32, #tpu.memory_space<vmem>>, %arg12: memref<2048xf32, #tpu.memory_space<vmem>>, %arg13: memref<160xf32, #tpu.memory_space<vmem>>, %arg14: memref<160xf32, #tpu.memory_space<vmem>>, %arg15: memref<!tpu.dma_semaphore, #tpu.memory_space<semaphore_mem>>, %arg16: memref<!tpu.dma_semaphore, #tpu.memory_space<semaphore_mem>>, %arg17: memref<!tpu.dma_semaphore, #tpu.memory_space<semaphore_mem>>, %arg18: memref<!tpu.dma_semaphore, #tpu.memory_space<semaphore_mem>>) attributes {dimension_semantics = [#tpu.dimension_semantics<core_parallel>, #tpu.dimension_semantics<subcore_parallel>], iteration_bounds = array<i64: 2, 16>, scalar_prefetch = 0 : i64, scratch_operands = 12 : i64, tpu.core_type = #tpu.core_type<sc_vector_subcore>, window_params = [{transform_indices = #map}, {transform_indices = #map}, {transform_indices = #map}, {transform_indices = #map}, {transform_indices = #map}]} {
    %mul3A = arith.constant 2 : i32
    %mul3A_0 = arith.muli %arg1, %mul3A : i32
    %add3A = arith.addi %mul3A_0, %arg0 : i32
    %mul3A_1 = arith.constant 524288 : i32
    %mul3A_2 = arith.muli %add3A, %mul3A_1 : i32
    "tpu.region"() ({
      %run_scoped3A = tpu.sem_alloc : memref<!tpu.dma_semaphore, #tpu.memory_space<semaphore_mem>>
      tpu.enqueue_dma source(%arg3 : memref<2048xf32, #tpu.memory_space<hbm>>) target(%arg11 : memref<2048xf32, #tpu.memory_space<vmem>>) target_semaphore(%run_scoped3A : memref<!tpu.dma_semaphore, #tpu.memory_space<semaphore_mem>>)
      tpu.wait_dma2 semaphore(%run_scoped3A : memref<!tpu.dma_semaphore, #tpu.memory_space<semaphore_mem>>) src(%arg3 : memref<2048xf32, #tpu.memory_space<hbm>>) dst(%arg11 : memref<2048xf32, #tpu.memory_space<vmem>>)
      tpu.yield
    }) : () -> ()
    "tpu.region"() ({
      %run_scoped3A = tpu.sem_alloc : memref<!tpu.dma_semaphore, #tpu.memory_space<semaphore_mem>>
      tpu.enqueue_dma source(%arg4 : memref<2048xf32, #tpu.memory_space<hbm>>) target(%arg12 : memref<2048xf32, #tpu.memory_space<vmem>>) target_semaphore(%run_scoped3A : memref<!tpu.dma_semaphore, #tpu.memory_space<semaphore_mem>>)
      tpu.wait_dma2 semaphore(%run_scoped3A : memref<!tpu.dma_semaphore, #tpu.memory_space<semaphore_mem>>) src(%arg4 : memref<2048xf32, #tpu.memory_space<hbm>>) dst(%arg12 : memref<2048xf32, #tpu.memory_space<vmem>>)
      tpu.yield
    }) : () -> ()
    %broadcast_in_dim3A = arith.constant 0.000000e+00 : f32
    %broadcast_in_dim3A_3 = vector.broadcast %broadcast_in_dim3A : f32 to vector<16xf32>
    %swap3A = arith.constant 0 : index
    %swap3A_4 = tpu.vector_load %arg13[%swap3A] {strides = array<i32>} : memref<160xf32, #tpu.memory_space<vmem>>, vector<16xf32>,
    tpu.vector_store %arg13[%swap3A], %broadcast_in_dim3A_3 {strides = array<i32>} : memref<160xf32, #tpu.memory_space<vmem>>, vector<16xf32>,
    %swap3A_5 = arith.constant 0 : index
    %swap3A_6 = tpu.vector_load %arg14[%swap3A_5] {strides = array<i32>} : memref<160xf32, #tpu.memory_space<vmem>>, vector<16xf32>,
    tpu.vector_store %arg14[%swap3A_5], %broadcast_in_dim3A_3 {strides = array<i32>} : memref<160xf32, #tpu.memory_space<vmem>>, vector<16xf32>,
    %swap3A_7 = arith.constant 16 : index
    %swap3A_8 = tpu.vector_load %arg13[%swap3A_7] {strides = array<i32>} : memref<160xf32, #tpu.memory_space<vmem>>, vector<16xf32>,
    tpu.vector_store %arg13[%swap3A_7], %broadcast_in_dim3A_3 {strides = array<i32>} : memref<160xf32, #tpu.memory_space<vmem>>, vector<16xf32>,
    %swap3A_9 = arith.constant 16 : index
    %swap3A_10 = tpu.vector_load %arg14[%swap3A_9] {strides = array<i32>} : memref<160xf32, #tpu.memory_space<vmem>>, vector<16xf32>,
    tpu.vector_store %arg14[%swap3A_9], %broadcast_in_dim3A_3 {strides = array<i32>} : memref<160xf32, #tpu.memory_space<vmem>>, vector<16xf32>,
    %swap3A_11 = arith.constant 32 : index
    %swap3A_12 = tpu.vector_load %arg13[%swap3A_11] {strides = array<i32>} : memref<160xf32, #tpu.memory_space<vmem>>, vector<16xf32>,
    tpu.vector_store %arg13[%swap3A_11], %broadcast_in_dim3A_3 {strides = array<i32>} : memref<160xf32, #tpu.memory_space<vmem>>, vector<16xf32>,
    %swap3A_13 = arith.constant 32 : index
    %swap3A_14 = tpu.vector_load %arg14[%swap3A_13] {strides = array<i32>} : memref<160xf32, #tpu.memory_space<vmem>>, vector<16xf32>,
    tpu.vector_store %arg14[%swap3A_13], %broadcast_in_dim3A_3 {strides = array<i32>} : memref<160xf32, #tpu.memory_space<vmem>>, vector<16xf32>,
    %swap3A_15 = arith.constant 48 : index
    %swap3A_16 = tpu.vector_load %arg13[%swap3A_15] {strides = array<i32>} : memref<160xf32, #tpu.memory_space<vmem>>, vector<16xf32>,
    tpu.vector_store %arg13[%swap3A_15], %broadcast_in_dim3A_3 {strides = array<i32>} : memref<160xf32, #tpu.memory_space<vmem>>, vector<16xf32>,
    %swap3A_17 = arith.constant 48 : index
    %swap3A_18 = tpu.vector_load %arg14[%swap3A_17] {strides = array<i32>} : memref<160xf32, #tpu.memory_space<vmem>>, vector<16xf32>,
    tpu.vector_store %arg14[%swap3A_17], %broadcast_in_dim3A_3 {strides = array<i32>} : memref<160xf32, #tpu.memory_space<vmem>>, vector<16xf32>,
    %swap3A_19 = arith.constant 64 : index
    %swap3A_20 = tpu.vector_load %arg13[%swap3A_19] {strides = array<i32>} : memref<160xf32, #tpu.memory_space<vmem>>, vector<16xf32>,
    tpu.vector_store %arg13[%swap3A_19], %broadcast_in_dim3A_3 {strides = array<i32>} : memref<160xf32, #tpu.memory_space<vmem>>, vector<16xf32>,
    %swap3A_21 = arith.constant 64 : index
    %swap3A_22 = tpu.vector_load %arg14[%swap3A_21] {strides = array<i32>} : memref<160xf32, #tpu.memory_space<vmem>>, vector<16xf32>,
    tpu.vector_store %arg14[%swap3A_21], %broadcast_in_dim3A_3 {strides = array<i32>} : memref<160xf32, #tpu.memory_space<vmem>>, vector<16xf32>,
    %swap3A_23 = arith.constant 80 : index
    %swap3A_24 = tpu.vector_load %arg13[%swap3A_23] {strides = array<i32>} : memref<160xf32, #tpu.memory_space<vmem>>, vector<16xf32>,
    tpu.vector_store %arg13[%swap3A_23], %broadcast_in_dim3A_3 {strides = array<i32>} : memref<160xf32, #tpu.memory_space<vmem>>, vector<16xf32>,
    %swap3A_25 = arith.constant 80 : index
    %swap3A_26 = tpu.vector_load %arg14[%swap3A_25] {strides = array<i32>} : memref<160xf32, #tpu.memory_space<vmem>>, vector<16xf32>,
    tpu.vector_store %arg14[%swap3A_25], %broadcast_in_dim3A_3 {strides = array<i32>} : memref<160xf32, #tpu.memory_space<vmem>>, vector<16xf32>,
    %swap3A_27 = arith.constant 96 : index
    %swap3A_28 = tpu.vector_load %arg13[%swap3A_27] {strides = array<i32>} : memref<160xf32, #tpu.memory_space<vmem>>, vector<16xf32>,
    tpu.vector_store %arg13[%swap3A_27], %broadcast_in_dim3A_3 {strides = array<i32>} : memref<160xf32, #tpu.memory_space<vmem>>, vector<16xf32>,
    %swap3A_29 = arith.constant 96 : index
    %swap3A_30 = tpu.vector_load %arg14[%swap3A_29] {strides = array<i32>} : memref<160xf32, #tpu.memory_space<vmem>>, vector<16xf32>,
    tpu.vector_store %arg14[%swap3A_29], %broadcast_in_dim3A_3 {strides = array<i32>} : memref<160xf32, #tpu.memory_space<vmem>>, vector<16xf32>,
    %swap3A_31 = arith.constant 112 : index
    %swap3A_32 = tpu.vector_load %arg13[%swap3A_31] {strides = array<i32>} : memref<160xf32, #tpu.memory_space<vmem>>, vector<16xf32>,
    tpu.vector_store %arg13[%swap3A_31], %broadcast_in_dim3A_3 {strides = array<i32>} : memref<160xf32, #tpu.memory_space<vmem>>, vector<16xf32>,
    %swap3A_33 = arith.constant 112 : index
    %swap3A_34 = tpu.vector_load %arg14[%swap3A_33] {strides = array<i32>} : memref<160xf32, #tpu.memory_space<vmem>>, vector<16xf32>,
    tpu.vector_store %arg14[%swap3A_33], %broadcast_in_dim3A_3 {strides = array<i32>} : memref<160xf32, #tpu.memory_space<vmem>>, vector<16xf32>,
    %swap3A_35 = arith.constant 128 : index
    %swap3A_36 = tpu.vector_load %arg13[%swap3A_35] {strides = array<i32>} : memref<160xf32, #tpu.memory_space<vmem>>, vector<16xf32>,
    tpu.vector_store %arg13[%swap3A_35], %broadcast_in_dim3A_3 {strides = array<i32>} : memref<160xf32, #tpu.memory_space<vmem>>, vector<16xf32>,
    %swap3A_37 = arith.constant 128 : index
    %swap3A_38 = tpu.vector_load %arg14[%swap3A_37] {strides = array<i32>} : memref<160xf32, #tpu.memory_space<vmem>>, vector<16xf32>,
    tpu.vector_store %arg14[%swap3A_37], %broadcast_in_dim3A_3 {strides = array<i32>} : memref<160xf32, #tpu.memory_space<vmem>>, vector<16xf32>,
    %swap3A_39 = arith.constant 144 : index
    %swap3A_40 = tpu.vector_load %arg13[%swap3A_39] {strides = array<i32>} : memref<160xf32, #tpu.memory_space<vmem>>, vector<16xf32>,
    tpu.vector_store %arg13[%swap3A_39], %broadcast_in_dim3A_3 {strides = array<i32>} : memref<160xf32, #tpu.memory_space<vmem>>, vector<16xf32>,
    %swap3A_41 = arith.constant 144 : index
    %swap3A_42 = tpu.vector_load %arg14[%swap3A_41] {strides = array<i32>} : memref<160xf32, #tpu.memory_space<vmem>>, vector<16xf32>,
    tpu.vector_store %arg14[%swap3A_41], %broadcast_in_dim3A_3 {strides = array<i32>} : memref<160xf32, #tpu.memory_space<vmem>>, vector<16xf32>,
    %mul3A_43 = arith.constant 0 : i32
    %mul3A_44 = arith.constant 16384 : i32
    %mul3A_45 = arith.muli %mul3A_43, %mul3A_44 : i32
    %add3A_46 = arith.addi %mul3A_2, %mul3A_45 : i32
    %dma_start3A = tpu.memref_slice %arg2[%add3A_46] : memref<16777216xf32, #tpu.memory_space<hbm>> -> memref<16384xf32, #tpu.memory_space<hbm>>
    %dma_start3A_47 = tpu.memref_slice %arg2[%add3A_46] : memref<16777216xf32, #tpu.memory_space<hbm>> -> memref<16384xf32, #tpu.memory_space<hbm>>
    tpu.enqueue_dma source(%dma_start3A_47 : memref<16384xf32, #tpu.memory_space<hbm>>) target(%arg7 : memref<16384xf32, #tpu.memory_space<vmem>>) target_semaphore(%arg15 : memref<!tpu.dma_semaphore, #tpu.memory_space<semaphore_mem>>)
    %mul3A_48 = arith.constant 1 : i32
    %mul3A_49 = arith.constant 16384 : i32
    %mul3A_50 = arith.muli %mul3A_48, %mul3A_49 : i32
    %add3A_51 = arith.addi %mul3A_2, %mul3A_50 : i32
    %dma_start3A_52 = tpu.memref_slice %arg2[%add3A_51] : memref<16777216xf32, #tpu.memory_space<hbm>> -> memref<16384xf32, #tpu.memory_space<hbm>>
    %dma_start3A_53 = tpu.memref_slice %arg2[%add3A_51] : memref<16777216xf32, #tpu.memory_space<hbm>> -> memref<16384xf32, #tpu.memory_space<hbm>>
    tpu.enqueue_dma source(%dma_start3A_53 : memref<16384xf32, #tpu.memory_space<hbm>>) target(%arg8 : memref<16384xf32, #tpu.memory_space<vmem>>) target_semaphore(%arg16 : memref<!tpu.dma_semaphore, #tpu.memory_space<semaphore_mem>>)
    %iota3A = tpu.iota {dimensions = array<i32: 0>} : vector<16xi32>
    %broadcast_in_dim3A_54 = arith.constant 1.000000e+00 : f32
    %broadcast_in_dim3A_55 = vector.broadcast %broadcast_in_dim3A_54 : f32 to vector<16xf32>
    %while3A = arith.constant 0 : i32
    %while3A_56 = arith.constant 0 : i32
    %while3A_57 = arith.constant 16 : i32
    %while3A_58 = arith.subi %while3A_57, %while3A_56 : i32
    %while3A_59 = arith.addi %while3A_56, %while3A_58 : i32
    %while3A_60 = arith.constant 1 : i32
    %while3A_61 = arith.divsi %while3A_58, %while3A_60 : i32
    %while3A_62 = arith.muli %while3A_61, %while3A_60 : i32
    %while3A_63 = arith.addi %while3A_56, %while3A_62 : i32
    %while3A_64 = arith.constant 1 : i32
    scf.for %while3A_77 = %while3A_56 to %while3A_63 step %while3A_64  : i32 {
      %mul3A_78 = arith.constant 2 : i32
      %mul3A_79 = arith.muli %while3A_77, %mul3A_78 : i32
      %dma_wait3A_80 = arith.constant 0 : i32
      %dma_wait3A_81 = tpu.memref_slice %arg2[%dma_wait3A_80] : memref<16777216xf32, #tpu.memory_space<hbm>> -> memref<16384xf32, #tpu.memory_space<hbm>>
      %dma_wait3A_82 = arith.constant 0 : i32
      %dma_wait3A_83 = tpu.memref_slice %arg2[%dma_wait3A_82] : memref<16777216xf32, #tpu.memory_space<hbm>> -> memref<16384xf32, #tpu.memory_space<hbm>>
      tpu.wait_dma2 semaphore(%arg15 : memref<!tpu.dma_semaphore, #tpu.memory_space<semaphore_mem>>) src(%dma_wait3A_83 : memref<16384xf32, #tpu.memory_space<hbm>>) dst(%arg7 : memref<16384xf32, #tpu.memory_space<vmem>>)
      %ge3A = arith.constant 2 : i32
      %ge3A_84 = arith.cmpi sge, %mul3A_79, %ge3A : i32
      %convert_element_type3A = arith.extui %ge3A_84 : i1 to i32
      %cond3A = arith.constant 0 : i32
      %cond3A_85 = arith.cmpi ne, %convert_element_type3A, %cond3A : i32
      scf.if %cond3A_85 {
        %dma_wait3A_146 = arith.constant 0 : i32
        %dma_wait3A_147 = tpu.memref_slice %arg6[%dma_wait3A_146] : memref<8388608xi32, #tpu.memory_space<hbm>> -> memref<8192xi32, #tpu.memory_space<hbm>>
        %dma_wait3A_148 = arith.constant 0 : i32
        %dma_wait3A_149 = tpu.memref_slice %arg6[%dma_wait3A_148] : memref<8388608xi32, #tpu.memory_space<hbm>> -> memref<8192xi32, #tpu.memory_space<hbm>>
        tpu.wait_dma2 semaphore(%arg17 : memref<!tpu.dma_semaphore, #tpu.memory_space<semaphore_mem>>) src(%arg9 : memref<8192xi32, #tpu.memory_space<vmem>>) dst(%dma_wait3A_149 : memref<8192xi32, #tpu.memory_space<hbm>>)
      } else {
      }
      %while3A_86 = arith.constant 0 : i32
      %while3A_87 = arith.constant 0 : i32
      %while3A_88 = arith.constant 128 : i32
      %while3A_89 = arith.subi %while3A_88, %while3A_87 : i32
      %while3A_90 = arith.addi %while3A_87, %while3A_89 : i32
      %while3A_91 = arith.constant 1 : i32
      %while3A_92 = arith.divsi %while3A_89, %while3A_91 : i32
      %while3A_93 = arith.muli %while3A_92, %while3A_91 : i32
      %while3A_94 = arith.addi %while3A_87, %while3A_93 : i32
      %while3A_95 = arith.constant 1 : i32
      scf.for %while3A_146 = %while3A_87 to %while3A_94 step %while3A_95  : i32 {
        %mul3A_147 = arith.constant 128 : i32
        %mul3A_148 = arith.muli %while3A_146, %mul3A_147 : i32
        %add3A_149 = arith.constant 0 : i32
        %add3A_150 = arith.addi %mul3A_148, %add3A_149 : i32
        %add3A_151 = arith.constant 16 : i32
        %add3A_152 = arith.addi %mul3A_148, %add3A_151 : i32
        %add3A_153 = arith.constant 32 : i32
        %add3A_154 = arith.addi %mul3A_148, %add3A_153 : i32
        %add3A_155 = arith.constant 48 : i32
        %add3A_156 = arith.addi %mul3A_148, %add3A_155 : i32
        %add3A_157 = arith.constant 64 : i32
        %add3A_158 = arith.addi %mul3A_148, %add3A_157 : i32
        %add3A_159 = arith.constant 80 : i32
        %add3A_160 = arith.addi %mul3A_148, %add3A_159 : i32
        %add3A_161 = arith.constant 96 : i32
        %add3A_162 = arith.addi %mul3A_148, %add3A_161 : i32
        %add3A_163 = arith.constant 112 : i32
        %add3A_164 = arith.addi %mul3A_148, %add3A_163 : i32
        %get3A = arith.index_cast %add3A_150 : i32 to index
        %get3A_165 = tpu.vector_load %arg7[%get3A] {strides = array<i32>} : memref<16384xf32, #tpu.memory_space<vmem>>, vector<16xf32>,
        %get3A_166 = arith.index_cast %add3A_152 : i32 to index
        %get3A_167 = tpu.vector_load %arg7[%get3A_166] {strides = array<i32>} : memref<16384xf32, #tpu.memory_space<vmem>>, vector<16xf32>,
        %get3A_168 = arith.index_cast %add3A_154 : i32 to index
        %get3A_169 = tpu.vector_load %arg7[%get3A_168] {strides = array<i32>} : memref<16384xf32, #tpu.memory_space<vmem>>, vector<16xf32>,
        %get3A_170 = arith.index_cast %add3A_156 : i32 to index
        %get3A_171 = tpu.vector_load %arg7[%get3A_170] {strides = array<i32>} : memref<16384xf32, #tpu.memory_space<vmem>>, vector<16xf32>,
        %get3A_172 = arith.index_cast %add3A_158 : i32 to index
        %get3A_173 = tpu.vector_load %arg7[%get3A_172] {strides = array<i32>} : memref<16384xf32, #tpu.memory_space<vmem>>, vector<16xf32>,
        %get3A_174 = arith.index_cast %add3A_160 : i32 to index
        %get3A_175 = tpu.vector_load %arg7[%get3A_174] {strides = array<i32>} : memref<16384xf32, #tpu.memory_space<vmem>>, vector<16xf32>,
        %get3A_176 = arith.index_cast %add3A_162 : i32 to index
        %get3A_177 = tpu.vector_load %arg7[%get3A_176] {strides = array<i32>} : memref<16384xf32, #tpu.memory_space<vmem>>, vector<16xf32>,
        %get3A_178 = arith.index_cast %add3A_164 : i32 to index
        %get3A_179 = tpu.vector_load %arg7[%get3A_178] {strides = array<i32>} : memref<16384xf32, #tpu.memory_space<vmem>>, vector<16xf32>,
        %mul3A_180 = arith.constant 6.400000e+01 : f32
        %mul3A_181 = vector.broadcast %mul3A_180 : f32 to vector<16xf32>
        %mul3A_182 = arith.mulf %get3A_165, %mul3A_181 : vector<16xf32>
        %add3A_183 = arith.constant 1.024000e+03 : f32
        %add3A_184 = vector.broadcast %add3A_183 : f32 to vector<16xf32>
        %add3A_185 = arith.addf %mul3A_182, %add3A_184 : vector<16xf32>
        %mul3A_186 = arith.constant 6.400000e+01 : f32
        %mul3A_187 = vector.broadcast %mul3A_186 : f32 to vector<16xf32>
        %mul3A_188 = arith.mulf %get3A_167, %mul3A_187 : vector<16xf32>
        %add3A_189 = arith.constant 1.024000e+03 : f32
        %add3A_190 = vector.broadcast %add3A_189 : f32 to vector<16xf32>
        %add3A_191 = arith.addf %mul3A_188, %add3A_190 : vector<16xf32>
        %mul3A_192 = arith.constant 6.400000e+01 : f32
        %mul3A_193 = vector.broadcast %mul3A_192 : f32 to vector<16xf32>
        %mul3A_194 = arith.mulf %get3A_169, %mul3A_193 : vector<16xf32>
        %add3A_195 = arith.constant 1.024000e+03 : f32
        %add3A_196 = vector.broadcast %add3A_195 : f32 to vector<16xf32>
        %add3A_197 = arith.addf %mul3A_194, %add3A_196 : vector<16xf32>
        %mul3A_198 = arith.constant 6.400000e+01 : f32
        %mul3A_199 = vector.broadcast %mul3A_198 : f32 to vector<16xf32>
        %mul3A_200 = arith.mulf %get3A_171, %mul3A_199 : vector<16xf32>
        %add3A_201 = arith.constant 1.024000e+03 : f32
        %add3A_202 = vector.broadcast %add3A_201 : f32 to vector<16xf32>
        %add3A_203 = arith.addf %mul3A_200, %add3A_202 : vector<16xf32>
        %mul3A_204 = arith.constant 6.400000e+01 : f32
        %mul3A_205 = vector.broadcast %mul3A_204 : f32 to vector<16xf32>
        %mul3A_206 = arith.mulf %get3A_173, %mul3A_205 : vector<16xf32>
        %add3A_207 = arith.constant 1.024000e+03 : f32
        %add3A_208 = vector.broadcast %add3A_207 : f32 to vector<16xf32>
        %add3A_209 = arith.addf %mul3A_206, %add3A_208 : vector<16xf32>
        %mul3A_210 = arith.constant 6.400000e+01 : f32
        %mul3A_211 = vector.broadcast %mul3A_210 : f32 to vector<16xf32>
        %mul3A_212 = arith.mulf %get3A_175, %mul3A_211 : vector<16xf32>
        %add3A_213 = arith.constant 1.024000e+03 : f32
        %add3A_214 = vector.broadcast %add3A_213 : f32 to vector<16xf32>
        %add3A_215 = arith.addf %mul3A_212, %add3A_214 : vector<16xf32>
        %mul3A_216 = arith.constant 6.400000e+01 : f32
        %mul3A_217 = vector.broadcast %mul3A_216 : f32 to vector<16xf32>
        %mul3A_218 = arith.mulf %get3A_177, %mul3A_217 : vector<16xf32>
        %add3A_219 = arith.constant 1.024000e+03 : f32
        %add3A_220 = vector.broadcast %add3A_219 : f32 to vector<16xf32>
        %add3A_221 = arith.addf %mul3A_218, %add3A_220 : vector<16xf32>
        %mul3A_222 = arith.constant 6.400000e+01 : f32
        %mul3A_223 = vector.broadcast %mul3A_222 : f32 to vector<16xf32>
        %mul3A_224 = arith.mulf %get3A_179, %mul3A_223 : vector<16xf32>
        %add3A_225 = arith.constant 1.024000e+03 : f32
        %add3A_226 = vector.broadcast %add3A_225 : f32 to vector<16xf32>
        %add3A_227 = arith.addf %mul3A_224, %add3A_226 : vector<16xf32>
        %max3A = arith.constant 0.000000e+00 : f32
        %max3A_228 = vector.broadcast %max3A : f32 to vector<16xf32>
        %max3A_229 = arith.maximumf %add3A_185, %max3A_228 : vector<16xf32>
        %min3A = arith.constant 2047.99597 : f32
        %min3A_230 = vector.broadcast %min3A : f32 to vector<16xf32>
        %min3A_231 = arith.minimumf %max3A_229, %min3A_230 : vector<16xf32>
        %max3A_232 = arith.constant 0.000000e+00 : f32
        %max3A_233 = vector.broadcast %max3A_232 : f32 to vector<16xf32>
        %max3A_234 = arith.maximumf %add3A_191, %max3A_233 : vector<16xf32>
        %min3A_235 = arith.constant 2047.99597 : f32
        %min3A_236 = vector.broadcast %min3A_235 : f32 to vector<16xf32>
        %min3A_237 = arith.minimumf %max3A_234, %min3A_236 : vector<16xf32>
        %max3A_238 = arith.constant 0.000000e+00 : f32
        %max3A_239 = vector.broadcast %max3A_238 : f32 to vector<16xf32>
        %max3A_240 = arith.maximumf %add3A_197, %max3A_239 : vector<16xf32>
        %min3A_241 = arith.constant 2047.99597 : f32
        %min3A_242 = vector.broadcast %min3A_241 : f32 to vector<16xf32>
        %min3A_243 = arith.minimumf %max3A_240, %min3A_242 : vector<16xf32>
        %max3A_244 = arith.constant 0.000000e+00 : f32
        %max3A_245 = vector.broadcast %max3A_244 : f32 to vector<16xf32>
        %max3A_246 = arith.maximumf %add3A_203, %max3A_245 : vector<16xf32>
        %min3A_247 = arith.constant 2047.99597 : f32
        %min3A_248 = vector.broadcast %min3A_247 : f32 to vector<16xf32>
        %min3A_249 = arith.minimumf %max3A_246, %min3A_248 : vector<16xf32>
        %max3A_250 = arith.constant 0.000000e+00 : f32
        %max3A_251 = vector.broadcast %max3A_250 : f32 to vector<16xf32>
        %max3A_252 = arith.maximumf %add3A_209, %max3A_251 : vector<16xf32>
        %min3A_253 = arith.constant 2047.99597 : f32
        %min3A_254 = vector.broadcast %min3A_253 : f32 to vector<16xf32>
        %min3A_255 = arith.minimumf %max3A_252, %min3A_254 : vector<16xf32>
        %max3A_256 = arith.constant 0.000000e+00 : f32
        %max3A_257 = vector.broadcast %max3A_256 : f32 to vector<16xf32>
        %max3A_258 = arith.maximumf %add3A_215, %max3A_257 : vector<16xf32>
        %min3A_259 = arith.constant 2047.99597 : f32
        %min3A_260 = vector.broadcast %min3A_259 : f32 to vector<16xf32>
        %min3A_261 = arith.minimumf %max3A_258, %min3A_260 : vector<16xf32>
        %max3A_262 = arith.constant 0.000000e+00 : f32
        %max3A_263 = vector.broadcast %max3A_262 : f32 to vector<16xf32>
        %max3A_264 = arith.maximumf %add3A_221, %max3A_263 : vector<16xf32>
        %min3A_265 = arith.constant 2047.99597 : f32
        %min3A_266 = vector.broadcast %min3A_265 : f32 to vector<16xf32>
        %min3A_267 = arith.minimumf %max3A_264, %min3A_266 : vector<16xf32>
        %max3A_268 = arith.constant 0.000000e+00 : f32
        %max3A_269 = vector.broadcast %max3A_268 : f32 to vector<16xf32>
        %max3A_270 = arith.maximumf %add3A_227, %max3A_269 : vector<16xf32>
        %min3A_271 = arith.constant 2047.99597 : f32
        %min3A_272 = vector.broadcast %min3A_271 : f32 to vector<16xf32>
        %min3A_273 = arith.minimumf %max3A_270, %min3A_272 : vector<16xf32>
        %convert_element_type3A_274 = arith.fptosi %min3A_231 : vector<16xf32> to vector<16xi32>
        %convert_element_type3A_275 = arith.fptosi %min3A_237 : vector<16xf32> to vector<16xi32>
        %convert_element_type3A_276 = arith.fptosi %min3A_243 : vector<16xf32> to vector<16xi32>
        %convert_element_type3A_277 = arith.fptosi %min3A_249 : vector<16xf32> to vector<16xi32>
        %convert_element_type3A_278 = arith.fptosi %min3A_255 : vector<16xf32> to vector<16xi32>
        %convert_element_type3A_279 = arith.fptosi %min3A_261 : vector<16xf32> to vector<16xi32>
        %convert_element_type3A_280 = arith.fptosi %min3A_267 : vector<16xf32> to vector<16xi32>
        %convert_element_type3A_281 = arith.fptosi %min3A_273 : vector<16xf32> to vector<16xi32>
        %convert_element_type3A_282 = arith.sitofp %convert_element_type3A_274 : vector<16xi32> to vector<16xf32>
        %sub3A = arith.subf %min3A_231, %convert_element_type3A_282 : vector<16xf32>
        %convert_element_type3A_283 = arith.sitofp %convert_element_type3A_275 : vector<16xi32> to vector<16xf32>
        %sub3A_284 = arith.subf %min3A_237, %convert_element_type3A_283 : vector<16xf32>
        %convert_element_type3A_285 = arith.sitofp %convert_element_type3A_276 : vector<16xi32> to vector<16xf32>
        %sub3A_286 = arith.subf %min3A_243, %convert_element_type3A_285 : vector<16xf32>
        %convert_element_type3A_287 = arith.sitofp %convert_element_type3A_277 : vector<16xi32> to vector<16xf32>
        %sub3A_288 = arith.subf %min3A_249, %convert_element_type3A_287 : vector<16xf32>
        %convert_element_type3A_289 = arith.sitofp %convert_element_type3A_278 : vector<16xi32> to vector<16xf32>
        %sub3A_290 = arith.subf %min3A_255, %convert_element_type3A_289 : vector<16xf32>
        %convert_element_type3A_291 = arith.sitofp %convert_element_type3A_279 : vector<16xi32> to vector<16xf32>
        %sub3A_292 = arith.subf %min3A_261, %convert_element_type3A_291 : vector<16xf32>
        %convert_element_type3A_293 = arith.sitofp %convert_element_type3A_280 : vector<16xi32> to vector<16xf32>
        %sub3A_294 = arith.subf %min3A_267, %convert_element_type3A_293 : vector<16xf32>
        %convert_element_type3A_295 = arith.sitofp %convert_element_type3A_281 : vector<16xi32> to vector<16xf32>
        %sub3A_296 = arith.subf %min3A_273, %convert_element_type3A_295 : vector<16xf32>
        %gather3A = tpu.vector_load_idx %arg11[%convert_element_type3A_274] : memref<2048xf32, #tpu.memory_space<vmem>>[vector<16xi32>], vector<16xf32>,
        %gather3A_297 = tpu.vector_load_idx %arg11[%convert_element_type3A_275] : memref<2048xf32, #tpu.memory_space<vmem>>[vector<16xi32>], vector<16xf32>,
        %gather3A_298 = tpu.vector_load_idx %arg11[%convert_element_type3A_276] : memref<2048xf32, #tpu.memory_space<vmem>>[vector<16xi32>], vector<16xf32>,
        %gather3A_299 = tpu.vector_load_idx %arg11[%convert_element_type3A_277] : memref<2048xf32, #tpu.memory_space<vmem>>[vector<16xi32>], vector<16xf32>,
        %gather3A_300 = tpu.vector_load_idx %arg11[%convert_element_type3A_278] : memref<2048xf32, #tpu.memory_space<vmem>>[vector<16xi32>], vector<16xf32>,
        %gather3A_301 = tpu.vector_load_idx %arg11[%convert_element_type3A_279] : memref<2048xf32, #tpu.memory_space<vmem>>[vector<16xi32>], vector<16xf32>,
        %gather3A_302 = tpu.vector_load_idx %arg11[%convert_element_type3A_280] : memref<2048xf32, #tpu.memory_space<vmem>>[vector<16xi32>], vector<16xf32>,
        %gather3A_303 = tpu.vector_load_idx %arg11[%convert_element_type3A_281] : memref<2048xf32, #tpu.memory_space<vmem>>[vector<16xi32>], vector<16xf32>,
        %gather3A_304 = tpu.vector_load_idx %arg12[%convert_element_type3A_274] : memref<2048xf32, #tpu.memory_space<vmem>>[vector<16xi32>], vector<16xf32>,
        %gather3A_305 = tpu.vector_load_idx %arg12[%convert_element_type3A_275] : memref<2048xf32, #tpu.memory_space<vmem>>[vector<16xi32>], vector<16xf32>,
        %gather3A_306 = tpu.vector_load_idx %arg12[%convert_element_type3A_276] : memref<2048xf32, #tpu.memory_space<vmem>>[vector<16xi32>], vector<16xf32>,
        %gather3A_307 = tpu.vector_load_idx %arg12[%convert_element_type3A_277] : memref<2048xf32, #tpu.memory_space<vmem>>[vector<16xi32>], vector<16xf32>,
        %gather3A_308 = tpu.vector_load_idx %arg12[%convert_element_type3A_278] : memref<2048xf32, #tpu.memory_space<vmem>>[vector<16xi32>], vector<16xf32>,
        %gather3A_309 = tpu.vector_load_idx %arg12[%convert_element_type3A_279] : memref<2048xf32, #tpu.memory_space<vmem>>[vector<16xi32>], vector<16xf32>,
        %gather3A_310 = tpu.vector_load_idx %arg12[%convert_element_type3A_280] : memref<2048xf32, #tpu.memory_space<vmem>>[vector<16xi32>], vector<16xf32>,
        %gather3A_311 = tpu.vector_load_idx %arg12[%convert_element_type3A_281] : memref<2048xf32, #tpu.memory_space<vmem>>[vector<16xi32>], vector<16xf32>,
        %mul3A_312 = arith.mulf %sub3A, %gather3A_304 : vector<16xf32>
        %add3A_313 = arith.addf %gather3A, %mul3A_312 : vector<16xf32>
        %mul3A_314 = arith.mulf %sub3A_284, %gather3A_305 : vector<16xf32>
        %add3A_315 = arith.addf %gather3A_297, %mul3A_314 : vector<16xf32>
        %mul3A_316 = arith.mulf %sub3A_286, %gather3A_306 : vector<16xf32>
        %add3A_317 = arith.addf %gather3A_298, %mul3A_316 : vector<16xf32>
        %mul3A_318 = arith.mulf %sub3A_288, %gather3A_307 : vector<16xf32>
        %add3A_319 = arith.addf %gather3A_299, %mul3A_318 : vector<16xf32>
        %mul3A_320 = arith.mulf %sub3A_290, %gather3A_308 : vector<16xf32>
        %add3A_321 = arith.addf %gather3A_300, %mul3A_320 : vector<16xf32>
        %mul3A_322 = arith.mulf %sub3A_292, %gather3A_309 : vector<16xf32>
        %add3A_323 = arith.addf %gather3A_301, %mul3A_322 : vector<16xf32>
        %mul3A_324 = arith.mulf %sub3A_294, %gather3A_310 : vector<16xf32>
        %add3A_325 = arith.addf %gather3A_302, %mul3A_324 : vector<16xf32>
        %mul3A_326 = arith.mulf %sub3A_296, %gather3A_311 : vector<16xf32>
        %add3A_327 = arith.addf %gather3A_303, %mul3A_326 : vector<16xf32>
        %mul3A_328 = arith.constant 1.000000e+01 : f32
        %mul3A_329 = vector.broadcast %mul3A_328 : f32 to vector<16xf32>
        %mul3A_330 = arith.mulf %add3A_313, %mul3A_329 : vector<16xf32>
        %convert_element_type3A_331 = arith.fptosi %mul3A_330 : vector<16xf32> to vector<16xi32>
        %mul3A_332 = arith.constant 1.000000e+01 : f32
        %mul3A_333 = vector.broadcast %mul3A_332 : f32 to vector<16xf32>
        %mul3A_334 = arith.mulf %add3A_315, %mul3A_333 : vector<16xf32>
        %convert_element_type3A_335 = arith.fptosi %mul3A_334 : vector<16xf32> to vector<16xi32>
        %mul3A_336 = arith.constant 1.000000e+01 : f32
        %mul3A_337 = vector.broadcast %mul3A_336 : f32 to vector<16xf32>
        %mul3A_338 = arith.mulf %add3A_317, %mul3A_337 : vector<16xf32>
        %convert_element_type3A_339 = arith.fptosi %mul3A_338 : vector<16xf32> to vector<16xi32>
        %mul3A_340 = arith.constant 1.000000e+01 : f32
        %mul3A_341 = vector.broadcast %mul3A_340 : f32 to vector<16xf32>
        %mul3A_342 = arith.mulf %add3A_319, %mul3A_341 : vector<16xf32>
        %convert_element_type3A_343 = arith.fptosi %mul3A_342 : vector<16xf32> to vector<16xi32>
        %mul3A_344 = arith.constant 1.000000e+01 : f32
        %mul3A_345 = vector.broadcast %mul3A_344 : f32 to vector<16xf32>
        %mul3A_346 = arith.mulf %add3A_321, %mul3A_345 : vector<16xf32>
        %convert_element_type3A_347 = arith.fptosi %mul3A_346 : vector<16xf32> to vector<16xi32>
        %mul3A_348 = arith.constant 1.000000e+01 : f32
        %mul3A_349 = vector.broadcast %mul3A_348 : f32 to vector<16xf32>
        %mul3A_350 = arith.mulf %add3A_323, %mul3A_349 : vector<16xf32>
        %convert_element_type3A_351 = arith.fptosi %mul3A_350 : vector<16xf32> to vector<16xi32>
        %mul3A_352 = arith.constant 1.000000e+01 : f32
        %mul3A_353 = vector.broadcast %mul3A_352 : f32 to vector<16xf32>
        %mul3A_354 = arith.mulf %add3A_325, %mul3A_353 : vector<16xf32>
        %convert_element_type3A_355 = arith.fptosi %mul3A_354 : vector<16xf32> to vector<16xi32>
        %mul3A_356 = arith.constant 1.000000e+01 : f32
        %mul3A_357 = vector.broadcast %mul3A_356 : f32 to vector<16xf32>
        %mul3A_358 = arith.mulf %add3A_327, %mul3A_357 : vector<16xf32>
        %convert_element_type3A_359 = arith.fptosi %mul3A_358 : vector<16xf32> to vector<16xi32>
        %mul3A_360 = arith.constant 16 : i32
        %mul3A_361 = vector.broadcast %mul3A_360 : i32 to vector<16xi32>
        %mul3A_362 = arith.muli %convert_element_type3A_331, %mul3A_361 : vector<16xi32>
        %add3A_363 = arith.addi %mul3A_362, %iota3A : vector<16xi32>
        %mul3A_364 = arith.constant 16 : i32
        %mul3A_365 = vector.broadcast %mul3A_364 : i32 to vector<16xi32>
        %mul3A_366 = arith.muli %convert_element_type3A_335, %mul3A_365 : vector<16xi32>
        %add3A_367 = arith.addi %mul3A_366, %iota3A : vector<16xi32>
        %mul3A_368 = arith.constant 16 : i32
        %mul3A_369 = vector.broadcast %mul3A_368 : i32 to vector<16xi32>
        %mul3A_370 = arith.muli %convert_element_type3A_339, %mul3A_369 : vector<16xi32>
        %add3A_371 = arith.addi %mul3A_370, %iota3A : vector<16xi32>
        %mul3A_372 = arith.constant 16 : i32
        %mul3A_373 = vector.broadcast %mul3A_372 : i32 to vector<16xi32>
        %mul3A_374 = arith.muli %convert_element_type3A_343, %mul3A_373 : vector<16xi32>
        %add3A_375 = arith.addi %mul3A_374, %iota3A : vector<16xi32>
        %mul3A_376 = arith.constant 16 : i32
        %mul3A_377 = vector.broadcast %mul3A_376 : i32 to vector<16xi32>
        %mul3A_378 = arith.muli %convert_element_type3A_347, %mul3A_377 : vector<16xi32>
        %add3A_379 = arith.addi %mul3A_378, %iota3A : vector<16xi32>
        %mul3A_380 = arith.constant 16 : i32
        %mul3A_381 = vector.broadcast %mul3A_380 : i32 to vector<16xi32>
        %mul3A_382 = arith.muli %convert_element_type3A_351, %mul3A_381 : vector<16xi32>
        %add3A_383 = arith.addi %mul3A_382, %iota3A : vector<16xi32>
        %mul3A_384 = arith.constant 16 : i32
        %mul3A_385 = vector.broadcast %mul3A_384 : i32 to vector<16xi32>
        %mul3A_386 = arith.muli %convert_element_type3A_355, %mul3A_385 : vector<16xi32>
        %add3A_387 = arith.addi %mul3A_386, %iota3A : vector<16xi32>
        %mul3A_388 = arith.constant 16 : i32
        %mul3A_389 = vector.broadcast %mul3A_388 : i32 to vector<16xi32>
        %mul3A_390 = arith.muli %convert_element_type3A_359, %mul3A_389 : vector<16xi32>
        %add3A_391 = arith.addi %mul3A_390, %iota3A : vector<16xi32>
        tpu.vector_store_idx %arg13[%add3A_363], %broadcast_in_dim3A_55 {add = true} : memref<160xf32, #tpu.memory_space<vmem>>[vector<16xi32>], vector<16xf32>,
        tpu.vector_store_idx %arg14[%add3A_363], %add3A_313 {add = true} : memref<160xf32, #tpu.memory_space<vmem>>[vector<16xi32>], vector<16xf32>,
        tpu.vector_store_idx %arg13[%add3A_367], %broadcast_in_dim3A_55 {add = true} : memref<160xf32, #tpu.memory_space<vmem>>[vector<16xi32>], vector<16xf32>,
        tpu.vector_store_idx %arg14[%add3A_367], %add3A_315 {add = true} : memref<160xf32, #tpu.memory_space<vmem>>[vector<16xi32>], vector<16xf32>,
        tpu.vector_store_idx %arg13[%add3A_371], %broadcast_in_dim3A_55 {add = true} : memref<160xf32, #tpu.memory_space<vmem>>[vector<16xi32>], vector<16xf32>,
        tpu.vector_store_idx %arg14[%add3A_371], %add3A_317 {add = true} : memref<160xf32, #tpu.memory_space<vmem>>[vector<16xi32>], vector<16xf32>,
        tpu.vector_store_idx %arg13[%add3A_375], %broadcast_in_dim3A_55 {add = true} : memref<160xf32, #tpu.memory_space<vmem>>[vector<16xi32>], vector<16xf32>,
        tpu.vector_store_idx %arg14[%add3A_375], %add3A_319 {add = true} : memref<160xf32, #tpu.memory_space<vmem>>[vector<16xi32>], vector<16xf32>,
        tpu.vector_store_idx %arg13[%add3A_379], %broadcast_in_dim3A_55 {add = true} : memref<160xf32, #tpu.memory_space<vmem>>[vector<16xi32>], vector<16xf32>,
        tpu.vector_store_idx %arg14[%add3A_379], %add3A_321 {add = true} : memref<160xf32, #tpu.memory_space<vmem>>[vector<16xi32>], vector<16xf32>,
        tpu.vector_store_idx %arg13[%add3A_383], %broadcast_in_dim3A_55 {add = true} : memref<160xf32, #tpu.memory_space<vmem>>[vector<16xi32>], vector<16xf32>,
        tpu.vector_store_idx %arg14[%add3A_383], %add3A_323 {add = true} : memref<160xf32, #tpu.memory_space<vmem>>[vector<16xi32>], vector<16xf32>,
        tpu.vector_store_idx %arg13[%add3A_387], %broadcast_in_dim3A_55 {add = true} : memref<160xf32, #tpu.memory_space<vmem>>[vector<16xi32>], vector<16xf32>,
        tpu.vector_store_idx %arg14[%add3A_387], %add3A_325 {add = true} : memref<160xf32, #tpu.memory_space<vmem>>[vector<16xi32>], vector<16xf32>,
        tpu.vector_store_idx %arg13[%add3A_391], %broadcast_in_dim3A_55 {add = true} : memref<160xf32, #tpu.memory_space<vmem>>[vector<16xi32>], vector<16xf32>,
        tpu.vector_store_idx %arg14[%add3A_391], %add3A_327 {add = true} : memref<160xf32, #tpu.memory_space<vmem>>[vector<16xi32>], vector<16xf32>,
        %mul3A_392 = arith.constant 64 : i32
        %mul3A_393 = arith.muli %while3A_146, %mul3A_392 : i32
        %pack3A = tpu.pack_subelements %add3A_363, %add3A_367 {pack_format = #tpu.pack_format<interleaved>, positions = array<i32: 0, 1>} : vector<16xi32>, vector<16xi32> -> vector<32xi16>
        %bitcast3A = vector.bitcast %pack3A : vector<32xi16> to vector<16xi32>
        %add3A_394 = arith.constant 0 : i32
        %add3A_395 = arith.addi %mul3A_393, %add3A_394 : i32
        %swap3A_396 = arith.index_cast %add3A_395 : i32 to index
        %swap3A_397 = tpu.vector_load %arg9[%swap3A_396] {strides = array<i32>} : memref<8192xi32, #tpu.memory_space<vmem>>, vector<16xi32>,
        tpu.vector_store %arg9[%swap3A_396], %bitcast3A {strides = array<i32>} : memref<8192xi32, #tpu.memory_space<vmem>>, vector<16xi32>,
        %pack3A_398 = tpu.pack_subelements %add3A_371, %add3A_375 {pack_format = #tpu.pack_format<interleaved>, positions = array<i32: 0, 1>} : vector<16xi32>, vector<16xi32> -> vector<32xi16>
        %bitcast3A_399 = vector.bitcast %pack3A_398 : vector<32xi16> to vector<16xi32>
        %add3A_400 = arith.constant 16 : i32
        %add3A_401 = arith.addi %mul3A_393, %add3A_400 : i32
        %swap3A_402 = arith.index_cast %add3A_401 : i32 to index
        %swap3A_403 = tpu.vector_load %arg9[%swap3A_402] {strides = array<i32>} : memref<8192xi32, #tpu.memory_space<vmem>>, vector<16xi32>,
        tpu.vector_store %arg9[%swap3A_402], %bitcast3A_399 {strides = array<i32>} : memref<8192xi32, #tpu.memory_space<vmem>>, vector<16xi32>,
        %pack3A_404 = tpu.pack_subelements %add3A_379, %add3A_383 {pack_format = #tpu.pack_format<interleaved>, positions = array<i32: 0, 1>} : vector<16xi32>, vector<16xi32> -> vector<32xi16>
        %bitcast3A_405 = vector.bitcast %pack3A_404 : vector<32xi16> to vector<16xi32>
        %add3A_406 = arith.constant 32 : i32
        %add3A_407 = arith.addi %mul3A_393, %add3A_406 : i32
        %swap3A_408 = arith.index_cast %add3A_407 : i32 to index
        %swap3A_409 = tpu.vector_load %arg9[%swap3A_408] {strides = array<i32>} : memref<8192xi32, #tpu.memory_space<vmem>>, vector<16xi32>,
        tpu.vector_store %arg9[%swap3A_408], %bitcast3A_405 {strides = array<i32>} : memref<8192xi32, #tpu.memory_space<vmem>>, vector<16xi32>,
        %pack3A_410 = tpu.pack_subelements %add3A_387, %add3A_391 {pack_format = #tpu.pack_format<interleaved>, positions = array<i32: 0, 1>} : vector<16xi32>, vector<16xi32> -> vector<32xi16>
        %bitcast3A_411 = vector.bitcast %pack3A_410 : vector<32xi16> to vector<16xi32>
        %add3A_412 = arith.constant 48 : i32
        %add3A_413 = arith.addi %mul3A_393, %add3A_412 : i32
        %swap3A_414 = arith.index_cast %add3A_413 : i32 to index
        %swap3A_415 = tpu.vector_load %arg9[%swap3A_414] {strides = array<i32>} : memref<8192xi32, #tpu.memory_space<vmem>>, vector<16xi32>,
        tpu.vector_store %arg9[%swap3A_414], %bitcast3A_411 {strides = array<i32>} : memref<8192xi32, #tpu.memory_space<vmem>>, vector<16xi32>,
      }
      %while3A_96 = arith.constant 1 : i32
      scf.for %while3A_146 = %while3A_94 to %while3A_90 step %while3A_96  : i32 {
        %mul3A_147 = arith.constant 128 : i32
        %mul3A_148 = arith.muli %while3A_146, %mul3A_147 : i32
        %add3A_149 = arith.constant 0 : i32
        %add3A_150 = arith.addi %mul3A_148, %add3A_149 : i32
        %add3A_151 = arith.constant 16 : i32
        %add3A_152 = arith.addi %mul3A_148, %add3A_151 : i32
        %add3A_153 = arith.constant 32 : i32
        %add3A_154 = arith.addi %mul3A_148, %add3A_153 : i32
        %add3A_155 = arith.constant 48 : i32
        %add3A_156 = arith.addi %mul3A_148, %add3A_155 : i32
        %add3A_157 = arith.constant 64 : i32
        %add3A_158 = arith.addi %mul3A_148, %add3A_157 : i32
        %add3A_159 = arith.constant 80 : i32
        %add3A_160 = arith.addi %mul3A_148, %add3A_159 : i32
        %add3A_161 = arith.constant 96 : i32
        %add3A_162 = arith.addi %mul3A_148, %add3A_161 : i32
        %add3A_163 = arith.constant 112 : i32
        %add3A_164 = arith.addi %mul3A_148, %add3A_163 : i32
        %get3A = arith.index_cast %add3A_150 : i32 to index
        %get3A_165 = tpu.vector_load %arg7[%get3A] {strides = array<i32>} : memref<16384xf32, #tpu.memory_space<vmem>>, vector<16xf32>,
        %get3A_166 = arith.index_cast %add3A_152 : i32 to index
        %get3A_167 = tpu.vector_load %arg7[%get3A_166] {strides = array<i32>} : memref<16384xf32, #tpu.memory_space<vmem>>, vector<16xf32>,
        %get3A_168 = arith.index_cast %add3A_154 : i32 to index
        %get3A_169 = tpu.vector_load %arg7[%get3A_168] {strides = array<i32>} : memref<16384xf32, #tpu.memory_space<vmem>>, vector<16xf32>,
        %get3A_170 = arith.index_cast %add3A_156 : i32 to index
        %get3A_171 = tpu.vector_load %arg7[%get3A_170] {strides = array<i32>} : memref<16384xf32, #tpu.memory_space<vmem>>, vector<16xf32>,
        %get3A_172 = arith.index_cast %add3A_158 : i32 to index
        %get3A_173 = tpu.vector_load %arg7[%get3A_172] {strides = array<i32>} : memref<16384xf32, #tpu.memory_space<vmem>>, vector<16xf32>,
        %get3A_174 = arith.index_cast %add3A_160 : i32 to index
        %get3A_175 = tpu.vector_load %arg7[%get3A_174] {strides = array<i32>} : memref<16384xf32, #tpu.memory_space<vmem>>, vector<16xf32>,
        %get3A_176 = arith.index_cast %add3A_162 : i32 to index
        %get3A_177 = tpu.vector_load %arg7[%get3A_176] {strides = array<i32>} : memref<16384xf32, #tpu.memory_space<vmem>>, vector<16xf32>,
        %get3A_178 = arith.index_cast %add3A_164 : i32 to index
        %get3A_179 = tpu.vector_load %arg7[%get3A_178] {strides = array<i32>} : memref<16384xf32, #tpu.memory_space<vmem>>, vector<16xf32>,
        %mul3A_180 = arith.constant 6.400000e+01 : f32
        %mul3A_181 = vector.broadcast %mul3A_180 : f32 to vector<16xf32>
        %mul3A_182 = arith.mulf %get3A_165, %mul3A_181 : vector<16xf32>
        %add3A_183 = arith.constant 1.024000e+03 : f32
        %add3A_184 = vector.broadcast %add3A_183 : f32 to vector<16xf32>
        %add3A_185 = arith.addf %mul3A_182, %add3A_184 : vector<16xf32>
        %mul3A_186 = arith.constant 6.400000e+01 : f32
        %mul3A_187 = vector.broadcast %mul3A_186 : f32 to vector<16xf32>
        %mul3A_188 = arith.mulf %get3A_167, %mul3A_187 : vector<16xf32>
        %add3A_189 = arith.constant 1.024000e+03 : f32
        %add3A_190 = vector.broadcast %add3A_189 : f32 to vector<16xf32>
        %add3A_191 = arith.addf %mul3A_188, %add3A_190 : vector<16xf32>
        %mul3A_192 = arith.constant 6.400000e+01 : f32
        %mul3A_193 = vector.broadcast %mul3A_192 : f32 to vector<16xf32>
        %mul3A_194 = arith.mulf %get3A_169, %mul3A_193 : vector<16xf32>
        %add3A_195 = arith.constant 1.024000e+03 : f32
        %add3A_196 = vector.broadcast %add3A_195 : f32 to vector<16xf32>
        %add3A_197 = arith.addf %mul3A_194, %add3A_196 : vector<16xf32>
        %mul3A_198 = arith.constant 6.400000e+01 : f32
        %mul3A_199 = vector.broadcast %mul3A_198 : f32 to vector<16xf32>
        %mul3A_200 = arith.mulf %get3A_171, %mul3A_199 : vector<16xf32>
        %add3A_201 = arith.constant 1.024000e+03 : f32
        %add3A_202 = vector.broadcast %add3A_201 : f32 to vector<16xf32>
        %add3A_203 = arith.addf %mul3A_200, %add3A_202 : vector<16xf32>
        %mul3A_204 = arith.constant 6.400000e+01 : f32
        %mul3A_205 = vector.broadcast %mul3A_204 : f32 to vector<16xf32>
        %mul3A_206 = arith.mulf %get3A_173, %mul3A_205 : vector<16xf32>
        %add3A_207 = arith.constant 1.024000e+03 : f32
        %add3A_208 = vector.broadcast %add3A_207 : f32 to vector<16xf32>
        %add3A_209 = arith.addf %mul3A_206, %add3A_208 : vector<16xf32>
        %mul3A_210 = arith.constant 6.400000e+01 : f32
        %mul3A_211 = vector.broadcast %mul3A_210 : f32 to vector<16xf32>
        %mul3A_212 = arith.mulf %get3A_175, %mul3A_211 : vector<16xf32>
        %add3A_213 = arith.constant 1.024000e+03 : f32
        %add3A_214 = vector.broadcast %add3A_213 : f32 to vector<16xf32>
        %add3A_215 = arith.addf %mul3A_212, %add3A_214 : vector<16xf32>
        %mul3A_216 = arith.constant 6.400000e+01 : f32
        %mul3A_217 = vector.broadcast %mul3A_216 : f32 to vector<16xf32>
        %mul3A_218 = arith.mulf %get3A_177, %mul3A_217 : vector<16xf32>
        %add3A_219 = arith.constant 1.024000e+03 : f32
        %add3A_220 = vector.broadcast %add3A_219 : f32 to vector<16xf32>
        %add3A_221 = arith.addf %mul3A_218, %add3A_220 : vector<16xf32>
        %mul3A_222 = arith.constant 6.400000e+01 : f32
        %mul3A_223 = vector.broadcast %mul3A_222 : f32 to vector<16xf32>
        %mul3A_224 = arith.mulf %get3A_179, %mul3A_223 : vector<16xf32>
        %add3A_225 = arith.constant 1.024000e+03 : f32
        %add3A_226 = vector.broadcast %add3A_225 : f32 to vector<16xf32>
        %add3A_227 = arith.addf %mul3A_224, %add3A_226 : vector<16xf32>
        %max3A = arith.constant 0.000000e+00 : f32
        %max3A_228 = vector.broadcast %max3A : f32 to vector<16xf32>
        %max3A_229 = arith.maximumf %add3A_185, %max3A_228 : vector<16xf32>
        %min3A = arith.constant 2047.99597 : f32
        %min3A_230 = vector.broadcast %min3A : f32 to vector<16xf32>
        %min3A_231 = arith.minimumf %max3A_229, %min3A_230 : vector<16xf32>
        %max3A_232 = arith.constant 0.000000e+00 : f32
        %max3A_233 = vector.broadcast %max3A_232 : f32 to vector<16xf32>
        %max3A_234 = arith.maximumf %add3A_191, %max3A_233 : vector<16xf32>
        %min3A_235 = arith.constant 2047.99597 : f32
        %min3A_236 = vector.broadcast %min3A_235 : f32 to vector<16xf32>
        %min3A_237 = arith.minimumf %max3A_234, %min3A_236 : vector<16xf32>
        %max3A_238 = arith.constant 0.000000e+00 : f32
        %max3A_239 = vector.broadcast %max3A_238 : f32 to vector<16xf32>
        %max3A_240 = arith.maximumf %add3A_197, %max3A_239 : vector<16xf32>
        %min3A_241 = arith.constant 2047.99597 : f32
        %min3A_242 = vector.broadcast %min3A_241 : f32 to vector<16xf32>
        %min3A_243 = arith.minimumf %max3A_240, %min3A_242 : vector<16xf32>
        %max3A_244 = arith.constant 0.000000e+00 : f32
        %max3A_245 = vector.broadcast %max3A_244 : f32 to vector<16xf32>
        %max3A_246 = arith.maximumf %add3A_203, %max3A_245 : vector<16xf32>
        %min3A_247 = arith.constant 2047.99597 : f32
        %min3A_248 = vector.broadcast %min3A_247 : f32 to vector<16xf32>
        %min3A_249 = arith.minimumf %max3A_246, %min3A_248 : vector<16xf32>
        %max3A_250 = arith.constant 0.000000e+00 : f32
        %max3A_251 = vector.broadcast %max3A_250 : f32 to vector<16xf32>
        %max3A_252 = arith.maximumf %add3A_209, %max3A_251 : vector<16xf32>
        %min3A_253 = arith.constant 2047.99597 : f32
        %min3A_254 = vector.broadcast %min3A_253 : f32 to vector<16xf32>
        %min3A_255 = arith.minimumf %max3A_252, %min3A_254 : vector<16xf32>
        %max3A_256 = arith.constant 0.000000e+00 : f32
        %max3A_257 = vector.broadcast %max3A_256 : f32 to vector<16xf32>
        %max3A_258 = arith.maximumf %add3A_215, %max3A_257 : vector<16xf32>
        %min3A_259 = arith.constant 2047.99597 : f32
        %min3A_260 = vector.broadcast %min3A_259 : f32 to vector<16xf32>
        %min3A_261 = arith.minimumf %max3A_258, %min3A_260 : vector<16xf32>
        %max3A_262 = arith.constant 0.000000e+00 : f32
        %max3A_263 = vector.broadcast %max3A_262 : f32 to vector<16xf32>
        %max3A_264 = arith.maximumf %add3A_221, %max3A_263 : vector<16xf32>
        %min3A_265 = arith.constant 2047.99597 : f32
        %min3A_266 = vector.broadcast %min3A_265 : f32 to vector<16xf32>
        %min3A_267 = arith.minimumf %max3A_264, %min3A_266 : vector<16xf32>
        %max3A_268 = arith.constant 0.000000e+00 : f32
        %max3A_269 = vector.broadcast %max3A_268 : f32 to vector<16xf32>
        %max3A_270 = arith.maximumf %add3A_227, %max3A_269 : vector<16xf32>
        %min3A_271 = arith.constant 2047.99597 : f32
        %min3A_272 = vector.broadcast %min3A_271 : f32 to vector<16xf32>
        %min3A_273 = arith.minimumf %max3A_270, %min3A_272 : vector<16xf32>
        %convert_element_type3A_274 = arith.fptosi %min3A_231 : vector<16xf32> to vector<16xi32>
        %convert_element_type3A_275 = arith.fptosi %min3A_237 : vector<16xf32> to vector<16xi32>
        %convert_element_type3A_276 = arith.fptosi %min3A_243 : vector<16xf32> to vector<16xi32>
        %convert_element_type3A_277 = arith.fptosi %min3A_249 : vector<16xf32> to vector<16xi32>
        %convert_element_type3A_278 = arith.fptosi %min3A_255 : vector<16xf32> to vector<16xi32>
        %convert_element_type3A_279 = arith.fptosi %min3A_261 : vector<16xf32> to vector<16xi32>
        %convert_element_type3A_280 = arith.fptosi %min3A_267 : vector<16xf32> to vector<16xi32>
        %convert_element_type3A_281 = arith.fptosi %min3A_273 : vector<16xf32> to vector<16xi32>
        %convert_element_type3A_282 = arith.sitofp %convert_element_type3A_274 : vector<16xi32> to vector<16xf32>
        %sub3A = arith.subf %min3A_231, %convert_element_type3A_282 : vector<16xf32>
        %convert_element_type3A_283 = arith.sitofp %convert_element_type3A_275 : vector<16xi32> to vector<16xf32>
        %sub3A_284 = arith.subf %min3A_237, %convert_element_type3A_283 : vector<16xf32>
        %convert_element_type3A_285 = arith.sitofp %convert_element_type3A_276 : vector<16xi32> to vector<16xf32>
        %sub3A_286 = arith.subf %min3A_243, %convert_element_type3A_285 : vector<16xf32>
        %convert_element_type3A_287 = arith.sitofp %convert_element_type3A_277 : vector<16xi32> to vector<16xf32>
        %sub3A_288 = arith.subf %min3A_249, %convert_element_type3A_287 : vector<16xf32>
        %convert_element_type3A_289 = arith.sitofp %convert_element_type3A_278 : vector<16xi32> to vector<16xf32>
        %sub3A_290 = arith.subf %min3A_255, %convert_element_type3A_289 : vector<16xf32>
        %convert_element_type3A_291 = arith.sitofp %convert_element_type3A_279 : vector<16xi32> to vector<16xf32>
        %sub3A_292 = arith.subf %min3A_261, %convert_element_type3A_291 : vector<16xf32>
        %convert_element_type3A_293 = arith.sitofp %convert_element_type3A_280 : vector<16xi32> to vector<16xf32>
        %sub3A_294 = arith.subf %min3A_267, %convert_element_type3A_293 : vector<16xf32>
        %convert_element_type3A_295 = arith.sitofp %convert_element_type3A_281 : vector<16xi32> to vector<16xf32>
        %sub3A_296 = arith.subf %min3A_273, %convert_element_type3A_295 : vector<16xf32>
        %gather3A = tpu.vector_load_idx %arg11[%convert_element_type3A_274] : memref<2048xf32, #tpu.memory_space<vmem>>[vector<16xi32>], vector<16xf32>,
        %gather3A_297 = tpu.vector_load_idx %arg11[%convert_element_type3A_275] : memref<2048xf32, #tpu.memory_space<vmem>>[vector<16xi32>], vector<16xf32>,
        %gather3A_298 = tpu.vector_load_idx %arg11[%convert_element_type3A_276] : memref<2048xf32, #tpu.memory_space<vmem>>[vector<16xi32>], vector<16xf32>,
        %gather3A_299 = tpu.vector_load_idx %arg11[%convert_element_type3A_277] : memref<2048xf32, #tpu.memory_space<vmem>>[vector<16xi32>], vector<16xf32>,
        %gather3A_300 = tpu.vector_load_idx %arg11[%convert_element_type3A_278] : memref<2048xf32, #tpu.memory_space<vmem>>[vector<16xi32>], vector<16xf32>,
        %gather3A_301 = tpu.vector_load_idx %arg11[%convert_element_type3A_279] : memref<2048xf32, #tpu.memory_space<vmem>>[vector<16xi32>], vector<16xf32>,
        %gather3A_302 = tpu.vector_load_idx %arg11[%convert_element_type3A_280] : memref<2048xf32, #tpu.memory_space<vmem>>[vector<16xi32>], vector<16xf32>,
        %gather3A_303 = tpu.vector_load_idx %arg11[%convert_element_type3A_281] : memref<2048xf32, #tpu.memory_space<vmem>>[vector<16xi32>], vector<16xf32>,
        %gather3A_304 = tpu.vector_load_idx %arg12[%convert_element_type3A_274] : memref<2048xf32, #tpu.memory_space<vmem>>[vector<16xi32>], vector<16xf32>,
        %gather3A_305 = tpu.vector_load_idx %arg12[%convert_element_type3A_275] : memref<2048xf32, #tpu.memory_space<vmem>>[vector<16xi32>], vector<16xf32>,
        %gather3A_306 = tpu.vector_load_idx %arg12[%convert_element_type3A_276] : memref<2048xf32, #tpu.memory_space<vmem>>[vector<16xi32>], vector<16xf32>,
        %gather3A_307 = tpu.vector_load_idx %arg12[%convert_element_type3A_277] : memref<2048xf32, #tpu.memory_space<vmem>>[vector<16xi32>], vector<16xf32>,
        %gather3A_308 = tpu.vector_load_idx %arg12[%convert_element_type3A_278] : memref<2048xf32, #tpu.memory_space<vmem>>[vector<16xi32>], vector<16xf32>,
        %gather3A_309 = tpu.vector_load_idx %arg12[%convert_element_type3A_279] : memref<2048xf32, #tpu.memory_space<vmem>>[vector<16xi32>], vector<16xf32>,
        %gather3A_310 = tpu.vector_load_idx %arg12[%convert_element_type3A_280] : memref<2048xf32, #tpu.memory_space<vmem>>[vector<16xi32>], vector<16xf32>,
        %gather3A_311 = tpu.vector_load_idx %arg12[%convert_element_type3A_281] : memref<2048xf32, #tpu.memory_space<vmem>>[vector<16xi32>], vector<16xf32>,
        %mul3A_312 = arith.mulf %sub3A, %gather3A_304 : vector<16xf32>
        %add3A_313 = arith.addf %gather3A, %mul3A_312 : vector<16xf32>
        %mul3A_314 = arith.mulf %sub3A_284, %gather3A_305 : vector<16xf32>
        %add3A_315 = arith.addf %gather3A_297, %mul3A_314 : vector<16xf32>
        %mul3A_316 = arith.mulf %sub3A_286, %gather3A_306 : vector<16xf32>
        %add3A_317 = arith.addf %gather3A_298, %mul3A_316 : vector<16xf32>
        %mul3A_318 = arith.mulf %sub3A_288, %gather3A_307 : vector<16xf32>
        %add3A_319 = arith.addf %gather3A_299, %mul3A_318 : vector<16xf32>
        %mul3A_320 = arith.mulf %sub3A_290, %gather3A_308 : vector<16xf32>
        %add3A_321 = arith.addf %gather3A_300, %mul3A_320 : vector<16xf32>
        %mul3A_322 = arith.mulf %sub3A_292, %gather3A_309 : vector<16xf32>
        %add3A_323 = arith.addf %gather3A_301, %mul3A_322 : vector<16xf32>
        %mul3A_324 = arith.mulf %sub3A_294, %gather3A_310 : vector<16xf32>
        %add3A_325 = arith.addf %gather3A_302, %mul3A_324 : vector<16xf32>
        %mul3A_326 = arith.mulf %sub3A_296, %gather3A_311 : vector<16xf32>
        %add3A_327 = arith.addf %gather3A_303, %mul3A_326 : vector<16xf32>
        %mul3A_328 = arith.constant 1.000000e+01 : f32
        %mul3A_329 = vector.broadcast %mul3A_328 : f32 to vector<16xf32>
        %mul3A_330 = arith.mulf %add3A_313, %mul3A_329 : vector<16xf32>
        %convert_element_type3A_331 = arith.fptosi %mul3A_330 : vector<16xf32> to vector<16xi32>
        %mul3A_332 = arith.constant 1.000000e+01 : f32
        %mul3A_333 = vector.broadcast %mul3A_332 : f32 to vector<16xf32>
        %mul3A_334 = arith.mulf %add3A_315, %mul3A_333 : vector<16xf32>
        %convert_element_type3A_335 = arith.fptosi %mul3A_334 : vector<16xf32> to vector<16xi32>
        %mul3A_336 = arith.constant 1.000000e+01 : f32
        %mul3A_337 = vector.broadcast %mul3A_336 : f32 to vector<16xf32>
        %mul3A_338 = arith.mulf %add3A_317, %mul3A_337 : vector<16xf32>
        %convert_element_type3A_339 = arith.fptosi %mul3A_338 : vector<16xf32> to vector<16xi32>
        %mul3A_340 = arith.constant 1.000000e+01 : f32
        %mul3A_341 = vector.broadcast %mul3A_340 : f32 to vector<16xf32>
        %mul3A_342 = arith.mulf %add3A_319, %mul3A_341 : vector<16xf32>
        %convert_element_type3A_343 = arith.fptosi %mul3A_342 : vector<16xf32> to vector<16xi32>
        %mul3A_344 = arith.constant 1.000000e+01 : f32
        %mul3A_345 = vector.broadcast %mul3A_344 : f32 to vector<16xf32>
        %mul3A_346 = arith.mulf %add3A_321, %mul3A_345 : vector<16xf32>
        %convert_element_type3A_347 = arith.fptosi %mul3A_346 : vector<16xf32> to vector<16xi32>
        %mul3A_348 = arith.constant 1.000000e+01 : f32
        %mul3A_349 = vector.broadcast %mul3A_348 : f32 to vector<16xf32>
        %mul3A_350 = arith.mulf %add3A_323, %mul3A_349 : vector<16xf32>
        %convert_element_type3A_351 = arith.fptosi %mul3A_350 : vector<16xf32> to vector<16xi32>
        %mul3A_352 = arith.constant 1.000000e+01 : f32
        %mul3A_353 = vector.broadcast %mul3A_352 : f32 to vector<16xf32>
        %mul3A_354 = arith.mulf %add3A_325, %mul3A_353 : vector<16xf32>
        %convert_element_type3A_355 = arith.fptosi %mul3A_354 : vector<16xf32> to vector<16xi32>
        %mul3A_356 = arith.constant 1.000000e+01 : f32
        %mul3A_357 = vector.broadcast %mul3A_356 : f32 to vector<16xf32>
        %mul3A_358 = arith.mulf %add3A_327, %mul3A_357 : vector<16xf32>
        %convert_element_type3A_359 = arith.fptosi %mul3A_358 : vector<16xf32> to vector<16xi32>
        %mul3A_360 = arith.constant 16 : i32
        %mul3A_361 = vector.broadcast %mul3A_360 : i32 to vector<16xi32>
        %mul3A_362 = arith.muli %convert_element_type3A_331, %mul3A_361 : vector<16xi32>
        %add3A_363 = arith.addi %mul3A_362, %iota3A : vector<16xi32>
        %mul3A_364 = arith.constant 16 : i32
        %mul3A_365 = vector.broadcast %mul3A_364 : i32 to vector<16xi32>
        %mul3A_366 = arith.muli %convert_element_type3A_335, %mul3A_365 : vector<16xi32>
        %add3A_367 = arith.addi %mul3A_366, %iota3A : vector<16xi32>
        %mul3A_368 = arith.constant 16 : i32
        %mul3A_369 = vector.broadcast %mul3A_368 : i32 to vector<16xi32>
        %mul3A_370 = arith.muli %convert_element_type3A_339, %mul3A_369 : vector<16xi32>
        %add3A_371 = arith.addi %mul3A_370, %iota3A : vector<16xi32>
        %mul3A_372 = arith.constant 16 : i32
        %mul3A_373 = vector.broadcast %mul3A_372 : i32 to vector<16xi32>
        %mul3A_374 = arith.muli %convert_element_type3A_343, %mul3A_373 : vector<16xi32>
        %add3A_375 = arith.addi %mul3A_374, %iota3A : vector<16xi32>
        %mul3A_376 = arith.constant 16 : i32
        %mul3A_377 = vector.broadcast %mul3A_376 : i32 to vector<16xi32>
        %mul3A_378 = arith.muli %convert_element_type3A_347, %mul3A_377 : vector<16xi32>
        %add3A_379 = arith.addi %mul3A_378, %iota3A : vector<16xi32>
        %mul3A_380 = arith.constant 16 : i32
        %mul3A_381 = vector.broadcast %mul3A_380 : i32 to vector<16xi32>
        %mul3A_382 = arith.muli %convert_element_type3A_351, %mul3A_381 : vector<16xi32>
        %add3A_383 = arith.addi %mul3A_382, %iota3A : vector<16xi32>
        %mul3A_384 = arith.constant 16 : i32
        %mul3A_385 = vector.broadcast %mul3A_384 : i32 to vector<16xi32>
        %mul3A_386 = arith.muli %convert_element_type3A_355, %mul3A_385 : vector<16xi32>
        %add3A_387 = arith.addi %mul3A_386, %iota3A : vector<16xi32>
        %mul3A_388 = arith.constant 16 : i32
        %mul3A_389 = vector.broadcast %mul3A_388 : i32 to vector<16xi32>
        %mul3A_390 = arith.muli %convert_element_type3A_359, %mul3A_389 : vector<16xi32>
        %add3A_391 = arith.addi %mul3A_390, %iota3A : vector<16xi32>
        tpu.vector_store_idx %arg13[%add3A_363], %broadcast_in_dim3A_55 {add = true} : memref<160xf32, #tpu.memory_space<vmem>>[vector<16xi32>], vector<16xf32>,
        tpu.vector_store_idx %arg14[%add3A_363], %add3A_313 {add = true} : memref<160xf32, #tpu.memory_space<vmem>>[vector<16xi32>], vector<16xf32>,
        tpu.vector_store_idx %arg13[%add3A_367], %broadcast_in_dim3A_55 {add = true} : memref<160xf32, #tpu.memory_space<vmem>>[vector<16xi32>], vector<16xf32>,
        tpu.vector_store_idx %arg14[%add3A_367], %add3A_315 {add = true} : memref<160xf32, #tpu.memory_space<vmem>>[vector<16xi32>], vector<16xf32>,
        tpu.vector_store_idx %arg13[%add3A_371], %broadcast_in_dim3A_55 {add = true} : memref<160xf32, #tpu.memory_space<vmem>>[vector<16xi32>], vector<16xf32>,
        tpu.vector_store_idx %arg14[%add3A_371], %add3A_317 {add = true} : memref<160xf32, #tpu.memory_space<vmem>>[vector<16xi32>], vector<16xf32>,
        tpu.vector_store_idx %arg13[%add3A_375], %broadcast_in_dim3A_55 {add = true} : memref<160xf32, #tpu.memory_space<vmem>>[vector<16xi32>], vector<16xf32>,
        tpu.vector_store_idx %arg14[%add3A_375], %add3A_319 {add = true} : memref<160xf32, #tpu.memory_space<vmem>>[vector<16xi32>], vector<16xf32>,
        tpu.vector_store_idx %arg13[%add3A_379], %broadcast_in_dim3A_55 {add = true} : memref<160xf32, #tpu.memory_space<vmem>>[vector<16xi32>], vector<16xf32>,
        tpu.vector_store_idx %arg14[%add3A_379], %add3A_321 {add = true} : memref<160xf32, #tpu.memory_space<vmem>>[vector<16xi32>], vector<16xf32>,
        tpu.vector_store_idx %arg13[%add3A_383], %broadcast_in_dim3A_55 {add = true} : memref<160xf32, #tpu.memory_space<vmem>>[vector<16xi32>], vector<16xf32>,
        tpu.vector_store_idx %arg14[%add3A_383], %add3A_323 {add = true} : memref<160xf32, #tpu.memory_space<vmem>>[vector<16xi32>], vector<16xf32>,
        tpu.vector_store_idx %arg13[%add3A_387], %broadcast_in_dim3A_55 {add = true} : memref<160xf32, #tpu.memory_space<vmem>>[vector<16xi32>], vector<16xf32>,
        tpu.vector_store_idx %arg14[%add3A_387], %add3A_325 {add = true} : memref<160xf32, #tpu.memory_space<vmem>>[vector<16xi32>], vector<16xf32>,
        tpu.vector_store_idx %arg13[%add3A_391], %broadcast_in_dim3A_55 {add = true} : memref<160xf32, #tpu.memory_space<vmem>>[vector<16xi32>], vector<16xf32>,
        tpu.vector_store_idx %arg14[%add3A_391], %add3A_327 {add = true} : memref<160xf32, #tpu.memory_space<vmem>>[vector<16xi32>], vector<16xf32>,
        %mul3A_392 = arith.constant 64 : i32
        %mul3A_393 = arith.muli %while3A_146, %mul3A_392 : i32
        %pack3A = tpu.pack_subelements %add3A_363, %add3A_367 {pack_format = #tpu.pack_format<interleaved>, positions = array<i32: 0, 1>} : vector<16xi32>, vector<16xi32> -> vector<32xi16>
        %bitcast3A = vector.bitcast %pack3A : vector<32xi16> to vector<16xi32>
        %add3A_394 = arith.constant 0 : i32
        %add3A_395 = arith.addi %mul3A_393, %add3A_394 : i32
        %swap3A_396 = arith.index_cast %add3A_395 : i32 to index
        %swap3A_397 = tpu.vector_load %arg9[%swap3A_396] {strides = array<i32>} : memref<8192xi32, #tpu.memory_space<vmem>>, vector<16xi32>,
        tpu.vector_store %arg9[%swap3A_396], %bitcast3A {strides = array<i32>} : memref<8192xi32, #tpu.memory_space<vmem>>, vector<16xi32>,
        %pack3A_398 = tpu.pack_subelements %add3A_371, %add3A_375 {pack_format = #tpu.pack_format<interleaved>, positions = array<i32: 0, 1>} : vector<16xi32>, vector<16xi32> -> vector<32xi16>
        %bitcast3A_399 = vector.bitcast %pack3A_398 : vector<32xi16> to vector<16xi32>
        %add3A_400 = arith.constant 16 : i32
        %add3A_401 = arith.addi %mul3A_393, %add3A_400 : i32
        %swap3A_402 = arith.index_cast %add3A_401 : i32 to index
        %swap3A_403 = tpu.vector_load %arg9[%swap3A_402] {strides = array<i32>} : memref<8192xi32, #tpu.memory_space<vmem>>, vector<16xi32>,
        tpu.vector_store %arg9[%swap3A_402], %bitcast3A_399 {strides = array<i32>} : memref<8192xi32, #tpu.memory_space<vmem>>, vector<16xi32>,
        %pack3A_404 = tpu.pack_subelements %add3A_379, %add3A_383 {pack_format = #tpu.pack_format<interleaved>, positions = array<i32: 0, 1>} : vector<16xi32>, vector<16xi32> -> vector<32xi16>
        %bitcast3A_405 = vector.bitcast %pack3A_404 : vector<32xi16> to vector<16xi32>
        %add3A_406 = arith.constant 32 : i32
        %add3A_407 = arith.addi %mul3A_393, %add3A_406 : i32
        %swap3A_408 = arith.index_cast %add3A_407 : i32 to index
        %swap3A_409 = tpu.vector_load %arg9[%swap3A_408] {strides = array<i32>} : memref<8192xi32, #tpu.memory_space<vmem>>, vector<16xi32>,
        tpu.vector_store %arg9[%swap3A_408], %bitcast3A_405 {strides = array<i32>} : memref<8192xi32, #tpu.memory_space<vmem>>, vector<16xi32>,
        %pack3A_410 = tpu.pack_subelements %add3A_387, %add3A_391 {pack_format = #tpu.pack_format<interleaved>, positions = array<i32: 0, 1>} : vector<16xi32>, vector<16xi32> -> vector<32xi16>
        %bitcast3A_411 = vector.bitcast %pack3A_410 : vector<32xi16> to vector<16xi32>
        %add3A_412 = arith.constant 48 : i32
        %add3A_413 = arith.addi %mul3A_393, %add3A_412 : i32
        %swap3A_414 = arith.index_cast %add3A_413 : i32 to index
        %swap3A_415 = tpu.vector_load %arg9[%swap3A_414] {strides = array<i32>} : memref<8192xi32, #tpu.memory_space<vmem>>, vector<16xi32>,
        tpu.vector_store %arg9[%swap3A_414], %bitcast3A_411 {strides = array<i32>} : memref<8192xi32, #tpu.memory_space<vmem>>, vector<16xi32>,
      }
      %mul3A_97 = arith.constant 262144 : i32
      %mul3A_98 = arith.muli %add3A, %mul3A_97 : i32
      %mul3A_99 = arith.constant 8192 : i32
      %mul3A_100 = arith.muli %mul3A_79, %mul3A_99 : i32
      %add3A_101 = arith.addi %mul3A_98, %mul3A_100 : i32
      %dma_start3A_102 = tpu.memref_slice %arg6[%add3A_101] : memref<8388608xi32, #tpu.memory_space<hbm>> -> memref<8192xi32, #tpu.memory_space<hbm>>
      %dma_start3A_103 = tpu.memref_slice %arg6[%add3A_101] : memref<8388608xi32, #tpu.memory_space<hbm>> -> memref<8192xi32, #tpu.memory_space<hbm>>
      tpu.enqueue_dma source(%arg9 : memref<8192xi32, #tpu.memory_space<vmem>>) target(%dma_start3A_103 : memref<8192xi32, #tpu.memory_space<hbm>>) target_semaphore(%arg17 : memref<!tpu.dma_semaphore, #tpu.memory_space<semaphore_mem>>)
      %add3A_104 = arith.constant 2 : i32
      %add3A_105 = arith.addi %mul3A_79, %add3A_104 : i32
      %lt3A = arith.constant 32 : i32
      %lt3A_106 = arith.cmpi slt, %add3A_105, %lt3A : i32
      %convert_element_type3A_107 = arith.extui %lt3A_106 : i1 to i32
      %cond3A_108 = arith.constant 0 : i32
      %cond3A_109 = arith.cmpi ne, %convert_element_type3A_107, %cond3A_108 : i32
      scf.if %cond3A_109 {
        %add3A_146 = arith.constant 2 : i32
        %add3A_147 = arith.addi %mul3A_79, %add3A_146 : i32
        %mul3A_148 = arith.constant 16384 : i32
        %mul3A_149 = arith.muli %add3A_147, %mul3A_148 : i32
        %add3A_150 = arith.addi %mul3A_2, %mul3A_149 : i32
        %dma_start3A_151 = tpu.memref_slice %arg2[%add3A_150] : memref<16777216xf32, #tpu.memory_space<hbm>> -> memref<16384xf32, #tpu.memory_space<hbm>>
        %dma_start3A_152 = tpu.memref_slice %arg2[%add3A_150] : memref<16777216xf32, #tpu.memory_space<hbm>> -> memref<16384xf32, #tpu.memory_space<hbm>>
        tpu.enqueue_dma source(%dma_start3A_152 : memref<16384xf32, #tpu.memory_space<hbm>>) target(%arg7 : memref<16384xf32, #tpu.memory_space<vmem>>) target_semaphore(%arg15 : memref<!tpu.dma_semaphore, #tpu.memory_space<semaphore_mem>>)
      } else {
      }
      %dma_wait3A_110 = arith.constant 0 : i32
      %dma_wait3A_111 = tpu.memref_slice %arg2[%dma_wait3A_110] : memref<16777216xf32, #tpu.memory_space<hbm>> -> memref<16384xf32, #tpu.memory_space<hbm>>
      %dma_wait3A_112 = arith.constant 0 : i32
      %dma_wait3A_113 = tpu.memref_slice %arg2[%dma_wait3A_112] : memref<16777216xf32, #tpu.memory_space<hbm>> -> memref<16384xf32, #tpu.memory_space<hbm>>
      tpu.wait_dma2 semaphore(%arg16 : memref<!tpu.dma_semaphore, #tpu.memory_space<semaphore_mem>>) src(%dma_wait3A_113 : memref<16384xf32, #tpu.memory_space<hbm>>) dst(%arg8 : memref<16384xf32, #tpu.memory_space<vmem>>)
      %ge3A_114 = arith.constant 2 : i32
      %ge3A_115 = arith.cmpi sge, %mul3A_79, %ge3A_114 : i32
      %convert_element_type3A_116 = arith.extui %ge3A_115 : i1 to i32
      %cond3A_117 = arith.constant 0 : i32
      %cond3A_118 = arith.cmpi ne, %convert_element_type3A_116, %cond3A_117 : i32
      scf.if %cond3A_118 {
        %dma_wait3A_146 = arith.constant 0 : i32
        %dma_wait3A_147 = tpu.memref_slice %arg6[%dma_wait3A_146] : memref<8388608xi32, #tpu.memory_space<hbm>> -> memref<8192xi32, #tpu.memory_space<hbm>>
        %dma_wait3A_148 = arith.constant 0 : i32
        %dma_wait3A_149 = tpu.memref_slice %arg6[%dma_wait3A_148] : memref<8388608xi32, #tpu.memory_space<hbm>> -> memref<8192xi32, #tpu.memory_space<hbm>>
        tpu.wait_dma2 semaphore(%arg18 : memref<!tpu.dma_semaphore, #tpu.memory_space<semaphore_mem>>) src(%arg10 : memref<8192xi32, #tpu.memory_space<vmem>>) dst(%dma_wait3A_149 : memref<8192xi32, #tpu.memory_space<hbm>>)
      } else {
      }
      %while3A_119 = arith.constant 0 : i32
      %while3A_120 = arith.constant 0 : i32
      %while3A_121 = arith.constant 128 : i32
      %while3A_122 = arith.subi %while3A_121, %while3A_120 : i32
      %while3A_123 = arith.addi %while3A_120, %while3A_122 : i32
      %while3A_124 = arith.constant 1 : i32
      %while3A_125 = arith.divsi %while3A_122, %while3A_124 : i32
      %while3A_126 = arith.muli %while3A_125, %while3A_124 : i32
      %while3A_127 = arith.addi %while3A_120, %while3A_126 : i32
      %while3A_128 = arith.constant 1 : i32
      scf.for %while3A_146 = %while3A_120 to %while3A_127 step %while3A_128  : i32 {
        %mul3A_147 = arith.constant 128 : i32
        %mul3A_148 = arith.muli %while3A_146, %mul3A_147 : i32
        %add3A_149 = arith.constant 0 : i32
        %add3A_150 = arith.addi %mul3A_148, %add3A_149 : i32
        %add3A_151 = arith.constant 16 : i32
        %add3A_152 = arith.addi %mul3A_148, %add3A_151 : i32
        %add3A_153 = arith.constant 32 : i32
        %add3A_154 = arith.addi %mul3A_148, %add3A_153 : i32
        %add3A_155 = arith.constant 48 : i32
        %add3A_156 = arith.addi %mul3A_148, %add3A_155 : i32
        %add3A_157 = arith.constant 64 : i32
        %add3A_158 = arith.addi %mul3A_148, %add3A_157 : i32
        %add3A_159 = arith.constant 80 : i32
        %add3A_160 = arith.addi %mul3A_148, %add3A_159 : i32
        %add3A_161 = arith.constant 96 : i32
        %add3A_162 = arith.addi %mul3A_148, %add3A_161 : i32
        %add3A_163 = arith.constant 112 : i32
        %add3A_164 = arith.addi %mul3A_148, %add3A_163 : i32
        %get3A = arith.index_cast %add3A_150 : i32 to index
        %get3A_165 = tpu.vector_load %arg8[%get3A] {strides = array<i32>} : memref<16384xf32, #tpu.memory_space<vmem>>, vector<16xf32>,
        %get3A_166 = arith.index_cast %add3A_152 : i32 to index
        %get3A_167 = tpu.vector_load %arg8[%get3A_166] {strides = array<i32>} : memref<16384xf32, #tpu.memory_space<vmem>>, vector<16xf32>,
        %get3A_168 = arith.index_cast %add3A_154 : i32 to index
        %get3A_169 = tpu.vector_load %arg8[%get3A_168] {strides = array<i32>} : memref<16384xf32, #tpu.memory_space<vmem>>, vector<16xf32>,
        %get3A_170 = arith.index_cast %add3A_156 : i32 to index
        %get3A_171 = tpu.vector_load %arg8[%get3A_170] {strides = array<i32>} : memref<16384xf32, #tpu.memory_space<vmem>>, vector<16xf32>,
        %get3A_172 = arith.index_cast %add3A_158 : i32 to index
        %get3A_173 = tpu.vector_load %arg8[%get3A_172] {strides = array<i32>} : memref<16384xf32, #tpu.memory_space<vmem>>, vector<16xf32>,
        %get3A_174 = arith.index_cast %add3A_160 : i32 to index
        %get3A_175 = tpu.vector_load %arg8[%get3A_174] {strides = array<i32>} : memref<16384xf32, #tpu.memory_space<vmem>>, vector<16xf32>,
        %get3A_176 = arith.index_cast %add3A_162 : i32 to index
        %get3A_177 = tpu.vector_load %arg8[%get3A_176] {strides = array<i32>} : memref<16384xf32, #tpu.memory_space<vmem>>, vector<16xf32>,
        %get3A_178 = arith.index_cast %add3A_164 : i32 to index
        %get3A_179 = tpu.vector_load %arg8[%get3A_178] {strides = array<i32>} : memref<16384xf32, #tpu.memory_space<vmem>>, vector<16xf32>,
        %mul3A_180 = arith.constant 6.400000e+01 : f32
        %mul3A_181 = vector.broadcast %mul3A_180 : f32 to vector<16xf32>
        %mul3A_182 = arith.mulf %get3A_165, %mul3A_181 : vector<16xf32>
        %add3A_183 = arith.constant 1.024000e+03 : f32
        %add3A_184 = vector.broadcast %add3A_183 : f32 to vector<16xf32>
        %add3A_185 = arith.addf %mul3A_182, %add3A_184 : vector<16xf32>
        %mul3A_186 = arith.constant 6.400000e+01 : f32
        %mul3A_187 = vector.broadcast %mul3A_186 : f32 to vector<16xf32>
        %mul3A_188 = arith.mulf %get3A_167, %mul3A_187 : vector<16xf32>
        %add3A_189 = arith.constant 1.024000e+03 : f32
        %add3A_190 = vector.broadcast %add3A_189 : f32 to vector<16xf32>
        %add3A_191 = arith.addf %mul3A_188, %add3A_190 : vector<16xf32>
        %mul3A_192 = arith.constant 6.400000e+01 : f32
        %mul3A_193 = vector.broadcast %mul3A_192 : f32 to vector<16xf32>
        %mul3A_194 = arith.mulf %get3A_169, %mul3A_193 : vector<16xf32>
        %add3A_195 = arith.constant 1.024000e+03 : f32
        %add3A_196 = vector.broadcast %add3A_195 : f32 to vector<16xf32>
        %add3A_197 = arith.addf %mul3A_194, %add3A_196 : vector<16xf32>
        %mul3A_198 = arith.constant 6.400000e+01 : f32
        %mul3A_199 = vector.broadcast %mul3A_198 : f32 to vector<16xf32>
        %mul3A_200 = arith.mulf %get3A_171, %mul3A_199 : vector<16xf32>
        %add3A_201 = arith.constant 1.024000e+03 : f32
        %add3A_202 = vector.broadcast %add3A_201 : f32 to vector<16xf32>
        %add3A_203 = arith.addf %mul3A_200, %add3A_202 : vector<16xf32>
        %mul3A_204 = arith.constant 6.400000e+01 : f32
        %mul3A_205 = vector.broadcast %mul3A_204 : f32 to vector<16xf32>
        %mul3A_206 = arith.mulf %get3A_173, %mul3A_205 : vector<16xf32>
        %add3A_207 = arith.constant 1.024000e+03 : f32
        %add3A_208 = vector.broadcast %add3A_207 : f32 to vector<16xf32>
        %add3A_209 = arith.addf %mul3A_206, %add3A_208 : vector<16xf32>
        %mul3A_210 = arith.constant 6.400000e+01 : f32
        %mul3A_211 = vector.broadcast %mul3A_210 : f32 to vector<16xf32>
        %mul3A_212 = arith.mulf %get3A_175, %mul3A_211 : vector<16xf32>
        %add3A_213 = arith.constant 1.024000e+03 : f32
        %add3A_214 = vector.broadcast %add3A_213 : f32 to vector<16xf32>
        %add3A_215 = arith.addf %mul3A_212, %add3A_214 : vector<16xf32>
        %mul3A_216 = arith.constant 6.400000e+01 : f32
        %mul3A_217 = vector.broadcast %mul3A_216 : f32 to vector<16xf32>
        %mul3A_218 = arith.mulf %get3A_177, %mul3A_217 : vector<16xf32>
        %add3A_219 = arith.constant 1.024000e+03 : f32
        %add3A_220 = vector.broadcast %add3A_219 : f32 to vector<16xf32>
        %add3A_221 = arith.addf %mul3A_218, %add3A_220 : vector<16xf32>
        %mul3A_222 = arith.constant 6.400000e+01 : f32
        %mul3A_223 = vector.broadcast %mul3A_222 : f32 to vector<16xf32>
        %mul3A_224 = arith.mulf %get3A_179, %mul3A_223 : vector<16xf32>
        %add3A_225 = arith.constant 1.024000e+03 : f32
        %add3A_226 = vector.broadcast %add3A_225 : f32 to vector<16xf32>
        %add3A_227 = arith.addf %mul3A_224, %add3A_226 : vector<16xf32>
        %max3A = arith.constant 0.000000e+00 : f32
        %max3A_228 = vector.broadcast %max3A : f32 to vector<16xf32>
        %max3A_229 = arith.maximumf %add3A_185, %max3A_228 : vector<16xf32>
        %min3A = arith.constant 2047.99597 : f32
        %min3A_230 = vector.broadcast %min3A : f32 to vector<16xf32>
        %min3A_231 = arith.minimumf %max3A_229, %min3A_230 : vector<16xf32>
        %max3A_232 = arith.constant 0.000000e+00 : f32
        %max3A_233 = vector.broadcast %max3A_232 : f32 to vector<16xf32>
        %max3A_234 = arith.maximumf %add3A_191, %max3A_233 : vector<16xf32>
        %min3A_235 = arith.constant 2047.99597 : f32
        %min3A_236 = vector.broadcast %min3A_235 : f32 to vector<16xf32>
        %min3A_237 = arith.minimumf %max3A_234, %min3A_236 : vector<16xf32>
        %max3A_238 = arith.constant 0.000000e+00 : f32
        %max3A_239 = vector.broadcast %max3A_238 : f32 to vector<16xf32>
        %max3A_240 = arith.maximumf %add3A_197, %max3A_239 : vector<16xf32>
        %min3A_241 = arith.constant 2047.99597 : f32
        %min3A_242 = vector.broadcast %min3A_241 : f32 to vector<16xf32>
        %min3A_243 = arith.minimumf %max3A_240, %min3A_242 : vector<16xf32>
        %max3A_244 = arith.constant 0.000000e+00 : f32
        %max3A_245 = vector.broadcast %max3A_244 : f32 to vector<16xf32>
        %max3A_246 = arith.maximumf %add3A_203, %max3A_245 : vector<16xf32>
        %min3A_247 = arith.constant 2047.99597 : f32
        %min3A_248 = vector.broadcast %min3A_247 : f32 to vector<16xf32>
        %min3A_249 = arith.minimumf %max3A_246, %min3A_248 : vector<16xf32>
        %max3A_250 = arith.constant 0.000000e+00 : f32
        %max3A_251 = vector.broadcast %max3A_250 : f32 to vector<16xf32>
        %max3A_252 = arith.maximumf %add3A_209, %max3A_251 : vector<16xf32>
        %min3A_253 = arith.constant 2047.99597 : f32
        %min3A_254 = vector.broadcast %min3A_253 : f32 to vector<16xf32>
        %min3A_255 = arith.minimumf %max3A_252, %min3A_254 : vector<16xf32>
        %max3A_256 = arith.constant 0.000000e+00 : f32
        %max3A_257 = vector.broadcast %max3A_256 : f32 to vector<16xf32>
        %max3A_258 = arith.maximumf %add3A_215, %max3A_257 : vector<16xf32>
        %min3A_259 = arith.constant 2047.99597 : f32
        %min3A_260 = vector.broadcast %min3A_259 : f32 to vector<16xf32>
        %min3A_261 = arith.minimumf %max3A_258, %min3A_260 : vector<16xf32>
        %max3A_262 = arith.constant 0.000000e+00 : f32
        %max3A_263 = vector.broadcast %max3A_262 : f32 to vector<16xf32>
        %max3A_264 = arith.maximumf %add3A_221, %max3A_263 : vector<16xf32>
        %min3A_265 = arith.constant 2047.99597 : f32
        %min3A_266 = vector.broadcast %min3A_265 : f32 to vector<16xf32>
        %min3A_267 = arith.minimumf %max3A_264, %min3A_266 : vector<16xf32>
        %max3A_268 = arith.constant 0.000000e+00 : f32
        %max3A_269 = vector.broadcast %max3A_268 : f32 to vector<16xf32>
        %max3A_270 = arith.maximumf %add3A_227, %max3A_269 : vector<16xf32>
        %min3A_271 = arith.constant 2047.99597 : f32
        %min3A_272 = vector.broadcast %min3A_271 : f32 to vector<16xf32>
        %min3A_273 = arith.minimumf %max3A_270, %min3A_272 : vector<16xf32>
        %convert_element_type3A_274 = arith.fptosi %min3A_231 : vector<16xf32> to vector<16xi32>
        %convert_element_type3A_275 = arith.fptosi %min3A_237 : vector<16xf32> to vector<16xi32>
        %convert_element_type3A_276 = arith.fptosi %min3A_243 : vector<16xf32> to vector<16xi32>
        %convert_element_type3A_277 = arith.fptosi %min3A_249 : vector<16xf32> to vector<16xi32>
        %convert_element_type3A_278 = arith.fptosi %min3A_255 : vector<16xf32> to vector<16xi32>
        %convert_element_type3A_279 = arith.fptosi %min3A_261 : vector<16xf32> to vector<16xi32>
        %convert_element_type3A_280 = arith.fptosi %min3A_267 : vector<16xf32> to vector<16xi32>
        %convert_element_type3A_281 = arith.fptosi %min3A_273 : vector<16xf32> to vector<16xi32>
        %convert_element_type3A_282 = arith.sitofp %convert_element_type3A_274 : vector<16xi32> to vector<16xf32>
        %sub3A = arith.subf %min3A_231, %convert_element_type3A_282 : vector<16xf32>
        %convert_element_type3A_283 = arith.sitofp %convert_element_type3A_275 : vector<16xi32> to vector<16xf32>
        %sub3A_284 = arith.subf %min3A_237, %convert_element_type3A_283 : vector<16xf32>
        %convert_element_type3A_285 = arith.sitofp %convert_element_type3A_276 : vector<16xi32> to vector<16xf32>
        %sub3A_286 = arith.subf %min3A_243, %convert_element_type3A_285 : vector<16xf32>
        %convert_element_type3A_287 = arith.sitofp %convert_element_type3A_277 : vector<16xi32> to vector<16xf32>
        %sub3A_288 = arith.subf %min3A_249, %convert_element_type3A_287 : vector<16xf32>
        %convert_element_type3A_289 = arith.sitofp %convert_element_type3A_278 : vector<16xi32> to vector<16xf32>
        %sub3A_290 = arith.subf %min3A_255, %convert_element_type3A_289 : vector<16xf32>
        %convert_element_type3A_291 = arith.sitofp %convert_element_type3A_279 : vector<16xi32> to vector<16xf32>
        %sub3A_292 = arith.subf %min3A_261, %convert_element_type3A_291 : vector<16xf32>
        %convert_element_type3A_293 = arith.sitofp %convert_element_type3A_280 : vector<16xi32> to vector<16xf32>
        %sub3A_294 = arith.subf %min3A_267, %convert_element_type3A_293 : vector<16xf32>
        %convert_element_type3A_295 = arith.sitofp %convert_element_type3A_281 : vector<16xi32> to vector<16xf32>
        %sub3A_296 = arith.subf %min3A_273, %convert_element_type3A_295 : vector<16xf32>
        %gather3A = tpu.vector_load_idx %arg11[%convert_element_type3A_274] : memref<2048xf32, #tpu.memory_space<vmem>>[vector<16xi32>], vector<16xf32>,
        %gather3A_297 = tpu.vector_load_idx %arg11[%convert_element_type3A_275] : memref<2048xf32, #tpu.memory_space<vmem>>[vector<16xi32>], vector<16xf32>,
        %gather3A_298 = tpu.vector_load_idx %arg11[%convert_element_type3A_276] : memref<2048xf32, #tpu.memory_space<vmem>>[vector<16xi32>], vector<16xf32>,
        %gather3A_299 = tpu.vector_load_idx %arg11[%convert_element_type3A_277] : memref<2048xf32, #tpu.memory_space<vmem>>[vector<16xi32>], vector<16xf32>,
        %gather3A_300 = tpu.vector_load_idx %arg11[%convert_element_type3A_278] : memref<2048xf32, #tpu.memory_space<vmem>>[vector<16xi32>], vector<16xf32>,
        %gather3A_301 = tpu.vector_load_idx %arg11[%convert_element_type3A_279] : memref<2048xf32, #tpu.memory_space<vmem>>[vector<16xi32>], vector<16xf32>,
        %gather3A_302 = tpu.vector_load_idx %arg11[%convert_element_type3A_280] : memref<2048xf32, #tpu.memory_space<vmem>>[vector<16xi32>], vector<16xf32>,
        %gather3A_303 = tpu.vector_load_idx %arg11[%convert_element_type3A_281] : memref<2048xf32, #tpu.memory_space<vmem>>[vector<16xi32>], vector<16xf32>,
        %gather3A_304 = tpu.vector_load_idx %arg12[%convert_element_type3A_274] : memref<2048xf32, #tpu.memory_space<vmem>>[vector<16xi32>], vector<16xf32>,
        %gather3A_305 = tpu.vector_load_idx %arg12[%convert_element_type3A_275] : memref<2048xf32, #tpu.memory_space<vmem>>[vector<16xi32>], vector<16xf32>,
        %gather3A_306 = tpu.vector_load_idx %arg12[%convert_element_type3A_276] : memref<2048xf32, #tpu.memory_space<vmem>>[vector<16xi32>], vector<16xf32>,
        %gather3A_307 = tpu.vector_load_idx %arg12[%convert_element_type3A_277] : memref<2048xf32, #tpu.memory_space<vmem>>[vector<16xi32>], vector<16xf32>,
        %gather3A_308 = tpu.vector_load_idx %arg12[%convert_element_type3A_278] : memref<2048xf32, #tpu.memory_space<vmem>>[vector<16xi32>], vector<16xf32>,
        %gather3A_309 = tpu.vector_load_idx %arg12[%convert_element_type3A_279] : memref<2048xf32, #tpu.memory_space<vmem>>[vector<16xi32>], vector<16xf32>,
        %gather3A_310 = tpu.vector_load_idx %arg12[%convert_element_type3A_280] : memref<2048xf32, #tpu.memory_space<vmem>>[vector<16xi32>], vector<16xf32>,
        %gather3A_311 = tpu.vector_load_idx %arg12[%convert_element_type3A_281] : memref<2048xf32, #tpu.memory_space<vmem>>[vector<16xi32>], vector<16xf32>,
        %mul3A_312 = arith.mulf %sub3A, %gather3A_304 : vector<16xf32>
        %add3A_313 = arith.addf %gather3A, %mul3A_312 : vector<16xf32>
        %mul3A_314 = arith.mulf %sub3A_284, %gather3A_305 : vector<16xf32>
        %add3A_315 = arith.addf %gather3A_297, %mul3A_314 : vector<16xf32>
        %mul3A_316 = arith.mulf %sub3A_286, %gather3A_306 : vector<16xf32>
        %add3A_317 = arith.addf %gather3A_298, %mul3A_316 : vector<16xf32>
        %mul3A_318 = arith.mulf %sub3A_288, %gather3A_307 : vector<16xf32>
        %add3A_319 = arith.addf %gather3A_299, %mul3A_318 : vector<16xf32>
        %mul3A_320 = arith.mulf %sub3A_290, %gather3A_308 : vector<16xf32>
        %add3A_321 = arith.addf %gather3A_300, %mul3A_320 : vector<16xf32>
        %mul3A_322 = arith.mulf %sub3A_292, %gather3A_309 : vector<16xf32>
        %add3A_323 = arith.addf %gather3A_301, %mul3A_322 : vector<16xf32>
        %mul3A_324 = arith.mulf %sub3A_294, %gather3A_310 : vector<16xf32>
        %add3A_325 = arith.addf %gather3A_302, %mul3A_324 : vector<16xf32>
        %mul3A_326 = arith.mulf %sub3A_296, %gather3A_311 : vector<16xf32>
        %add3A_327 = arith.addf %gather3A_303, %mul3A_326 : vector<16xf32>
        %mul3A_328 = arith.constant 1.000000e+01 : f32
        %mul3A_329 = vector.broadcast %mul3A_328 : f32 to vector<16xf32>
        %mul3A_330 = arith.mulf %add3A_313, %mul3A_329 : vector<16xf32>
        %convert_element_type3A_331 = arith.fptosi %mul3A_330 : vector<16xf32> to vector<16xi32>
        %mul3A_332 = arith.constant 1.000000e+01 : f32
        %mul3A_333 = vector.broadcast %mul3A_332 : f32 to vector<16xf32>
        %mul3A_334 = arith.mulf %add3A_315, %mul3A_333 : vector<16xf32>
        %convert_element_type3A_335 = arith.fptosi %mul3A_334 : vector<16xf32> to vector<16xi32>
        %mul3A_336 = arith.constant 1.000000e+01 : f32
        %mul3A_337 = vector.broadcast %mul3A_336 : f32 to vector<16xf32>
        %mul3A_338 = arith.mulf %add3A_317, %mul3A_337 : vector<16xf32>
        %convert_element_type3A_339 = arith.fptosi %mul3A_338 : vector<16xf32> to vector<16xi32>
        %mul3A_340 = arith.constant 1.000000e+01 : f32
        %mul3A_341 = vector.broadcast %mul3A_340 : f32 to vector<16xf32>
        %mul3A_342 = arith.mulf %add3A_319, %mul3A_341 : vector<16xf32>
        %convert_element_type3A_343 = arith.fptosi %mul3A_342 : vector<16xf32> to vector<16xi32>
        %mul3A_344 = arith.constant 1.000000e+01 : f32
        %mul3A_345 = vector.broadcast %mul3A_344 : f32 to vector<16xf32>
        %mul3A_346 = arith.mulf %add3A_321, %mul3A_345 : vector<16xf32>
        %convert_element_type3A_347 = arith.fptosi %mul3A_346 : vector<16xf32> to vector<16xi32>
        %mul3A_348 = arith.constant 1.000000e+01 : f32
        %mul3A_349 = vector.broadcast %mul3A_348 : f32 to vector<16xf32>
        %mul3A_350 = arith.mulf %add3A_323, %mul3A_349 : vector<16xf32>
        %convert_element_type3A_351 = arith.fptosi %mul3A_350 : vector<16xf32> to vector<16xi32>
        %mul3A_352 = arith.constant 1.000000e+01 : f32
        %mul3A_353 = vector.broadcast %mul3A_352 : f32 to vector<16xf32>
        %mul3A_354 = arith.mulf %add3A_325, %mul3A_353 : vector<16xf32>
        %convert_element_type3A_355 = arith.fptosi %mul3A_354 : vector<16xf32> to vector<16xi32>
        %mul3A_356 = arith.constant 1.000000e+01 : f32
        %mul3A_357 = vector.broadcast %mul3A_356 : f32 to vector<16xf32>
        %mul3A_358 = arith.mulf %add3A_327, %mul3A_357 : vector<16xf32>
        %convert_element_type3A_359 = arith.fptosi %mul3A_358 : vector<16xf32> to vector<16xi32>
        %mul3A_360 = arith.constant 16 : i32
        %mul3A_361 = vector.broadcast %mul3A_360 : i32 to vector<16xi32>
        %mul3A_362 = arith.muli %convert_element_type3A_331, %mul3A_361 : vector<16xi32>
        %add3A_363 = arith.addi %mul3A_362, %iota3A : vector<16xi32>
        %mul3A_364 = arith.constant 16 : i32
        %mul3A_365 = vector.broadcast %mul3A_364 : i32 to vector<16xi32>
        %mul3A_366 = arith.muli %convert_element_type3A_335, %mul3A_365 : vector<16xi32>
        %add3A_367 = arith.addi %mul3A_366, %iota3A : vector<16xi32>
        %mul3A_368 = arith.constant 16 : i32
        %mul3A_369 = vector.broadcast %mul3A_368 : i32 to vector<16xi32>
        %mul3A_370 = arith.muli %convert_element_type3A_339, %mul3A_369 : vector<16xi32>
        %add3A_371 = arith.addi %mul3A_370, %iota3A : vector<16xi32>
        %mul3A_372 = arith.constant 16 : i32
        %mul3A_373 = vector.broadcast %mul3A_372 : i32 to vector<16xi32>
        %mul3A_374 = arith.muli %convert_element_type3A_343, %mul3A_373 : vector<16xi32>
        %add3A_375 = arith.addi %mul3A_374, %iota3A : vector<16xi32>
        %mul3A_376 = arith.constant 16 : i32
        %mul3A_377 = vector.broadcast %mul3A_376 : i32 to vector<16xi32>
        %mul3A_378 = arith.muli %convert_element_type3A_347, %mul3A_377 : vector<16xi32>
        %add3A_379 = arith.addi %mul3A_378, %iota3A : vector<16xi32>
        %mul3A_380 = arith.constant 16 : i32
        %mul3A_381 = vector.broadcast %mul3A_380 : i32 to vector<16xi32>
        %mul3A_382 = arith.muli %convert_element_type3A_351, %mul3A_381 : vector<16xi32>
        %add3A_383 = arith.addi %mul3A_382, %iota3A : vector<16xi32>
        %mul3A_384 = arith.constant 16 : i32
        %mul3A_385 = vector.broadcast %mul3A_384 : i32 to vector<16xi32>
        %mul3A_386 = arith.muli %convert_element_type3A_355, %mul3A_385 : vector<16xi32>
        %add3A_387 = arith.addi %mul3A_386, %iota3A : vector<16xi32>
        %mul3A_388 = arith.constant 16 : i32
        %mul3A_389 = vector.broadcast %mul3A_388 : i32 to vector<16xi32>
        %mul3A_390 = arith.muli %convert_element_type3A_359, %mul3A_389 : vector<16xi32>
        %add3A_391 = arith.addi %mul3A_390, %iota3A : vector<16xi32>
        tpu.vector_store_idx %arg13[%add3A_363], %broadcast_in_dim3A_55 {add = true} : memref<160xf32, #tpu.memory_space<vmem>>[vector<16xi32>], vector<16xf32>,
        tpu.vector_store_idx %arg14[%add3A_363], %add3A_313 {add = true} : memref<160xf32, #tpu.memory_space<vmem>>[vector<16xi32>], vector<16xf32>,
        tpu.vector_store_idx %arg13[%add3A_367], %broadcast_in_dim3A_55 {add = true} : memref<160xf32, #tpu.memory_space<vmem>>[vector<16xi32>], vector<16xf32>,
        tpu.vector_store_idx %arg14[%add3A_367], %add3A_315 {add = true} : memref<160xf32, #tpu.memory_space<vmem>>[vector<16xi32>], vector<16xf32>,
        tpu.vector_store_idx %arg13[%add3A_371], %broadcast_in_dim3A_55 {add = true} : memref<160xf32, #tpu.memory_space<vmem>>[vector<16xi32>], vector<16xf32>,
        tpu.vector_store_idx %arg14[%add3A_371], %add3A_317 {add = true} : memref<160xf32, #tpu.memory_space<vmem>>[vector<16xi32>], vector<16xf32>,
        tpu.vector_store_idx %arg13[%add3A_375], %broadcast_in_dim3A_55 {add = true} : memref<160xf32, #tpu.memory_space<vmem>>[vector<16xi32>], vector<16xf32>,
        tpu.vector_store_idx %arg14[%add3A_375], %add3A_319 {add = true} : memref<160xf32, #tpu.memory_space<vmem>>[vector<16xi32>], vector<16xf32>,
        tpu.vector_store_idx %arg13[%add3A_379], %broadcast_in_dim3A_55 {add = true} : memref<160xf32, #tpu.memory_space<vmem>>[vector<16xi32>], vector<16xf32>,
        tpu.vector_store_idx %arg14[%add3A_379], %add3A_321 {add = true} : memref<160xf32, #tpu.memory_space<vmem>>[vector<16xi32>], vector<16xf32>,
        tpu.vector_store_idx %arg13[%add3A_383], %broadcast_in_dim3A_55 {add = true} : memref<160xf32, #tpu.memory_space<vmem>>[vector<16xi32>], vector<16xf32>,
        tpu.vector_store_idx %arg14[%add3A_383], %add3A_323 {add = true} : memref<160xf32, #tpu.memory_space<vmem>>[vector<16xi32>], vector<16xf32>,
        tpu.vector_store_idx %arg13[%add3A_387], %broadcast_in_dim3A_55 {add = true} : memref<160xf32, #tpu.memory_space<vmem>>[vector<16xi32>], vector<16xf32>,
        tpu.vector_store_idx %arg14[%add3A_387], %add3A_325 {add = true} : memref<160xf32, #tpu.memory_space<vmem>>[vector<16xi32>], vector<16xf32>,
        tpu.vector_store_idx %arg13[%add3A_391], %broadcast_in_dim3A_55 {add = true} : memref<160xf32, #tpu.memory_space<vmem>>[vector<16xi32>], vector<16xf32>,
        tpu.vector_store_idx %arg14[%add3A_391], %add3A_327 {add = true} : memref<160xf32, #tpu.memory_space<vmem>>[vector<16xi32>], vector<16xf32>,
        %mul3A_392 = arith.constant 64 : i32
        %mul3A_393 = arith.muli %while3A_146, %mul3A_392 : i32
        %pack3A = tpu.pack_subelements %add3A_363, %add3A_367 {pack_format = #tpu.pack_format<interleaved>, positions = array<i32: 0, 1>} : vector<16xi32>, vector<16xi32> -> vector<32xi16>
        %bitcast3A = vector.bitcast %pack3A : vector<32xi16> to vector<16xi32>
        %add3A_394 = arith.constant 0 : i32
        %add3A_395 = arith.addi %mul3A_393, %add3A_394 : i32
        %swap3A_396 = arith.index_cast %add3A_395 : i32 to index
        %swap3A_397 = tpu.vector_load %arg10[%swap3A_396] {strides = array<i32>} : memref<8192xi32, #tpu.memory_space<vmem>>, vector<16xi32>,
        tpu.vector_store %arg10[%swap3A_396], %bitcast3A {strides = array<i32>} : memref<8192xi32, #tpu.memory_space<vmem>>, vector<16xi32>,
        %pack3A_398 = tpu.pack_subelements %add3A_371, %add3A_375 {pack_format = #tpu.pack_format<interleaved>, positions = array<i32: 0, 1>} : vector<16xi32>, vector<16xi32> -> vector<32xi16>
        %bitcast3A_399 = vector.bitcast %pack3A_398 : vector<32xi16> to vector<16xi32>
        %add3A_400 = arith.constant 16 : i32
        %add3A_401 = arith.addi %mul3A_393, %add3A_400 : i32
        %swap3A_402 = arith.index_cast %add3A_401 : i32 to index
        %swap3A_403 = tpu.vector_load %arg10[%swap3A_402] {strides = array<i32>} : memref<8192xi32, #tpu.memory_space<vmem>>, vector<16xi32>,
        tpu.vector_store %arg10[%swap3A_402], %bitcast3A_399 {strides = array<i32>} : memref<8192xi32, #tpu.memory_space<vmem>>, vector<16xi32>,
        %pack3A_404 = tpu.pack_subelements %add3A_379, %add3A_383 {pack_format = #tpu.pack_format<interleaved>, positions = array<i32: 0, 1>} : vector<16xi32>, vector<16xi32> -> vector<32xi16>
        %bitcast3A_405 = vector.bitcast %pack3A_404 : vector<32xi16> to vector<16xi32>
        %add3A_406 = arith.constant 32 : i32
        %add3A_407 = arith.addi %mul3A_393, %add3A_406 : i32
        %swap3A_408 = arith.index_cast %add3A_407 : i32 to index
        %swap3A_409 = tpu.vector_load %arg10[%swap3A_408] {strides = array<i32>} : memref<8192xi32, #tpu.memory_space<vmem>>, vector<16xi32>,
        tpu.vector_store %arg10[%swap3A_408], %bitcast3A_405 {strides = array<i32>} : memref<8192xi32, #tpu.memory_space<vmem>>, vector<16xi32>,
        %pack3A_410 = tpu.pack_subelements %add3A_387, %add3A_391 {pack_format = #tpu.pack_format<interleaved>, positions = array<i32: 0, 1>} : vector<16xi32>, vector<16xi32> -> vector<32xi16>
        %bitcast3A_411 = vector.bitcast %pack3A_410 : vector<32xi16> to vector<16xi32>
        %add3A_412 = arith.constant 48 : i32
        %add3A_413 = arith.addi %mul3A_393, %add3A_412 : i32
        %swap3A_414 = arith.index_cast %add3A_413 : i32 to index
        %swap3A_415 = tpu.vector_load %arg10[%swap3A_414] {strides = array<i32>} : memref<8192xi32, #tpu.memory_space<vmem>>, vector<16xi32>,
        tpu.vector_store %arg10[%swap3A_414], %bitcast3A_411 {strides = array<i32>} : memref<8192xi32, #tpu.memory_space<vmem>>, vector<16xi32>,
      }
      %while3A_129 = arith.constant 1 : i32
      scf.for %while3A_146 = %while3A_127 to %while3A_123 step %while3A_129  : i32 {
        %mul3A_147 = arith.constant 128 : i32
        %mul3A_148 = arith.muli %while3A_146, %mul3A_147 : i32
        %add3A_149 = arith.constant 0 : i32
        %add3A_150 = arith.addi %mul3A_148, %add3A_149 : i32
        %add3A_151 = arith.constant 16 : i32
        %add3A_152 = arith.addi %mul3A_148, %add3A_151 : i32
        %add3A_153 = arith.constant 32 : i32
        %add3A_154 = arith.addi %mul3A_148, %add3A_153 : i32
        %add3A_155 = arith.constant 48 : i32
        %add3A_156 = arith.addi %mul3A_148, %add3A_155 : i32
        %add3A_157 = arith.constant 64 : i32
        %add3A_158 = arith.addi %mul3A_148, %add3A_157 : i32
        %add3A_159 = arith.constant 80 : i32
        %add3A_160 = arith.addi %mul3A_148, %add3A_159 : i32
        %add3A_161 = arith.constant 96 : i32
        %add3A_162 = arith.addi %mul3A_148, %add3A_161 : i32
        %add3A_163 = arith.constant 112 : i32
        %add3A_164 = arith.addi %mul3A_148, %add3A_163 : i32
        %get3A = arith.index_cast %add3A_150 : i32 to index
        %get3A_165 = tpu.vector_load %arg8[%get3A] {strides = array<i32>} : memref<16384xf32, #tpu.memory_space<vmem>>, vector<16xf32>,
        %get3A_166 = arith.index_cast %add3A_152 : i32 to index
        %get3A_167 = tpu.vector_load %arg8[%get3A_166] {strides = array<i32>} : memref<16384xf32, #tpu.memory_space<vmem>>, vector<16xf32>,
        %get3A_168 = arith.index_cast %add3A_154 : i32 to index
        %get3A_169 = tpu.vector_load %arg8[%get3A_168] {strides = array<i32>} : memref<16384xf32, #tpu.memory_space<vmem>>, vector<16xf32>,
        %get3A_170 = arith.index_cast %add3A_156 : i32 to index
        %get3A_171 = tpu.vector_load %arg8[%get3A_170] {strides = array<i32>} : memref<16384xf32, #tpu.memory_space<vmem>>, vector<16xf32>,
        %get3A_172 = arith.index_cast %add3A_158 : i32 to index
        %get3A_173 = tpu.vector_load %arg8[%get3A_172] {strides = array<i32>} : memref<16384xf32, #tpu.memory_space<vmem>>, vector<16xf32>,
        %get3A_174 = arith.index_cast %add3A_160 : i32 to index
        %get3A_175 = tpu.vector_load %arg8[%get3A_174] {strides = array<i32>} : memref<16384xf32, #tpu.memory_space<vmem>>, vector<16xf32>,
        %get3A_176 = arith.index_cast %add3A_162 : i32 to index
        %get3A_177 = tpu.vector_load %arg8[%get3A_176] {strides = array<i32>} : memref<16384xf32, #tpu.memory_space<vmem>>, vector<16xf32>,
        %get3A_178 = arith.index_cast %add3A_164 : i32 to index
        %get3A_179 = tpu.vector_load %arg8[%get3A_178] {strides = array<i32>} : memref<16384xf32, #tpu.memory_space<vmem>>, vector<16xf32>,
        %mul3A_180 = arith.constant 6.400000e+01 : f32
        %mul3A_181 = vector.broadcast %mul3A_180 : f32 to vector<16xf32>
        %mul3A_182 = arith.mulf %get3A_165, %mul3A_181 : vector<16xf32>
        %add3A_183 = arith.constant 1.024000e+03 : f32
        %add3A_184 = vector.broadcast %add3A_183 : f32 to vector<16xf32>
        %add3A_185 = arith.addf %mul3A_182, %add3A_184 : vector<16xf32>
        %mul3A_186 = arith.constant 6.400000e+01 : f32
        %mul3A_187 = vector.broadcast %mul3A_186 : f32 to vector<16xf32>
        %mul3A_188 = arith.mulf %get3A_167, %mul3A_187 : vector<16xf32>
        %add3A_189 = arith.constant 1.024000e+03 : f32
        %add3A_190 = vector.broadcast %add3A_189 : f32 to vector<16xf32>
        %add3A_191 = arith.addf %mul3A_188, %add3A_190 : vector<16xf32>
        %mul3A_192 = arith.constant 6.400000e+01 : f32
        %mul3A_193 = vector.broadcast %mul3A_192 : f32 to vector<16xf32>
        %mul3A_194 = arith.mulf %get3A_169, %mul3A_193 : vector<16xf32>
        %add3A_195 = arith.constant 1.024000e+03 : f32
        %add3A_196 = vector.broadcast %add3A_195 : f32 to vector<16xf32>
        %add3A_197 = arith.addf %mul3A_194, %add3A_196 : vector<16xf32>
        %mul3A_198 = arith.constant 6.400000e+01 : f32
        %mul3A_199 = vector.broadcast %mul3A_198 : f32 to vector<16xf32>
        %mul3A_200 = arith.mulf %get3A_171, %mul3A_199 : vector<16xf32>
        %add3A_201 = arith.constant 1.024000e+03 : f32
        %add3A_202 = vector.broadcast %add3A_201 : f32 to vector<16xf32>
        %add3A_203 = arith.addf %mul3A_200, %add3A_202 : vector<16xf32>
        %mul3A_204 = arith.constant 6.400000e+01 : f32
        %mul3A_205 = vector.broadcast %mul3A_204 : f32 to vector<16xf32>
        %mul3A_206 = arith.mulf %get3A_173, %mul3A_205 : vector<16xf32>
        %add3A_207 = arith.constant 1.024000e+03 : f32
        %add3A_208 = vector.broadcast %add3A_207 : f32 to vector<16xf32>
        %add3A_209 = arith.addf %mul3A_206, %add3A_208 : vector<16xf32>
        %mul3A_210 = arith.constant 6.400000e+01 : f32
        %mul3A_211 = vector.broadcast %mul3A_210 : f32 to vector<16xf32>
        %mul3A_212 = arith.mulf %get3A_175, %mul3A_211 : vector<16xf32>
        %add3A_213 = arith.constant 1.024000e+03 : f32
        %add3A_214 = vector.broadcast %add3A_213 : f32 to vector<16xf32>
        %add3A_215 = arith.addf %mul3A_212, %add3A_214 : vector<16xf32>
        %mul3A_216 = arith.constant 6.400000e+01 : f32
        %mul3A_217 = vector.broadcast %mul3A_216 : f32 to vector<16xf32>
        %mul3A_218 = arith.mulf %get3A_177, %mul3A_217 : vector<16xf32>
        %add3A_219 = arith.constant 1.024000e+03 : f32
        %add3A_220 = vector.broadcast %add3A_219 : f32 to vector<16xf32>
        %add3A_221 = arith.addf %mul3A_218, %add3A_220 : vector<16xf32>
        %mul3A_222 = arith.constant 6.400000e+01 : f32
        %mul3A_223 = vector.broadcast %mul3A_222 : f32 to vector<16xf32>
        %mul3A_224 = arith.mulf %get3A_179, %mul3A_223 : vector<16xf32>
        %add3A_225 = arith.constant 1.024000e+03 : f32
        %add3A_226 = vector.broadcast %add3A_225 : f32 to vector<16xf32>
        %add3A_227 = arith.addf %mul3A_224, %add3A_226 : vector<16xf32>
        %max3A = arith.constant 0.000000e+00 : f32
        %max3A_228 = vector.broadcast %max3A : f32 to vector<16xf32>
        %max3A_229 = arith.maximumf %add3A_185, %max3A_228 : vector<16xf32>
        %min3A = arith.constant 2047.99597 : f32
        %min3A_230 = vector.broadcast %min3A : f32 to vector<16xf32>
        %min3A_231 = arith.minimumf %max3A_229, %min3A_230 : vector<16xf32>
        %max3A_232 = arith.constant 0.000000e+00 : f32
        %max3A_233 = vector.broadcast %max3A_232 : f32 to vector<16xf32>
        %max3A_234 = arith.maximumf %add3A_191, %max3A_233 : vector<16xf32>
        %min3A_235 = arith.constant 2047.99597 : f32
        %min3A_236 = vector.broadcast %min3A_235 : f32 to vector<16xf32>
        %min3A_237 = arith.minimumf %max3A_234, %min3A_236 : vector<16xf32>
        %max3A_238 = arith.constant 0.000000e+00 : f32
        %max3A_239 = vector.broadcast %max3A_238 : f32 to vector<16xf32>
        %max3A_240 = arith.maximumf %add3A_197, %max3A_239 : vector<16xf32>
        %min3A_241 = arith.constant 2047.99597 : f32
        %min3A_242 = vector.broadcast %min3A_241 : f32 to vector<16xf32>
        %min3A_243 = arith.minimumf %max3A_240, %min3A_242 : vector<16xf32>
        %max3A_244 = arith.constant 0.000000e+00 : f32
        %max3A_245 = vector.broadcast %max3A_244 : f32 to vector<16xf32>
        %max3A_246 = arith.maximumf %add3A_203, %max3A_245 : vector<16xf32>
        %min3A_247 = arith.constant 2047.99597 : f32
        %min3A_248 = vector.broadcast %min3A_247 : f32 to vector<16xf32>
        %min3A_249 = arith.minimumf %max3A_246, %min3A_248 : vector<16xf32>
        %max3A_250 = arith.constant 0.000000e+00 : f32
        %max3A_251 = vector.broadcast %max3A_250 : f32 to vector<16xf32>
        %max3A_252 = arith.maximumf %add3A_209, %max3A_251 : vector<16xf32>
        %min3A_253 = arith.constant 2047.99597 : f32
        %min3A_254 = vector.broadcast %min3A_253 : f32 to vector<16xf32>
        %min3A_255 = arith.minimumf %max3A_252, %min3A_254 : vector<16xf32>
        %max3A_256 = arith.constant 0.000000e+00 : f32
        %max3A_257 = vector.broadcast %max3A_256 : f32 to vector<16xf32>
        %max3A_258 = arith.maximumf %add3A_215, %max3A_257 : vector<16xf32>
        %min3A_259 = arith.constant 2047.99597 : f32
        %min3A_260 = vector.broadcast %min3A_259 : f32 to vector<16xf32>
        %min3A_261 = arith.minimumf %max3A_258, %min3A_260 : vector<16xf32>
        %max3A_262 = arith.constant 0.000000e+00 : f32
        %max3A_263 = vector.broadcast %max3A_262 : f32 to vector<16xf32>
        %max3A_264 = arith.maximumf %add3A_221, %max3A_263 : vector<16xf32>
        %min3A_265 = arith.constant 2047.99597 : f32
        %min3A_266 = vector.broadcast %min3A_265 : f32 to vector<16xf32>
        %min3A_267 = arith.minimumf %max3A_264, %min3A_266 : vector<16xf32>
        %max3A_268 = arith.constant 0.000000e+00 : f32
        %max3A_269 = vector.broadcast %max3A_268 : f32 to vector<16xf32>
        %max3A_270 = arith.maximumf %add3A_227, %max3A_269 : vector<16xf32>
        %min3A_271 = arith.constant 2047.99597 : f32
        %min3A_272 = vector.broadcast %min3A_271 : f32 to vector<16xf32>
        %min3A_273 = arith.minimumf %max3A_270, %min3A_272 : vector<16xf32>
        %convert_element_type3A_274 = arith.fptosi %min3A_231 : vector<16xf32> to vector<16xi32>
        %convert_element_type3A_275 = arith.fptosi %min3A_237 : vector<16xf32> to vector<16xi32>
        %convert_element_type3A_276 = arith.fptosi %min3A_243 : vector<16xf32> to vector<16xi32>
        %convert_element_type3A_277 = arith.fptosi %min3A_249 : vector<16xf32> to vector<16xi32>
        %convert_element_type3A_278 = arith.fptosi %min3A_255 : vector<16xf32> to vector<16xi32>
        %convert_element_type3A_279 = arith.fptosi %min3A_261 : vector<16xf32> to vector<16xi32>
        %convert_element_type3A_280 = arith.fptosi %min3A_267 : vector<16xf32> to vector<16xi32>
        %convert_element_type3A_281 = arith.fptosi %min3A_273 : vector<16xf32> to vector<16xi32>
        %convert_element_type3A_282 = arith.sitofp %convert_element_type3A_274 : vector<16xi32> to vector<16xf32>
        %sub3A = arith.subf %min3A_231, %convert_element_type3A_282 : vector<16xf32>
        %convert_element_type3A_283 = arith.sitofp %convert_element_type3A_275 : vector<16xi32> to vector<16xf32>
        %sub3A_284 = arith.subf %min3A_237, %convert_element_type3A_283 : vector<16xf32>
        %convert_element_type3A_285 = arith.sitofp %convert_element_type3A_276 : vector<16xi32> to vector<16xf32>
        %sub3A_286 = arith.subf %min3A_243, %convert_element_type3A_285 : vector<16xf32>
        %convert_element_type3A_287 = arith.sitofp %convert_element_type3A_277 : vector<16xi32> to vector<16xf32>
        %sub3A_288 = arith.subf %min3A_249, %convert_element_type3A_287 : vector<16xf32>
        %convert_element_type3A_289 = arith.sitofp %convert_element_type3A_278 : vector<16xi32> to vector<16xf32>
        %sub3A_290 = arith.subf %min3A_255, %convert_element_type3A_289 : vector<16xf32>
        %convert_element_type3A_291 = arith.sitofp %convert_element_type3A_279 : vector<16xi32> to vector<16xf32>
        %sub3A_292 = arith.subf %min3A_261, %convert_element_type3A_291 : vector<16xf32>
        %convert_element_type3A_293 = arith.sitofp %convert_element_type3A_280 : vector<16xi32> to vector<16xf32>
        %sub3A_294 = arith.subf %min3A_267, %convert_element_type3A_293 : vector<16xf32>
        %convert_element_type3A_295 = arith.sitofp %convert_element_type3A_281 : vector<16xi32> to vector<16xf32>
        %sub3A_296 = arith.subf %min3A_273, %convert_element_type3A_295 : vector<16xf32>
        %gather3A = tpu.vector_load_idx %arg11[%convert_element_type3A_274] : memref<2048xf32, #tpu.memory_space<vmem>>[vector<16xi32>], vector<16xf32>,
        %gather3A_297 = tpu.vector_load_idx %arg11[%convert_element_type3A_275] : memref<2048xf32, #tpu.memory_space<vmem>>[vector<16xi32>], vector<16xf32>,
        %gather3A_298 = tpu.vector_load_idx %arg11[%convert_element_type3A_276] : memref<2048xf32, #tpu.memory_space<vmem>>[vector<16xi32>], vector<16xf32>,
        %gather3A_299 = tpu.vector_load_idx %arg11[%convert_element_type3A_277] : memref<2048xf32, #tpu.memory_space<vmem>>[vector<16xi32>], vector<16xf32>,
        %gather3A_300 = tpu.vector_load_idx %arg11[%convert_element_type3A_278] : memref<2048xf32, #tpu.memory_space<vmem>>[vector<16xi32>], vector<16xf32>,
        %gather3A_301 = tpu.vector_load_idx %arg11[%convert_element_type3A_279] : memref<2048xf32, #tpu.memory_space<vmem>>[vector<16xi32>], vector<16xf32>,
        %gather3A_302 = tpu.vector_load_idx %arg11[%convert_element_type3A_280] : memref<2048xf32, #tpu.memory_space<vmem>>[vector<16xi32>], vector<16xf32>,
        %gather3A_303 = tpu.vector_load_idx %arg11[%convert_element_type3A_281] : memref<2048xf32, #tpu.memory_space<vmem>>[vector<16xi32>], vector<16xf32>,
        %gather3A_304 = tpu.vector_load_idx %arg12[%convert_element_type3A_274] : memref<2048xf32, #tpu.memory_space<vmem>>[vector<16xi32>], vector<16xf32>,
        %gather3A_305 = tpu.vector_load_idx %arg12[%convert_element_type3A_275] : memref<2048xf32, #tpu.memory_space<vmem>>[vector<16xi32>], vector<16xf32>,
        %gather3A_306 = tpu.vector_load_idx %arg12[%convert_element_type3A_276] : memref<2048xf32, #tpu.memory_space<vmem>>[vector<16xi32>], vector<16xf32>,
        %gather3A_307 = tpu.vector_load_idx %arg12[%convert_element_type3A_277] : memref<2048xf32, #tpu.memory_space<vmem>>[vector<16xi32>], vector<16xf32>,
        %gather3A_308 = tpu.vector_load_idx %arg12[%convert_element_type3A_278] : memref<2048xf32, #tpu.memory_space<vmem>>[vector<16xi32>], vector<16xf32>,
        %gather3A_309 = tpu.vector_load_idx %arg12[%convert_element_type3A_279] : memref<2048xf32, #tpu.memory_space<vmem>>[vector<16xi32>], vector<16xf32>,
        %gather3A_310 = tpu.vector_load_idx %arg12[%convert_element_type3A_280] : memref<2048xf32, #tpu.memory_space<vmem>>[vector<16xi32>], vector<16xf32>,
        %gather3A_311 = tpu.vector_load_idx %arg12[%convert_element_type3A_281] : memref<2048xf32, #tpu.memory_space<vmem>>[vector<16xi32>], vector<16xf32>,
        %mul3A_312 = arith.mulf %sub3A, %gather3A_304 : vector<16xf32>
        %add3A_313 = arith.addf %gather3A, %mul3A_312 : vector<16xf32>
        %mul3A_314 = arith.mulf %sub3A_284, %gather3A_305 : vector<16xf32>
        %add3A_315 = arith.addf %gather3A_297, %mul3A_314 : vector<16xf32>
        %mul3A_316 = arith.mulf %sub3A_286, %gather3A_306 : vector<16xf32>
        %add3A_317 = arith.addf %gather3A_298, %mul3A_316 : vector<16xf32>
        %mul3A_318 = arith.mulf %sub3A_288, %gather3A_307 : vector<16xf32>
        %add3A_319 = arith.addf %gather3A_299, %mul3A_318 : vector<16xf32>
        %mul3A_320 = arith.mulf %sub3A_290, %gather3A_308 : vector<16xf32>
        %add3A_321 = arith.addf %gather3A_300, %mul3A_320 : vector<16xf32>
        %mul3A_322 = arith.mulf %sub3A_292, %gather3A_309 : vector<16xf32>
        %add3A_323 = arith.addf %gather3A_301, %mul3A_322 : vector<16xf32>
        %mul3A_324 = arith.mulf %sub3A_294, %gather3A_310 : vector<16xf32>
        %add3A_325 = arith.addf %gather3A_302, %mul3A_324 : vector<16xf32>
        %mul3A_326 = arith.mulf %sub3A_296, %gather3A_311 : vector<16xf32>
        %add3A_327 = arith.addf %gather3A_303, %mul3A_326 : vector<16xf32>
        %mul3A_328 = arith.constant 1.000000e+01 : f32
        %mul3A_329 = vector.broadcast %mul3A_328 : f32 to vector<16xf32>
        %mul3A_330 = arith.mulf %add3A_313, %mul3A_329 : vector<16xf32>
        %convert_element_type3A_331 = arith.fptosi %mul3A_330 : vector<16xf32> to vector<16xi32>
        %mul3A_332 = arith.constant 1.000000e+01 : f32
        %mul3A_333 = vector.broadcast %mul3A_332 : f32 to vector<16xf32>
        %mul3A_334 = arith.mulf %add3A_315, %mul3A_333 : vector<16xf32>
        %convert_element_type3A_335 = arith.fptosi %mul3A_334 : vector<16xf32> to vector<16xi32>
        %mul3A_336 = arith.constant 1.000000e+01 : f32
        %mul3A_337 = vector.broadcast %mul3A_336 : f32 to vector<16xf32>
        %mul3A_338 = arith.mulf %add3A_317, %mul3A_337 : vector<16xf32>
        %convert_element_type3A_339 = arith.fptosi %mul3A_338 : vector<16xf32> to vector<16xi32>
        %mul3A_340 = arith.constant 1.000000e+01 : f32
        %mul3A_341 = vector.broadcast %mul3A_340 : f32 to vector<16xf32>
        %mul3A_342 = arith.mulf %add3A_319, %mul3A_341 : vector<16xf32>
        %convert_element_type3A_343 = arith.fptosi %mul3A_342 : vector<16xf32> to vector<16xi32>
        %mul3A_344 = arith.constant 1.000000e+01 : f32
        %mul3A_345 = vector.broadcast %mul3A_344 : f32 to vector<16xf32>
        %mul3A_346 = arith.mulf %add3A_321, %mul3A_345 : vector<16xf32>
        %convert_element_type3A_347 = arith.fptosi %mul3A_346 : vector<16xf32> to vector<16xi32>
        %mul3A_348 = arith.constant 1.000000e+01 : f32
        %mul3A_349 = vector.broadcast %mul3A_348 : f32 to vector<16xf32>
        %mul3A_350 = arith.mulf %add3A_323, %mul3A_349 : vector<16xf32>
        %convert_element_type3A_351 = arith.fptosi %mul3A_350 : vector<16xf32> to vector<16xi32>
        %mul3A_352 = arith.constant 1.000000e+01 : f32
        %mul3A_353 = vector.broadcast %mul3A_352 : f32 to vector<16xf32>
        %mul3A_354 = arith.mulf %add3A_325, %mul3A_353 : vector<16xf32>
        %convert_element_type3A_355 = arith.fptosi %mul3A_354 : vector<16xf32> to vector<16xi32>
        %mul3A_356 = arith.constant 1.000000e+01 : f32
        %mul3A_357 = vector.broadcast %mul3A_356 : f32 to vector<16xf32>
        %mul3A_358 = arith.mulf %add3A_327, %mul3A_357 : vector<16xf32>
        %convert_element_type3A_359 = arith.fptosi %mul3A_358 : vector<16xf32> to vector<16xi32>
        %mul3A_360 = arith.constant 16 : i32
        %mul3A_361 = vector.broadcast %mul3A_360 : i32 to vector<16xi32>
        %mul3A_362 = arith.muli %convert_element_type3A_331, %mul3A_361 : vector<16xi32>
        %add3A_363 = arith.addi %mul3A_362, %iota3A : vector<16xi32>
        %mul3A_364 = arith.constant 16 : i32
        %mul3A_365 = vector.broadcast %mul3A_364 : i32 to vector<16xi32>
        %mul3A_366 = arith.muli %convert_element_type3A_335, %mul3A_365 : vector<16xi32>
        %add3A_367 = arith.addi %mul3A_366, %iota3A : vector<16xi32>
        %mul3A_368 = arith.constant 16 : i32
        %mul3A_369 = vector.broadcast %mul3A_368 : i32 to vector<16xi32>
        %mul3A_370 = arith.muli %convert_element_type3A_339, %mul3A_369 : vector<16xi32>
        %add3A_371 = arith.addi %mul3A_370, %iota3A : vector<16xi32>
        %mul3A_372 = arith.constant 16 : i32
        %mul3A_373 = vector.broadcast %mul3A_372 : i32 to vector<16xi32>
        %mul3A_374 = arith.muli %convert_element_type3A_343, %mul3A_373 : vector<16xi32>
        %add3A_375 = arith.addi %mul3A_374, %iota3A : vector<16xi32>
        %mul3A_376 = arith.constant 16 : i32
        %mul3A_377 = vector.broadcast %mul3A_376 : i32 to vector<16xi32>
        %mul3A_378 = arith.muli %convert_element_type3A_347, %mul3A_377 : vector<16xi32>
        %add3A_379 = arith.addi %mul3A_378, %iota3A : vector<16xi32>
        %mul3A_380 = arith.constant 16 : i32
        %mul3A_381 = vector.broadcast %mul3A_380 : i32 to vector<16xi32>
        %mul3A_382 = arith.muli %convert_element_type3A_351, %mul3A_381 : vector<16xi32>
        %add3A_383 = arith.addi %mul3A_382, %iota3A : vector<16xi32>
        %mul3A_384 = arith.constant 16 : i32
        %mul3A_385 = vector.broadcast %mul3A_384 : i32 to vector<16xi32>
        %mul3A_386 = arith.muli %convert_element_type3A_355, %mul3A_385 : vector<16xi32>
        %add3A_387 = arith.addi %mul3A_386, %iota3A : vector<16xi32>
        %mul3A_388 = arith.constant 16 : i32
        %mul3A_389 = vector.broadcast %mul3A_388 : i32 to vector<16xi32>
        %mul3A_390 = arith.muli %convert_element_type3A_359, %mul3A_389 : vector<16xi32>
        %add3A_391 = arith.addi %mul3A_390, %iota3A : vector<16xi32>
        tpu.vector_store_idx %arg13[%add3A_363], %broadcast_in_dim3A_55 {add = true} : memref<160xf32, #tpu.memory_space<vmem>>[vector<16xi32>], vector<16xf32>,
        tpu.vector_store_idx %arg14[%add3A_363], %add3A_313 {add = true} : memref<160xf32, #tpu.memory_space<vmem>>[vector<16xi32>], vector<16xf32>,
        tpu.vector_store_idx %arg13[%add3A_367], %broadcast_in_dim3A_55 {add = true} : memref<160xf32, #tpu.memory_space<vmem>>[vector<16xi32>], vector<16xf32>,
        tpu.vector_store_idx %arg14[%add3A_367], %add3A_315 {add = true} : memref<160xf32, #tpu.memory_space<vmem>>[vector<16xi32>], vector<16xf32>,
        tpu.vector_store_idx %arg13[%add3A_371], %broadcast_in_dim3A_55 {add = true} : memref<160xf32, #tpu.memory_space<vmem>>[vector<16xi32>], vector<16xf32>,
        tpu.vector_store_idx %arg14[%add3A_371], %add3A_317 {add = true} : memref<160xf32, #tpu.memory_space<vmem>>[vector<16xi32>], vector<16xf32>,
        tpu.vector_store_idx %arg13[%add3A_375], %broadcast_in_dim3A_55 {add = true} : memref<160xf32, #tpu.memory_space<vmem>>[vector<16xi32>], vector<16xf32>,
        tpu.vector_store_idx %arg14[%add3A_375], %add3A_319 {add = true} : memref<160xf32, #tpu.memory_space<vmem>>[vector<16xi32>], vector<16xf32>,
        tpu.vector_store_idx %arg13[%add3A_379], %broadcast_in_dim3A_55 {add = true} : memref<160xf32, #tpu.memory_space<vmem>>[vector<16xi32>], vector<16xf32>,
        tpu.vector_store_idx %arg14[%add3A_379], %add3A_321 {add = true} : memref<160xf32, #tpu.memory_space<vmem>>[vector<16xi32>], vector<16xf32>,
        tpu.vector_store_idx %arg13[%add3A_383], %broadcast_in_dim3A_55 {add = true} : memref<160xf32, #tpu.memory_space<vmem>>[vector<16xi32>], vector<16xf32>,
        tpu.vector_store_idx %arg14[%add3A_383], %add3A_323 {add = true} : memref<160xf32, #tpu.memory_space<vmem>>[vector<16xi32>], vector<16xf32>,
        tpu.vector_store_idx %arg13[%add3A_387], %broadcast_in_dim3A_55 {add = true} : memref<160xf32, #tpu.memory_space<vmem>>[vector<16xi32>], vector<16xf32>,
        tpu.vector_store_idx %arg14[%add3A_387], %add3A_325 {add = true} : memref<160xf32, #tpu.memory_space<vmem>>[vector<16xi32>], vector<16xf32>,
        tpu.vector_store_idx %arg13[%add3A_391], %broadcast_in_dim3A_55 {add = true} : memref<160xf32, #tpu.memory_space<vmem>>[vector<16xi32>], vector<16xf32>,
        tpu.vector_store_idx %arg14[%add3A_391], %add3A_327 {add = true} : memref<160xf32, #tpu.memory_space<vmem>>[vector<16xi32>], vector<16xf32>,
        %mul3A_392 = arith.constant 64 : i32
        %mul3A_393 = arith.muli %while3A_146, %mul3A_392 : i32
        %pack3A = tpu.pack_subelements %add3A_363, %add3A_367 {pack_format = #tpu.pack_format<interleaved>, positions = array<i32: 0, 1>} : vector<16xi32>, vector<16xi32> -> vector<32xi16>
        %bitcast3A = vector.bitcast %pack3A : vector<32xi16> to vector<16xi32>
        %add3A_394 = arith.constant 0 : i32
        %add3A_395 = arith.addi %mul3A_393, %add3A_394 : i32
        %swap3A_396 = arith.index_cast %add3A_395 : i32 to index
        %swap3A_397 = tpu.vector_load %arg10[%swap3A_396] {strides = array<i32>} : memref<8192xi32, #tpu.memory_space<vmem>>, vector<16xi32>,
        tpu.vector_store %arg10[%swap3A_396], %bitcast3A {strides = array<i32>} : memref<8192xi32, #tpu.memory_space<vmem>>, vector<16xi32>,
        %pack3A_398 = tpu.pack_subelements %add3A_371, %add3A_375 {pack_format = #tpu.pack_format<interleaved>, positions = array<i32: 0, 1>} : vector<16xi32>, vector<16xi32> -> vector<32xi16>
        %bitcast3A_399 = vector.bitcast %pack3A_398 : vector<32xi16> to vector<16xi32>
        %add3A_400 = arith.constant 16 : i32
        %add3A_401 = arith.addi %mul3A_393, %add3A_400 : i32
        %swap3A_402 = arith.index_cast %add3A_401 : i32 to index
        %swap3A_403 = tpu.vector_load %arg10[%swap3A_402] {strides = array<i32>} : memref<8192xi32, #tpu.memory_space<vmem>>, vector<16xi32>,
        tpu.vector_store %arg10[%swap3A_402], %bitcast3A_399 {strides = array<i32>} : memref<8192xi32, #tpu.memory_space<vmem>>, vector<16xi32>,
        %pack3A_404 = tpu.pack_subelements %add3A_379, %add3A_383 {pack_format = #tpu.pack_format<interleaved>, positions = array<i32: 0, 1>} : vector<16xi32>, vector<16xi32> -> vector<32xi16>
        %bitcast3A_405 = vector.bitcast %pack3A_404 : vector<32xi16> to vector<16xi32>
        %add3A_406 = arith.constant 32 : i32
        %add3A_407 = arith.addi %mul3A_393, %add3A_406 : i32
        %swap3A_408 = arith.index_cast %add3A_407 : i32 to index
        %swap3A_409 = tpu.vector_load %arg10[%swap3A_408] {strides = array<i32>} : memref<8192xi32, #tpu.memory_space<vmem>>, vector<16xi32>,
        tpu.vector_store %arg10[%swap3A_408], %bitcast3A_405 {strides = array<i32>} : memref<8192xi32, #tpu.memory_space<vmem>>, vector<16xi32>,
        %pack3A_410 = tpu.pack_subelements %add3A_387, %add3A_391 {pack_format = #tpu.pack_format<interleaved>, positions = array<i32: 0, 1>} : vector<16xi32>, vector<16xi32> -> vector<32xi16>
        %bitcast3A_411 = vector.bitcast %pack3A_410 : vector<32xi16> to vector<16xi32>
        %add3A_412 = arith.constant 48 : i32
        %add3A_413 = arith.addi %mul3A_393, %add3A_412 : i32
        %swap3A_414 = arith.index_cast %add3A_413 : i32 to index
        %swap3A_415 = tpu.vector_load %arg10[%swap3A_414] {strides = array<i32>} : memref<8192xi32, #tpu.memory_space<vmem>>, vector<16xi32>,
        tpu.vector_store %arg10[%swap3A_414], %bitcast3A_411 {strides = array<i32>} : memref<8192xi32, #tpu.memory_space<vmem>>, vector<16xi32>,
      }
      %add3A_130 = arith.constant 1 : i32
      %add3A_131 = arith.addi %mul3A_79, %add3A_130 : i32
      %mul3A_132 = arith.constant 262144 : i32
      %mul3A_133 = arith.muli %add3A, %mul3A_132 : i32
      %mul3A_134 = arith.constant 8192 : i32
      %mul3A_135 = arith.muli %add3A_131, %mul3A_134 : i32
      %add3A_136 = arith.addi %mul3A_133, %mul3A_135 : i32
      %dma_start3A_137 = tpu.memref_slice %arg6[%add3A_136] : memref<8388608xi32, #tpu.memory_space<hbm>> -> memref<8192xi32, #tpu.memory_space<hbm>>
      %dma_start3A_138 = tpu.memref_slice %arg6[%add3A_136] : memref<8388608xi32, #tpu.memory_space<hbm>> -> memref<8192xi32, #tpu.memory_space<hbm>>
      tpu.enqueue_dma source(%arg10 : memref<8192xi32, #tpu.memory_space<vmem>>) target(%dma_start3A_138 : memref<8192xi32, #tpu.memory_space<hbm>>) target_semaphore(%arg18 : memref<!tpu.dma_semaphore, #tpu.memory_space<semaphore_mem>>)
      %add3A_139 = arith.constant 3 : i32
      %add3A_140 = arith.addi %mul3A_79, %add3A_139 : i32
      %lt3A_141 = arith.constant 32 : i32
      %lt3A_142 = arith.cmpi slt, %add3A_140, %lt3A_141 : i32
      %convert_element_type3A_143 = arith.extui %lt3A_142 : i1 to i32
      %cond3A_144 = arith.constant 0 : i32
      %cond3A_145 = arith.cmpi ne, %convert_element_type3A_143, %cond3A_144 : i32
      scf.if %cond3A_145 {
        %add3A_146 = arith.constant 3 : i32
        %add3A_147 = arith.addi %mul3A_79, %add3A_146 : i32
        %mul3A_148 = arith.constant 16384 : i32
        %mul3A_149 = arith.muli %add3A_147, %mul3A_148 : i32
        %add3A_150 = arith.addi %mul3A_2, %mul3A_149 : i32
        %dma_start3A_151 = tpu.memref_slice %arg2[%add3A_150] : memref<16777216xf32, #tpu.memory_space<hbm>> -> memref<16384xf32, #tpu.memory_space<hbm>>
        %dma_start3A_152 = tpu.memref_slice %arg2[%add3A_150] : memref<16777216xf32, #tpu.memory_space<hbm>> -> memref<16384xf32, #tpu.memory_space<hbm>>
        tpu.enqueue_dma source(%dma_start3A_152 : memref<16384xf32, #tpu.memory_space<hbm>>) target(%arg8 : memref<16384xf32, #tpu.memory_space<vmem>>) target_semaphore(%arg16 : memref<!tpu.dma_semaphore, #tpu.memory_space<semaphore_mem>>)
      } else {
      }
    }
    %while3A_65 = arith.constant 1 : i32
    scf.for %while3A_77 = %while3A_63 to %while3A_59 step %while3A_65  : i32 {
      %mul3A_78 = arith.constant 2 : i32
      %mul3A_79 = arith.muli %while3A_77, %mul3A_78 : i32
      %dma_wait3A_80 = arith.constant 0 : i32
      %dma_wait3A_81 = tpu.memref_slice %arg2[%dma_wait3A_80] : memref<16777216xf32, #tpu.memory_space<hbm>> -> memref<16384xf32, #tpu.memory_space<hbm>>
      %dma_wait3A_82 = arith.constant 0 : i32
      %dma_wait3A_83 = tpu.memref_slice %arg2[%dma_wait3A_82] : memref<16777216xf32, #tpu.memory_space<hbm>> -> memref<16384xf32, #tpu.memory_space<hbm>>
      tpu.wait_dma2 semaphore(%arg15 : memref<!tpu.dma_semaphore, #tpu.memory_space<semaphore_mem>>) src(%dma_wait3A_83 : memref<16384xf32, #tpu.memory_space<hbm>>) dst(%arg7 : memref<16384xf32, #tpu.memory_space<vmem>>)
      %ge3A = arith.constant 2 : i32
      %ge3A_84 = arith.cmpi sge, %mul3A_79, %ge3A : i32
      %convert_element_type3A = arith.extui %ge3A_84 : i1 to i32
      %cond3A = arith.constant 0 : i32
      %cond3A_85 = arith.cmpi ne, %convert_element_type3A, %cond3A : i32
      scf.if %cond3A_85 {
        %dma_wait3A_146 = arith.constant 0 : i32
        %dma_wait3A_147 = tpu.memref_slice %arg6[%dma_wait3A_146] : memref<8388608xi32, #tpu.memory_space<hbm>> -> memref<8192xi32, #tpu.memory_space<hbm>>
        %dma_wait3A_148 = arith.constant 0 : i32
        %dma_wait3A_149 = tpu.memref_slice %arg6[%dma_wait3A_148] : memref<8388608xi32, #tpu.memory_space<hbm>> -> memref<8192xi32, #tpu.memory_space<hbm>>
        tpu.wait_dma2 semaphore(%arg17 : memref<!tpu.dma_semaphore, #tpu.memory_space<semaphore_mem>>) src(%arg9 : memref<8192xi32, #tpu.memory_space<vmem>>) dst(%dma_wait3A_149 : memref<8192xi32, #tpu.memory_space<hbm>>)
      } else {
      }
      %while3A_86 = arith.constant 0 : i32
      %while3A_87 = arith.constant 0 : i32
      %while3A_88 = arith.constant 128 : i32
      %while3A_89 = arith.subi %while3A_88, %while3A_87 : i32
      %while3A_90 = arith.addi %while3A_87, %while3A_89 : i32
      %while3A_91 = arith.constant 1 : i32
      %while3A_92 = arith.divsi %while3A_89, %while3A_91 : i32
      %while3A_93 = arith.muli %while3A_92, %while3A_91 : i32
      %while3A_94 = arith.addi %while3A_87, %while3A_93 : i32
      %while3A_95 = arith.constant 1 : i32
      scf.for %while3A_146 = %while3A_87 to %while3A_94 step %while3A_95  : i32 {
        %mul3A_147 = arith.constant 128 : i32
        %mul3A_148 = arith.muli %while3A_146, %mul3A_147 : i32
        %add3A_149 = arith.constant 0 : i32
        %add3A_150 = arith.addi %mul3A_148, %add3A_149 : i32
        %add3A_151 = arith.constant 16 : i32
        %add3A_152 = arith.addi %mul3A_148, %add3A_151 : i32
        %add3A_153 = arith.constant 32 : i32
        %add3A_154 = arith.addi %mul3A_148, %add3A_153 : i32
        %add3A_155 = arith.constant 48 : i32
        %add3A_156 = arith.addi %mul3A_148, %add3A_155 : i32
        %add3A_157 = arith.constant 64 : i32
        %add3A_158 = arith.addi %mul3A_148, %add3A_157 : i32
        %add3A_159 = arith.constant 80 : i32
        %add3A_160 = arith.addi %mul3A_148, %add3A_159 : i32
        %add3A_161 = arith.constant 96 : i32
        %add3A_162 = arith.addi %mul3A_148, %add3A_161 : i32
        %add3A_163 = arith.constant 112 : i32
        %add3A_164 = arith.addi %mul3A_148, %add3A_163 : i32
        %get3A = arith.index_cast %add3A_150 : i32 to index
        %get3A_165 = tpu.vector_load %arg7[%get3A] {strides = array<i32>} : memref<16384xf32, #tpu.memory_space<vmem>>, vector<16xf32>,
        %get3A_166 = arith.index_cast %add3A_152 : i32 to index
        %get3A_167 = tpu.vector_load %arg7[%get3A_166] {strides = array<i32>} : memref<16384xf32, #tpu.memory_space<vmem>>, vector<16xf32>,
        %get3A_168 = arith.index_cast %add3A_154 : i32 to index
        %get3A_169 = tpu.vector_load %arg7[%get3A_168] {strides = array<i32>} : memref<16384xf32, #tpu.memory_space<vmem>>, vector<16xf32>,
        %get3A_170 = arith.index_cast %add3A_156 : i32 to index
        %get3A_171 = tpu.vector_load %arg7[%get3A_170] {strides = array<i32>} : memref<16384xf32, #tpu.memory_space<vmem>>, vector<16xf32>,
        %get3A_172 = arith.index_cast %add3A_158 : i32 to index
        %get3A_173 = tpu.vector_load %arg7[%get3A_172] {strides = array<i32>} : memref<16384xf32, #tpu.memory_space<vmem>>, vector<16xf32>,
        %get3A_174 = arith.index_cast %add3A_160 : i32 to index
        %get3A_175 = tpu.vector_load %arg7[%get3A_174] {strides = array<i32>} : memref<16384xf32, #tpu.memory_space<vmem>>, vector<16xf32>,
        %get3A_176 = arith.index_cast %add3A_162 : i32 to index
        %get3A_177 = tpu.vector_load %arg7[%get3A_176] {strides = array<i32>} : memref<16384xf32, #tpu.memory_space<vmem>>, vector<16xf32>,
        %get3A_178 = arith.index_cast %add3A_164 : i32 to index
        %get3A_179 = tpu.vector_load %arg7[%get3A_178] {strides = array<i32>} : memref<16384xf32, #tpu.memory_space<vmem>>, vector<16xf32>,
        %mul3A_180 = arith.constant 6.400000e+01 : f32
        %mul3A_181 = vector.broadcast %mul3A_180 : f32 to vector<16xf32>
        %mul3A_182 = arith.mulf %get3A_165, %mul3A_181 : vector<16xf32>
        %add3A_183 = arith.constant 1.024000e+03 : f32
        %add3A_184 = vector.broadcast %add3A_183 : f32 to vector<16xf32>
        %add3A_185 = arith.addf %mul3A_182, %add3A_184 : vector<16xf32>
        %mul3A_186 = arith.constant 6.400000e+01 : f32
        %mul3A_187 = vector.broadcast %mul3A_186 : f32 to vector<16xf32>
        %mul3A_188 = arith.mulf %get3A_167, %mul3A_187 : vector<16xf32>
        %add3A_189 = arith.constant 1.024000e+03 : f32
        %add3A_190 = vector.broadcast %add3A_189 : f32 to vector<16xf32>
        %add3A_191 = arith.addf %mul3A_188, %add3A_190 : vector<16xf32>
        %mul3A_192 = arith.constant 6.400000e+01 : f32
        %mul3A_193 = vector.broadcast %mul3A_192 : f32 to vector<16xf32>
        %mul3A_194 = arith.mulf %get3A_169, %mul3A_193 : vector<16xf32>
        %add3A_195 = arith.constant 1.024000e+03 : f32
        %add3A_196 = vector.broadcast %add3A_195 : f32 to vector<16xf32>
        %add3A_197 = arith.addf %mul3A_194, %add3A_196 : vector<16xf32>
        %mul3A_198 = arith.constant 6.400000e+01 : f32
        %mul3A_199 = vector.broadcast %mul3A_198 : f32 to vector<16xf32>
        %mul3A_200 = arith.mulf %get3A_171, %mul3A_199 : vector<16xf32>
        %add3A_201 = arith.constant 1.024000e+03 : f32
        %add3A_202 = vector.broadcast %add3A_201 : f32 to vector<16xf32>
        %add3A_203 = arith.addf %mul3A_200, %add3A_202 : vector<16xf32>
        %mul3A_204 = arith.constant 6.400000e+01 : f32
        %mul3A_205 = vector.broadcast %mul3A_204 : f32 to vector<16xf32>
        %mul3A_206 = arith.mulf %get3A_173, %mul3A_205 : vector<16xf32>
        %add3A_207 = arith.constant 1.024000e+03 : f32
        %add3A_208 = vector.broadcast %add3A_207 : f32 to vector<16xf32>
        %add3A_209 = arith.addf %mul3A_206, %add3A_208 : vector<16xf32>
        %mul3A_210 = arith.constant 6.400000e+01 : f32
        %mul3A_211 = vector.broadcast %mul3A_210 : f32 to vector<16xf32>
        %mul3A_212 = arith.mulf %get3A_175, %mul3A_211 : vector<16xf32>
        %add3A_213 = arith.constant 1.024000e+03 : f32
        %add3A_214 = vector.broadcast %add3A_213 : f32 to vector<16xf32>
        %add3A_215 = arith.addf %mul3A_212, %add3A_214 : vector<16xf32>
        %mul3A_216 = arith.constant 6.400000e+01 : f32
        %mul3A_217 = vector.broadcast %mul3A_216 : f32 to vector<16xf32>
        %mul3A_218 = arith.mulf %get3A_177, %mul3A_217 : vector<16xf32>
        %add3A_219 = arith.constant 1.024000e+03 : f32
        %add3A_220 = vector.broadcast %add3A_219 : f32 to vector<16xf32>
        %add3A_221 = arith.addf %mul3A_218, %add3A_220 : vector<16xf32>
        %mul3A_222 = arith.constant 6.400000e+01 : f32
        %mul3A_223 = vector.broadcast %mul3A_222 : f32 to vector<16xf32>
        %mul3A_224 = arith.mulf %get3A_179, %mul3A_223 : vector<16xf32>
        %add3A_225 = arith.constant 1.024000e+03 : f32
        %add3A_226 = vector.broadcast %add3A_225 : f32 to vector<16xf32>
        %add3A_227 = arith.addf %mul3A_224, %add3A_226 : vector<16xf32>
        %max3A = arith.constant 0.000000e+00 : f32
        %max3A_228 = vector.broadcast %max3A : f32 to vector<16xf32>
        %max3A_229 = arith.maximumf %add3A_185, %max3A_228 : vector<16xf32>
        %min3A = arith.constant 2047.99597 : f32
        %min3A_230 = vector.broadcast %min3A : f32 to vector<16xf32>
        %min3A_231 = arith.minimumf %max3A_229, %min3A_230 : vector<16xf32>
        %max3A_232 = arith.constant 0.000000e+00 : f32
        %max3A_233 = vector.broadcast %max3A_232 : f32 to vector<16xf32>
        %max3A_234 = arith.maximumf %add3A_191, %max3A_233 : vector<16xf32>
        %min3A_235 = arith.constant 2047.99597 : f32
        %min3A_236 = vector.broadcast %min3A_235 : f32 to vector<16xf32>
        %min3A_237 = arith.minimumf %max3A_234, %min3A_236 : vector<16xf32>
        %max3A_238 = arith.constant 0.000000e+00 : f32
        %max3A_239 = vector.broadcast %max3A_238 : f32 to vector<16xf32>
        %max3A_240 = arith.maximumf %add3A_197, %max3A_239 : vector<16xf32>
        %min3A_241 = arith.constant 2047.99597 : f32
        %min3A_242 = vector.broadcast %min3A_241 : f32 to vector<16xf32>
        %min3A_243 = arith.minimumf %max3A_240, %min3A_242 : vector<16xf32>
        %max3A_244 = arith.constant 0.000000e+00 : f32
        %max3A_245 = vector.broadcast %max3A_244 : f32 to vector<16xf32>
        %max3A_246 = arith.maximumf %add3A_203, %max3A_245 : vector<16xf32>
        %min3A_247 = arith.constant 2047.99597 : f32
        %min3A_248 = vector.broadcast %min3A_247 : f32 to vector<16xf32>
        %min3A_249 = arith.minimumf %max3A_246, %min3A_248 : vector<16xf32>
        %max3A_250 = arith.constant 0.000000e+00 : f32
        %max3A_251 = vector.broadcast %max3A_250 : f32 to vector<16xf32>
        %max3A_252 = arith.maximumf %add3A_209, %max3A_251 : vector<16xf32>
        %min3A_253 = arith.constant 2047.99597 : f32
        %min3A_254 = vector.broadcast %min3A_253 : f32 to vector<16xf32>
        %min3A_255 = arith.minimumf %max3A_252, %min3A_254 : vector<16xf32>
        %max3A_256 = arith.constant 0.000000e+00 : f32
        %max3A_257 = vector.broadcast %max3A_256 : f32 to vector<16xf32>
        %max3A_258 = arith.maximumf %add3A_215, %max3A_257 : vector<16xf32>
        %min3A_259 = arith.constant 2047.99597 : f32
        %min3A_260 = vector.broadcast %min3A_259 : f32 to vector<16xf32>
        %min3A_261 = arith.minimumf %max3A_258, %min3A_260 : vector<16xf32>
        %max3A_262 = arith.constant 0.000000e+00 : f32
        %max3A_263 = vector.broadcast %max3A_262 : f32 to vector<16xf32>
        %max3A_264 = arith.maximumf %add3A_221, %max3A_263 : vector<16xf32>
        %min3A_265 = arith.constant 2047.99597 : f32
        %min3A_266 = vector.broadcast %min3A_265 : f32 to vector<16xf32>
        %min3A_267 = arith.minimumf %max3A_264, %min3A_266 : vector<16xf32>
        %max3A_268 = arith.constant 0.000000e+00 : f32
        %max3A_269 = vector.broadcast %max3A_268 : f32 to vector<16xf32>
        %max3A_270 = arith.maximumf %add3A_227, %max3A_269 : vector<16xf32>
        %min3A_271 = arith.constant 2047.99597 : f32
        %min3A_272 = vector.broadcast %min3A_271 : f32 to vector<16xf32>
        %min3A_273 = arith.minimumf %max3A_270, %min3A_272 : vector<16xf32>
        %convert_element_type3A_274 = arith.fptosi %min3A_231 : vector<16xf32> to vector<16xi32>
        %convert_element_type3A_275 = arith.fptosi %min3A_237 : vector<16xf32> to vector<16xi32>
        %convert_element_type3A_276 = arith.fptosi %min3A_243 : vector<16xf32> to vector<16xi32>
        %convert_element_type3A_277 = arith.fptosi %min3A_249 : vector<16xf32> to vector<16xi32>
        %convert_element_type3A_278 = arith.fptosi %min3A_255 : vector<16xf32> to vector<16xi32>
        %convert_element_type3A_279 = arith.fptosi %min3A_261 : vector<16xf32> to vector<16xi32>
        %convert_element_type3A_280 = arith.fptosi %min3A_267 : vector<16xf32> to vector<16xi32>
        %convert_element_type3A_281 = arith.fptosi %min3A_273 : vector<16xf32> to vector<16xi32>
        %convert_element_type3A_282 = arith.sitofp %convert_element_type3A_274 : vector<16xi32> to vector<16xf32>
        %sub3A = arith.subf %min3A_231, %convert_element_type3A_282 : vector<16xf32>
        %convert_element_type3A_283 = arith.sitofp %convert_element_type3A_275 : vector<16xi32> to vector<16xf32>
        %sub3A_284 = arith.subf %min3A_237, %convert_element_type3A_283 : vector<16xf32>
        %convert_element_type3A_285 = arith.sitofp %convert_element_type3A_276 : vector<16xi32> to vector<16xf32>
        %sub3A_286 = arith.subf %min3A_243, %convert_element_type3A_285 : vector<16xf32>
        %convert_element_type3A_287 = arith.sitofp %convert_element_type3A_277 : vector<16xi32> to vector<16xf32>
        %sub3A_288 = arith.subf %min3A_249, %convert_element_type3A_287 : vector<16xf32>
        %convert_element_type3A_289 = arith.sitofp %convert_element_type3A_278 : vector<16xi32> to vector<16xf32>
        %sub3A_290 = arith.subf %min3A_255, %convert_element_type3A_289 : vector<16xf32>
        %convert_element_type3A_291 = arith.sitofp %convert_element_type3A_279 : vector<16xi32> to vector<16xf32>
        %sub3A_292 = arith.subf %min3A_261, %convert_element_type3A_291 : vector<16xf32>
        %convert_element_type3A_293 = arith.sitofp %convert_element_type3A_280 : vector<16xi32> to vector<16xf32>
        %sub3A_294 = arith.subf %min3A_267, %convert_element_type3A_293 : vector<16xf32>
        %convert_element_type3A_295 = arith.sitofp %convert_element_type3A_281 : vector<16xi32> to vector<16xf32>
        %sub3A_296 = arith.subf %min3A_273, %convert_element_type3A_295 : vector<16xf32>
        %gather3A = tpu.vector_load_idx %arg11[%convert_element_type3A_274] : memref<2048xf32, #tpu.memory_space<vmem>>[vector<16xi32>], vector<16xf32>,
        %gather3A_297 = tpu.vector_load_idx %arg11[%convert_element_type3A_275] : memref<2048xf32, #tpu.memory_space<vmem>>[vector<16xi32>], vector<16xf32>,
        %gather3A_298 = tpu.vector_load_idx %arg11[%convert_element_type3A_276] : memref<2048xf32, #tpu.memory_space<vmem>>[vector<16xi32>], vector<16xf32>,
        %gather3A_299 = tpu.vector_load_idx %arg11[%convert_element_type3A_277] : memref<2048xf32, #tpu.memory_space<vmem>>[vector<16xi32>], vector<16xf32>,
        %gather3A_300 = tpu.vector_load_idx %arg11[%convert_element_type3A_278] : memref<2048xf32, #tpu.memory_space<vmem>>[vector<16xi32>], vector<16xf32>,
        %gather3A_301 = tpu.vector_load_idx %arg11[%convert_element_type3A_279] : memref<2048xf32, #tpu.memory_space<vmem>>[vector<16xi32>], vector<16xf32>,
        %gather3A_302 = tpu.vector_load_idx %arg11[%convert_element_type3A_280] : memref<2048xf32, #tpu.memory_space<vmem>>[vector<16xi32>], vector<16xf32>,
        %gather3A_303 = tpu.vector_load_idx %arg11[%convert_element_type3A_281] : memref<2048xf32, #tpu.memory_space<vmem>>[vector<16xi32>], vector<16xf32>,
        %gather3A_304 = tpu.vector_load_idx %arg12[%convert_element_type3A_274] : memref<2048xf32, #tpu.memory_space<vmem>>[vector<16xi32>], vector<16xf32>,
        %gather3A_305 = tpu.vector_load_idx %arg12[%convert_element_type3A_275] : memref<2048xf32, #tpu.memory_space<vmem>>[vector<16xi32>], vector<16xf32>,
        %gather3A_306 = tpu.vector_load_idx %arg12[%convert_element_type3A_276] : memref<2048xf32, #tpu.memory_space<vmem>>[vector<16xi32>], vector<16xf32>,
        %gather3A_307 = tpu.vector_load_idx %arg12[%convert_element_type3A_277] : memref<2048xf32, #tpu.memory_space<vmem>>[vector<16xi32>], vector<16xf32>,
        %gather3A_308 = tpu.vector_load_idx %arg12[%convert_element_type3A_278] : memref<2048xf32, #tpu.memory_space<vmem>>[vector<16xi32>], vector<16xf32>,
        %gather3A_309 = tpu.vector_load_idx %arg12[%convert_element_type3A_279] : memref<2048xf32, #tpu.memory_space<vmem>>[vector<16xi32>], vector<16xf32>,
        %gather3A_310 = tpu.vector_load_idx %arg12[%convert_element_type3A_280] : memref<2048xf32, #tpu.memory_space<vmem>>[vector<16xi32>], vector<16xf32>,
        %gather3A_311 = tpu.vector_load_idx %arg12[%convert_element_type3A_281] : memref<2048xf32, #tpu.memory_space<vmem>>[vector<16xi32>], vector<16xf32>,
        %mul3A_312 = arith.mulf %sub3A, %gather3A_304 : vector<16xf32>
        %add3A_313 = arith.addf %gather3A, %mul3A_312 : vector<16xf32>
        %mul3A_314 = arith.mulf %sub3A_284, %gather3A_305 : vector<16xf32>
        %add3A_315 = arith.addf %gather3A_297, %mul3A_314 : vector<16xf32>
        %mul3A_316 = arith.mulf %sub3A_286, %gather3A_306 : vector<16xf32>
        %add3A_317 = arith.addf %gather3A_298, %mul3A_316 : vector<16xf32>
        %mul3A_318 = arith.mulf %sub3A_288, %gather3A_307 : vector<16xf32>
        %add3A_319 = arith.addf %gather3A_299, %mul3A_318 : vector<16xf32>
        %mul3A_320 = arith.mulf %sub3A_290, %gather3A_308 : vector<16xf32>
        %add3A_321 = arith.addf %gather3A_300, %mul3A_320 : vector<16xf32>
        %mul3A_322 = arith.mulf %sub3A_292, %gather3A_309 : vector<16xf32>
        %add3A_323 = arith.addf %gather3A_301, %mul3A_322 : vector<16xf32>
        %mul3A_324 = arith.mulf %sub3A_294, %gather3A_310 : vector<16xf32>
        %add3A_325 = arith.addf %gather3A_302, %mul3A_324 : vector<16xf32>
        %mul3A_326 = arith.mulf %sub3A_296, %gather3A_311 : vector<16xf32>
        %add3A_327 = arith.addf %gather3A_303, %mul3A_326 : vector<16xf32>
        %mul3A_328 = arith.constant 1.000000e+01 : f32
        %mul3A_329 = vector.broadcast %mul3A_328 : f32 to vector<16xf32>
        %mul3A_330 = arith.mulf %add3A_313, %mul3A_329 : vector<16xf32>
        %convert_element_type3A_331 = arith.fptosi %mul3A_330 : vector<16xf32> to vector<16xi32>
        %mul3A_332 = arith.constant 1.000000e+01 : f32
        %mul3A_333 = vector.broadcast %mul3A_332 : f32 to vector<16xf32>
        %mul3A_334 = arith.mulf %add3A_315, %mul3A_333 : vector<16xf32>
        %convert_element_type3A_335 = arith.fptosi %mul3A_334 : vector<16xf32> to vector<16xi32>
        %mul3A_336 = arith.constant 1.000000e+01 : f32
        %mul3A_337 = vector.broadcast %mul3A_336 : f32 to vector<16xf32>
        %mul3A_338 = arith.mulf %add3A_317, %mul3A_337 : vector<16xf32>
        %convert_element_type3A_339 = arith.fptosi %mul3A_338 : vector<16xf32> to vector<16xi32>
        %mul3A_340 = arith.constant 1.000000e+01 : f32
        %mul3A_341 = vector.broadcast %mul3A_340 : f32 to vector<16xf32>
        %mul3A_342 = arith.mulf %add3A_319, %mul3A_341 : vector<16xf32>
        %convert_element_type3A_343 = arith.fptosi %mul3A_342 : vector<16xf32> to vector<16xi32>
        %mul3A_344 = arith.constant 1.000000e+01 : f32
        %mul3A_345 = vector.broadcast %mul3A_344 : f32 to vector<16xf32>
        %mul3A_346 = arith.mulf %add3A_321, %mul3A_345 : vector<16xf32>
        %convert_element_type3A_347 = arith.fptosi %mul3A_346 : vector<16xf32> to vector<16xi32>
        %mul3A_348 = arith.constant 1.000000e+01 : f32
        %mul3A_349 = vector.broadcast %mul3A_348 : f32 to vector<16xf32>
        %mul3A_350 = arith.mulf %add3A_323, %mul3A_349 : vector<16xf32>
        %convert_element_type3A_351 = arith.fptosi %mul3A_350 : vector<16xf32> to vector<16xi32>
        %mul3A_352 = arith.constant 1.000000e+01 : f32
        %mul3A_353 = vector.broadcast %mul3A_352 : f32 to vector<16xf32>
        %mul3A_354 = arith.mulf %add3A_325, %mul3A_353 : vector<16xf32>
        %convert_element_type3A_355 = arith.fptosi %mul3A_354 : vector<16xf32> to vector<16xi32>
        %mul3A_356 = arith.constant 1.000000e+01 : f32
        %mul3A_357 = vector.broadcast %mul3A_356 : f32 to vector<16xf32>
        %mul3A_358 = arith.mulf %add3A_327, %mul3A_357 : vector<16xf32>
        %convert_element_type3A_359 = arith.fptosi %mul3A_358 : vector<16xf32> to vector<16xi32>
        %mul3A_360 = arith.constant 16 : i32
        %mul3A_361 = vector.broadcast %mul3A_360 : i32 to vector<16xi32>
        %mul3A_362 = arith.muli %convert_element_type3A_331, %mul3A_361 : vector<16xi32>
        %add3A_363 = arith.addi %mul3A_362, %iota3A : vector<16xi32>
        %mul3A_364 = arith.constant 16 : i32
        %mul3A_365 = vector.broadcast %mul3A_364 : i32 to vector<16xi32>
        %mul3A_366 = arith.muli %convert_element_type3A_335, %mul3A_365 : vector<16xi32>
        %add3A_367 = arith.addi %mul3A_366, %iota3A : vector<16xi32>
        %mul3A_368 = arith.constant 16 : i32
        %mul3A_369 = vector.broadcast %mul3A_368 : i32 to vector<16xi32>
        %mul3A_370 = arith.muli %convert_element_type3A_339, %mul3A_369 : vector<16xi32>
        %add3A_371 = arith.addi %mul3A_370, %iota3A : vector<16xi32>
        %mul3A_372 = arith.constant 16 : i32
        %mul3A_373 = vector.broadcast %mul3A_372 : i32 to vector<16xi32>
        %mul3A_374 = arith.muli %convert_element_type3A_343, %mul3A_373 : vector<16xi32>
        %add3A_375 = arith.addi %mul3A_374, %iota3A : vector<16xi32>
        %mul3A_376 = arith.constant 16 : i32
        %mul3A_377 = vector.broadcast %mul3A_376 : i32 to vector<16xi32>
        %mul3A_378 = arith.muli %convert_element_type3A_347, %mul3A_377 : vector<16xi32>
        %add3A_379 = arith.addi %mul3A_378, %iota3A : vector<16xi32>
        %mul3A_380 = arith.constant 16 : i32
        %mul3A_381 = vector.broadcast %mul3A_380 : i32 to vector<16xi32>
        %mul3A_382 = arith.muli %convert_element_type3A_351, %mul3A_381 : vector<16xi32>
        %add3A_383 = arith.addi %mul3A_382, %iota3A : vector<16xi32>
        %mul3A_384 = arith.constant 16 : i32
        %mul3A_385 = vector.broadcast %mul3A_384 : i32 to vector<16xi32>
        %mul3A_386 = arith.muli %convert_element_type3A_355, %mul3A_385 : vector<16xi32>
        %add3A_387 = arith.addi %mul3A_386, %iota3A : vector<16xi32>
        %mul3A_388 = arith.constant 16 : i32
        %mul3A_389 = vector.broadcast %mul3A_388 : i32 to vector<16xi32>
        %mul3A_390 = arith.muli %convert_element_type3A_359, %mul3A_389 : vector<16xi32>
        %add3A_391 = arith.addi %mul3A_390, %iota3A : vector<16xi32>
        tpu.vector_store_idx %arg13[%add3A_363], %broadcast_in_dim3A_55 {add = true} : memref<160xf32, #tpu.memory_space<vmem>>[vector<16xi32>], vector<16xf32>,
        tpu.vector_store_idx %arg14[%add3A_363], %add3A_313 {add = true} : memref<160xf32, #tpu.memory_space<vmem>>[vector<16xi32>], vector<16xf32>,
        tpu.vector_store_idx %arg13[%add3A_367], %broadcast_in_dim3A_55 {add = true} : memref<160xf32, #tpu.memory_space<vmem>>[vector<16xi32>], vector<16xf32>,
        tpu.vector_store_idx %arg14[%add3A_367], %add3A_315 {add = true} : memref<160xf32, #tpu.memory_space<vmem>>[vector<16xi32>], vector<16xf32>,
        tpu.vector_store_idx %arg13[%add3A_371], %broadcast_in_dim3A_55 {add = true} : memref<160xf32, #tpu.memory_space<vmem>>[vector<16xi32>], vector<16xf32>,
        tpu.vector_store_idx %arg14[%add3A_371], %add3A_317 {add = true} : memref<160xf32, #tpu.memory_space<vmem>>[vector<16xi32>], vector<16xf32>,
        tpu.vector_store_idx %arg13[%add3A_375], %broadcast_in_dim3A_55 {add = true} : memref<160xf32, #tpu.memory_space<vmem>>[vector<16xi32>], vector<16xf32>,
        tpu.vector_store_idx %arg14[%add3A_375], %add3A_319 {add = true} : memref<160xf32, #tpu.memory_space<vmem>>[vector<16xi32>], vector<16xf32>,
        tpu.vector_store_idx %arg13[%add3A_379], %broadcast_in_dim3A_55 {add = true} : memref<160xf32, #tpu.memory_space<vmem>>[vector<16xi32>], vector<16xf32>,
        tpu.vector_store_idx %arg14[%add3A_379], %add3A_321 {add = true} : memref<160xf32, #tpu.memory_space<vmem>>[vector<16xi32>], vector<16xf32>,
        tpu.vector_store_idx %arg13[%add3A_383], %broadcast_in_dim3A_55 {add = true} : memref<160xf32, #tpu.memory_space<vmem>>[vector<16xi32>], vector<16xf32>,
        tpu.vector_store_idx %arg14[%add3A_383], %add3A_323 {add = true} : memref<160xf32, #tpu.memory_space<vmem>>[vector<16xi32>], vector<16xf32>,
        tpu.vector_store_idx %arg13[%add3A_387], %broadcast_in_dim3A_55 {add = true} : memref<160xf32, #tpu.memory_space<vmem>>[vector<16xi32>], vector<16xf32>,
        tpu.vector_store_idx %arg14[%add3A_387], %add3A_325 {add = true} : memref<160xf32, #tpu.memory_space<vmem>>[vector<16xi32>], vector<16xf32>,
        tpu.vector_store_idx %arg13[%add3A_391], %broadcast_in_dim3A_55 {add = true} : memref<160xf32, #tpu.memory_space<vmem>>[vector<16xi32>], vector<16xf32>,
        tpu.vector_store_idx %arg14[%add3A_391], %add3A_327 {add = true} : memref<160xf32, #tpu.memory_space<vmem>>[vector<16xi32>], vector<16xf32>,
        %mul3A_392 = arith.constant 64 : i32
        %mul3A_393 = arith.muli %while3A_146, %mul3A_392 : i32
        %pack3A = tpu.pack_subelements %add3A_363, %add3A_367 {pack_format = #tpu.pack_format<interleaved>, positions = array<i32: 0, 1>} : vector<16xi32>, vector<16xi32> -> vector<32xi16>
        %bitcast3A = vector.bitcast %pack3A : vector<32xi16> to vector<16xi32>
        %add3A_394 = arith.constant 0 : i32
        %add3A_395 = arith.addi %mul3A_393, %add3A_394 : i32
        %swap3A_396 = arith.index_cast %add3A_395 : i32 to index
        %swap3A_397 = tpu.vector_load %arg9[%swap3A_396] {strides = array<i32>} : memref<8192xi32, #tpu.memory_space<vmem>>, vector<16xi32>,
        tpu.vector_store %arg9[%swap3A_396], %bitcast3A {strides = array<i32>} : memref<8192xi32, #tpu.memory_space<vmem>>, vector<16xi32>,
        %pack3A_398 = tpu.pack_subelements %add3A_371, %add3A_375 {pack_format = #tpu.pack_format<interleaved>, positions = array<i32: 0, 1>} : vector<16xi32>, vector<16xi32> -> vector<32xi16>
        %bitcast3A_399 = vector.bitcast %pack3A_398 : vector<32xi16> to vector<16xi32>
        %add3A_400 = arith.constant 16 : i32
        %add3A_401 = arith.addi %mul3A_393, %add3A_400 : i32
        %swap3A_402 = arith.index_cast %add3A_401 : i32 to index
        %swap3A_403 = tpu.vector_load %arg9[%swap3A_402] {strides = array<i32>} : memref<8192xi32, #tpu.memory_space<vmem>>, vector<16xi32>,
        tpu.vector_store %arg9[%swap3A_402], %bitcast3A_399 {strides = array<i32>} : memref<8192xi32, #tpu.memory_space<vmem>>, vector<16xi32>,
        %pack3A_404 = tpu.pack_subelements %add3A_379, %add3A_383 {pack_format = #tpu.pack_format<interleaved>, positions = array<i32: 0, 1>} : vector<16xi32>, vector<16xi32> -> vector<32xi16>
        %bitcast3A_405 = vector.bitcast %pack3A_404 : vector<32xi16> to vector<16xi32>
        %add3A_406 = arith.constant 32 : i32
        %add3A_407 = arith.addi %mul3A_393, %add3A_406 : i32
        %swap3A_408 = arith.index_cast %add3A_407 : i32 to index
        %swap3A_409 = tpu.vector_load %arg9[%swap3A_408] {strides = array<i32>} : memref<8192xi32, #tpu.memory_space<vmem>>, vector<16xi32>,
        tpu.vector_store %arg9[%swap3A_408], %bitcast3A_405 {strides = array<i32>} : memref<8192xi32, #tpu.memory_space<vmem>>, vector<16xi32>,
        %pack3A_410 = tpu.pack_subelements %add3A_387, %add3A_391 {pack_format = #tpu.pack_format<interleaved>, positions = array<i32: 0, 1>} : vector<16xi32>, vector<16xi32> -> vector<32xi16>
        %bitcast3A_411 = vector.bitcast %pack3A_410 : vector<32xi16> to vector<16xi32>
        %add3A_412 = arith.constant 48 : i32
        %add3A_413 = arith.addi %mul3A_393, %add3A_412 : i32
        %swap3A_414 = arith.index_cast %add3A_413 : i32 to index
        %swap3A_415 = tpu.vector_load %arg9[%swap3A_414] {strides = array<i32>} : memref<8192xi32, #tpu.memory_space<vmem>>, vector<16xi32>,
        tpu.vector_store %arg9[%swap3A_414], %bitcast3A_411 {strides = array<i32>} : memref<8192xi32, #tpu.memory_space<vmem>>, vector<16xi32>,
      }
      %while3A_96 = arith.constant 1 : i32
      scf.for %while3A_146 = %while3A_94 to %while3A_90 step %while3A_96  : i32 {
        %mul3A_147 = arith.constant 128 : i32
        %mul3A_148 = arith.muli %while3A_146, %mul3A_147 : i32
        %add3A_149 = arith.constant 0 : i32
        %add3A_150 = arith.addi %mul3A_148, %add3A_149 : i32
        %add3A_151 = arith.constant 16 : i32
        %add3A_152 = arith.addi %mul3A_148, %add3A_151 : i32
        %add3A_153 = arith.constant 32 : i32
        %add3A_154 = arith.addi %mul3A_148, %add3A_153 : i32
        %add3A_155 = arith.constant 48 : i32
        %add3A_156 = arith.addi %mul3A_148, %add3A_155 : i32
        %add3A_157 = arith.constant 64 : i32
        %add3A_158 = arith.addi %mul3A_148, %add3A_157 : i32
        %add3A_159 = arith.constant 80 : i32
        %add3A_160 = arith.addi %mul3A_148, %add3A_159 : i32
        %add3A_161 = arith.constant 96 : i32
        %add3A_162 = arith.addi %mul3A_148, %add3A_161 : i32
        %add3A_163 = arith.constant 112 : i32
        %add3A_164 = arith.addi %mul3A_148, %add3A_163 : i32
        %get3A = arith.index_cast %add3A_150 : i32 to index
        %get3A_165 = tpu.vector_load %arg7[%get3A] {strides = array<i32>} : memref<16384xf32, #tpu.memory_space<vmem>>, vector<16xf32>,
        %get3A_166 = arith.index_cast %add3A_152 : i32 to index
        %get3A_167 = tpu.vector_load %arg7[%get3A_166] {strides = array<i32>} : memref<16384xf32, #tpu.memory_space<vmem>>, vector<16xf32>,
        %get3A_168 = arith.index_cast %add3A_154 : i32 to index
        %get3A_169 = tpu.vector_load %arg7[%get3A_168] {strides = array<i32>} : memref<16384xf32, #tpu.memory_space<vmem>>, vector<16xf32>,
        %get3A_170 = arith.index_cast %add3A_156 : i32 to index
        %get3A_171 = tpu.vector_load %arg7[%get3A_170] {strides = array<i32>} : memref<16384xf32, #tpu.memory_space<vmem>>, vector<16xf32>,
        %get3A_172 = arith.index_cast %add3A_158 : i32 to index
        %get3A_173 = tpu.vector_load %arg7[%get3A_172] {strides = array<i32>} : memref<16384xf32, #tpu.memory_space<vmem>>, vector<16xf32>,
        %get3A_174 = arith.index_cast %add3A_160 : i32 to index
        %get3A_175 = tpu.vector_load %arg7[%get3A_174] {strides = array<i32>} : memref<16384xf32, #tpu.memory_space<vmem>>, vector<16xf32>,
        %get3A_176 = arith.index_cast %add3A_162 : i32 to index
        %get3A_177 = tpu.vector_load %arg7[%get3A_176] {strides = array<i32>} : memref<16384xf32, #tpu.memory_space<vmem>>, vector<16xf32>,
        %get3A_178 = arith.index_cast %add3A_164 : i32 to index
        %get3A_179 = tpu.vector_load %arg7[%get3A_178] {strides = array<i32>} : memref<16384xf32, #tpu.memory_space<vmem>>, vector<16xf32>,
        %mul3A_180 = arith.constant 6.400000e+01 : f32
        %mul3A_181 = vector.broadcast %mul3A_180 : f32 to vector<16xf32>
        %mul3A_182 = arith.mulf %get3A_165, %mul3A_181 : vector<16xf32>
        %add3A_183 = arith.constant 1.024000e+03 : f32
        %add3A_184 = vector.broadcast %add3A_183 : f32 to vector<16xf32>
        %add3A_185 = arith.addf %mul3A_182, %add3A_184 : vector<16xf32>
        %mul3A_186 = arith.constant 6.400000e+01 : f32
        %mul3A_187 = vector.broadcast %mul3A_186 : f32 to vector<16xf32>
        %mul3A_188 = arith.mulf %get3A_167, %mul3A_187 : vector<16xf32>
        %add3A_189 = arith.constant 1.024000e+03 : f32
        %add3A_190 = vector.broadcast %add3A_189 : f32 to vector<16xf32>
        %add3A_191 = arith.addf %mul3A_188, %add3A_190 : vector<16xf32>
        %mul3A_192 = arith.constant 6.400000e+01 : f32
        %mul3A_193 = vector.broadcast %mul3A_192 : f32 to vector<16xf32>
        %mul3A_194 = arith.mulf %get3A_169, %mul3A_193 : vector<16xf32>
        %add3A_195 = arith.constant 1.024000e+03 : f32
        %add3A_196 = vector.broadcast %add3A_195 : f32 to vector<16xf32>
        %add3A_197 = arith.addf %mul3A_194, %add3A_196 : vector<16xf32>
        %mul3A_198 = arith.constant 6.400000e+01 : f32
        %mul3A_199 = vector.broadcast %mul3A_198 : f32 to vector<16xf32>
        %mul3A_200 = arith.mulf %get3A_171, %mul3A_199 : vector<16xf32>
        %add3A_201 = arith.constant 1.024000e+03 : f32
        %add3A_202 = vector.broadcast %add3A_201 : f32 to vector<16xf32>
        %add3A_203 = arith.addf %mul3A_200, %add3A_202 : vector<16xf32>
        %mul3A_204 = arith.constant 6.400000e+01 : f32
        %mul3A_205 = vector.broadcast %mul3A_204 : f32 to vector<16xf32>
        %mul3A_206 = arith.mulf %get3A_173, %mul3A_205 : vector<16xf32>
        %add3A_207 = arith.constant 1.024000e+03 : f32
        %add3A_208 = vector.broadcast %add3A_207 : f32 to vector<16xf32>
        %add3A_209 = arith.addf %mul3A_206, %add3A_208 : vector<16xf32>
        %mul3A_210 = arith.constant 6.400000e+01 : f32
        %mul3A_211 = vector.broadcast %mul3A_210 : f32 to vector<16xf32>
        %mul3A_212 = arith.mulf %get3A_175, %mul3A_211 : vector<16xf32>
        %add3A_213 = arith.constant 1.024000e+03 : f32
        %add3A_214 = vector.broadcast %add3A_213 : f32 to vector<16xf32>
        %add3A_215 = arith.addf %mul3A_212, %add3A_214 : vector<16xf32>
        %mul3A_216 = arith.constant 6.400000e+01 : f32
        %mul3A_217 = vector.broadcast %mul3A_216 : f32 to vector<16xf32>
        %mul3A_218 = arith.mulf %get3A_177, %mul3A_217 : vector<16xf32>
        %add3A_219 = arith.constant 1.024000e+03 : f32
        %add3A_220 = vector.broadcast %add3A_219 : f32 to vector<16xf32>
        %add3A_221 = arith.addf %mul3A_218, %add3A_220 : vector<16xf32>
        %mul3A_222 = arith.constant 6.400000e+01 : f32
        %mul3A_223 = vector.broadcast %mul3A_222 : f32 to vector<16xf32>
        %mul3A_224 = arith.mulf %get3A_179, %mul3A_223 : vector<16xf32>
        %add3A_225 = arith.constant 1.024000e+03 : f32
        %add3A_226 = vector.broadcast %add3A_225 : f32 to vector<16xf32>
        %add3A_227 = arith.addf %mul3A_224, %add3A_226 : vector<16xf32>
        %max3A = arith.constant 0.000000e+00 : f32
        %max3A_228 = vector.broadcast %max3A : f32 to vector<16xf32>
        %max3A_229 = arith.maximumf %add3A_185, %max3A_228 : vector<16xf32>
        %min3A = arith.constant 2047.99597 : f32
        %min3A_230 = vector.broadcast %min3A : f32 to vector<16xf32>
        %min3A_231 = arith.minimumf %max3A_229, %min3A_230 : vector<16xf32>
        %max3A_232 = arith.constant 0.000000e+00 : f32
        %max3A_233 = vector.broadcast %max3A_232 : f32 to vector<16xf32>
        %max3A_234 = arith.maximumf %add3A_191, %max3A_233 : vector<16xf32>
        %min3A_235 = arith.constant 2047.99597 : f32
        %min3A_236 = vector.broadcast %min3A_235 : f32 to vector<16xf32>
        %min3A_237 = arith.minimumf %max3A_234, %min3A_236 : vector<16xf32>
        %max3A_238 = arith.constant 0.000000e+00 : f32
        %max3A_239 = vector.broadcast %max3A_238 : f32 to vector<16xf32>
        %max3A_240 = arith.maximumf %add3A_197, %max3A_239 : vector<16xf32>
        %min3A_241 = arith.constant 2047.99597 : f32
        %min3A_242 = vector.broadcast %min3A_241 : f32 to vector<16xf32>
        %min3A_243 = arith.minimumf %max3A_240, %min3A_242 : vector<16xf32>
        %max3A_244 = arith.constant 0.000000e+00 : f32
        %max3A_245 = vector.broadcast %max3A_244 : f32 to vector<16xf32>
        %max3A_246 = arith.maximumf %add3A_203, %max3A_245 : vector<16xf32>
        %min3A_247 = arith.constant 2047.99597 : f32
        %min3A_248 = vector.broadcast %min3A_247 : f32 to vector<16xf32>
        %min3A_249 = arith.minimumf %max3A_246, %min3A_248 : vector<16xf32>
        %max3A_250 = arith.constant 0.000000e+00 : f32
        %max3A_251 = vector.broadcast %max3A_250 : f32 to vector<16xf32>
        %max3A_252 = arith.maximumf %add3A_209, %max3A_251 : vector<16xf32>
        %min3A_253 = arith.constant 2047.99597 : f32
        %min3A_254 = vector.broadcast %min3A_253 : f32 to vector<16xf32>
        %min3A_255 = arith.minimumf %max3A_252, %min3A_254 : vector<16xf32>
        %max3A_256 = arith.constant 0.000000e+00 : f32
        %max3A_257 = vector.broadcast %max3A_256 : f32 to vector<16xf32>
        %max3A_258 = arith.maximumf %add3A_215, %max3A_257 : vector<16xf32>
        %min3A_259 = arith.constant 2047.99597 : f32
        %min3A_260 = vector.broadcast %min3A_259 : f32 to vector<16xf32>
        %min3A_261 = arith.minimumf %max3A_258, %min3A_260 : vector<16xf32>
        %max3A_262 = arith.constant 0.000000e+00 : f32
        %max3A_263 = vector.broadcast %max3A_262 : f32 to vector<16xf32>
        %max3A_264 = arith.maximumf %add3A_221, %max3A_263 : vector<16xf32>
        %min3A_265 = arith.constant 2047.99597 : f32
        %min3A_266 = vector.broadcast %min3A_265 : f32 to vector<16xf32>
        %min3A_267 = arith.minimumf %max3A_264, %min3A_266 : vector<16xf32>
        %max3A_268 = arith.constant 0.000000e+00 : f32
        %max3A_269 = vector.broadcast %max3A_268 : f32 to vector<16xf32>
        %max3A_270 = arith.maximumf %add3A_227, %max3A_269 : vector<16xf32>
        %min3A_271 = arith.constant 2047.99597 : f32
        %min3A_272 = vector.broadcast %min3A_271 : f32 to vector<16xf32>
        %min3A_273 = arith.minimumf %max3A_270, %min3A_272 : vector<16xf32>
        %convert_element_type3A_274 = arith.fptosi %min3A_231 : vector<16xf32> to vector<16xi32>
        %convert_element_type3A_275 = arith.fptosi %min3A_237 : vector<16xf32> to vector<16xi32>
        %convert_element_type3A_276 = arith.fptosi %min3A_243 : vector<16xf32> to vector<16xi32>
        %convert_element_type3A_277 = arith.fptosi %min3A_249 : vector<16xf32> to vector<16xi32>
        %convert_element_type3A_278 = arith.fptosi %min3A_255 : vector<16xf32> to vector<16xi32>
        %convert_element_type3A_279 = arith.fptosi %min3A_261 : vector<16xf32> to vector<16xi32>
        %convert_element_type3A_280 = arith.fptosi %min3A_267 : vector<16xf32> to vector<16xi32>
        %convert_element_type3A_281 = arith.fptosi %min3A_273 : vector<16xf32> to vector<16xi32>
        %convert_element_type3A_282 = arith.sitofp %convert_element_type3A_274 : vector<16xi32> to vector<16xf32>
        %sub3A = arith.subf %min3A_231, %convert_element_type3A_282 : vector<16xf32>
        %convert_element_type3A_283 = arith.sitofp %convert_element_type3A_275 : vector<16xi32> to vector<16xf32>
        %sub3A_284 = arith.subf %min3A_237, %convert_element_type3A_283 : vector<16xf32>
        %convert_element_type3A_285 = arith.sitofp %convert_element_type3A_276 : vector<16xi32> to vector<16xf32>
        %sub3A_286 = arith.subf %min3A_243, %convert_element_type3A_285 : vector<16xf32>
        %convert_element_type3A_287 = arith.sitofp %convert_element_type3A_277 : vector<16xi32> to vector<16xf32>
        %sub3A_288 = arith.subf %min3A_249, %convert_element_type3A_287 : vector<16xf32>
        %convert_element_type3A_289 = arith.sitofp %convert_element_type3A_278 : vector<16xi32> to vector<16xf32>
        %sub3A_290 = arith.subf %min3A_255, %convert_element_type3A_289 : vector<16xf32>
        %convert_element_type3A_291 = arith.sitofp %convert_element_type3A_279 : vector<16xi32> to vector<16xf32>
        %sub3A_292 = arith.subf %min3A_261, %convert_element_type3A_291 : vector<16xf32>
        %convert_element_type3A_293 = arith.sitofp %convert_element_type3A_280 : vector<16xi32> to vector<16xf32>
        %sub3A_294 = arith.subf %min3A_267, %convert_element_type3A_293 : vector<16xf32>
        %convert_element_type3A_295 = arith.sitofp %convert_element_type3A_281 : vector<16xi32> to vector<16xf32>
        %sub3A_296 = arith.subf %min3A_273, %convert_element_type3A_295 : vector<16xf32>
        %gather3A = tpu.vector_load_idx %arg11[%convert_element_type3A_274] : memref<2048xf32, #tpu.memory_space<vmem>>[vector<16xi32>], vector<16xf32>,
        %gather3A_297 = tpu.vector_load_idx %arg11[%convert_element_type3A_275] : memref<2048xf32, #tpu.memory_space<vmem>>[vector<16xi32>], vector<16xf32>,
        %gather3A_298 = tpu.vector_load_idx %arg11[%convert_element_type3A_276] : memref<2048xf32, #tpu.memory_space<vmem>>[vector<16xi32>], vector<16xf32>,
        %gather3A_299 = tpu.vector_load_idx %arg11[%convert_element_type3A_277] : memref<2048xf32, #tpu.memory_space<vmem>>[vector<16xi32>], vector<16xf32>,
        %gather3A_300 = tpu.vector_load_idx %arg11[%convert_element_type3A_278] : memref<2048xf32, #tpu.memory_space<vmem>>[vector<16xi32>], vector<16xf32>,
        %gather3A_301 = tpu.vector_load_idx %arg11[%convert_element_type3A_279] : memref<2048xf32, #tpu.memory_space<vmem>>[vector<16xi32>], vector<16xf32>,
        %gather3A_302 = tpu.vector_load_idx %arg11[%convert_element_type3A_280] : memref<2048xf32, #tpu.memory_space<vmem>>[vector<16xi32>], vector<16xf32>,
        %gather3A_303 = tpu.vector_load_idx %arg11[%convert_element_type3A_281] : memref<2048xf32, #tpu.memory_space<vmem>>[vector<16xi32>], vector<16xf32>,
        %gather3A_304 = tpu.vector_load_idx %arg12[%convert_element_type3A_274] : memref<2048xf32, #tpu.memory_space<vmem>>[vector<16xi32>], vector<16xf32>,
        %gather3A_305 = tpu.vector_load_idx %arg12[%convert_element_type3A_275] : memref<2048xf32, #tpu.memory_space<vmem>>[vector<16xi32>], vector<16xf32>,
        %gather3A_306 = tpu.vector_load_idx %arg12[%convert_element_type3A_276] : memref<2048xf32, #tpu.memory_space<vmem>>[vector<16xi32>], vector<16xf32>,
        %gather3A_307 = tpu.vector_load_idx %arg12[%convert_element_type3A_277] : memref<2048xf32, #tpu.memory_space<vmem>>[vector<16xi32>], vector<16xf32>,
        %gather3A_308 = tpu.vector_load_idx %arg12[%convert_element_type3A_278] : memref<2048xf32, #tpu.memory_space<vmem>>[vector<16xi32>], vector<16xf32>,
        %gather3A_309 = tpu.vector_load_idx %arg12[%convert_element_type3A_279] : memref<2048xf32, #tpu.memory_space<vmem>>[vector<16xi32>], vector<16xf32>,
        %gather3A_310 = tpu.vector_load_idx %arg12[%convert_element_type3A_280] : memref<2048xf32, #tpu.memory_space<vmem>>[vector<16xi32>], vector<16xf32>,
        %gather3A_311 = tpu.vector_load_idx %arg12[%convert_element_type3A_281] : memref<2048xf32, #tpu.memory_space<vmem>>[vector<16xi32>], vector<16xf32>,
        %mul3A_312 = arith.mulf %sub3A, %gather3A_304 : vector<16xf32>
        %add3A_313 = arith.addf %gather3A, %mul3A_312 : vector<16xf32>
        %mul3A_314 = arith.mulf %sub3A_284, %gather3A_305 : vector<16xf32>
        %add3A_315 = arith.addf %gather3A_297, %mul3A_314 : vector<16xf32>
        %mul3A_316 = arith.mulf %sub3A_286, %gather3A_306 : vector<16xf32>
        %add3A_317 = arith.addf %gather3A_298, %mul3A_316 : vector<16xf32>
        %mul3A_318 = arith.mulf %sub3A_288, %gather3A_307 : vector<16xf32>
        %add3A_319 = arith.addf %gather3A_299, %mul3A_318 : vector<16xf32>
        %mul3A_320 = arith.mulf %sub3A_290, %gather3A_308 : vector<16xf32>
        %add3A_321 = arith.addf %gather3A_300, %mul3A_320 : vector<16xf32>
        %mul3A_322 = arith.mulf %sub3A_292, %gather3A_309 : vector<16xf32>
        %add3A_323 = arith.addf %gather3A_301, %mul3A_322 : vector<16xf32>
        %mul3A_324 = arith.mulf %sub3A_294, %gather3A_310 : vector<16xf32>
        %add3A_325 = arith.addf %gather3A_302, %mul3A_324 : vector<16xf32>
        %mul3A_326 = arith.mulf %sub3A_296, %gather3A_311 : vector<16xf32>
        %add3A_327 = arith.addf %gather3A_303, %mul3A_326 : vector<16xf32>
        %mul3A_328 = arith.constant 1.000000e+01 : f32
        %mul3A_329 = vector.broadcast %mul3A_328 : f32 to vector<16xf32>
        %mul3A_330 = arith.mulf %add3A_313, %mul3A_329 : vector<16xf32>
        %convert_element_type3A_331 = arith.fptosi %mul3A_330 : vector<16xf32> to vector<16xi32>
        %mul3A_332 = arith.constant 1.000000e+01 : f32
        %mul3A_333 = vector.broadcast %mul3A_332 : f32 to vector<16xf32>
        %mul3A_334 = arith.mulf %add3A_315, %mul3A_333 : vector<16xf32>
        %convert_element_type3A_335 = arith.fptosi %mul3A_334 : vector<16xf32> to vector<16xi32>
        %mul3A_336 = arith.constant 1.000000e+01 : f32
        %mul3A_337 = vector.broadcast %mul3A_336 : f32 to vector<16xf32>
        %mul3A_338 = arith.mulf %add3A_317, %mul3A_337 : vector<16xf32>
        %convert_element_type3A_339 = arith.fptosi %mul3A_338 : vector<16xf32> to vector<16xi32>
        %mul3A_340 = arith.constant 1.000000e+01 : f32
        %mul3A_341 = vector.broadcast %mul3A_340 : f32 to vector<16xf32>
        %mul3A_342 = arith.mulf %add3A_319, %mul3A_341 : vector<16xf32>
        %convert_element_type3A_343 = arith.fptosi %mul3A_342 : vector<16xf32> to vector<16xi32>
        %mul3A_344 = arith.constant 1.000000e+01 : f32
        %mul3A_345 = vector.broadcast %mul3A_344 : f32 to vector<16xf32>
        %mul3A_346 = arith.mulf %add3A_321, %mul3A_345 : vector<16xf32>
        %convert_element_type3A_347 = arith.fptosi %mul3A_346 : vector<16xf32> to vector<16xi32>
        %mul3A_348 = arith.constant 1.000000e+01 : f32
        %mul3A_349 = vector.broadcast %mul3A_348 : f32 to vector<16xf32>
        %mul3A_350 = arith.mulf %add3A_323, %mul3A_349 : vector<16xf32>
        %convert_element_type3A_351 = arith.fptosi %mul3A_350 : vector<16xf32> to vector<16xi32>
        %mul3A_352 = arith.constant 1.000000e+01 : f32
        %mul3A_353 = vector.broadcast %mul3A_352 : f32 to vector<16xf32>
        %mul3A_354 = arith.mulf %add3A_325, %mul3A_353 : vector<16xf32>
        %convert_element_type3A_355 = arith.fptosi %mul3A_354 : vector<16xf32> to vector<16xi32>
        %mul3A_356 = arith.constant 1.000000e+01 : f32
        %mul3A_357 = vector.broadcast %mul3A_356 : f32 to vector<16xf32>
        %mul3A_358 = arith.mulf %add3A_327, %mul3A_357 : vector<16xf32>
        %convert_element_type3A_359 = arith.fptosi %mul3A_358 : vector<16xf32> to vector<16xi32>
        %mul3A_360 = arith.constant 16 : i32
        %mul3A_361 = vector.broadcast %mul3A_360 : i32 to vector<16xi32>
        %mul3A_362 = arith.muli %convert_element_type3A_331, %mul3A_361 : vector<16xi32>
        %add3A_363 = arith.addi %mul3A_362, %iota3A : vector<16xi32>
        %mul3A_364 = arith.constant 16 : i32
        %mul3A_365 = vector.broadcast %mul3A_364 : i32 to vector<16xi32>
        %mul3A_366 = arith.muli %convert_element_type3A_335, %mul3A_365 : vector<16xi32>
        %add3A_367 = arith.addi %mul3A_366, %iota3A : vector<16xi32>
        %mul3A_368 = arith.constant 16 : i32
        %mul3A_369 = vector.broadcast %mul3A_368 : i32 to vector<16xi32>
        %mul3A_370 = arith.muli %convert_element_type3A_339, %mul3A_369 : vector<16xi32>
        %add3A_371 = arith.addi %mul3A_370, %iota3A : vector<16xi32>
        %mul3A_372 = arith.constant 16 : i32
        %mul3A_373 = vector.broadcast %mul3A_372 : i32 to vector<16xi32>
        %mul3A_374 = arith.muli %convert_element_type3A_343, %mul3A_373 : vector<16xi32>
        %add3A_375 = arith.addi %mul3A_374, %iota3A : vector<16xi32>
        %mul3A_376 = arith.constant 16 : i32
        %mul3A_377 = vector.broadcast %mul3A_376 : i32 to vector<16xi32>
        %mul3A_378 = arith.muli %convert_element_type3A_347, %mul3A_377 : vector<16xi32>
        %add3A_379 = arith.addi %mul3A_378, %iota3A : vector<16xi32>
        %mul3A_380 = arith.constant 16 : i32
        %mul3A_381 = vector.broadcast %mul3A_380 : i32 to vector<16xi32>
        %mul3A_382 = arith.muli %convert_element_type3A_351, %mul3A_381 : vector<16xi32>
        %add3A_383 = arith.addi %mul3A_382, %iota3A : vector<16xi32>
        %mul3A_384 = arith.constant 16 : i32
        %mul3A_385 = vector.broadcast %mul3A_384 : i32 to vector<16xi32>
        %mul3A_386 = arith.muli %convert_element_type3A_355, %mul3A_385 : vector<16xi32>
        %add3A_387 = arith.addi %mul3A_386, %iota3A : vector<16xi32>
        %mul3A_388 = arith.constant 16 : i32
        %mul3A_389 = vector.broadcast %mul3A_388 : i32 to vector<16xi32>
        %mul3A_390 = arith.muli %convert_element_type3A_359, %mul3A_389 : vector<16xi32>
        %add3A_391 = arith.addi %mul3A_390, %iota3A : vector<16xi32>
        tpu.vector_store_idx %arg13[%add3A_363], %broadcast_in_dim3A_55 {add = true} : memref<160xf32, #tpu.memory_space<vmem>>[vector<16xi32>], vector<16xf32>,
        tpu.vector_store_idx %arg14[%add3A_363], %add3A_313 {add = true} : memref<160xf32, #tpu.memory_space<vmem>>[vector<16xi32>], vector<16xf32>,
        tpu.vector_store_idx %arg13[%add3A_367], %broadcast_in_dim3A_55 {add = true} : memref<160xf32, #tpu.memory_space<vmem>>[vector<16xi32>], vector<16xf32>,
        tpu.vector_store_idx %arg14[%add3A_367], %add3A_315 {add = true} : memref<160xf32, #tpu.memory_space<vmem>>[vector<16xi32>], vector<16xf32>,
        tpu.vector_store_idx %arg13[%add3A_371], %broadcast_in_dim3A_55 {add = true} : memref<160xf32, #tpu.memory_space<vmem>>[vector<16xi32>], vector<16xf32>,
        tpu.vector_store_idx %arg14[%add3A_371], %add3A_317 {add = true} : memref<160xf32, #tpu.memory_space<vmem>>[vector<16xi32>], vector<16xf32>,
        tpu.vector_store_idx %arg13[%add3A_375], %broadcast_in_dim3A_55 {add = true} : memref<160xf32, #tpu.memory_space<vmem>>[vector<16xi32>], vector<16xf32>,
        tpu.vector_store_idx %arg14[%add3A_375], %add3A_319 {add = true} : memref<160xf32, #tpu.memory_space<vmem>>[vector<16xi32>], vector<16xf32>,
        tpu.vector_store_idx %arg13[%add3A_379], %broadcast_in_dim3A_55 {add = true} : memref<160xf32, #tpu.memory_space<vmem>>[vector<16xi32>], vector<16xf32>,
        tpu.vector_store_idx %arg14[%add3A_379], %add3A_321 {add = true} : memref<160xf32, #tpu.memory_space<vmem>>[vector<16xi32>], vector<16xf32>,
        tpu.vector_store_idx %arg13[%add3A_383], %broadcast_in_dim3A_55 {add = true} : memref<160xf32, #tpu.memory_space<vmem>>[vector<16xi32>], vector<16xf32>,
        tpu.vector_store_idx %arg14[%add3A_383], %add3A_323 {add = true} : memref<160xf32, #tpu.memory_space<vmem>>[vector<16xi32>], vector<16xf32>,
        tpu.vector_store_idx %arg13[%add3A_387], %broadcast_in_dim3A_55 {add = true} : memref<160xf32, #tpu.memory_space<vmem>>[vector<16xi32>], vector<16xf32>,
        tpu.vector_store_idx %arg14[%add3A_387], %add3A_325 {add = true} : memref<160xf32, #tpu.memory_space<vmem>>[vector<16xi32>], vector<16xf32>,
        tpu.vector_store_idx %arg13[%add3A_391], %broadcast_in_dim3A_55 {add = true} : memref<160xf32, #tpu.memory_space<vmem>>[vector<16xi32>], vector<16xf32>,
        tpu.vector_store_idx %arg14[%add3A_391], %add3A_327 {add = true} : memref<160xf32, #tpu.memory_space<vmem>>[vector<16xi32>], vector<16xf32>,
        %mul3A_392 = arith.constant 64 : i32
        %mul3A_393 = arith.muli %while3A_146, %mul3A_392 : i32
        %pack3A = tpu.pack_subelements %add3A_363, %add3A_367 {pack_format = #tpu.pack_format<interleaved>, positions = array<i32: 0, 1>} : vector<16xi32>, vector<16xi32> -> vector<32xi16>
        %bitcast3A = vector.bitcast %pack3A : vector<32xi16> to vector<16xi32>
        %add3A_394 = arith.constant 0 : i32
        %add3A_395 = arith.addi %mul3A_393, %add3A_394 : i32
        %swap3A_396 = arith.index_cast %add3A_395 : i32 to index
        %swap3A_397 = tpu.vector_load %arg9[%swap3A_396] {strides = array<i32>} : memref<8192xi32, #tpu.memory_space<vmem>>, vector<16xi32>,
        tpu.vector_store %arg9[%swap3A_396], %bitcast3A {strides = array<i32>} : memref<8192xi32, #tpu.memory_space<vmem>>, vector<16xi32>,
        %pack3A_398 = tpu.pack_subelements %add3A_371, %add3A_375 {pack_format = #tpu.pack_format<interleaved>, positions = array<i32: 0, 1>} : vector<16xi32>, vector<16xi32> -> vector<32xi16>
        %bitcast3A_399 = vector.bitcast %pack3A_398 : vector<32xi16> to vector<16xi32>
        %add3A_400 = arith.constant 16 : i32
        %add3A_401 = arith.addi %mul3A_393, %add3A_400 : i32
        %swap3A_402 = arith.index_cast %add3A_401 : i32 to index
        %swap3A_403 = tpu.vector_load %arg9[%swap3A_402] {strides = array<i32>} : memref<8192xi32, #tpu.memory_space<vmem>>, vector<16xi32>,
        tpu.vector_store %arg9[%swap3A_402], %bitcast3A_399 {strides = array<i32>} : memref<8192xi32, #tpu.memory_space<vmem>>, vector<16xi32>,
        %pack3A_404 = tpu.pack_subelements %add3A_379, %add3A_383 {pack_format = #tpu.pack_format<interleaved>, positions = array<i32: 0, 1>} : vector<16xi32>, vector<16xi32> -> vector<32xi16>
        %bitcast3A_405 = vector.bitcast %pack3A_404 : vector<32xi16> to vector<16xi32>
        %add3A_406 = arith.constant 32 : i32
        %add3A_407 = arith.addi %mul3A_393, %add3A_406 : i32
        %swap3A_408 = arith.index_cast %add3A_407 : i32 to index
        %swap3A_409 = tpu.vector_load %arg9[%swap3A_408] {strides = array<i32>} : memref<8192xi32, #tpu.memory_space<vmem>>, vector<16xi32>,
        tpu.vector_store %arg9[%swap3A_408], %bitcast3A_405 {strides = array<i32>} : memref<8192xi32, #tpu.memory_space<vmem>>, vector<16xi32>,
        %pack3A_410 = tpu.pack_subelements %add3A_387, %add3A_391 {pack_format = #tpu.pack_format<interleaved>, positions = array<i32: 0, 1>} : vector<16xi32>, vector<16xi32> -> vector<32xi16>
        %bitcast3A_411 = vector.bitcast %pack3A_410 : vector<32xi16> to vector<16xi32>
        %add3A_412 = arith.constant 48 : i32
        %add3A_413 = arith.addi %mul3A_393, %add3A_412 : i32
        %swap3A_414 = arith.index_cast %add3A_413 : i32 to index
        %swap3A_415 = tpu.vector_load %arg9[%swap3A_414] {strides = array<i32>} : memref<8192xi32, #tpu.memory_space<vmem>>, vector<16xi32>,
        tpu.vector_store %arg9[%swap3A_414], %bitcast3A_411 {strides = array<i32>} : memref<8192xi32, #tpu.memory_space<vmem>>, vector<16xi32>,
      }
      %mul3A_97 = arith.constant 262144 : i32
      %mul3A_98 = arith.muli %add3A, %mul3A_97 : i32
      %mul3A_99 = arith.constant 8192 : i32
      %mul3A_100 = arith.muli %mul3A_79, %mul3A_99 : i32
      %add3A_101 = arith.addi %mul3A_98, %mul3A_100 : i32
      %dma_start3A_102 = tpu.memref_slice %arg6[%add3A_101] : memref<8388608xi32, #tpu.memory_space<hbm>> -> memref<8192xi32, #tpu.memory_space<hbm>>
      %dma_start3A_103 = tpu.memref_slice %arg6[%add3A_101] : memref<8388608xi32, #tpu.memory_space<hbm>> -> memref<8192xi32, #tpu.memory_space<hbm>>
      tpu.enqueue_dma source(%arg9 : memref<8192xi32, #tpu.memory_space<vmem>>) target(%dma_start3A_103 : memref<8192xi32, #tpu.memory_space<hbm>>) target_semaphore(%arg17 : memref<!tpu.dma_semaphore, #tpu.memory_space<semaphore_mem>>)
      %add3A_104 = arith.constant 2 : i32
      %add3A_105 = arith.addi %mul3A_79, %add3A_104 : i32
      %lt3A = arith.constant 32 : i32
      %lt3A_106 = arith.cmpi slt, %add3A_105, %lt3A : i32
      %convert_element_type3A_107 = arith.extui %lt3A_106 : i1 to i32
      %cond3A_108 = arith.constant 0 : i32
      %cond3A_109 = arith.cmpi ne, %convert_element_type3A_107, %cond3A_108 : i32
      scf.if %cond3A_109 {
        %add3A_146 = arith.constant 2 : i32
        %add3A_147 = arith.addi %mul3A_79, %add3A_146 : i32
        %mul3A_148 = arith.constant 16384 : i32
        %mul3A_149 = arith.muli %add3A_147, %mul3A_148 : i32
        %add3A_150 = arith.addi %mul3A_2, %mul3A_149 : i32
        %dma_start3A_151 = tpu.memref_slice %arg2[%add3A_150] : memref<16777216xf32, #tpu.memory_space<hbm>> -> memref<16384xf32, #tpu.memory_space<hbm>>
        %dma_start3A_152 = tpu.memref_slice %arg2[%add3A_150] : memref<16777216xf32, #tpu.memory_space<hbm>> -> memref<16384xf32, #tpu.memory_space<hbm>>
        tpu.enqueue_dma source(%dma_start3A_152 : memref<16384xf32, #tpu.memory_space<hbm>>) target(%arg7 : memref<16384xf32, #tpu.memory_space<vmem>>) target_semaphore(%arg15 : memref<!tpu.dma_semaphore, #tpu.memory_space<semaphore_mem>>)
      } else {
      }
      %dma_wait3A_110 = arith.constant 0 : i32
      %dma_wait3A_111 = tpu.memref_slice %arg2[%dma_wait3A_110] : memref<16777216xf32, #tpu.memory_space<hbm>> -> memref<16384xf32, #tpu.memory_space<hbm>>
      %dma_wait3A_112 = arith.constant 0 : i32
      %dma_wait3A_113 = tpu.memref_slice %arg2[%dma_wait3A_112] : memref<16777216xf32, #tpu.memory_space<hbm>> -> memref<16384xf32, #tpu.memory_space<hbm>>
      tpu.wait_dma2 semaphore(%arg16 : memref<!tpu.dma_semaphore, #tpu.memory_space<semaphore_mem>>) src(%dma_wait3A_113 : memref<16384xf32, #tpu.memory_space<hbm>>) dst(%arg8 : memref<16384xf32, #tpu.memory_space<vmem>>)
      %ge3A_114 = arith.constant 2 : i32
      %ge3A_115 = arith.cmpi sge, %mul3A_79, %ge3A_114 : i32
      %convert_element_type3A_116 = arith.extui %ge3A_115 : i1 to i32
      %cond3A_117 = arith.constant 0 : i32
      %cond3A_118 = arith.cmpi ne, %convert_element_type3A_116, %cond3A_117 : i32
      scf.if %cond3A_118 {
        %dma_wait3A_146 = arith.constant 0 : i32
        %dma_wait3A_147 = tpu.memref_slice %arg6[%dma_wait3A_146] : memref<8388608xi32, #tpu.memory_space<hbm>> -> memref<8192xi32, #tpu.memory_space<hbm>>
        %dma_wait3A_148 = arith.constant 0 : i32
        %dma_wait3A_149 = tpu.memref_slice %arg6[%dma_wait3A_148] : memref<8388608xi32, #tpu.memory_space<hbm>> -> memref<8192xi32, #tpu.memory_space<hbm>>
        tpu.wait_dma2 semaphore(%arg18 : memref<!tpu.dma_semaphore, #tpu.memory_space<semaphore_mem>>) src(%arg10 : memref<8192xi32, #tpu.memory_space<vmem>>) dst(%dma_wait3A_149 : memref<8192xi32, #tpu.memory_space<hbm>>)
      } else {
      }
      %while3A_119 = arith.constant 0 : i32
      %while3A_120 = arith.constant 0 : i32
      %while3A_121 = arith.constant 128 : i32
      %while3A_122 = arith.subi %while3A_121, %while3A_120 : i32
      %while3A_123 = arith.addi %while3A_120, %while3A_122 : i32
      %while3A_124 = arith.constant 1 : i32
      %while3A_125 = arith.divsi %while3A_122, %while3A_124 : i32
      %while3A_126 = arith.muli %while3A_125, %while3A_124 : i32
      %while3A_127 = arith.addi %while3A_120, %while3A_126 : i32
      %while3A_128 = arith.constant 1 : i32
      scf.for %while3A_146 = %while3A_120 to %while3A_127 step %while3A_128  : i32 {
        %mul3A_147 = arith.constant 128 : i32
        %mul3A_148 = arith.muli %while3A_146, %mul3A_147 : i32
        %add3A_149 = arith.constant 0 : i32
        %add3A_150 = arith.addi %mul3A_148, %add3A_149 : i32
        %add3A_151 = arith.constant 16 : i32
        %add3A_152 = arith.addi %mul3A_148, %add3A_151 : i32
        %add3A_153 = arith.constant 32 : i32
        %add3A_154 = arith.addi %mul3A_148, %add3A_153 : i32
        %add3A_155 = arith.constant 48 : i32
        %add3A_156 = arith.addi %mul3A_148, %add3A_155 : i32
        %add3A_157 = arith.constant 64 : i32
        %add3A_158 = arith.addi %mul3A_148, %add3A_157 : i32
        %add3A_159 = arith.constant 80 : i32
        %add3A_160 = arith.addi %mul3A_148, %add3A_159 : i32
        %add3A_161 = arith.constant 96 : i32
        %add3A_162 = arith.addi %mul3A_148, %add3A_161 : i32
        %add3A_163 = arith.constant 112 : i32
        %add3A_164 = arith.addi %mul3A_148, %add3A_163 : i32
        %get3A = arith.index_cast %add3A_150 : i32 to index
        %get3A_165 = tpu.vector_load %arg8[%get3A] {strides = array<i32>} : memref<16384xf32, #tpu.memory_space<vmem>>, vector<16xf32>,
        %get3A_166 = arith.index_cast %add3A_152 : i32 to index
        %get3A_167 = tpu.vector_load %arg8[%get3A_166] {strides = array<i32>} : memref<16384xf32, #tpu.memory_space<vmem>>, vector<16xf32>,
        %get3A_168 = arith.index_cast %add3A_154 : i32 to index
        %get3A_169 = tpu.vector_load %arg8[%get3A_168] {strides = array<i32>} : memref<16384xf32, #tpu.memory_space<vmem>>, vector<16xf32>,
        %get3A_170 = arith.index_cast %add3A_156 : i32 to index
        %get3A_171 = tpu.vector_load %arg8[%get3A_170] {strides = array<i32>} : memref<16384xf32, #tpu.memory_space<vmem>>, vector<16xf32>,
        %get3A_172 = arith.index_cast %add3A_158 : i32 to index
        %get3A_173 = tpu.vector_load %arg8[%get3A_172] {strides = array<i32>} : memref<16384xf32, #tpu.memory_space<vmem>>, vector<16xf32>,
        %get3A_174 = arith.index_cast %add3A_160 : i32 to index
        %get3A_175 = tpu.vector_load %arg8[%get3A_174] {strides = array<i32>} : memref<16384xf32, #tpu.memory_space<vmem>>, vector<16xf32>,
        %get3A_176 = arith.index_cast %add3A_162 : i32 to index
        %get3A_177 = tpu.vector_load %arg8[%get3A_176] {strides = array<i32>} : memref<16384xf32, #tpu.memory_space<vmem>>, vector<16xf32>,
        %get3A_178 = arith.index_cast %add3A_164 : i32 to index
        %get3A_179 = tpu.vector_load %arg8[%get3A_178] {strides = array<i32>} : memref<16384xf32, #tpu.memory_space<vmem>>, vector<16xf32>,
        %mul3A_180 = arith.constant 6.400000e+01 : f32
        %mul3A_181 = vector.broadcast %mul3A_180 : f32 to vector<16xf32>
        %mul3A_182 = arith.mulf %get3A_165, %mul3A_181 : vector<16xf32>
        %add3A_183 = arith.constant 1.024000e+03 : f32
        %add3A_184 = vector.broadcast %add3A_183 : f32 to vector<16xf32>
        %add3A_185 = arith.addf %mul3A_182, %add3A_184 : vector<16xf32>
        %mul3A_186 = arith.constant 6.400000e+01 : f32
        %mul3A_187 = vector.broadcast %mul3A_186 : f32 to vector<16xf32>
        %mul3A_188 = arith.mulf %get3A_167, %mul3A_187 : vector<16xf32>
        %add3A_189 = arith.constant 1.024000e+03 : f32
        %add3A_190 = vector.broadcast %add3A_189 : f32 to vector<16xf32>
        %add3A_191 = arith.addf %mul3A_188, %add3A_190 : vector<16xf32>
        %mul3A_192 = arith.constant 6.400000e+01 : f32
        %mul3A_193 = vector.broadcast %mul3A_192 : f32 to vector<16xf32>
        %mul3A_194 = arith.mulf %get3A_169, %mul3A_193 : vector<16xf32>
        %add3A_195 = arith.constant 1.024000e+03 : f32
        %add3A_196 = vector.broadcast %add3A_195 : f32 to vector<16xf32>
        %add3A_197 = arith.addf %mul3A_194, %add3A_196 : vector<16xf32>
        %mul3A_198 = arith.constant 6.400000e+01 : f32
        %mul3A_199 = vector.broadcast %mul3A_198 : f32 to vector<16xf32>
        %mul3A_200 = arith.mulf %get3A_171, %mul3A_199 : vector<16xf32>
        %add3A_201 = arith.constant 1.024000e+03 : f32
        %add3A_202 = vector.broadcast %add3A_201 : f32 to vector<16xf32>
        %add3A_203 = arith.addf %mul3A_200, %add3A_202 : vector<16xf32>
        %mul3A_204 = arith.constant 6.400000e+01 : f32
        %mul3A_205 = vector.broadcast %mul3A_204 : f32 to vector<16xf32>
        %mul3A_206 = arith.mulf %get3A_173, %mul3A_205 : vector<16xf32>
        %add3A_207 = arith.constant 1.024000e+03 : f32
        %add3A_208 = vector.broadcast %add3A_207 : f32 to vector<16xf32>
        %add3A_209 = arith.addf %mul3A_206, %add3A_208 : vector<16xf32>
        %mul3A_210 = arith.constant 6.400000e+01 : f32
        %mul3A_211 = vector.broadcast %mul3A_210 : f32 to vector<16xf32>
        %mul3A_212 = arith.mulf %get3A_175, %mul3A_211 : vector<16xf32>
        %add3A_213 = arith.constant 1.024000e+03 : f32
        %add3A_214 = vector.broadcast %add3A_213 : f32 to vector<16xf32>
        %add3A_215 = arith.addf %mul3A_212, %add3A_214 : vector<16xf32>
        %mul3A_216 = arith.constant 6.400000e+01 : f32
        %mul3A_217 = vector.broadcast %mul3A_216 : f32 to vector<16xf32>
        %mul3A_218 = arith.mulf %get3A_177, %mul3A_217 : vector<16xf32>
        %add3A_219 = arith.constant 1.024000e+03 : f32
        %add3A_220 = vector.broadcast %add3A_219 : f32 to vector<16xf32>
        %add3A_221 = arith.addf %mul3A_218, %add3A_220 : vector<16xf32>
        %mul3A_222 = arith.constant 6.400000e+01 : f32
        %mul3A_223 = vector.broadcast %mul3A_222 : f32 to vector<16xf32>
        %mul3A_224 = arith.mulf %get3A_179, %mul3A_223 : vector<16xf32>
        %add3A_225 = arith.constant 1.024000e+03 : f32
        %add3A_226 = vector.broadcast %add3A_225 : f32 to vector<16xf32>
        %add3A_227 = arith.addf %mul3A_224, %add3A_226 : vector<16xf32>
        %max3A = arith.constant 0.000000e+00 : f32
        %max3A_228 = vector.broadcast %max3A : f32 to vector<16xf32>
        %max3A_229 = arith.maximumf %add3A_185, %max3A_228 : vector<16xf32>
        %min3A = arith.constant 2047.99597 : f32
        %min3A_230 = vector.broadcast %min3A : f32 to vector<16xf32>
        %min3A_231 = arith.minimumf %max3A_229, %min3A_230 : vector<16xf32>
        %max3A_232 = arith.constant 0.000000e+00 : f32
        %max3A_233 = vector.broadcast %max3A_232 : f32 to vector<16xf32>
        %max3A_234 = arith.maximumf %add3A_191, %max3A_233 : vector<16xf32>
        %min3A_235 = arith.constant 2047.99597 : f32
        %min3A_236 = vector.broadcast %min3A_235 : f32 to vector<16xf32>
        %min3A_237 = arith.minimumf %max3A_234, %min3A_236 : vector<16xf32>
        %max3A_238 = arith.constant 0.000000e+00 : f32
        %max3A_239 = vector.broadcast %max3A_238 : f32 to vector<16xf32>
        %max3A_240 = arith.maximumf %add3A_197, %max3A_239 : vector<16xf32>
        %min3A_241 = arith.constant 2047.99597 : f32
        %min3A_242 = vector.broadcast %min3A_241 : f32 to vector<16xf32>
        %min3A_243 = arith.minimumf %max3A_240, %min3A_242 : vector<16xf32>
        %max3A_244 = arith.constant 0.000000e+00 : f32
        %max3A_245 = vector.broadcast %max3A_244 : f32 to vector<16xf32>
        %max3A_246 = arith.maximumf %add3A_203, %max3A_245 : vector<16xf32>
        %min3A_247 = arith.constant 2047.99597 : f32
        %min3A_248 = vector.broadcast %min3A_247 : f32 to vector<16xf32>
        %min3A_249 = arith.minimumf %max3A_246, %min3A_248 : vector<16xf32>
        %max3A_250 = arith.constant 0.000000e+00 : f32
        %max3A_251 = vector.broadcast %max3A_250 : f32 to vector<16xf32>
        %max3A_252 = arith.maximumf %add3A_209, %max3A_251 : vector<16xf32>
        %min3A_253 = arith.constant 2047.99597 : f32
        %min3A_254 = vector.broadcast %min3A_253 : f32 to vector<16xf32>
        %min3A_255 = arith.minimumf %max3A_252, %min3A_254 : vector<16xf32>
        %max3A_256 = arith.constant 0.000000e+00 : f32
        %max3A_257 = vector.broadcast %max3A_256 : f32 to vector<16xf32>
        %max3A_258 = arith.maximumf %add3A_215, %max3A_257 : vector<16xf32>
        %min3A_259 = arith.constant 2047.99597 : f32
        %min3A_260 = vector.broadcast %min3A_259 : f32 to vector<16xf32>
        %min3A_261 = arith.minimumf %max3A_258, %min3A_260 : vector<16xf32>
        %max3A_262 = arith.constant 0.000000e+00 : f32
        %max3A_263 = vector.broadcast %max3A_262 : f32 to vector<16xf32>
        %max3A_264 = arith.maximumf %add3A_221, %max3A_263 : vector<16xf32>
        %min3A_265 = arith.constant 2047.99597 : f32
        %min3A_266 = vector.broadcast %min3A_265 : f32 to vector<16xf32>
        %min3A_267 = arith.minimumf %max3A_264, %min3A_266 : vector<16xf32>
        %max3A_268 = arith.constant 0.000000e+00 : f32
        %max3A_269 = vector.broadcast %max3A_268 : f32 to vector<16xf32>
        %max3A_270 = arith.maximumf %add3A_227, %max3A_269 : vector<16xf32>
        %min3A_271 = arith.constant 2047.99597 : f32
        %min3A_272 = vector.broadcast %min3A_271 : f32 to vector<16xf32>
        %min3A_273 = arith.minimumf %max3A_270, %min3A_272 : vector<16xf32>
        %convert_element_type3A_274 = arith.fptosi %min3A_231 : vector<16xf32> to vector<16xi32>
        %convert_element_type3A_275 = arith.fptosi %min3A_237 : vector<16xf32> to vector<16xi32>
        %convert_element_type3A_276 = arith.fptosi %min3A_243 : vector<16xf32> to vector<16xi32>
        %convert_element_type3A_277 = arith.fptosi %min3A_249 : vector<16xf32> to vector<16xi32>
        %convert_element_type3A_278 = arith.fptosi %min3A_255 : vector<16xf32> to vector<16xi32>
        %convert_element_type3A_279 = arith.fptosi %min3A_261 : vector<16xf32> to vector<16xi32>
        %convert_element_type3A_280 = arith.fptosi %min3A_267 : vector<16xf32> to vector<16xi32>
        %convert_element_type3A_281 = arith.fptosi %min3A_273 : vector<16xf32> to vector<16xi32>
        %convert_element_type3A_282 = arith.sitofp %convert_element_type3A_274 : vector<16xi32> to vector<16xf32>
        %sub3A = arith.subf %min3A_231, %convert_element_type3A_282 : vector<16xf32>
        %convert_element_type3A_283 = arith.sitofp %convert_element_type3A_275 : vector<16xi32> to vector<16xf32>
        %sub3A_284 = arith.subf %min3A_237, %convert_element_type3A_283 : vector<16xf32>
        %convert_element_type3A_285 = arith.sitofp %convert_element_type3A_276 : vector<16xi32> to vector<16xf32>
        %sub3A_286 = arith.subf %min3A_243, %convert_element_type3A_285 : vector<16xf32>
        %convert_element_type3A_287 = arith.sitofp %convert_element_type3A_277 : vector<16xi32> to vector<16xf32>
        %sub3A_288 = arith.subf %min3A_249, %convert_element_type3A_287 : vector<16xf32>
        %convert_element_type3A_289 = arith.sitofp %convert_element_type3A_278 : vector<16xi32> to vector<16xf32>
        %sub3A_290 = arith.subf %min3A_255, %convert_element_type3A_289 : vector<16xf32>
        %convert_element_type3A_291 = arith.sitofp %convert_element_type3A_279 : vector<16xi32> to vector<16xf32>
        %sub3A_292 = arith.subf %min3A_261, %convert_element_type3A_291 : vector<16xf32>
        %convert_element_type3A_293 = arith.sitofp %convert_element_type3A_280 : vector<16xi32> to vector<16xf32>
        %sub3A_294 = arith.subf %min3A_267, %convert_element_type3A_293 : vector<16xf32>
        %convert_element_type3A_295 = arith.sitofp %convert_element_type3A_281 : vector<16xi32> to vector<16xf32>
        %sub3A_296 = arith.subf %min3A_273, %convert_element_type3A_295 : vector<16xf32>
        %gather3A = tpu.vector_load_idx %arg11[%convert_element_type3A_274] : memref<2048xf32, #tpu.memory_space<vmem>>[vector<16xi32>], vector<16xf32>,
        %gather3A_297 = tpu.vector_load_idx %arg11[%convert_element_type3A_275] : memref<2048xf32, #tpu.memory_space<vmem>>[vector<16xi32>], vector<16xf32>,
        %gather3A_298 = tpu.vector_load_idx %arg11[%convert_element_type3A_276] : memref<2048xf32, #tpu.memory_space<vmem>>[vector<16xi32>], vector<16xf32>,
        %gather3A_299 = tpu.vector_load_idx %arg11[%convert_element_type3A_277] : memref<2048xf32, #tpu.memory_space<vmem>>[vector<16xi32>], vector<16xf32>,
        %gather3A_300 = tpu.vector_load_idx %arg11[%convert_element_type3A_278] : memref<2048xf32, #tpu.memory_space<vmem>>[vector<16xi32>], vector<16xf32>,
        %gather3A_301 = tpu.vector_load_idx %arg11[%convert_element_type3A_279] : memref<2048xf32, #tpu.memory_space<vmem>>[vector<16xi32>], vector<16xf32>,
        %gather3A_302 = tpu.vector_load_idx %arg11[%convert_element_type3A_280] : memref<2048xf32, #tpu.memory_space<vmem>>[vector<16xi32>], vector<16xf32>,
        %gather3A_303 = tpu.vector_load_idx %arg11[%convert_element_type3A_281] : memref<2048xf32, #tpu.memory_space<vmem>>[vector<16xi32>], vector<16xf32>,
        %gather3A_304 = tpu.vector_load_idx %arg12[%convert_element_type3A_274] : memref<2048xf32, #tpu.memory_space<vmem>>[vector<16xi32>], vector<16xf32>,
        %gather3A_305 = tpu.vector_load_idx %arg12[%convert_element_type3A_275] : memref<2048xf32, #tpu.memory_space<vmem>>[vector<16xi32>], vector<16xf32>,
        %gather3A_306 = tpu.vector_load_idx %arg12[%convert_element_type3A_276] : memref<2048xf32, #tpu.memory_space<vmem>>[vector<16xi32>], vector<16xf32>,
        %gather3A_307 = tpu.vector_load_idx %arg12[%convert_element_type3A_277] : memref<2048xf32, #tpu.memory_space<vmem>>[vector<16xi32>], vector<16xf32>,
        %gather3A_308 = tpu.vector_load_idx %arg12[%convert_element_type3A_278] : memref<2048xf32, #tpu.memory_space<vmem>>[vector<16xi32>], vector<16xf32>,
        %gather3A_309 = tpu.vector_load_idx %arg12[%convert_element_type3A_279] : memref<2048xf32, #tpu.memory_space<vmem>>[vector<16xi32>], vector<16xf32>,
        %gather3A_310 = tpu.vector_load_idx %arg12[%convert_element_type3A_280] : memref<2048xf32, #tpu.memory_space<vmem>>[vector<16xi32>], vector<16xf32>,
        %gather3A_311 = tpu.vector_load_idx %arg12[%convert_element_type3A_281] : memref<2048xf32, #tpu.memory_space<vmem>>[vector<16xi32>], vector<16xf32>,
        %mul3A_312 = arith.mulf %sub3A, %gather3A_304 : vector<16xf32>
        %add3A_313 = arith.addf %gather3A, %mul3A_312 : vector<16xf32>
        %mul3A_314 = arith.mulf %sub3A_284, %gather3A_305 : vector<16xf32>
        %add3A_315 = arith.addf %gather3A_297, %mul3A_314 : vector<16xf32>
        %mul3A_316 = arith.mulf %sub3A_286, %gather3A_306 : vector<16xf32>
        %add3A_317 = arith.addf %gather3A_298, %mul3A_316 : vector<16xf32>
        %mul3A_318 = arith.mulf %sub3A_288, %gather3A_307 : vector<16xf32>
        %add3A_319 = arith.addf %gather3A_299, %mul3A_318 : vector<16xf32>
        %mul3A_320 = arith.mulf %sub3A_290, %gather3A_308 : vector<16xf32>
        %add3A_321 = arith.addf %gather3A_300, %mul3A_320 : vector<16xf32>
        %mul3A_322 = arith.mulf %sub3A_292, %gather3A_309 : vector<16xf32>
        %add3A_323 = arith.addf %gather3A_301, %mul3A_322 : vector<16xf32>
        %mul3A_324 = arith.mulf %sub3A_294, %gather3A_310 : vector<16xf32>
        %add3A_325 = arith.addf %gather3A_302, %mul3A_324 : vector<16xf32>
        %mul3A_326 = arith.mulf %sub3A_296, %gather3A_311 : vector<16xf32>
        %add3A_327 = arith.addf %gather3A_303, %mul3A_326 : vector<16xf32>
        %mul3A_328 = arith.constant 1.000000e+01 : f32
        %mul3A_329 = vector.broadcast %mul3A_328 : f32 to vector<16xf32>
        %mul3A_330 = arith.mulf %add3A_313, %mul3A_329 : vector<16xf32>
        %convert_element_type3A_331 = arith.fptosi %mul3A_330 : vector<16xf32> to vector<16xi32>
        %mul3A_332 = arith.constant 1.000000e+01 : f32
        %mul3A_333 = vector.broadcast %mul3A_332 : f32 to vector<16xf32>
        %mul3A_334 = arith.mulf %add3A_315, %mul3A_333 : vector<16xf32>
        %convert_element_type3A_335 = arith.fptosi %mul3A_334 : vector<16xf32> to vector<16xi32>
        %mul3A_336 = arith.constant 1.000000e+01 : f32
        %mul3A_337 = vector.broadcast %mul3A_336 : f32 to vector<16xf32>
        %mul3A_338 = arith.mulf %add3A_317, %mul3A_337 : vector<16xf32>
        %convert_element_type3A_339 = arith.fptosi %mul3A_338 : vector<16xf32> to vector<16xi32>
        %mul3A_340 = arith.constant 1.000000e+01 : f32
        %mul3A_341 = vector.broadcast %mul3A_340 : f32 to vector<16xf32>
        %mul3A_342 = arith.mulf %add3A_319, %mul3A_341 : vector<16xf32>
        %convert_element_type3A_343 = arith.fptosi %mul3A_342 : vector<16xf32> to vector<16xi32>
        %mul3A_344 = arith.constant 1.000000e+01 : f32
        %mul3A_345 = vector.broadcast %mul3A_344 : f32 to vector<16xf32>
        %mul3A_346 = arith.mulf %add3A_321, %mul3A_345 : vector<16xf32>
        %convert_element_type3A_347 = arith.fptosi %mul3A_346 : vector<16xf32> to vector<16xi32>
        %mul3A_348 = arith.constant 1.000000e+01 : f32
        %mul3A_349 = vector.broadcast %mul3A_348 : f32 to vector<16xf32>
        %mul3A_350 = arith.mulf %add3A_323, %mul3A_349 : vector<16xf32>
        %convert_element_type3A_351 = arith.fptosi %mul3A_350 : vector<16xf32> to vector<16xi32>
        %mul3A_352 = arith.constant 1.000000e+01 : f32
        %mul3A_353 = vector.broadcast %mul3A_352 : f32 to vector<16xf32>
        %mul3A_354 = arith.mulf %add3A_325, %mul3A_353 : vector<16xf32>
        %convert_element_type3A_355 = arith.fptosi %mul3A_354 : vector<16xf32> to vector<16xi32>
        %mul3A_356 = arith.constant 1.000000e+01 : f32
        %mul3A_357 = vector.broadcast %mul3A_356 : f32 to vector<16xf32>
        %mul3A_358 = arith.mulf %add3A_327, %mul3A_357 : vector<16xf32>
        %convert_element_type3A_359 = arith.fptosi %mul3A_358 : vector<16xf32> to vector<16xi32>
        %mul3A_360 = arith.constant 16 : i32
        %mul3A_361 = vector.broadcast %mul3A_360 : i32 to vector<16xi32>
        %mul3A_362 = arith.muli %convert_element_type3A_331, %mul3A_361 : vector<16xi32>
        %add3A_363 = arith.addi %mul3A_362, %iota3A : vector<16xi32>
        %mul3A_364 = arith.constant 16 : i32
        %mul3A_365 = vector.broadcast %mul3A_364 : i32 to vector<16xi32>
        %mul3A_366 = arith.muli %convert_element_type3A_335, %mul3A_365 : vector<16xi32>
        %add3A_367 = arith.addi %mul3A_366, %iota3A : vector<16xi32>
        %mul3A_368 = arith.constant 16 : i32
        %mul3A_369 = vector.broadcast %mul3A_368 : i32 to vector<16xi32>
        %mul3A_370 = arith.muli %convert_element_type3A_339, %mul3A_369 : vector<16xi32>
        %add3A_371 = arith.addi %mul3A_370, %iota3A : vector<16xi32>
        %mul3A_372 = arith.constant 16 : i32
        %mul3A_373 = vector.broadcast %mul3A_372 : i32 to vector<16xi32>
        %mul3A_374 = arith.muli %convert_element_type3A_343, %mul3A_373 : vector<16xi32>
        %add3A_375 = arith.addi %mul3A_374, %iota3A : vector<16xi32>
        %mul3A_376 = arith.constant 16 : i32
        %mul3A_377 = vector.broadcast %mul3A_376 : i32 to vector<16xi32>
        %mul3A_378 = arith.muli %convert_element_type3A_347, %mul3A_377 : vector<16xi32>
        %add3A_379 = arith.addi %mul3A_378, %iota3A : vector<16xi32>
        %mul3A_380 = arith.constant 16 : i32
        %mul3A_381 = vector.broadcast %mul3A_380 : i32 to vector<16xi32>
        %mul3A_382 = arith.muli %convert_element_type3A_351, %mul3A_381 : vector<16xi32>
        %add3A_383 = arith.addi %mul3A_382, %iota3A : vector<16xi32>
        %mul3A_384 = arith.constant 16 : i32
        %mul3A_385 = vector.broadcast %mul3A_384 : i32 to vector<16xi32>
        %mul3A_386 = arith.muli %convert_element_type3A_355, %mul3A_385 : vector<16xi32>
        %add3A_387 = arith.addi %mul3A_386, %iota3A : vector<16xi32>
        %mul3A_388 = arith.constant 16 : i32
        %mul3A_389 = vector.broadcast %mul3A_388 : i32 to vector<16xi32>
        %mul3A_390 = arith.muli %convert_element_type3A_359, %mul3A_389 : vector<16xi32>
        %add3A_391 = arith.addi %mul3A_390, %iota3A : vector<16xi32>
        tpu.vector_store_idx %arg13[%add3A_363], %broadcast_in_dim3A_55 {add = true} : memref<160xf32, #tpu.memory_space<vmem>>[vector<16xi32>], vector<16xf32>,
        tpu.vector_store_idx %arg14[%add3A_363], %add3A_313 {add = true} : memref<160xf32, #tpu.memory_space<vmem>>[vector<16xi32>], vector<16xf32>,
        tpu.vector_store_idx %arg13[%add3A_367], %broadcast_in_dim3A_55 {add = true} : memref<160xf32, #tpu.memory_space<vmem>>[vector<16xi32>], vector<16xf32>,
        tpu.vector_store_idx %arg14[%add3A_367], %add3A_315 {add = true} : memref<160xf32, #tpu.memory_space<vmem>>[vector<16xi32>], vector<16xf32>,
        tpu.vector_store_idx %arg13[%add3A_371], %broadcast_in_dim3A_55 {add = true} : memref<160xf32, #tpu.memory_space<vmem>>[vector<16xi32>], vector<16xf32>,
        tpu.vector_store_idx %arg14[%add3A_371], %add3A_317 {add = true} : memref<160xf32, #tpu.memory_space<vmem>>[vector<16xi32>], vector<16xf32>,
        tpu.vector_store_idx %arg13[%add3A_375], %broadcast_in_dim3A_55 {add = true} : memref<160xf32, #tpu.memory_space<vmem>>[vector<16xi32>], vector<16xf32>,
        tpu.vector_store_idx %arg14[%add3A_375], %add3A_319 {add = true} : memref<160xf32, #tpu.memory_space<vmem>>[vector<16xi32>], vector<16xf32>,
        tpu.vector_store_idx %arg13[%add3A_379], %broadcast_in_dim3A_55 {add = true} : memref<160xf32, #tpu.memory_space<vmem>>[vector<16xi32>], vector<16xf32>,
        tpu.vector_store_idx %arg14[%add3A_379], %add3A_321 {add = true} : memref<160xf32, #tpu.memory_space<vmem>>[vector<16xi32>], vector<16xf32>,
        tpu.vector_store_idx %arg13[%add3A_383], %broadcast_in_dim3A_55 {add = true} : memref<160xf32, #tpu.memory_space<vmem>>[vector<16xi32>], vector<16xf32>,
        tpu.vector_store_idx %arg14[%add3A_383], %add3A_323 {add = true} : memref<160xf32, #tpu.memory_space<vmem>>[vector<16xi32>], vector<16xf32>,
        tpu.vector_store_idx %arg13[%add3A_387], %broadcast_in_dim3A_55 {add = true} : memref<160xf32, #tpu.memory_space<vmem>>[vector<16xi32>], vector<16xf32>,
        tpu.vector_store_idx %arg14[%add3A_387], %add3A_325 {add = true} : memref<160xf32, #tpu.memory_space<vmem>>[vector<16xi32>], vector<16xf32>,
        tpu.vector_store_idx %arg13[%add3A_391], %broadcast_in_dim3A_55 {add = true} : memref<160xf32, #tpu.memory_space<vmem>>[vector<16xi32>], vector<16xf32>,
        tpu.vector_store_idx %arg14[%add3A_391], %add3A_327 {add = true} : memref<160xf32, #tpu.memory_space<vmem>>[vector<16xi32>], vector<16xf32>,
        %mul3A_392 = arith.constant 64 : i32
        %mul3A_393 = arith.muli %while3A_146, %mul3A_392 : i32
        %pack3A = tpu.pack_subelements %add3A_363, %add3A_367 {pack_format = #tpu.pack_format<interleaved>, positions = array<i32: 0, 1>} : vector<16xi32>, vector<16xi32> -> vector<32xi16>
        %bitcast3A = vector.bitcast %pack3A : vector<32xi16> to vector<16xi32>
        %add3A_394 = arith.constant 0 : i32
        %add3A_395 = arith.addi %mul3A_393, %add3A_394 : i32
        %swap3A_396 = arith.index_cast %add3A_395 : i32 to index
        %swap3A_397 = tpu.vector_load %arg10[%swap3A_396] {strides = array<i32>} : memref<8192xi32, #tpu.memory_space<vmem>>, vector<16xi32>,
        tpu.vector_store %arg10[%swap3A_396], %bitcast3A {strides = array<i32>} : memref<8192xi32, #tpu.memory_space<vmem>>, vector<16xi32>,
        %pack3A_398 = tpu.pack_subelements %add3A_371, %add3A_375 {pack_format = #tpu.pack_format<interleaved>, positions = array<i32: 0, 1>} : vector<16xi32>, vector<16xi32> -> vector<32xi16>
        %bitcast3A_399 = vector.bitcast %pack3A_398 : vector<32xi16> to vector<16xi32>
        %add3A_400 = arith.constant 16 : i32
        %add3A_401 = arith.addi %mul3A_393, %add3A_400 : i32
        %swap3A_402 = arith.index_cast %add3A_401 : i32 to index
        %swap3A_403 = tpu.vector_load %arg10[%swap3A_402] {strides = array<i32>} : memref<8192xi32, #tpu.memory_space<vmem>>, vector<16xi32>,
        tpu.vector_store %arg10[%swap3A_402], %bitcast3A_399 {strides = array<i32>} : memref<8192xi32, #tpu.memory_space<vmem>>, vector<16xi32>,
        %pack3A_404 = tpu.pack_subelements %add3A_379, %add3A_383 {pack_format = #tpu.pack_format<interleaved>, positions = array<i32: 0, 1>} : vector<16xi32>, vector<16xi32> -> vector<32xi16>
        %bitcast3A_405 = vector.bitcast %pack3A_404 : vector<32xi16> to vector<16xi32>
        %add3A_406 = arith.constant 32 : i32
        %add3A_407 = arith.addi %mul3A_393, %add3A_406 : i32
        %swap3A_408 = arith.index_cast %add3A_407 : i32 to index
        %swap3A_409 = tpu.vector_load %arg10[%swap3A_408] {strides = array<i32>} : memref<8192xi32, #tpu.memory_space<vmem>>, vector<16xi32>,
        tpu.vector_store %arg10[%swap3A_408], %bitcast3A_405 {strides = array<i32>} : memref<8192xi32, #tpu.memory_space<vmem>>, vector<16xi32>,
        %pack3A_410 = tpu.pack_subelements %add3A_387, %add3A_391 {pack_format = #tpu.pack_format<interleaved>, positions = array<i32: 0, 1>} : vector<16xi32>, vector<16xi32> -> vector<32xi16>
        %bitcast3A_411 = vector.bitcast %pack3A_410 : vector<32xi16> to vector<16xi32>
        %add3A_412 = arith.constant 48 : i32
        %add3A_413 = arith.addi %mul3A_393, %add3A_412 : i32
        %swap3A_414 = arith.index_cast %add3A_413 : i32 to index
        %swap3A_415 = tpu.vector_load %arg10[%swap3A_414] {strides = array<i32>} : memref<8192xi32, #tpu.memory_space<vmem>>, vector<16xi32>,
        tpu.vector_store %arg10[%swap3A_414], %bitcast3A_411 {strides = array<i32>} : memref<8192xi32, #tpu.memory_space<vmem>>, vector<16xi32>,
      }
      %while3A_129 = arith.constant 1 : i32
      scf.for %while3A_146 = %while3A_127 to %while3A_123 step %while3A_129  : i32 {
        %mul3A_147 = arith.constant 128 : i32
        %mul3A_148 = arith.muli %while3A_146, %mul3A_147 : i32
        %add3A_149 = arith.constant 0 : i32
        %add3A_150 = arith.addi %mul3A_148, %add3A_149 : i32
        %add3A_151 = arith.constant 16 : i32
        %add3A_152 = arith.addi %mul3A_148, %add3A_151 : i32
        %add3A_153 = arith.constant 32 : i32
        %add3A_154 = arith.addi %mul3A_148, %add3A_153 : i32
        %add3A_155 = arith.constant 48 : i32
        %add3A_156 = arith.addi %mul3A_148, %add3A_155 : i32
        %add3A_157 = arith.constant 64 : i32
        %add3A_158 = arith.addi %mul3A_148, %add3A_157 : i32
        %add3A_159 = arith.constant 80 : i32
        %add3A_160 = arith.addi %mul3A_148, %add3A_159 : i32
        %add3A_161 = arith.constant 96 : i32
        %add3A_162 = arith.addi %mul3A_148, %add3A_161 : i32
        %add3A_163 = arith.constant 112 : i32
        %add3A_164 = arith.addi %mul3A_148, %add3A_163 : i32
        %get3A = arith.index_cast %add3A_150 : i32 to index
        %get3A_165 = tpu.vector_load %arg8[%get3A] {strides = array<i32>} : memref<16384xf32, #tpu.memory_space<vmem>>, vector<16xf32>,
        %get3A_166 = arith.index_cast %add3A_152 : i32 to index
        %get3A_167 = tpu.vector_load %arg8[%get3A_166] {strides = array<i32>} : memref<16384xf32, #tpu.memory_space<vmem>>, vector<16xf32>,
        %get3A_168 = arith.index_cast %add3A_154 : i32 to index
        %get3A_169 = tpu.vector_load %arg8[%get3A_168] {strides = array<i32>} : memref<16384xf32, #tpu.memory_space<vmem>>, vector<16xf32>,
        %get3A_170 = arith.index_cast %add3A_156 : i32 to index
        %get3A_171 = tpu.vector_load %arg8[%get3A_170] {strides = array<i32>} : memref<16384xf32, #tpu.memory_space<vmem>>, vector<16xf32>,
        %get3A_172 = arith.index_cast %add3A_158 : i32 to index
        %get3A_173 = tpu.vector_load %arg8[%get3A_172] {strides = array<i32>} : memref<16384xf32, #tpu.memory_space<vmem>>, vector<16xf32>,
        %get3A_174 = arith.index_cast %add3A_160 : i32 to index
        %get3A_175 = tpu.vector_load %arg8[%get3A_174] {strides = array<i32>} : memref<16384xf32, #tpu.memory_space<vmem>>, vector<16xf32>,
        %get3A_176 = arith.index_cast %add3A_162 : i32 to index
        %get3A_177 = tpu.vector_load %arg8[%get3A_176] {strides = array<i32>} : memref<16384xf32, #tpu.memory_space<vmem>>, vector<16xf32>,
        %get3A_178 = arith.index_cast %add3A_164 : i32 to index
        %get3A_179 = tpu.vector_load %arg8[%get3A_178] {strides = array<i32>} : memref<16384xf32, #tpu.memory_space<vmem>>, vector<16xf32>,
        %mul3A_180 = arith.constant 6.400000e+01 : f32
        %mul3A_181 = vector.broadcast %mul3A_180 : f32 to vector<16xf32>
        %mul3A_182 = arith.mulf %get3A_165, %mul3A_181 : vector<16xf32>
        %add3A_183 = arith.constant 1.024000e+03 : f32
        %add3A_184 = vector.broadcast %add3A_183 : f32 to vector<16xf32>
        %add3A_185 = arith.addf %mul3A_182, %add3A_184 : vector<16xf32>
        %mul3A_186 = arith.constant 6.400000e+01 : f32
        %mul3A_187 = vector.broadcast %mul3A_186 : f32 to vector<16xf32>
        %mul3A_188 = arith.mulf %get3A_167, %mul3A_187 : vector<16xf32>
        %add3A_189 = arith.constant 1.024000e+03 : f32
        %add3A_190 = vector.broadcast %add3A_189 : f32 to vector<16xf32>
        %add3A_191 = arith.addf %mul3A_188, %add3A_190 : vector<16xf32>
        %mul3A_192 = arith.constant 6.400000e+01 : f32
        %mul3A_193 = vector.broadcast %mul3A_192 : f32 to vector<16xf32>
        %mul3A_194 = arith.mulf %get3A_169, %mul3A_193 : vector<16xf32>
        %add3A_195 = arith.constant 1.024000e+03 : f32
        %add3A_196 = vector.broadcast %add3A_195 : f32 to vector<16xf32>
        %add3A_197 = arith.addf %mul3A_194, %add3A_196 : vector<16xf32>
        %mul3A_198 = arith.constant 6.400000e+01 : f32
        %mul3A_199 = vector.broadcast %mul3A_198 : f32 to vector<16xf32>
        %mul3A_200 = arith.mulf %get3A_171, %mul3A_199 : vector<16xf32>
        %add3A_201 = arith.constant 1.024000e+03 : f32
        %add3A_202 = vector.broadcast %add3A_201 : f32 to vector<16xf32>
        %add3A_203 = arith.addf %mul3A_200, %add3A_202 : vector<16xf32>
        %mul3A_204 = arith.constant 6.400000e+01 : f32
        %mul3A_205 = vector.broadcast %mul3A_204 : f32 to vector<16xf32>
        %mul3A_206 = arith.mulf %get3A_173, %mul3A_205 : vector<16xf32>
        %add3A_207 = arith.constant 1.024000e+03 : f32
        %add3A_208 = vector.broadcast %add3A_207 : f32 to vector<16xf32>
        %add3A_209 = arith.addf %mul3A_206, %add3A_208 : vector<16xf32>
        %mul3A_210 = arith.constant 6.400000e+01 : f32
        %mul3A_211 = vector.broadcast %mul3A_210 : f32 to vector<16xf32>
        %mul3A_212 = arith.mulf %get3A_175, %mul3A_211 : vector<16xf32>
        %add3A_213 = arith.constant 1.024000e+03 : f32
        %add3A_214 = vector.broadcast %add3A_213 : f32 to vector<16xf32>
        %add3A_215 = arith.addf %mul3A_212, %add3A_214 : vector<16xf32>
        %mul3A_216 = arith.constant 6.400000e+01 : f32
        %mul3A_217 = vector.broadcast %mul3A_216 : f32 to vector<16xf32>
        %mul3A_218 = arith.mulf %get3A_177, %mul3A_217 : vector<16xf32>
        %add3A_219 = arith.constant 1.024000e+03 : f32
        %add3A_220 = vector.broadcast %add3A_219 : f32 to vector<16xf32>
        %add3A_221 = arith.addf %mul3A_218, %add3A_220 : vector<16xf32>
        %mul3A_222 = arith.constant 6.400000e+01 : f32
        %mul3A_223 = vector.broadcast %mul3A_222 : f32 to vector<16xf32>
        %mul3A_224 = arith.mulf %get3A_179, %mul3A_223 : vector<16xf32>
        %add3A_225 = arith.constant 1.024000e+03 : f32
        %add3A_226 = vector.broadcast %add3A_225 : f32 to vector<16xf32>
        %add3A_227 = arith.addf %mul3A_224, %add3A_226 : vector<16xf32>
        %max3A = arith.constant 0.000000e+00 : f32
        %max3A_228 = vector.broadcast %max3A : f32 to vector<16xf32>
        %max3A_229 = arith.maximumf %add3A_185, %max3A_228 : vector<16xf32>
        %min3A = arith.constant 2047.99597 : f32
        %min3A_230 = vector.broadcast %min3A : f32 to vector<16xf32>
        %min3A_231 = arith.minimumf %max3A_229, %min3A_230 : vector<16xf32>
        %max3A_232 = arith.constant 0.000000e+00 : f32
        %max3A_233 = vector.broadcast %max3A_232 : f32 to vector<16xf32>
        %max3A_234 = arith.maximumf %add3A_191, %max3A_233 : vector<16xf32>
        %min3A_235 = arith.constant 2047.99597 : f32
        %min3A_236 = vector.broadcast %min3A_235 : f32 to vector<16xf32>
        %min3A_237 = arith.minimumf %max3A_234, %min3A_236 : vector<16xf32>
        %max3A_238 = arith.constant 0.000000e+00 : f32
        %max3A_239 = vector.broadcast %max3A_238 : f32 to vector<16xf32>
        %max3A_240 = arith.maximumf %add3A_197, %max3A_239 : vector<16xf32>
        %min3A_241 = arith.constant 2047.99597 : f32
        %min3A_242 = vector.broadcast %min3A_241 : f32 to vector<16xf32>
        %min3A_243 = arith.minimumf %max3A_240, %min3A_242 : vector<16xf32>
        %max3A_244 = arith.constant 0.000000e+00 : f32
        %max3A_245 = vector.broadcast %max3A_244 : f32 to vector<16xf32>
        %max3A_246 = arith.maximumf %add3A_203, %max3A_245 : vector<16xf32>
        %min3A_247 = arith.constant 2047.99597 : f32
        %min3A_248 = vector.broadcast %min3A_247 : f32 to vector<16xf32>
        %min3A_249 = arith.minimumf %max3A_246, %min3A_248 : vector<16xf32>
        %max3A_250 = arith.constant 0.000000e+00 : f32
        %max3A_251 = vector.broadcast %max3A_250 : f32 to vector<16xf32>
        %max3A_252 = arith.maximumf %add3A_209, %max3A_251 : vector<16xf32>
        %min3A_253 = arith.constant 2047.99597 : f32
        %min3A_254 = vector.broadcast %min3A_253 : f32 to vector<16xf32>
        %min3A_255 = arith.minimumf %max3A_252, %min3A_254 : vector<16xf32>
        %max3A_256 = arith.constant 0.000000e+00 : f32
        %max3A_257 = vector.broadcast %max3A_256 : f32 to vector<16xf32>
        %max3A_258 = arith.maximumf %add3A_215, %max3A_257 : vector<16xf32>
        %min3A_259 = arith.constant 2047.99597 : f32
        %min3A_260 = vector.broadcast %min3A_259 : f32 to vector<16xf32>
        %min3A_261 = arith.minimumf %max3A_258, %min3A_260 : vector<16xf32>
        %max3A_262 = arith.constant 0.000000e+00 : f32
        %max3A_263 = vector.broadcast %max3A_262 : f32 to vector<16xf32>
        %max3A_264 = arith.maximumf %add3A_221, %max3A_263 : vector<16xf32>
        %min3A_265 = arith.constant 2047.99597 : f32
        %min3A_266 = vector.broadcast %min3A_265 : f32 to vector<16xf32>
        %min3A_267 = arith.minimumf %max3A_264, %min3A_266 : vector<16xf32>
        %max3A_268 = arith.constant 0.000000e+00 : f32
        %max3A_269 = vector.broadcast %max3A_268 : f32 to vector<16xf32>
        %max3A_270 = arith.maximumf %add3A_227, %max3A_269 : vector<16xf32>
        %min3A_271 = arith.constant 2047.99597 : f32
        %min3A_272 = vector.broadcast %min3A_271 : f32 to vector<16xf32>
        %min3A_273 = arith.minimumf %max3A_270, %min3A_272 : vector<16xf32>
        %convert_element_type3A_274 = arith.fptosi %min3A_231 : vector<16xf32> to vector<16xi32>
        %convert_element_type3A_275 = arith.fptosi %min3A_237 : vector<16xf32> to vector<16xi32>
        %convert_element_type3A_276 = arith.fptosi %min3A_243 : vector<16xf32> to vector<16xi32>
        %convert_element_type3A_277 = arith.fptosi %min3A_249 : vector<16xf32> to vector<16xi32>
        %convert_element_type3A_278 = arith.fptosi %min3A_255 : vector<16xf32> to vector<16xi32>
        %convert_element_type3A_279 = arith.fptosi %min3A_261 : vector<16xf32> to vector<16xi32>
        %convert_element_type3A_280 = arith.fptosi %min3A_267 : vector<16xf32> to vector<16xi32>
        %convert_element_type3A_281 = arith.fptosi %min3A_273 : vector<16xf32> to vector<16xi32>
        %convert_element_type3A_282 = arith.sitofp %convert_element_type3A_274 : vector<16xi32> to vector<16xf32>
        %sub3A = arith.subf %min3A_231, %convert_element_type3A_282 : vector<16xf32>
        %convert_element_type3A_283 = arith.sitofp %convert_element_type3A_275 : vector<16xi32> to vector<16xf32>
        %sub3A_284 = arith.subf %min3A_237, %convert_element_type3A_283 : vector<16xf32>
        %convert_element_type3A_285 = arith.sitofp %convert_element_type3A_276 : vector<16xi32> to vector<16xf32>
        %sub3A_286 = arith.subf %min3A_243, %convert_element_type3A_285 : vector<16xf32>
        %convert_element_type3A_287 = arith.sitofp %convert_element_type3A_277 : vector<16xi32> to vector<16xf32>
        %sub3A_288 = arith.subf %min3A_249, %convert_element_type3A_287 : vector<16xf32>
        %convert_element_type3A_289 = arith.sitofp %convert_element_type3A_278 : vector<16xi32> to vector<16xf32>
        %sub3A_290 = arith.subf %min3A_255, %convert_element_type3A_289 : vector<16xf32>
        %convert_element_type3A_291 = arith.sitofp %convert_element_type3A_279 : vector<16xi32> to vector<16xf32>
        %sub3A_292 = arith.subf %min3A_261, %convert_element_type3A_291 : vector<16xf32>
        %convert_element_type3A_293 = arith.sitofp %convert_element_type3A_280 : vector<16xi32> to vector<16xf32>
        %sub3A_294 = arith.subf %min3A_267, %convert_element_type3A_293 : vector<16xf32>
        %convert_element_type3A_295 = arith.sitofp %convert_element_type3A_281 : vector<16xi32> to vector<16xf32>
        %sub3A_296 = arith.subf %min3A_273, %convert_element_type3A_295 : vector<16xf32>
        %gather3A = tpu.vector_load_idx %arg11[%convert_element_type3A_274] : memref<2048xf32, #tpu.memory_space<vmem>>[vector<16xi32>], vector<16xf32>,
        %gather3A_297 = tpu.vector_load_idx %arg11[%convert_element_type3A_275] : memref<2048xf32, #tpu.memory_space<vmem>>[vector<16xi32>], vector<16xf32>,
        %gather3A_298 = tpu.vector_load_idx %arg11[%convert_element_type3A_276] : memref<2048xf32, #tpu.memory_space<vmem>>[vector<16xi32>], vector<16xf32>,
        %gather3A_299 = tpu.vector_load_idx %arg11[%convert_element_type3A_277] : memref<2048xf32, #tpu.memory_space<vmem>>[vector<16xi32>], vector<16xf32>,
        %gather3A_300 = tpu.vector_load_idx %arg11[%convert_element_type3A_278] : memref<2048xf32, #tpu.memory_space<vmem>>[vector<16xi32>], vector<16xf32>,
        %gather3A_301 = tpu.vector_load_idx %arg11[%convert_element_type3A_279] : memref<2048xf32, #tpu.memory_space<vmem>>[vector<16xi32>], vector<16xf32>,
        %gather3A_302 = tpu.vector_load_idx %arg11[%convert_element_type3A_280] : memref<2048xf32, #tpu.memory_space<vmem>>[vector<16xi32>], vector<16xf32>,
        %gather3A_303 = tpu.vector_load_idx %arg11[%convert_element_type3A_281] : memref<2048xf32, #tpu.memory_space<vmem>>[vector<16xi32>], vector<16xf32>,
        %gather3A_304 = tpu.vector_load_idx %arg12[%convert_element_type3A_274] : memref<2048xf32, #tpu.memory_space<vmem>>[vector<16xi32>], vector<16xf32>,
        %gather3A_305 = tpu.vector_load_idx %arg12[%convert_element_type3A_275] : memref<2048xf32, #tpu.memory_space<vmem>>[vector<16xi32>], vector<16xf32>,
        %gather3A_306 = tpu.vector_load_idx %arg12[%convert_element_type3A_276] : memref<2048xf32, #tpu.memory_space<vmem>>[vector<16xi32>], vector<16xf32>,
        %gather3A_307 = tpu.vector_load_idx %arg12[%convert_element_type3A_277] : memref<2048xf32, #tpu.memory_space<vmem>>[vector<16xi32>], vector<16xf32>,
        %gather3A_308 = tpu.vector_load_idx %arg12[%convert_element_type3A_278] : memref<2048xf32, #tpu.memory_space<vmem>>[vector<16xi32>], vector<16xf32>,
        %gather3A_309 = tpu.vector_load_idx %arg12[%convert_element_type3A_279] : memref<2048xf32, #tpu.memory_space<vmem>>[vector<16xi32>], vector<16xf32>,
        %gather3A_310 = tpu.vector_load_idx %arg12[%convert_element_type3A_280] : memref<2048xf32, #tpu.memory_space<vmem>>[vector<16xi32>], vector<16xf32>,
        %gather3A_311 = tpu.vector_load_idx %arg12[%convert_element_type3A_281] : memref<2048xf32, #tpu.memory_space<vmem>>[vector<16xi32>], vector<16xf32>,
        %mul3A_312 = arith.mulf %sub3A, %gather3A_304 : vector<16xf32>
        %add3A_313 = arith.addf %gather3A, %mul3A_312 : vector<16xf32>
        %mul3A_314 = arith.mulf %sub3A_284, %gather3A_305 : vector<16xf32>
        %add3A_315 = arith.addf %gather3A_297, %mul3A_314 : vector<16xf32>
        %mul3A_316 = arith.mulf %sub3A_286, %gather3A_306 : vector<16xf32>
        %add3A_317 = arith.addf %gather3A_298, %mul3A_316 : vector<16xf32>
        %mul3A_318 = arith.mulf %sub3A_288, %gather3A_307 : vector<16xf32>
        %add3A_319 = arith.addf %gather3A_299, %mul3A_318 : vector<16xf32>
        %mul3A_320 = arith.mulf %sub3A_290, %gather3A_308 : vector<16xf32>
        %add3A_321 = arith.addf %gather3A_300, %mul3A_320 : vector<16xf32>
        %mul3A_322 = arith.mulf %sub3A_292, %gather3A_309 : vector<16xf32>
        %add3A_323 = arith.addf %gather3A_301, %mul3A_322 : vector<16xf32>
        %mul3A_324 = arith.mulf %sub3A_294, %gather3A_310 : vector<16xf32>
        %add3A_325 = arith.addf %gather3A_302, %mul3A_324 : vector<16xf32>
        %mul3A_326 = arith.mulf %sub3A_296, %gather3A_311 : vector<16xf32>
        %add3A_327 = arith.addf %gather3A_303, %mul3A_326 : vector<16xf32>
        %mul3A_328 = arith.constant 1.000000e+01 : f32
        %mul3A_329 = vector.broadcast %mul3A_328 : f32 to vector<16xf32>
        %mul3A_330 = arith.mulf %add3A_313, %mul3A_329 : vector<16xf32>
        %convert_element_type3A_331 = arith.fptosi %mul3A_330 : vector<16xf32> to vector<16xi32>
        %mul3A_332 = arith.constant 1.000000e+01 : f32
        %mul3A_333 = vector.broadcast %mul3A_332 : f32 to vector<16xf32>
        %mul3A_334 = arith.mulf %add3A_315, %mul3A_333 : vector<16xf32>
        %convert_element_type3A_335 = arith.fptosi %mul3A_334 : vector<16xf32> to vector<16xi32>
        %mul3A_336 = arith.constant 1.000000e+01 : f32
        %mul3A_337 = vector.broadcast %mul3A_336 : f32 to vector<16xf32>
        %mul3A_338 = arith.mulf %add3A_317, %mul3A_337 : vector<16xf32>
        %convert_element_type3A_339 = arith.fptosi %mul3A_338 : vector<16xf32> to vector<16xi32>
        %mul3A_340 = arith.constant 1.000000e+01 : f32
        %mul3A_341 = vector.broadcast %mul3A_340 : f32 to vector<16xf32>
        %mul3A_342 = arith.mulf %add3A_319, %mul3A_341 : vector<16xf32>
        %convert_element_type3A_343 = arith.fptosi %mul3A_342 : vector<16xf32> to vector<16xi32>
        %mul3A_344 = arith.constant 1.000000e+01 : f32
        %mul3A_345 = vector.broadcast %mul3A_344 : f32 to vector<16xf32>
        %mul3A_346 = arith.mulf %add3A_321, %mul3A_345 : vector<16xf32>
        %convert_element_type3A_347 = arith.fptosi %mul3A_346 : vector<16xf32> to vector<16xi32>
        %mul3A_348 = arith.constant 1.000000e+01 : f32
        %mul3A_349 = vector.broadcast %mul3A_348 : f32 to vector<16xf32>
        %mul3A_350 = arith.mulf %add3A_323, %mul3A_349 : vector<16xf32>
        %convert_element_type3A_351 = arith.fptosi %mul3A_350 : vector<16xf32> to vector<16xi32>
        %mul3A_352 = arith.constant 1.000000e+01 : f32
        %mul3A_353 = vector.broadcast %mul3A_352 : f32 to vector<16xf32>
        %mul3A_354 = arith.mulf %add3A_325, %mul3A_353 : vector<16xf32>
        %convert_element_type3A_355 = arith.fptosi %mul3A_354 : vector<16xf32> to vector<16xi32>
        %mul3A_356 = arith.constant 1.000000e+01 : f32
        %mul3A_357 = vector.broadcast %mul3A_356 : f32 to vector<16xf32>
        %mul3A_358 = arith.mulf %add3A_327, %mul3A_357 : vector<16xf32>
        %convert_element_type3A_359 = arith.fptosi %mul3A_358 : vector<16xf32> to vector<16xi32>
        %mul3A_360 = arith.constant 16 : i32
        %mul3A_361 = vector.broadcast %mul3A_360 : i32 to vector<16xi32>
        %mul3A_362 = arith.muli %convert_element_type3A_331, %mul3A_361 : vector<16xi32>
        %add3A_363 = arith.addi %mul3A_362, %iota3A : vector<16xi32>
        %mul3A_364 = arith.constant 16 : i32
        %mul3A_365 = vector.broadcast %mul3A_364 : i32 to vector<16xi32>
        %mul3A_366 = arith.muli %convert_element_type3A_335, %mul3A_365 : vector<16xi32>
        %add3A_367 = arith.addi %mul3A_366, %iota3A : vector<16xi32>
        %mul3A_368 = arith.constant 16 : i32
        %mul3A_369 = vector.broadcast %mul3A_368 : i32 to vector<16xi32>
        %mul3A_370 = arith.muli %convert_element_type3A_339, %mul3A_369 : vector<16xi32>
        %add3A_371 = arith.addi %mul3A_370, %iota3A : vector<16xi32>
        %mul3A_372 = arith.constant 16 : i32
        %mul3A_373 = vector.broadcast %mul3A_372 : i32 to vector<16xi32>
        %mul3A_374 = arith.muli %convert_element_type3A_343, %mul3A_373 : vector<16xi32>
        %add3A_375 = arith.addi %mul3A_374, %iota3A : vector<16xi32>
        %mul3A_376 = arith.constant 16 : i32
        %mul3A_377 = vector.broadcast %mul3A_376 : i32 to vector<16xi32>
        %mul3A_378 = arith.muli %convert_element_type3A_347, %mul3A_377 : vector<16xi32>
        %add3A_379 = arith.addi %mul3A_378, %iota3A : vector<16xi32>
        %mul3A_380 = arith.constant 16 : i32
        %mul3A_381 = vector.broadcast %mul3A_380 : i32 to vector<16xi32>
        %mul3A_382 = arith.muli %convert_element_type3A_351, %mul3A_381 : vector<16xi32>
        %add3A_383 = arith.addi %mul3A_382, %iota3A : vector<16xi32>
        %mul3A_384 = arith.constant 16 : i32
        %mul3A_385 = vector.broadcast %mul3A_384 : i32 to vector<16xi32>
        %mul3A_386 = arith.muli %convert_element_type3A_355, %mul3A_385 : vector<16xi32>
        %add3A_387 = arith.addi %mul3A_386, %iota3A : vector<16xi32>
        %mul3A_388 = arith.constant 16 : i32
        %mul3A_389 = vector.broadcast %mul3A_388 : i32 to vector<16xi32>
        %mul3A_390 = arith.muli %convert_element_type3A_359, %mul3A_389 : vector<16xi32>
        %add3A_391 = arith.addi %mul3A_390, %iota3A : vector<16xi32>
        tpu.vector_store_idx %arg13[%add3A_363], %broadcast_in_dim3A_55 {add = true} : memref<160xf32, #tpu.memory_space<vmem>>[vector<16xi32>], vector<16xf32>,
        tpu.vector_store_idx %arg14[%add3A_363], %add3A_313 {add = true} : memref<160xf32, #tpu.memory_space<vmem>>[vector<16xi32>], vector<16xf32>,
        tpu.vector_store_idx %arg13[%add3A_367], %broadcast_in_dim3A_55 {add = true} : memref<160xf32, #tpu.memory_space<vmem>>[vector<16xi32>], vector<16xf32>,
        tpu.vector_store_idx %arg14[%add3A_367], %add3A_315 {add = true} : memref<160xf32, #tpu.memory_space<vmem>>[vector<16xi32>], vector<16xf32>,
        tpu.vector_store_idx %arg13[%add3A_371], %broadcast_in_dim3A_55 {add = true} : memref<160xf32, #tpu.memory_space<vmem>>[vector<16xi32>], vector<16xf32>,
        tpu.vector_store_idx %arg14[%add3A_371], %add3A_317 {add = true} : memref<160xf32, #tpu.memory_space<vmem>>[vector<16xi32>], vector<16xf32>,
        tpu.vector_store_idx %arg13[%add3A_375], %broadcast_in_dim3A_55 {add = true} : memref<160xf32, #tpu.memory_space<vmem>>[vector<16xi32>], vector<16xf32>,
        tpu.vector_store_idx %arg14[%add3A_375], %add3A_319 {add = true} : memref<160xf32, #tpu.memory_space<vmem>>[vector<16xi32>], vector<16xf32>,
        tpu.vector_store_idx %arg13[%add3A_379], %broadcast_in_dim3A_55 {add = true} : memref<160xf32, #tpu.memory_space<vmem>>[vector<16xi32>], vector<16xf32>,
        tpu.vector_store_idx %arg14[%add3A_379], %add3A_321 {add = true} : memref<160xf32, #tpu.memory_space<vmem>>[vector<16xi32>], vector<16xf32>,
        tpu.vector_store_idx %arg13[%add3A_383], %broadcast_in_dim3A_55 {add = true} : memref<160xf32, #tpu.memory_space<vmem>>[vector<16xi32>], vector<16xf32>,
        tpu.vector_store_idx %arg14[%add3A_383], %add3A_323 {add = true} : memref<160xf32, #tpu.memory_space<vmem>>[vector<16xi32>], vector<16xf32>,
        tpu.vector_store_idx %arg13[%add3A_387], %broadcast_in_dim3A_55 {add = true} : memref<160xf32, #tpu.memory_space<vmem>>[vector<16xi32>], vector<16xf32>,
        tpu.vector_store_idx %arg14[%add3A_387], %add3A_325 {add = true} : memref<160xf32, #tpu.memory_space<vmem>>[vector<16xi32>], vector<16xf32>,
        tpu.vector_store_idx %arg13[%add3A_391], %broadcast_in_dim3A_55 {add = true} : memref<160xf32, #tpu.memory_space<vmem>>[vector<16xi32>], vector<16xf32>,
        tpu.vector_store_idx %arg14[%add3A_391], %add3A_327 {add = true} : memref<160xf32, #tpu.memory_space<vmem>>[vector<16xi32>], vector<16xf32>,
        %mul3A_392 = arith.constant 64 : i32
        %mul3A_393 = arith.muli %while3A_146, %mul3A_392 : i32
        %pack3A = tpu.pack_subelements %add3A_363, %add3A_367 {pack_format = #tpu.pack_format<interleaved>, positions = array<i32: 0, 1>} : vector<16xi32>, vector<16xi32> -> vector<32xi16>
        %bitcast3A = vector.bitcast %pack3A : vector<32xi16> to vector<16xi32>
        %add3A_394 = arith.constant 0 : i32
        %add3A_395 = arith.addi %mul3A_393, %add3A_394 : i32
        %swap3A_396 = arith.index_cast %add3A_395 : i32 to index
        %swap3A_397 = tpu.vector_load %arg10[%swap3A_396] {strides = array<i32>} : memref<8192xi32, #tpu.memory_space<vmem>>, vector<16xi32>,
        tpu.vector_store %arg10[%swap3A_396], %bitcast3A {strides = array<i32>} : memref<8192xi32, #tpu.memory_space<vmem>>, vector<16xi32>,
        %pack3A_398 = tpu.pack_subelements %add3A_371, %add3A_375 {pack_format = #tpu.pack_format<interleaved>, positions = array<i32: 0, 1>} : vector<16xi32>, vector<16xi32> -> vector<32xi16>
        %bitcast3A_399 = vector.bitcast %pack3A_398 : vector<32xi16> to vector<16xi32>
        %add3A_400 = arith.constant 16 : i32
        %add3A_401 = arith.addi %mul3A_393, %add3A_400 : i32
        %swap3A_402 = arith.index_cast %add3A_401 : i32 to index
        %swap3A_403 = tpu.vector_load %arg10[%swap3A_402] {strides = array<i32>} : memref<8192xi32, #tpu.memory_space<vmem>>, vector<16xi32>,
        tpu.vector_store %arg10[%swap3A_402], %bitcast3A_399 {strides = array<i32>} : memref<8192xi32, #tpu.memory_space<vmem>>, vector<16xi32>,
        %pack3A_404 = tpu.pack_subelements %add3A_379, %add3A_383 {pack_format = #tpu.pack_format<interleaved>, positions = array<i32: 0, 1>} : vector<16xi32>, vector<16xi32> -> vector<32xi16>
        %bitcast3A_405 = vector.bitcast %pack3A_404 : vector<32xi16> to vector<16xi32>
        %add3A_406 = arith.constant 32 : i32
        %add3A_407 = arith.addi %mul3A_393, %add3A_406 : i32
        %swap3A_408 = arith.index_cast %add3A_407 : i32 to index
        %swap3A_409 = tpu.vector_load %arg10[%swap3A_408] {strides = array<i32>} : memref<8192xi32, #tpu.memory_space<vmem>>, vector<16xi32>,
        tpu.vector_store %arg10[%swap3A_408], %bitcast3A_405 {strides = array<i32>} : memref<8192xi32, #tpu.memory_space<vmem>>, vector<16xi32>,
        %pack3A_410 = tpu.pack_subelements %add3A_387, %add3A_391 {pack_format = #tpu.pack_format<interleaved>, positions = array<i32: 0, 1>} : vector<16xi32>, vector<16xi32> -> vector<32xi16>
        %bitcast3A_411 = vector.bitcast %pack3A_410 : vector<32xi16> to vector<16xi32>
        %add3A_412 = arith.constant 48 : i32
        %add3A_413 = arith.addi %mul3A_393, %add3A_412 : i32
        %swap3A_414 = arith.index_cast %add3A_413 : i32 to index
        %swap3A_415 = tpu.vector_load %arg10[%swap3A_414] {strides = array<i32>} : memref<8192xi32, #tpu.memory_space<vmem>>, vector<16xi32>,
        tpu.vector_store %arg10[%swap3A_414], %bitcast3A_411 {strides = array<i32>} : memref<8192xi32, #tpu.memory_space<vmem>>, vector<16xi32>,
      }
      %add3A_130 = arith.constant 1 : i32
      %add3A_131 = arith.addi %mul3A_79, %add3A_130 : i32
      %mul3A_132 = arith.constant 262144 : i32
      %mul3A_133 = arith.muli %add3A, %mul3A_132 : i32
      %mul3A_134 = arith.constant 8192 : i32
      %mul3A_135 = arith.muli %add3A_131, %mul3A_134 : i32
      %add3A_136 = arith.addi %mul3A_133, %mul3A_135 : i32
      %dma_start3A_137 = tpu.memref_slice %arg6[%add3A_136] : memref<8388608xi32, #tpu.memory_space<hbm>> -> memref<8192xi32, #tpu.memory_space<hbm>>
      %dma_start3A_138 = tpu.memref_slice %arg6[%add3A_136] : memref<8388608xi32, #tpu.memory_space<hbm>> -> memref<8192xi32, #tpu.memory_space<hbm>>
      tpu.enqueue_dma source(%arg10 : memref<8192xi32, #tpu.memory_space<vmem>>) target(%dma_start3A_138 : memref<8192xi32, #tpu.memory_space<hbm>>) target_semaphore(%arg18 : memref<!tpu.dma_semaphore, #tpu.memory_space<semaphore_mem>>)
      %add3A_139 = arith.constant 3 : i32
      %add3A_140 = arith.addi %mul3A_79, %add3A_139 : i32
      %lt3A_141 = arith.constant 32 : i32
      %lt3A_142 = arith.cmpi slt, %add3A_140, %lt3A_141 : i32
      %convert_element_type3A_143 = arith.extui %lt3A_142 : i1 to i32
      %cond3A_144 = arith.constant 0 : i32
      %cond3A_145 = arith.cmpi ne, %convert_element_type3A_143, %cond3A_144 : i32
      scf.if %cond3A_145 {
        %add3A_146 = arith.constant 3 : i32
        %add3A_147 = arith.addi %mul3A_79, %add3A_146 : i32
        %mul3A_148 = arith.constant 16384 : i32
        %mul3A_149 = arith.muli %add3A_147, %mul3A_148 : i32
        %add3A_150 = arith.addi %mul3A_2, %mul3A_149 : i32
        %dma_start3A_151 = tpu.memref_slice %arg2[%add3A_150] : memref<16777216xf32, #tpu.memory_space<hbm>> -> memref<16384xf32, #tpu.memory_space<hbm>>
        %dma_start3A_152 = tpu.memref_slice %arg2[%add3A_150] : memref<16777216xf32, #tpu.memory_space<hbm>> -> memref<16384xf32, #tpu.memory_space<hbm>>
        tpu.enqueue_dma source(%dma_start3A_152 : memref<16384xf32, #tpu.memory_space<hbm>>) target(%arg8 : memref<16384xf32, #tpu.memory_space<vmem>>) target_semaphore(%arg16 : memref<!tpu.dma_semaphore, #tpu.memory_space<semaphore_mem>>)
      } else {
      }
    }
    %dma_wait3A = arith.constant 0 : i32
    %dma_wait3A_66 = tpu.memref_slice %arg6[%dma_wait3A] : memref<8388608xi32, #tpu.memory_space<hbm>> -> memref<8192xi32, #tpu.memory_space<hbm>>
    %dma_wait3A_67 = arith.constant 0 : i32
    %dma_wait3A_68 = tpu.memref_slice %arg6[%dma_wait3A_67] : memref<8388608xi32, #tpu.memory_space<hbm>> -> memref<8192xi32, #tpu.memory_space<hbm>>
    tpu.wait_dma2 semaphore(%arg17 : memref<!tpu.dma_semaphore, #tpu.memory_space<semaphore_mem>>) src(%arg9 : memref<8192xi32, #tpu.memory_space<vmem>>) dst(%dma_wait3A_68 : memref<8192xi32, #tpu.memory_space<hbm>>)
    %dma_wait3A_69 = arith.constant 0 : i32
    %dma_wait3A_70 = tpu.memref_slice %arg6[%dma_wait3A_69] : memref<8388608xi32, #tpu.memory_space<hbm>> -> memref<8192xi32, #tpu.memory_space<hbm>>
    %dma_wait3A_71 = arith.constant 0 : i32
    %dma_wait3A_72 = tpu.memref_slice %arg6[%dma_wait3A_71] : memref<8388608xi32, #tpu.memory_space<hbm>> -> memref<8192xi32, #tpu.memory_space<hbm>>
    tpu.wait_dma2 semaphore(%arg18 : memref<!tpu.dma_semaphore, #tpu.memory_space<semaphore_mem>>) src(%arg10 : memref<8192xi32, #tpu.memory_space<vmem>>) dst(%dma_wait3A_72 : memref<8192xi32, #tpu.memory_space<hbm>>)
    %mul3A_73 = arith.constant 320 : i32
    %mul3A_74 = arith.muli %add3A, %mul3A_73 : i32
    "tpu.region"() ({
      %run_scoped3A = tpu.sem_alloc : memref<!tpu.dma_semaphore, #tpu.memory_space<semaphore_mem>>
      %dma_start3A_77 = tpu.memref_slice %arg5[%mul3A_74] : memref<10240xf32, #tpu.memory_space<hbm>> -> memref<160xf32, #tpu.memory_space<hbm>>
      %dma_start3A_78 = tpu.memref_slice %arg5[%mul3A_74] : memref<10240xf32, #tpu.memory_space<hbm>> -> memref<160xf32, #tpu.memory_space<hbm>>
      tpu.enqueue_dma source(%arg13 : memref<160xf32, #tpu.memory_space<vmem>>) target(%dma_start3A_78 : memref<160xf32, #tpu.memory_space<hbm>>) target_semaphore(%run_scoped3A : memref<!tpu.dma_semaphore, #tpu.memory_space<semaphore_mem>>)
      %dma_wait3A_79 = tpu.memref_slice %arg5[%mul3A_74] : memref<10240xf32, #tpu.memory_space<hbm>> -> memref<160xf32, #tpu.memory_space<hbm>>
      %dma_wait3A_80 = tpu.memref_slice %arg5[%mul3A_74] : memref<10240xf32, #tpu.memory_space<hbm>> -> memref<160xf32, #tpu.memory_space<hbm>>
      tpu.wait_dma2 semaphore(%run_scoped3A : memref<!tpu.dma_semaphore, #tpu.memory_space<semaphore_mem>>) src(%arg13 : memref<160xf32, #tpu.memory_space<vmem>>) dst(%dma_wait3A_80 : memref<160xf32, #tpu.memory_space<hbm>>)
      tpu.yield
    }) : () -> ()
    %add3A_75 = arith.constant 160 : i32
    %add3A_76 = arith.addi %mul3A_74, %add3A_75 : i32
    "tpu.region"() ({
      %run_scoped3A = tpu.sem_alloc : memref<!tpu.dma_semaphore, #tpu.memory_space<semaphore_mem>>
      %dma_start3A_77 = tpu.memref_slice %arg5[%add3A_76] : memref<10240xf32, #tpu.memory_space<hbm>> -> memref<160xf32, #tpu.memory_space<hbm>>
      %dma_start3A_78 = tpu.memref_slice %arg5[%add3A_76] : memref<10240xf32, #tpu.memory_space<hbm>> -> memref<160xf32, #tpu.memory_space<hbm>>
      tpu.enqueue_dma source(%arg14 : memref<160xf32, #tpu.memory_space<vmem>>) target(%dma_start3A_78 : memref<160xf32, #tpu.memory_space<hbm>>) target_semaphore(%run_scoped3A : memref<!tpu.dma_semaphore, #tpu.memory_space<semaphore_mem>>)
      %dma_wait3A_79 = tpu.memref_slice %arg5[%add3A_76] : memref<10240xf32, #tpu.memory_space<hbm>> -> memref<160xf32, #tpu.memory_space<hbm>>
      %dma_wait3A_80 = tpu.memref_slice %arg5[%add3A_76] : memref<10240xf32, #tpu.memory_space<hbm>> -> memref<160xf32, #tpu.memory_space<hbm>>
      tpu.wait_dma2 semaphore(%run_scoped3A : memref<!tpu.dma_semaphore, #tpu.memory_space<semaphore_mem>>) src(%arg14 : memref<160xf32, #tpu.memory_space<vmem>>) dst(%dma_wait3A_80 : memref<160xf32, #tpu.memory_space<hbm>>)
      tpu.yield
    }) : () -> ()
    return
  }
}

</mosaic_0001>

<sc_bundles>
// kernel: _sc_run.4.cloned.1.call-start
scs
__scs_entry_jumppad:
0x0: {  	(pc) =	sbr.rel $0x88, $3  }
0x1: {  	(tag) =	ssettag $0x0;
	lr =	simm.s32 $0x1  }
0x2: {  	[smem:$0x3F9D] =	sst lr;
	_ =	strace $0xD0000000  }
0x3: {  	_ = 	snop  }
0x4: {  	_ = 	snop  }
0x5: {  	_ = 	snop  }
0x6: {  	_ = 	snop  }
0x7: {  	_ = 	snop  }
__scs_overlays_trampoline_lowered:
0x8: {  	[smem:$0x3FAC] =	sst s0  }
0x9: {  	[smem:$0x3FAD] =	sst s1  }
0xa: {  	[smem:$0x3FAE] =	sst s2  }
0xb: {  	[smem:$0x3FAF] =	sst s3  }
0xc: {  	[smem:$0x3FB0] =	sst s4  }
0xd: {  	[smem:$0x3FB1] =	sst s5  }
0xe: {  	[smem:$0x3FB2] =	sst s6  }
0xf: {  	[smem:$0x3FB3] =	sst s7  }
0x10: {  	[smem:$0x3FB4] =	sst s8  }
0x11: {  	[smem:$0x3FB5] =	sst s9;
	s0 =	simm.s32 @!p0 $0x0  }
0x12: {  	s1 =	sld [smem:$0x3F9B];
	s0 =	simm.s32 @p0 $0x1  }
0x13: {  	[smem:$0x3FB6] =	sst s0;
	s0 =	simm.s32 @!p1 $0x0  }
0x14: {  	s2 =	sld [smem:$0x3F9A];
	s0 =	simm.s32 @p1 $0x1  }
0x15: {  	[smem:$0x3FB7] =	sst s0;
	s0 =	simm.s32 @!p2 $0x0  }
0x16: {  	s3 =	sld [smem:$0x3FDB];
	s0 =	simm.s32 @p2 $0x1  }
0x17: {  	s4 =	simm.s32 $0x1BF5;
	[smem:$0x3FB9] =	sst s0  }
0x18: {  	s0 =	sld [smem:$0x3F9C];
	_ =	swait.ge [sflag:s4], $0x0  }
0x19: {  	s7 =	sld [smem:$0x3F9D]  }
0x1a: {  	s8 =	sadd.s32 $0xFFFFE003, lr  }
0x1b: {  	s9 =	sadd.s32 $0xFFFFFEF7, lr;
	s5 =	simm.s32 $0xFFFFFFFF;
	p2 =	slt.u32 s8, $0xFFFFF086  }
0x1c: {  	p1 =	slt.u32 s9, $0xF7A;
	s5 =	simm.s32 @!p2 $0x0  }
0x1d: {  	s5 =	simm.s32 @p1 $0x1;
	p0 =	seq.s32 s7, s2  }
0x1e: {  	s7 =	smul.u32 @!p0 $0xF7A, s2;
	p2 =	seq.s32 @!p0 s5, $0x0  }
0x1f: {  	s9 =	smul.u32 $0xF7A, s1;
	s8 =	simm.s32 @!p0 $0x1BF5;
	p2 =	por !p2, p0  }
0x20: {  	[sflag:s8] =	ssyncset.s32 @!p0 $0xFFFFF086;
	s6 =	sadd.s32 @!p0 s3, s7;
	s7 =	simm.s32 @!p0 $0x108  }
0x21: {  	s3 =	sadd.s32 s3, s9;
	s6 =	sadd.s32 @!p0 $0x88, s6;
	s7 =	simm.s32 @p2 $0x1082  }
0x22: {  	[simem:s7], [sflag:s8] =	dma.local @!p0 [hbm:s6], $0xF7A  }
0x23: {  	s9 =	sor.u32 $0xD0000000, s2;
	s6 =	simm.s32 $0x108;
	_ =	swait.ge @!p0 [sflag:s8], $0x0  }
0x24: {  	s3 =	sadd.s32 $0x88, s3;
	s6 =	simm.s32 @!p1 $0x1082;
	[sflag:s4] =	ssyncset.s32 $0xFFFFF086  }
0x25: {  	[simem:s6], [sflag:s4] =	dma.local [hbm:s3], $0xF7A  }
0x26: {  	[smem:$0x3F9D] =	sst s1;
	(tag) =	ssettag s2;
	_ =	strace s9  }
0x27: {  	s1 =	sld [smem:$0x3FAD]  }
0x28: {  	s2 =	sld [smem:$0x3FAE]  }
0x29: {  	s4 =	sld [smem:$0x3FB0]  }
0x2a: {  	p0 =	seq.s32 s5, $0x0;
	s5 =	sld [smem:$0x3FB1]  }
0x2b: {  	s6 =	sld [smem:$0x3FB2]  }
0x2c: {  	s7 =	sld [smem:$0x3FB3]  }
0x2d: {  	s3 =	simm.s32 $0x108;
	s8 =	sld [smem:$0x3FB4]  }
0x2e: {  	s3 =	simm.s32 @!p0 $0x1082;
	s9 =	sld [smem:$0x3FB5]  }
0x2f: {  	lr =	sadd.s32 s0, s3;
	s0 =	sld [smem:$0x3FAC]  }
0x30: {  	s3 =	sld [smem:$0x3FAF]  }
0x31: {  	[smem:$0x3FB8] =	sst s10  }
0x32: {  	s10 =	sld [smem:$0x3FB6];
	_ =	sdelay $0x3  }
0x33: {  	p0 =	seq.s32 s10, $0x1;
	s10 =	sld [smem:$0x3FB8];
	_ =	sdelay $0x3  }
0x34: {  	[smem:$0x3FB8] =	sst s10  }
0x35: {  	s10 =	sld [smem:$0x3FB7];
	_ =	sdelay $0x3  }
0x36: {  	p1 =	seq.s32 s10, $0x1;
	s10 =	sld [smem:$0x3FB8];
	_ =	sdelay $0x3  }
0x37: {  	[smem:$0x3FB8] =	sst s10  }
0x38: {  	s10 =	sld [smem:$0x3FB9]  }
0x39: {  	_ = 	snop;
	(pc) =	sbr.ind lr, $3  }
0x3a: {  	_ = 	snop  }
0x3b: {  	_ = 	snop  }
0x3c: {  	p2 =	seq.s32 s10, $0x1;
	s10 =	sld [smem:$0x3FB8]  }
0x3d: {  	_ =	shalt  }
0x3e: {  	_ =	shalt  }
0x3f: {  	_ =	shalt  }
0x40: {  	_ =	shalt  }
0x41: {  	_ =	shalt  }
0x42: {  	_ =	shalt  }
0x43: {  	_ =	shalt  }
0x44: {  	_ =	shalt  }
0x45: {  	_ =	shalt  }
0x46: {  	_ =	shalt  }
0x47: {  	_ =	shalt  }
0x48: {  	_ =	shalt  }
0x49: {  	_ =	shalt  }
0x4a: {  	_ =	shalt  }
0x4b: {  	_ =	shalt  }
0x4c: {  	_ =	shalt  }
0x4d: {  	_ =	shalt  }
0x4e: {  	_ =	shalt  }
0x4f: {  	_ =	shalt  }
0x50: {  	_ =	shalt  }
0x51: {  	_ =	shalt  }
0x52: {  	_ =	shalt  }
0x53: {  	_ =	shalt  }
0x54: {  	_ =	shalt  }
0x55: {  	_ =	shalt  }
0x56: {  	_ =	shalt  }
0x57: {  	_ =	shalt  }
0x58: {  	_ =	shalt  }
0x59: {  	_ =	shalt  }
0x5a: {  	_ =	shalt  }
0x5b: {  	_ =	shalt  }
0x5c: {  	_ =	shalt  }
0x5d: {  	_ =	shalt  }
0x5e: {  	_ =	shalt  }
0x5f: {  	_ =	shalt  }
0x60: {  	_ =	shalt  }
0x61: {  	_ =	shalt  }
0x62: {  	_ =	shalt  }
0x63: {  	_ =	shalt  }
0x64: {  	_ =	shalt  }
0x65: {  	_ =	shalt  }
0x66: {  	_ =	shalt  }
0x67: {  	_ =	shalt  }
0x68: {  	_ =	shalt  }
0x69: {  	_ =	shalt  }
0x6a: {  	_ =	shalt  }
0x6b: {  	_ =	shalt  }
0x6c: {  	_ =	shalt  }
0x6d: {  	_ =	shalt  }
0x6e: {  	_ =	shalt  }
0x6f: {  	_ =	shalt  }
0x70: {  	_ =	shalt  }
0x71: {  	_ =	shalt  }
0x72: {  	_ =	shalt  }
0x73: {  	_ =	shalt  }
0x74: {  	_ =	shalt  }
0x75: {  	_ =	shalt  }
0x76: {  	_ =	shalt  }
0x77: {  	_ =	shalt  }
0x78: {  	_ =	shalt  }
0x79: {  	_ =	shalt  }
0x7a: {  	_ =	shalt  }
0x7b: {  	_ =	shalt  }
0x7c: {  	_ =	shalt  }
0x7d: {  	_ =	shalt  }
0x7e: {  	_ =	shalt  }
0x7f: {  	_ =	shalt  }
0x80: {  	_ =	shalt  }
0x81: {  	_ =	shalt  }
0x82: {  	_ =	shalt  }
0x83: {  	_ =	shalt  }
0x84: {  	_ =	shalt  }
0x85: {  	_ =	shalt  }
0x86: {  	_ =	shalt  }
0x87: {  	_ =	shalt  }
.Lfunc_end0:
.L_simem_size_0:
called_computation_lowered:
.L_overlay_start_0:
0x88: {  	s2 =	sld [smem:$0x3FD9]  }
0x89: {  	s3 =	sld [smem:$0x3FFE];
	_ =	sdelay $0x1  }
0x8a: {  	s1 =	srdreg.scid  }
0x8b: {  	s0 =	sand.u32 $0x1, s1  }
0x8c: {  	s14 =	sshll.u32 s0, $0xA;
	s2 =	sadd.s32 s3, s2  }
0x8d: {  	s2 =	sadd.s32 s2, s14  }
0x8e: {  	[smem:$0x3FC4] =	sst s2  }
0x8f: {  	_ = 	snop  }
0x90: {  	s2 =	sld [smem:$0x3FD0]  }
0x91: {  	s15 =	sld [smem:$0x3FC9]  }
0x92: {  	s4 =	sld [smem:$0x3FC7]  }
0x93: {  	s6 =	simm.s32 $0xA;
	s7 =	simm.s32 $0x10;
	s5 =	sld [smem:$0x3FC6]  }
0x94: {  	[smem:s7], [sflag:s6] =	dma.local [hbm:s2], $0x1  }
0x95: {  	_ =	swait.eq [sflag:s6], $0x1  }
0x96: {  	[sflag:s6] =	ssyncset.done $0x0  }
0x97: {  	[sflag:s6] =	ssyncadd.s32 $0xFFFFFFFF  }
0x98: {  	s16 =	sld [smem:$0x10];
	(tm) =	ssettm $0x1  }
0x99: {  	s17 =	sld [smem:$0x3FFB];
	_ =	sdelay $0x3  }
0x9a: {  	_ =	strace s17  }
0x9b: {  	s6 =	sld [smem:$0x3FFC];
	_ =	sdelay $0x3  }
0x9c: {  	_ =	strace s6  }
0x9d: {  	s6 =	sld [smem:$0x3FFD];
	_ =	sdelay $0x3  }
0x9e: {  	_ =	strace s6  }
0x9f: {  	_ =	strace $0x8FFFFFFF  }
0xa0: {  	s18 =	sld [smem:$0x3FDB];
	_ =	sdelay $0x1  }
0xa1: {  	s19 =	simm.s32 $_scs_section_size  }
0xa2: {  	s8 =	simm.s32 $_size__tile_overlayer_lowered;
	s9 =	simm.s32 $_tile_overlayer_lowered  }
0xa3: {  	s22 =	simm.s32 $0x1BFF;
	s21 =	sshll.u32 s9, $0x1;
	s6 =	sadd.s32 s19, s18  }
0xa4: {  	s10 =	simm.s32 $0x0;
	s20 =	sshll.u32 s8, $0x1;
	s8 =	sadd.s32 s21, s6  }
0xa5: {  	[timem:s10], [sflag:s22] =	dma.local [hbm:s8], s20  }
0xa6: {  	_ =	swait.ge [sflag:s22], s20  }
0xa7: {  	s7 =	ssub.s32 $0x0, s20;
	[sflag:s22] =	ssyncset.done $0x0  }
0xa8: {  	[sflag:s22] =	ssyncadd.s32 s7;
	_ =	sdelay $0x1  }
0xa9: {  	s23 =	simm.s32 $0x1B8B  }
0xaa: {  	_ =	swait.ge [sflag:s23], $0x1  }
0xab: {  	[sflag:s23] =	ssyncset.done $0x0  }
0xac: {  	s25 =	simm.s32 $0x1B8E;
	s24 =	sld [smem:$0x3FFE];
	[sflag:s23] =	ssyncadd.s32 $0xFFFFFFFF  }
0xad: {  	s26 =	simm.s32 $execute0_lowered;
	[smem:$0x3FD2] =	sst s25  }
0xae: {  	s8 =	sshll.u32 s26, $0x1;
	_ =	strace $0x80000046;
	[dreg:$0x1] =	wrdreg $0xFFFFFFFF  }
0xaf: {  	s28 =	simm.s32 $_size_execute0_lowered;
	s6 =	sadd.s32 s6, s8;
	[dreg:$0x0] =	wrdreg $0x0  }
0xb0: {  	s8 =	sshll.u32 s28, $0x1;
	[dreg:$0x2] =	wrdreg s6  }
0xb1: {  	[dreg:$0x3] =	wrdreg s8  }
0xb2: {  	[dreg:$0x4] =	wrdreg $0xC0  }
0xb3: {  	_ =	task [dreg:s10], $0x5FFFF  }
0xb4: {  	[dreg:$0x1] =	wrdreg $0xFFFFFFFF  }
0xb5: {  	[dreg:$0x0] =	wrdreg $0x60  }
0xb6: {  	[dreg:$0x2] =	wrdreg s15  }
0xb7: {  	[dreg:$0x3] =	wrdreg s4  }
0xb8: {  	[dreg:$0x4] =	wrdreg s5  }
0xb9: {  	[dreg:$0x5] =	wrdreg s16  }
0xba: {  	[dreg:$0x6] =	wrdreg s24  }
0xbb: {  	[dreg:$0x7] =	wrdreg $0x9  }
0xbc: {  	_ =	task.clear_ibuf [dreg:s10], $0x8FFFF;
	_ =	strace $0x90000046  }
0xbd: {  	s29 =	simm.s32 $0x9;
	_ =	strace $0x80000048  }
0xbe: {  	_ =	swait.ge [sflag:s29], $0x1  }
0xbf: {  	[sflag:s29] =	ssyncadd.s32 $0xFFFFFFFF  }
0xc0: {  	_ =	strace $0x90000048  }
0xc1: {  	_ =	sfence  }
0xc2: {  	s30 =	sld [smem:$0x0];
	_ =	sdelay $0x2  }
0xc3: {  	s31 =	sshll.u32 s1, $0xD;
	s1 =	sshrl.u32 s1, $0x2  }
0xc4: {  	s3 =	sand.u32 $0x4000, s31;
	s1 =	sadd.s32 s1, s30  }
0xc5: {  	s0 =	sor.u32 s3, s0;
	s1 =	sshll.u32 s1, $0x11  }
0xc6: {  	s0 =	sor.u32 s1, s0  }
0xc7: {  	s0 =	sadd.s32 $0x8F2B, s0  }
0xc8: {  	[sflag:s0] =	ssyncadd.remote.s32 $0x1  }
0xc9: {  	_ =	sfence.sel $0xFFFF  }
0xca: {  	[dreg:$0x0] =	wrdreg $0xFFFFFFFF;
	(pc) =	sbr.abs _section_cstart, $3  }
0xcb: {  	[dreg:$0x1] =	wrdreg $0xFFFFFFFF  }
0xcc: {  	_ =	task.clear_ibuf [dreg:s10], $0x2FFFF;
	_ =	strace $0x9FFFFFFF  }
0xcd: {  	(tm) =	ssettm $0x7FFFFFFF  }
tec
execute0_lowered:
.L_overlay_start_1:
0x0: {  	(tag) =	ssettag $0x1  }
0x1: {  	s1 =	rddreg [dreg:$0x0]  }
0x2: {  	s0 =	rddreg [dreg:$0x3]  }
0x3: {  	s2 =	rddreg [dreg:$0x4]  }
0x4: {  	s5 =	simm.s32 $0x0;
	s3 =	srdreg.scid;
	s4 =	stileid.u32  }
0x5: {  	s16 =	simm.s32 $0xC000;
	s17 =	simm.s32 $0x5;
	s18 =	simm.s32 $0xC800  }
0x6: {  	s19 =	simm.s32 $0x4000;
	s20 =	simm.s32 $0x1;
	s21 =	simm.s32 $0xD000  }
0x7: {  	s22 =	simm.s32 $0xD100;
	s23 =	simm.s32 $0x8000;
	s28 =	simm.s32 $0x3  }
0x8: {  	s29 =	simm.s32 $0x0;
	s3 =	sand.u32 $0x1, s3;
	s4 =	sshll.u32 s4, $0x1  }
0x9: {  	[smem:$0x7FF] =	sst s5;
	s6 =	sadd.s32 $0xC00, s2;
	s4 =	sor.u32 s3, s4  }
0xa: {  	_ =	strace $0x80000047;
	s24 =	ssub.s32 $0x2, s3;
	s25 =	sshll.u32 s4, $0x10  }
0xb: {  	s8 =	sshrl.u32 s24, $0x1;
	s26 =	smul.u32 $0x140, s4;
	s30 =	sshll.u32 s4, $0x13  }
0xc: {  	s7 =	sadd.s32 s1, s25;
	s2 =	ssub.s32 s24, s8;
	s10 =	sor.u32 $0x8000, s30  }
.Ltmp0:
0xd: {  	s12 =	sor.u32 $0xC000, s30;
	s24 =	simm.s32 $0x2;
	(pc) =	sbr.rel .LBB2_1-.Ltmp0, $4  }
0xe: {  	s25 =	simm.s32 $0x4;
	s9 =	sadd.s32 $0x800, s7;
	s3 =	sshrl.u32 s26, $0x3  }
0xf: {  	s31 =	smax.u32 s2, $0x1;
	[dreg:$0x6] =	wrdreg s9;
	s13 =	sadd.s32 s0, s3  }
0x10: {  	s9 =	sshll.u32 s4, $0x12;
	[dreg:$0x8] =	wrdreg s31;
	s0 =	sadd.s32 $0x14, s13  }
0x11: {  	v0 =	vimm.f32 $0.0e+00;
	v1 =	vlaneseq.u32;
	v2 =	vimm.f32 $1.000000000e+00;
	s26 =	simm.s32 $0xA000;
	s11 =	sor.u32 $0x2000, s9;
	[dreg:$0x7] =	wrdreg s0  }
.LBB2_12:
0x12: {  	_ =	swait.ge [sflag:s28], $0x2000  }
0x13: {  	[sflag:s28] =	ssyncset.done $0x0  }
0x14: {  	[sflag:s28] =	ssyncadd.s32 $0xFFFFE000  }
0x15: {  	_ =	swait.ge [sflag:s25], $0x2000  }
0x16: {  	[sflag:s25] =	ssyncset.done $0x0  }
0x17: {  	[sflag:s25] =	ssyncadd.s32 $0xFFFFE000  }
0x18: {  	[hbm4b:s13+s5] =	stream.linear.scatter [tilespmem:s21], [sflag:$0x5], $0xA0, $0x38;
	[tilespmem:$0xD200] =	vst v63  }
0x19: {  	_ =	swait.ge [sflag:s17], $0xA0  }
0x1a: {  	[sflag:s17] =	ssyncset.done $0x0  }
0x1b: {  	s0 =	rddreg [dreg:$0x7];
	[sflag:s17] =	ssyncadd.s32 $0xFFFFFF60  }
0x1c: {  	[hbm4b:s0+s5] =	stream.linear.scatter [tilespmem:s22], [sflag:$0x5], $0xA0, $0x38;
	[tilespmem:$0xD200] =	vst v63  }
0x1d: {  	_ =	swait.ge [sflag:s17], $0xA0  }
0x1e: {  	s29 =	sadd.s32 $0x1, s29;
	s31 =	rddreg [dreg:$0x8]  }
0x1f: {  	p0 =	sne.s32 s29, s31  }
.Ltmp1:
0x20: {  	_ = 	snop;
	(pc) =	sbr.rel @!p0 .LBB2_13-.Ltmp1, $3  }
0x21: {  	_ =	sdelay $0x1  }
0x22: {  	[sflag:s17] =	ssyncset.done $0x0  }
0x23: {  	[sflag:s17] =	ssyncadd.s32 $0xFFFFFF60  }
.LBB2_1:
0x24: {  	s0 =	rddreg [dreg:$0x1]  }
0x25: {  	[tilespmem:s16], [sflag:$0x5] =	stream.linear.gather [hbm4b:s0+s5], $0x800, $0x38;
	[tilespmem:$0xD200] =	vst v63  }
0x26: {  	_ =	swait.ge [sflag:s17], $0x800  }
0x27: {  	[sflag:s17] =	ssyncset.done $0x0  }
0x28: {  	[sflag:s17] =	ssyncadd.s32 $0xFFFFF800  }
0x29: {  	s15 =	rddreg [dreg:$0x2]  }
0x2a: {  	[tilespmem:s18], [sflag:$0x5] =	stream.linear.gather [hbm4b:s15+s5], $0x800, $0x38;
	[tilespmem:$0xD200] =	vst v63  }
0x2b: {  	_ =	swait.ge [sflag:s17], $0x800  }
0x2c: {  	[sflag:s17] =	ssyncset.done $0x0  }
0x2d: {  	[sflag:s17] =	ssyncadd.s32 $0xFFFFF800  }
0x2e: {  	[tilespmem:$0xD000] =	vst v0  }
0x2f: {  	[tilespmem:$0xD100] =	vst v0  }
0x30: {  	[tilespmem:$0xD010] =	vst v0  }
0x31: {  	[tilespmem:$0xD110] =	vst v0  }
0x32: {  	[tilespmem:$0xD020] =	vst v0  }
0x33: {  	[tilespmem:$0xD120] =	vst v0  }
0x34: {  	[tilespmem:$0xD030] =	vst v0  }
0x35: {  	[tilespmem:$0xD130] =	vst v0  }
0x36: {  	[tilespmem:$0xD040] =	vst v0  }
0x37: {  	[tilespmem:$0xD140] =	vst v0  }
0x38: {  	[tilespmem:$0xD050] =	vst v0  }
0x39: {  	[tilespmem:$0xD150] =	vst v0  }
0x3a: {  	[tilespmem:$0xD060] =	vst v0  }
0x3b: {  	[tilespmem:$0xD160] =	vst v0  }
0x3c: {  	[tilespmem:$0xD070] =	vst v0  }
0x3d: {  	[tilespmem:$0xD170] =	vst v0  }
0x3e: {  	[tilespmem:$0xD080] =	vst v0  }
0x3f: {  	[tilespmem:$0xD180] =	vst v0  }
0x40: {  	[tilespmem:$0xD090] =	vst v0  }
0x41: {  	[tilespmem:$0xD190] =	vst v0  }
0x42: {  	[tilespmem:s5], [sflag:$0x1] =	stream.linear.gather [hbm4b:s7+s5], $0x4000, $0x38;
	[tilespmem:$0xD200] =	vst v63  }
0x43: {  	s30 =	simm.s32 $0x0;
	s31 =	rddreg [dreg:$0x6]  }
0x44: {  	[tilespmem:s19], [sflag:$0x2] =	stream.linear.gather [hbm4b:s31+s5], $0x4000, $0x38;
	[tilespmem:$0xD200] =	vst v63  }
.LBB2_2:
0x45: {  	_ =	swait.ge [sflag:s20], $0x4000  }
0x46: {  	p0 =	seq.s32 s30, $0x0;
	[sflag:s20] =	ssyncset.done $0x0  }
0x47: {  	s0 =	simm.s32 @!p0 $0x3;
	[sflag:s20] =	ssyncadd.s32 $0xFFFFC000  }
0x48: {  	_ =	swait.ge @!p0 [sflag:s0], $0x2000  }
0x49: {  	[sflag:s0] =	ssyncset.done @!p0 $0x0  }
0x4a: {  	s4 =	simm.s32 $0x40;
	[sflag:s0] =	ssyncadd.s32 @!p0 $0xFFFFE000  }
0x4b: {  	v3 =	vld [tilespmem:s4+$0x0]  }
0x4c: {  	v4 =	vld [tilespmem:s4+$0xFFFFFFC0]  }
0x4d: {  	v5 =	vld [tilespmem:s4+$0xFFFFFFD0]  }
0x4e: {  	v6 =	vld [tilespmem:s4+$0x20]  }
0x4f: {  	v7 =	vld [tilespmem:s4+$0x10]  }
0x50: {  	v9 =	vld [tilespmem:s4+$0xFFFFFFE0]  }
0x51: {  	v4 =	vmul.f32 $6.400000000e+01, v4  }
0x52: {  	v3 =	vmul.f32 $6.400000000e+01, v3;
	v5 =	vmul.f32 $6.400000000e+01, v5  }
0x53: {  	v6 =	vmul.f32 $6.400000000e+01, v6;
	v4 =	vadd.f32 $1.024000000e+03, v4  }
0x54: {  	v10 =	vmul.f32 $6.400000000e+01, v7;
	v8 =	vadd.f32 $1.024000000e+03, v3;
	v5 =	vadd.f32 $1.024000000e+03, v5  }
0x55: {  	v11 =	vmul.f32 $6.400000000e+01, v9;
	v9 =	vld [tilespmem:s4+$0xFFFFFFF0];
	v3 =	vadd.f32 $1.024000000e+03, v6;
	v4 =	vmax.f32 v4, $0.0e+00  }
0x56: {  	v8 =	vmax.f32 v8, $0.0e+00;
	v5 =	vmax.f32 v5, $0.0e+00;
	v7 =	vmin.f32 v4, $2.047995970e+03  }
0x57: {  	s31 =	sshll.u32 s30, $0xF;
	v4 =	vadd.f32 $1.024000000e+03, v10;
	v6 =	vmin.f32 v5, $2.047995970e+03;
	v5 =	vtrunc.f32 v7  }
0x58: {  	s3 =	simm.s32 $0x100;
	s2 =	simm.s32 $0x40;
	s0 =	simm.s32 $0x0;
	v10 =	vadd.f32 $1.024000000e+03, v11;
	v11 =	vtrunc.f32 v6;
	v5 =	vcvt.f32.s32 v5  }
.LBB2_3:
0x59: {  	p1 =	sne.s32 s3, $0x7F00  }
0x5a: {  	v9 =	vmul.f32 $6.400000000e+01, v9;
	v8 =	vmin.f32 v8, $2.047995970e+03;
	v11 =	vcvt.f32.s32 v11;
	s4 =	sadd.s32 $0x80, s4;
	s8 =	smov.u32 s3;
	s3 =	sadd.s32 $0x100, s3  }
0x5b: {  	v10 =	vmax.f32 v10, $0.0e+00;
	v12 =	vtrunc.f32 v8;
	v13 =	vcvt.s32.f32 v5  }
0x5c: {  	v9 =	vadd.f32 $1.024000000e+03, v9;
	v10 =	vmin.f32 v10, $2.047995970e+03;
	v14 =	vcvt.s32.f32 v11  }
0x5d: {  	v12 =	vcvt.f32.s32 v12;
	v15 =	vld [tilespmem:s2+$0x30];
	v16 =	vtrunc.f32 v10;
	v7 =	vsub.f32 v7, v13;
	s2 =	smov.u32 s4  }
0x5e: {  	v9 =	vmax.f32 v9, $0.0e+00;
	v13 =	vcvt.f32.s32 v16;
	v6 =	vsub.f32 v6, v14  }
0x5f: {  	v3 =	vmax.f32 v3, $0.0e+00;
	v14 =	vcvt.s32.f32 v12;
	v9 =	vmin.f32 v9, $2.047995970e+03;
	v16 =	vld.idx.msk [tilespmem:v5+s18+$0x0], $0xffff  }
0x60: {  	v3 =	vmin.f32 v3, $2.047995970e+03;
	v17 =	vtrunc.f32 v9;
	v18 =	vcvt.s32.f32 v13;
	v19 =	vld.idx.msk [tilespmem:v11+s18+$0x0], $0xffff  }
0x61: {  	v4 =	vmax.f32 v4, $0.0e+00;
	v20 =	vtrunc.f32 v3;
	v17 =	vcvt.f32.s32 v17;
	v5 =	vld.idx.msk [tilespmem:v5+s16+$0x0], $0xffff  }
0x62: {  	v4 =	vmin.f32 v4, $2.047995970e+03;
	v15 =	vmul.f32 $6.400000000e+01, v15;
	v10 =	vsub.f32 v10, v18;
	v11 =	vld.idx.msk [tilespmem:v11+s16+$0x0], $0xffff  }
0x63: {  	v8 =	vsub.f32 v8, v14;
	v18 =	vtrunc.f32 v4;
	v21 =	vcvt.s32.f32 v17  }
0x64: {  	v14 =	vadd.f32 $1.024000000e+03, v15;
	v15 =	vcvt.f32.s32 v18;
	v18 =	vld.idx.msk [tilespmem:v13+s18+$0x0], $0xffff  }
0x65: {  	v20 =	vcvt.f32.s32 v20;
	v7 =	vmul.f32 v16, v7;
	v9 =	vsub.f32 v9, v21;
	v21 =	vld.idx.msk [tilespmem:v12+s16+$0x0], $0xffff  }
0x66: {  	v6 =	vmul.f32 v19, v6;
	v14 =	vmax.f32 v14, $0.0e+00;
	v16 =	vcvt.s32.f32 v15;
	v13 =	vld.idx.msk [tilespmem:v13+s16+$0x0], $0xffff  }
0x67: {  	v19 =	vcvt.s32.f32 v20;
	v5 =	vadd.f32 v7, v5;
	v14 =	vmin.f32 v14, $2.047995970e+03;
	v22 =	vld.idx.msk [tilespmem:v17+s18+$0x0], $0xffff  }
0x68: {  	v6 =	vadd.f32 v6, v11;
	v7 =	vtrunc.f32 v14;
	v4 =	vsub.f32 v4, v16;
	v12 =	vld.idx.msk [tilespmem:v12+s18+$0x0], $0xffff  }
0x69: {  	v16 =	vmul.f32 $1.000000000e+01, v5;
	v7 =	vcvt.f32.s32 v7;
	v11 =	vld.idx.msk [tilespmem:v17+s16+$0x0], $0xffff  }
0x6a: {  	v10 =	vmul.f32 v18, v10;
	v18 =	vmul.f32 $1.000000000e+01, v6;
	v17 =	vld.idx.msk [tilespmem:v15+s18+$0x0], $0xffff  }
0x6b: {  	v16 =	vtrunc.f32 v16;
	v23 =	vcvt.s32.f32 v7  }
0x6c: {  	v10 =	vadd.f32 v10, v13;
	v13 =	vcvt.f32.s32 v16;
	v16 =	vtrunc.f32 v18;
	v24 =	vld.idx.msk [tilespmem:v20+s18+$0x0], $0xffff  }
0x6d: {  	v3 =	vsub.f32 v3, v19;
	v9 =	vmul.f32 v22, v9;
	v16 =	vcvt.f32.s32 v16;
	v15 =	vld.idx.msk [tilespmem:v15+s16+$0x0], $0xffff  }
0x6e: {  	v8 =	vmul.f32 v12, v8;
	v12 =	vmul.f32 $1.000000000e+01, v10;
	v13 =	vshll.u32 v13, $0x4;
	v18 =	vld.idx.msk [tilespmem:v20+s16+$0x0], $0xffff  }
0x6f: {  	v9 =	vadd.f32 v9, v11;
	v11 =	vor.u32 v1, v13;
	v13 =	vshll.u32 v16, $0x4;
	v19 =	vld.idx.msk [tilespmem:v7+s18+$0x0], $0xffff  }
0x70: {  	v8 =	vadd.f32 v8, v21;
	v4 =	vmul.f32 v17, v4;
	v12 =	vtrunc.f32 v12  }
0x71: {  	v13 =	vor.u32 v1, v13;
	v12 =	vcvt.f32.s32 v12;
	v16 =	vmul.f32 $1.000000000e+01, v9;
	v7 =	vld.idx.msk [tilespmem:v7+s16+$0x0], $0xffff  }
0x72: {  	v14 =	vsub.f32 v14, v23;
	v3 =	vmul.f32 v24, v3;
	v17 =	vmul.f32 $1.000000000e+01, v8  }
0x73: {  	v4 =	vadd.f32 v4, v15;
	v15 =	vtrunc.f32 v16;
	v12 =	vshll.u32 v12, $0x4  }
0x74: {  	v15 =	vcvt.f32.s32 v15;
	v16 =	vtrunc.f32 v17;
	v12 =	vor.u32 v1, v12;
	[tilespmem:v11+s21+$0x0] =	vst.idx.add.f32.msk $0xffff, v2  }
0x75: {  	v3 =	vadd.f32 v3, v18;
	v14 =	vmul.f32 v19, v14;
	v17 =	vmul.f32 $1.000000000e+01, v4;
	[tilespmem:v11+s22+$0x0] =	vst.idx.add.f32.msk $0xffff, v5  }
0x76: {  	v5 =	vcvt.f32.s32 v16;
	v15 =	vshll.u32 v15, $0x4;
	v11 =	vpack.i.b32.b16 v13, v11;
	[tilespmem:v13+s21+$0x0] =	vst.idx.add.f32.msk $0xffff, v2  }
0x77: {  	v7 =	vadd.f32 v14, v7;
	v14 =	vtrunc.f32 v17;
	v15 =	vor.u32 v1, v15;
	[tilespmem:v13+s22+$0x0] =	vst.idx.add.f32.msk $0xffff, v6  }
0x78: {  	v6 =	vcvt.f32.s32 v14;
	v13 =	vmul.f32 $1.000000000e+01, v3;
	v5 =	vshll.u32 v5, $0x4  }
0x79: {  	v16 =	vpack.i.b32.b16 v15, v12;
	v14 =	vmul.f32 $1.000000000e+01, v7;
	v5 =	vor.u32 v1, v5;
	[tilespmem:v12+s21+$0x0] =	vst.idx.add.f32.msk $0xffff, v2  }
0x7a: {  	v13 =	vtrunc.f32 v13;
	v6 =	vshll.u32 v6, $0x4;
	[tilespmem:v12+s22+$0x0] =	vst.idx.add.f32.msk $0xffff, v10  }
0x7b: {  	v10 =	vcvt.f32.s32 v13;
	v12 =	vtrunc.f32 v14;
	v6 =	vor.u32 v1, v6  }
0x7c: {  	v12 =	vcvt.f32.s32 v12;
	v13 =	vpack.i.b32.b16 v6, v5;
	[tilespmem:v15+s21+$0x0] =	vst.idx.add.f32.msk $0xffff, v2  }
0x7d: {  	v10 =	vshll.u32 v10, $0x4;
	[tilespmem:v15+s22+$0x0] =	vst.idx.add.f32.msk $0xffff, v9  }
0x7e: {  	v9 =	vor.u32 v1, v10;
	[tilespmem:v5+s21+$0x0] =	vst.idx.add.f32.msk $0xffff, v2  }
0x7f: {  	v10 =	vshll.u32 v12, $0x4;
	[tilespmem:v5+s22+$0x0] =	vst.idx.add.f32.msk $0xffff, v8  }
0x80: {  	v5 =	vor.u32 v1, v10;
	[tilespmem:v6+s21+$0x0] =	vst.idx.add.f32.msk $0xffff, v2  }
0x81: {  	[tilespmem:v6+s22+$0x0] =	vst.idx.add.f32.msk $0xffff, v4;
	v4 =	vpack.i.b32.b16 v5, v9;
	_ =	sdelay $0x1  }
0x82: {  	[tilespmem:v9+s21+$0x0] =	vst.idx.add.f32.msk $0xffff, v2  }
0x83: {  	[tilespmem:v9+s22+$0x0] =	vst.idx.add.f32.msk $0xffff, v3  }
0x84: {  	[tilespmem:v5+s21+$0x0] =	vst.idx.add.f32.msk $0xffff, v2  }
0x85: {  	s14 =	sshra.s32 s0, $0x2;
	s0 =	smov.u32 s8;
	[tilespmem:v5+s22+$0x0] =	vst.idx.add.f32.msk $0xffff, v7  }
0x86: {  	[tilespmem:s14+$0x8000] =	vst v11  }
0x87: {  	[tilespmem:s14+$0x8010] =	vst v16  }
0x88: {  	[tilespmem:s14+$0x8020] =	vst v13  }
0x89: {  	[tilespmem:s14+$0x8030] =	vst v4  }
0x8a: {  	v3 =	vld [tilespmem:s4+$0xFFFFFFD0]  }
0x8b: {  	v4 =	vld [tilespmem:s4+$0x0]  }
0x8c: {  	v5 =	vld [tilespmem:s4+$0xFFFFFFC0]  }
0x8d: {  	v6 =	vld [tilespmem:s4+$0x20]  }
0x8e: {  	v7 =	vld [tilespmem:s4+$0xFFFFFFE0]  }
0x8f: {  	v8 =	vld [tilespmem:s4+$0x10];
	_ =	sdelay $0x1  }
0x90: {  	v4 =	vmul.f32 $6.400000000e+01, v4;
	v5 =	vmul.f32 $6.400000000e+01, v5  }
0x91: {  	v3 =	vmul.f32 $6.400000000e+01, v3;
	v6 =	vmul.f32 $6.400000000e+01, v6  }
0x92: {  	v4 =	vadd.f32 $1.024000000e+03, v4;
	v9 =	vld [tilespmem:s4+$0xFFFFFFF0];
	v5 =	vadd.f32 $1.024000000e+03, v5  }
.Ltmp2:
0x93: {  	v10 =	vadd.f32 $1.024000000e+03, v3;
	v11 =	vmul.f32 $6.400000000e+01, v8;
	(pc) =	sbr.rel @p1 .LBB2_3-.Ltmp2, $4  }
0x94: {  	v3 =	vadd.f32 $1.024000000e+03, v6;
	v8 =	vmax.f32 v4, $0.0e+00;
	v5 =	vmax.f32 v5, $0.0e+00  }
0x95: {  	v12 =	vmul.f32 $6.400000000e+01, v7;
	v7 =	vmin.f32 v5, $2.047995970e+03;
	v5 =	vmax.f32 v10, $0.0e+00  }
0x96: {  	v4 =	vadd.f32 $1.024000000e+03, v11;
	v6 =	vmin.f32 v5, $2.047995970e+03;
	v5 =	vtrunc.f32 v7  }
0x97: {  	v10 =	vadd.f32 $1.024000000e+03, v12;
	v5 =	vcvt.f32.s32 v5;
	v11 =	vtrunc.f32 v6  }
0x98: {  	_ = 	snop  }
0x99: {  	v9 =	vmul.f32 $6.400000000e+01, v9;
	v11 =	vcvt.f32.s32 v11  }
0x9a: {  	v8 =	vmin.f32 v8, $2.047995970e+03;
	v3 =	vmax.f32 v3, $0.0e+00;
	v4 =	vmax.f32 v4, $0.0e+00  }
0x9b: {  	v10 =	vmax.f32 v10, $0.0e+00;
	v12 =	vtrunc.f32 v8;
	v13 =	vcvt.s32.f32 v5  }
0x9c: {  	v14 =	vld [tilespmem:s2+$0x30];
	v4 =	vmin.f32 v4, $2.047995970e+03;
	v9 =	vadd.f32 $1.024000000e+03, v9;
	v12 =	vcvt.f32.s32 v12  }
0x9d: {  	v34 =	vld.idx.msk [tilespmem:v5+s18+$0x0], $0xffff;
	v3 =	vmin.f32 v3, $2.047995970e+03;
	v10 =	vmin.f32 v10, $2.047995970e+03;
	v21 =	vtrunc.f32 v4  }
0x9e: {  	v15 =	vtrunc.f32 v10;
	v37 =	vcvt.f32.s32 v21;
	v9 =	vmax.f32 v9, $0.0e+00  }
0x9f: {  	v35 =	vld.idx.msk [tilespmem:v5+s16+$0x0], $0xffff;
	v16 =	vcvt.s32.f32 v11;
	v15 =	vcvt.f32.s32 v15;
	v9 =	vmin.f32 v9, $2.047995970e+03  }
0xa0: {  	v36 =	vtrunc.f32 v3;
	v7 =	vsub.f32 v7, v13;
	v18 =	vtrunc.f32 v9;
	v19 =	vld.idx.msk [tilespmem:v11+s18+$0x0], $0xffff  }
0xa1: {  	v14 =	vmul.f32 $6.400000000e+01, v14;
	v11 =	vld.idx.msk [tilespmem:v11+s16+$0x0], $0xffff;
	v18 =	vcvt.f32.s32 v18  }
0xa2: {  	v6 =	vsub.f32 v6, v16;
	v16 =	vcvt.f32.s32 v36;
	v7 =	vmul.f32 v34, v7;
	v24 =	vld.idx.msk [tilespmem:v12+s18+$0x0], $0xffff  }
0xa3: {  	v17 =	vcvt.s32.f32 v12;
	v14 =	vadd.f32 $1.024000000e+03, v14;
	v12 =	vld.idx.msk [tilespmem:v12+s16+$0x0], $0xffff  }
0xa4: {  	v38 =	vcvt.s32.f32 v37;
	v5 =	vadd.f32 v7, v35;
	v45 =	vld.idx.msk [tilespmem:v37+s18+$0x0], $0xffff  }
0xa5: {  	v20 =	vcvt.s32.f32 v15;
	v39 =	vcvt.s32.f32 v16;
	v14 =	vmax.f32 v14, $0.0e+00;
	v23 =	vld.idx.msk [tilespmem:v15+s18+$0x0], $0xffff  }
0xa6: {  	v8 =	vsub.f32 v8, v17;
	v15 =	vld.idx.msk [tilespmem:v15+s16+$0x0], $0xffff;
	v14 =	vmin.f32 v14, $2.047995970e+03;
	v42 =	vmul.f32 $1.000000000e+01, v5  }
0xa7: {  	v4 =	vsub.f32 v4, v38;
	v6 =	vmul.f32 v19, v6;
	v41 =	vtrunc.f32 v14;
	v40 =	vld.idx.msk [tilespmem:v18+s18+$0x0], $0xffff  }
0xa8: {  	v10 =	vsub.f32 v10, v20;
	v22 =	vcvt.s32.f32 v18;
	v47 =	vld.idx.msk [tilespmem:v16+s18+$0x0], $0xffff;
	v21 =	vcvt.f32.s32 v41  }
0xa9: {  	v6 =	vadd.f32 v6, v11;
	v18 =	vld.idx.msk [tilespmem:v18+s16+$0x0], $0xffff;
	v11 =	vtrunc.f32 v42;
	v8 =	vmul.f32 v24, v8  }
0xaa: {  	v13 =	vld.idx.msk [tilespmem:v37+s16+$0x0], $0xffff;
	v9 =	vsub.f32 v9, v22;
	v44 =	vcvt.s32.f32 v21;
	v10 =	vmul.f32 v23, v10  }
0xab: {  	v3 =	vsub.f32 v3, v39;
	v11 =	vcvt.f32.s32 v11;
	v4 =	vmul.f32 v45, v4  }
0xac: {  	v43 =	vmul.f32 $1.000000000e+01, v6;
	v10 =	vadd.f32 v10, v15;
	v9 =	vmul.f32 v40, v9  }
0xad: {  	v16 =	vld.idx.msk [tilespmem:v16+s16+$0x0], $0xffff;
	v8 =	vadd.f32 v8, v12;
	v3 =	vmul.f32 v47, v3;
	v11 =	vshll.u32 v11, $0x4  }
0xae: {  	v46 =	vtrunc.f32 v43;
	v48 =	vmul.f32 $1.000000000e+01, v10;
	v9 =	vadd.f32 v9, v18  }
0xaf: {  	v14 =	vsub.f32 v14, v44;
	v4 =	vadd.f32 v4, v13;
	v15 =	vcvt.f32.s32 v46;
	v49 =	vld.idx.msk [tilespmem:v21+s18+$0x0], $0xffff  }
0xb0: {  	v11 =	vor.u32 v1, v11;
	v50 =	vtrunc.f32 v48;
	v51 =	vmul.f32 $1.000000000e+01, v9  }
0xb1: {  	v53 =	vmul.f32 $1.000000000e+01, v8;
	v52 =	vld.idx.msk [tilespmem:v21+s16+$0x0], $0xffff;
	v15 =	vshll.u32 v15, $0x4;
	v12 =	vcvt.f32.s32 v50  }
0xb2: {  	v3 =	vadd.f32 v3, v16;
	v15 =	vor.u32 v1, v15;
	v19 =	vtrunc.f32 v51  }
0xb3: {  	v56 =	vmul.f32 $1.000000000e+01, v4;
	v12 =	vshll.u32 v12, $0x4;
	v54 =	vcvt.f32.s32 v19  }
0xb4: {  	v55 =	vtrunc.f32 v53;
	v14 =	vmul.f32 v49, v14;
	v12 =	vor.u32 v1, v12  }
0xb5: {  	v58 =	vmul.f32 $1.000000000e+01, v3;
	v13 =	vcvt.f32.s32 v55;
	[tilespmem:v11+s21+$0x0] =	vst.idx.add.f32.msk $0xffff, v2;
	v7 =	vshll.u32 v54, $0x4  }
0xb6: {  	v57 =	vtrunc.f32 v56;
	[tilespmem:v11+s22+$0x0] =	vst.idx.add.f32.msk $0xffff, v5;
	v14 =	vadd.f32 v14, v52;
	v7 =	vor.u32 v1, v7  }
0xb7: {  	v13 =	vshll.u32 v13, $0x4;
	v5 =	vcvt.f32.s32 v57;
	[tilespmem:v15+s21+$0x0] =	vst.idx.add.f32.msk $0xffff, v2  }
0xb8: {  	v16 =	vtrunc.f32 v58;
	v13 =	vor.u32 v1, v13;
	[tilespmem:v15+s22+$0x0] =	vst.idx.add.f32.msk $0xffff, v6;
	v59 =	vmul.f32 $1.000000000e+01, v14  }
0xb9: {  	v16 =	vcvt.f32.s32 v16;
	v5 =	vshll.u32 v5, $0x4;
	[tilespmem:v12+s21+$0x0] =	vst.idx.add.f32.msk $0xffff, v2  }
0xba: {  	v5 =	vor.u32 v1, v5;
	v6 =	vtrunc.f32 v59;
	[tilespmem:v12+s22+$0x0] =	vst.idx.add.f32.msk $0xffff, v10  }
0xbb: {  	v60 =	vshll.u32 v16, $0x4;
	v6 =	vcvt.f32.s32 v6;
	[tilespmem:v7+s21+$0x0] =	vst.idx.add.f32.msk $0xffff, v2  }
0xbc: {  	v61 =	vor.u32 v1, v60;
	[tilespmem:v7+s22+$0x0] =	vst.idx.add.f32.msk $0xffff, v9  }
0xbd: {  	v6 =	vshll.u32 v6, $0x4;
	[tilespmem:v13+s21+$0x0] =	vst.idx.add.f32.msk $0xffff, v2  }
0xbe: {  	v6 =	vor.u32 v1, v6;
	[tilespmem:v13+s22+$0x0] =	vst.idx.add.f32.msk $0xffff, v8  }
0xbf: {  	[tilespmem:v5+s21+$0x0] =	vst.idx.add.f32.msk $0xffff, v2  }
0xc0: {  	[tilespmem:v5+s22+$0x0] =	vst.idx.add.f32.msk $0xffff, v4  }
0xc1: {  	[tilespmem:v61+s21+$0x0] =	vst.idx.add.f32.msk $0xffff, v2  }
0xc2: {  	[tilespmem:v61+s22+$0x0] =	vst.idx.add.f32.msk $0xffff, v3  }
0xc3: {  	[tilespmem:v6+s21+$0x0] =	vst.idx.add.f32.msk $0xffff, v2  }
0xc4: {  	s14 =	sshra.s32 s0, $0x2;
	p1 =	sne.s32 s30, $0xF;
	v3 =	vpack.i.b32.b16 v15, v11;
	[tilespmem:v6+s22+$0x0] =	vst.idx.add.f32.msk $0xffff, v14  }
.Ltmp3:
0xc5: {  	s0 =	sshll.u32 s30, $0xE;
	v62 =	vpack.i.b32.b16 v7, v12;
	[tilespmem:s14+$0x8000] =	vst v3;
	(pc) =	sbr.rel @p1 .LBB2_6-.Ltmp3, $4  }
0xc6: {  	s3 =	sor.u32 s9, s0;
	v63 =	vpack.i.b32.b16 v6, v61;
	[tilespmem:s14+$0x8010] =	vst v62  }
0xc7: {  	s3 =	sshrl.u32 s3, $0x3;
	v3 =	vpack.i.b32.b16 v5, v13;
	[tilespmem:s14+$0x8030] =	vst v63  }
0xc8: {  	s15 =	sadd.s32 s6, s3;
	[tilespmem:s14+$0x8020] =	vst v3  }
0xc9: {  	[hbm4b:s15+s5] =	stream.linear.scatter [tilespmem:s23], [sflag:$0x3], $0x2000, $0x38;
	[tilespmem:$0xD200] =	vst v63  }
.Ltmp4:
0xca: {  	(pc) =	sbr.rel .LBB2_7-.Ltmp4, $4  }
0xcb: {  	_ = 	snop  }
0xcc: {  	_ =	swait.ge [sflag:s24], $0x4000  }
0xcd: {  	[sflag:s24] =	ssyncset.done $0x0  }
0xce: {  	[sflag:s24] =	ssyncadd.s32 $0xFFFFC000  }
.LBB2_6:
0xcf: {  	s2 =	sadd.s32 s31, s10  }
0xd0: {  	s2 =	sshrl.u32 s2, $0x3  }
.Ltmp5:
0xd1: {  	s2 =	sadd.s32 s1, s2;
	(pc) =	sbr.rel @p0 .LBB2_8-.Ltmp5, $4  }
0xd2: {  	[tilespmem:s5], [sflag:$0x1] =	stream.linear.gather [hbm4b:s2+s5], $0x4000, $0x38;
	[tilespmem:$0xD200] =	vst v63  }
0xd3: {  	_ =	swait.ge [sflag:s24], $0x4000  }
0xd4: {  	[sflag:s24] =	ssyncset.done $0x0  }
0xd5: {  	[sflag:s24] =	ssyncadd.s32 $0xFFFFC000  }
.LBB2_7:
0xd6: {  	_ =	swait.ge [sflag:s25], $0x2000  }
0xd7: {  	[sflag:s25] =	ssyncset.done $0x0  }
0xd8: {  	[sflag:s25] =	ssyncadd.s32 $0xFFFFE000  }
.LBB2_8:
0xd9: {  	s2 =	simm.s32 $0x4040  }
0xda: {  	v3 =	vld [tilespmem:s2+$0x0]  }
0xdb: {  	v4 =	vld [tilespmem:s2+$0xFFFFFFC0]  }
0xdc: {  	v5 =	vld [tilespmem:s2+$0xFFFFFFD0]  }
0xdd: {  	v6 =	vld [tilespmem:s2+$0x20]  }
0xde: {  	v7 =	vld [tilespmem:s2+$0x10]  }
0xdf: {  	v9 =	vld [tilespmem:s2+$0xFFFFFFE0]  }
0xe0: {  	v4 =	vmul.f32 $6.400000000e+01, v4  }
0xe1: {  	v3 =	vmul.f32 $6.400000000e+01, v3;
	v5 =	vmul.f32 $6.400000000e+01, v5  }
0xe2: {  	v6 =	vmul.f32 $6.400000000e+01, v6;
	v4 =	vadd.f32 $1.024000000e+03, v4  }
0xe3: {  	v10 =	vmul.f32 $6.400000000e+01, v7;
	v8 =	vadd.f32 $1.024000000e+03, v3;
	v5 =	vadd.f32 $1.024000000e+03, v5  }
0xe4: {  	v11 =	vmul.f32 $6.400000000e+01, v9;
	v9 =	vld [tilespmem:s2+$0xFFFFFFF0];
	v3 =	vadd.f32 $1.024000000e+03, v6;
	v4 =	vmax.f32 v4, $0.0e+00  }
0xe5: {  	v8 =	vmax.f32 v8, $0.0e+00;
	v5 =	vmax.f32 v5, $0.0e+00;
	v7 =	vmin.f32 v4, $2.047995970e+03  }
0xe6: {  	v4 =	vadd.f32 $1.024000000e+03, v10;
	v6 =	vmin.f32 v5, $2.047995970e+03;
	v5 =	vtrunc.f32 v7  }
0xe7: {  	s4 =	simm.s32 $0x0;
	s8 =	simm.s32 $0x100;
	s3 =	simm.s32 $0x4040;
	v10 =	vadd.f32 $1.024000000e+03, v11;
	v11 =	vtrunc.f32 v6;
	v5 =	vcvt.f32.s32 v5  }
.LBB2_9:
0xe8: {  	p0 =	sne.s32 s8, $0x7F00  }
0xe9: {  	v9 =	vmul.f32 $6.400000000e+01, v9;
	v8 =	vmin.f32 v8, $2.047995970e+03;
	v11 =	vcvt.f32.s32 v11;
	s2 =	sadd.s32 $0x80, s2;
	s14 =	smov.u32 s8;
	s8 =	sadd.s32 $0x100, s8  }
0xea: {  	v10 =	vmax.f32 v10, $0.0e+00;
	v12 =	vtrunc.f32 v8;
	v13 =	vcvt.s32.f32 v5  }
0xeb: {  	v9 =	vadd.f32 $1.024000000e+03, v9;
	v10 =	vmin.f32 v10, $2.047995970e+03;
	v14 =	vcvt.s32.f32 v11  }
0xec: {  	v12 =	vcvt.f32.s32 v12;
	v15 =	vld [tilespmem:s3+$0x30];
	v16 =	vtrunc.f32 v10;
	v7 =	vsub.f32 v7, v13;
	s3 =	smov.u32 s2  }
0xed: {  	v9 =	vmax.f32 v9, $0.0e+00;
	v13 =	vcvt.f32.s32 v16;
	v6 =	vsub.f32 v6, v14  }
0xee: {  	v3 =	vmax.f32 v3, $0.0e+00;
	v14 =	vcvt.s32.f32 v12;
	v9 =	vmin.f32 v9, $2.047995970e+03;
	v16 =	vld.idx.msk [tilespmem:v5+s18+$0x0], $0xffff  }
0xef: {  	v3 =	vmin.f32 v3, $2.047995970e+03;
	v17 =	vtrunc.f32 v9;
	v18 =	vcvt.s32.f32 v13;
	v19 =	vld.idx.msk [tilespmem:v11+s18+$0x0], $0xffff  }
0xf0: {  	v4 =	vmax.f32 v4, $0.0e+00;
	v20 =	vtrunc.f32 v3;
	v17 =	vcvt.f32.s32 v17;
	v5 =	vld.idx.msk [tilespmem:v5+s16+$0x0], $0xffff  }
0xf1: {  	v4 =	vmin.f32 v4, $2.047995970e+03;
	v15 =	vmul.f32 $6.400000000e+01, v15;
	v10 =	vsub.f32 v10, v18;
	v11 =	vld.idx.msk [tilespmem:v11+s16+$0x0], $0xffff  }
0xf2: {  	v8 =	vsub.f32 v8, v14;
	v18 =	vtrunc.f32 v4;
	v21 =	vcvt.s32.f32 v17  }
0xf3: {  	v14 =	vadd.f32 $1.024000000e+03, v15;
	v15 =	vcvt.f32.s32 v18;
	v18 =	vld.idx.msk [tilespmem:v13+s18+$0x0], $0xffff  }
0xf4: {  	v20 =	vcvt.f32.s32 v20;
	v7 =	vmul.f32 v16, v7;
	v9 =	vsub.f32 v9, v21;
	v21 =	vld.idx.msk [tilespmem:v12+s16+$0x0], $0xffff  }
0xf5: {  	v6 =	vmul.f32 v19, v6;
	v14 =	vmax.f32 v14, $0.0e+00;
	v16 =	vcvt.s32.f32 v15;
	v13 =	vld.idx.msk [tilespmem:v13+s16+$0x0], $0xffff  }
0xf6: {  	v19 =	vcvt.s32.f32 v20;
	v5 =	vadd.f32 v7, v5;
	v14 =	vmin.f32 v14, $2.047995970e+03;
	v22 =	vld.idx.msk [tilespmem:v17+s18+$0x0], $0xffff  }
0xf7: {  	v6 =	vadd.f32 v6, v11;
	v7 =	vtrunc.f32 v14;
	v4 =	vsub.f32 v4, v16;
	v12 =	vld.idx.msk [tilespmem:v12+s18+$0x0], $0xffff  }
0xf8: {  	v16 =	vmul.f32 $1.000000000e+01, v5;
	v7 =	vcvt.f32.s32 v7;
	v11 =	vld.idx.msk [tilespmem:v17+s16+$0x0], $0xffff  }
0xf9: {  	v10 =	vmul.f32 v18, v10;
	v18 =	vmul.f32 $1.000000000e+01, v6;
	v17 =	vld.idx.msk [tilespmem:v15+s18+$0x0], $0xffff  }
0xfa: {  	v16 =	vtrunc.f32 v16;
	v23 =	vcvt.s32.f32 v7  }
0xfb: {  	v10 =	vadd.f32 v10, v13;
	v13 =	vcvt.f32.s32 v16;
	v16 =	vtrunc.f32 v18;
	v24 =	vld.idx.msk [tilespmem:v20+s18+$0x0], $0xffff  }
0xfc: {  	v3 =	vsub.f32 v3, v19;
	v9 =	vmul.f32 v22, v9;
	v16 =	vcvt.f32.s32 v16;
	v15 =	vld.idx.msk [tilespmem:v15+s16+$0x0], $0xffff  }
0xfd: {  	v8 =	vmul.f32 v12, v8;
	v12 =	vmul.f32 $1.000000000e+01, v10;
	v13 =	vshll.u32 v13, $0x4;
	v18 =	vld.idx.msk [tilespmem:v20+s16+$0x0], $0xffff  }
0xfe: {  	v9 =	vadd.f32 v9, v11;
	v11 =	vor.u32 v1, v13;
	v13 =	vshll.u32 v16, $0x4;
	v19 =	vld.idx.msk [tilespmem:v7+s18+$0x0], $0xffff  }
0xff: {  	v8 =	vadd.f32 v8, v21;
	v4 =	vmul.f32 v17, v4;
	v12 =	vtrunc.f32 v12  }
0x100: {  	v13 =	vor.u32 v1, v13;
	v12 =	vcvt.f32.s32 v12;
	v16 =	vmul.f32 $1.000000000e+01, v9;
	v7 =	vld.idx.msk [tilespmem:v7+s16+$0x0], $0xffff  }
0x101: {  	v14 =	vsub.f32 v14, v23;
	v3 =	vmul.f32 v24, v3;
	v17 =	vmul.f32 $1.000000000e+01, v8  }
0x102: {  	v4 =	vadd.f32 v4, v15;
	v15 =	vtrunc.f32 v16;
	v12 =	vshll.u32 v12, $0x4  }
0x103: {  	v15 =	vcvt.f32.s32 v15;
	v16 =	vtrunc.f32 v17;
	v12 =	vor.u32 v1, v12;
	[tilespmem:v11+s21+$0x0] =	vst.idx.add.f32.msk $0xffff, v2  }
0x104: {  	v3 =	vadd.f32 v3, v18;
	v14 =	vmul.f32 v19, v14;
	v17 =	vmul.f32 $1.000000000e+01, v4;
	[tilespmem:v11+s22+$0x0] =	vst.idx.add.f32.msk $0xffff, v5  }
0x105: {  	v5 =	vcvt.f32.s32 v16;
	v15 =	vshll.u32 v15, $0x4;
	v11 =	vpack.i.b32.b16 v13, v11;
	[tilespmem:v13+s21+$0x0] =	vst.idx.add.f32.msk $0xffff, v2  }
0x106: {  	v7 =	vadd.f32 v14, v7;
	v14 =	vtrunc.f32 v17;
	v15 =	vor.u32 v1, v15;
	[tilespmem:v13+s22+$0x0] =	vst.idx.add.f32.msk $0xffff, v6  }
0x107: {  	v6 =	vcvt.f32.s32 v14;
	v13 =	vmul.f32 $1.000000000e+01, v3;
	v5 =	vshll.u32 v5, $0x4  }
0x108: {  	v16 =	vpack.i.b32.b16 v15, v12;
	v14 =	vmul.f32 $1.000000000e+01, v7;
	v5 =	vor.u32 v1, v5;
	[tilespmem:v12+s21+$0x0] =	vst.idx.add.f32.msk $0xffff, v2  }
0x109: {  	v13 =	vtrunc.f32 v13;
	v6 =	vshll.u32 v6, $0x4;
	[tilespmem:v12+s22+$0x0] =	vst.idx.add.f32.msk $0xffff, v10  }
0x10a: {  	v10 =	vcvt.f32.s32 v13;
	v12 =	vtrunc.f32 v14;
	v6 =	vor.u32 v1, v6  }
0x10b: {  	v12 =	vcvt.f32.s32 v12;
	v13 =	vpack.i.b32.b16 v6, v5;
	[tilespmem:v15+s21+$0x0] =	vst.idx.add.f32.msk $0xffff, v2  }
0x10c: {  	v10 =	vshll.u32 v10, $0x4;
	[tilespmem:v15+s22+$0x0] =	vst.idx.add.f32.msk $0xffff, v9  }
0x10d: {  	v9 =	vor.u32 v1, v10;
	[tilespmem:v5+s21+$0x0] =	vst.idx.add.f32.msk $0xffff, v2  }
0x10e: {  	v10 =	vshll.u32 v12, $0x4;
	[tilespmem:v5+s22+$0x0] =	vst.idx.add.f32.msk $0xffff, v8  }
0x10f: {  	v5 =	vor.u32 v1, v10;
	[tilespmem:v6+s21+$0x0] =	vst.idx.add.f32.msk $0xffff, v2  }
0x110: {  	[tilespmem:v6+s22+$0x0] =	vst.idx.add.f32.msk $0xffff, v4;
	v4 =	vpack.i.b32.b16 v5, v9;
	_ =	sdelay $0x1  }
0x111: {  	[tilespmem:v9+s21+$0x0] =	vst.idx.add.f32.msk $0xffff, v2  }
0x112: {  	[tilespmem:v9+s22+$0x0] =	vst.idx.add.f32.msk $0xffff, v3  }
0x113: {  	[tilespmem:v5+s21+$0x0] =	vst.idx.add.f32.msk $0xffff, v2  }
0x114: {  	s15 =	sshra.s32 s4, $0x2;
	s4 =	smov.u32 s14;
	[tilespmem:v5+s22+$0x0] =	vst.idx.add.f32.msk $0xffff, v7  }
0x115: {  	[tilespmem:s15+$0xA000] =	vst v11  }
0x116: {  	[tilespmem:s15+$0xA010] =	vst v16  }
0x117: {  	[tilespmem:s15+$0xA020] =	vst v13  }
0x118: {  	[tilespmem:s15+$0xA030] =	vst v4  }
0x119: {  	v3 =	vld [tilespmem:s2+$0xFFFFFFD0]  }
0x11a: {  	v4 =	vld [tilespmem:s2+$0x0]  }
0x11b: {  	v5 =	vld [tilespmem:s2+$0xFFFFFFC0]  }
0x11c: {  	v6 =	vld [tilespmem:s2+$0x20]  }
0x11d: {  	v7 =	vld [tilespmem:s2+$0xFFFFFFE0]  }
0x11e: {  	v8 =	vld [tilespmem:s2+$0x10];
	_ =	sdelay $0x1  }
0x11f: {  	v4 =	vmul.f32 $6.400000000e+01, v4;
	v5 =	vmul.f32 $6.400000000e+01, v5  }
0x120: {  	v3 =	vmul.f32 $6.400000000e+01, v3;
	v6 =	vmul.f32 $6.400000000e+01, v6  }
0x121: {  	v4 =	vadd.f32 $1.024000000e+03, v4;
	v9 =	vld [tilespmem:s2+$0xFFFFFFF0];
	v5 =	vadd.f32 $1.024000000e+03, v5  }
.Ltmp6:
0x122: {  	v10 =	vadd.f32 $1.024000000e+03, v3;
	v11 =	vmul.f32 $6.400000000e+01, v8;
	(pc) =	sbr.rel @p0 .LBB2_9-.Ltmp6, $4  }
0x123: {  	v3 =	vadd.f32 $1.024000000e+03, v6;
	v8 =	vmax.f32 v4, $0.0e+00;
	v5 =	vmax.f32 v5, $0.0e+00  }
0x124: {  	v12 =	vmul.f32 $6.400000000e+01, v7;
	v7 =	vmin.f32 v5, $2.047995970e+03;
	v5 =	vmax.f32 v10, $0.0e+00  }
0x125: {  	v4 =	vadd.f32 $1.024000000e+03, v11;
	v6 =	vmin.f32 v5, $2.047995970e+03;
	v5 =	vtrunc.f32 v7  }
0x126: {  	v10 =	vadd.f32 $1.024000000e+03, v12;
	v5 =	vcvt.f32.s32 v5;
	v11 =	vtrunc.f32 v6  }
0x127: {  	_ = 	snop  }
0x128: {  	v9 =	vmul.f32 $6.400000000e+01, v9;
	v11 =	vcvt.f32.s32 v11  }
0x129: {  	v8 =	vmin.f32 v8, $2.047995970e+03;
	v3 =	vmax.f32 v3, $0.0e+00;
	v4 =	vmax.f32 v4, $0.0e+00  }
0x12a: {  	v10 =	vmax.f32 v10, $0.0e+00;
	v12 =	vtrunc.f32 v8;
	v13 =	vcvt.s32.f32 v5  }
0x12b: {  	v14 =	vld [tilespmem:s3+$0x30];
	v4 =	vmin.f32 v4, $2.047995970e+03;
	v9 =	vadd.f32 $1.024000000e+03, v9;
	v12 =	vcvt.f32.s32 v12  }
0x12c: {  	v34 =	vld.idx.msk [tilespmem:v5+s18+$0x0], $0xffff;
	v3 =	vmin.f32 v3, $2.047995970e+03;
	v10 =	vmin.f32 v10, $2.047995970e+03;
	v21 =	vtrunc.f32 v4  }
0x12d: {  	v15 =	vtrunc.f32 v10;
	v37 =	vcvt.f32.s32 v21;
	v9 =	vmax.f32 v9, $0.0e+00  }
0x12e: {  	v35 =	vld.idx.msk [tilespmem:v5+s16+$0x0], $0xffff;
	v16 =	vcvt.s32.f32 v11;
	v15 =	vcvt.f32.s32 v15;
	v9 =	vmin.f32 v9, $2.047995970e+03  }
0x12f: {  	v36 =	vtrunc.f32 v3;
	v7 =	vsub.f32 v7, v13;
	v18 =	vtrunc.f32 v9;
	v19 =	vld.idx.msk [tilespmem:v11+s18+$0x0], $0xffff  }
0x130: {  	v14 =	vmul.f32 $6.400000000e+01, v14;
	v11 =	vld.idx.msk [tilespmem:v11+s16+$0x0], $0xffff;
	v18 =	vcvt.f32.s32 v18  }
0x131: {  	v6 =	vsub.f32 v6, v16;
	v16 =	vcvt.f32.s32 v36;
	v7 =	vmul.f32 v34, v7;
	v24 =	vld.idx.msk [tilespmem:v12+s18+$0x0], $0xffff  }
0x132: {  	v17 =	vcvt.s32.f32 v12;
	v14 =	vadd.f32 $1.024000000e+03, v14;
	v12 =	vld.idx.msk [tilespmem:v12+s16+$0x0], $0xffff  }
0x133: {  	v38 =	vcvt.s32.f32 v37;
	v5 =	vadd.f32 v7, v35;
	v45 =	vld.idx.msk [tilespmem:v37+s18+$0x0], $0xffff  }
0x134: {  	v20 =	vcvt.s32.f32 v15;
	v39 =	vcvt.s32.f32 v16;
	v14 =	vmax.f32 v14, $0.0e+00;
	v23 =	vld.idx.msk [tilespmem:v15+s18+$0x0], $0xffff  }
0x135: {  	v8 =	vsub.f32 v8, v17;
	v15 =	vld.idx.msk [tilespmem:v15+s16+$0x0], $0xffff;
	v14 =	vmin.f32 v14, $2.047995970e+03;
	v42 =	vmul.f32 $1.000000000e+01, v5  }
0x136: {  	v4 =	vsub.f32 v4, v38;
	v6 =	vmul.f32 v19, v6;
	v41 =	vtrunc.f32 v14;
	v40 =	vld.idx.msk [tilespmem:v18+s18+$0x0], $0xffff  }
0x137: {  	v10 =	vsub.f32 v10, v20;
	v22 =	vcvt.s32.f32 v18;
	v47 =	vld.idx.msk [tilespmem:v16+s18+$0x0], $0xffff;
	v21 =	vcvt.f32.s32 v41  }
0x138: {  	v6 =	vadd.f32 v6, v11;
	v18 =	vld.idx.msk [tilespmem:v18+s16+$0x0], $0xffff;
	v11 =	vtrunc.f32 v42;
	v8 =	vmul.f32 v24, v8  }
0x139: {  	v13 =	vld.idx.msk [tilespmem:v37+s16+$0x0], $0xffff;
	v9 =	vsub.f32 v9, v22;
	v44 =	vcvt.s32.f32 v21;
	v10 =	vmul.f32 v23, v10  }
0x13a: {  	v3 =	vsub.f32 v3, v39;
	v11 =	vcvt.f32.s32 v11;
	v4 =	vmul.f32 v45, v4  }
0x13b: {  	v43 =	vmul.f32 $1.000000000e+01, v6;
	v10 =	vadd.f32 v10, v15;
	v9 =	vmul.f32 v40, v9  }
0x13c: {  	v16 =	vld.idx.msk [tilespmem:v16+s16+$0x0], $0xffff;
	v8 =	vadd.f32 v8, v12;
	v3 =	vmul.f32 v47, v3;
	v11 =	vshll.u32 v11, $0x4  }
0x13d: {  	v46 =	vtrunc.f32 v43;
	v48 =	vmul.f32 $1.000000000e+01, v10;
	v9 =	vadd.f32 v9, v18  }
0x13e: {  	v14 =	vsub.f32 v14, v44;
	v4 =	vadd.f32 v4, v13;
	v15 =	vcvt.f32.s32 v46;
	v49 =	vld.idx.msk [tilespmem:v21+s18+$0x0], $0xffff  }
0x13f: {  	v11 =	vor.u32 v1, v11;
	v50 =	vtrunc.f32 v48;
	v51 =	vmul.f32 $1.000000000e+01, v9  }
0x140: {  	v53 =	vmul.f32 $1.000000000e+01, v8;
	v52 =	vld.idx.msk [tilespmem:v21+s16+$0x0], $0xffff;
	v15 =	vshll.u32 v15, $0x4;
	v12 =	vcvt.f32.s32 v50  }
0x141: {  	v3 =	vadd.f32 v3, v16;
	v15 =	vor.u32 v1, v15;
	v19 =	vtrunc.f32 v51  }
0x142: {  	v56 =	vmul.f32 $1.000000000e+01, v4;
	v12 =	vshll.u32 v12, $0x4;
	v54 =	vcvt.f32.s32 v19  }
0x143: {  	v55 =	vtrunc.f32 v53;
	v14 =	vmul.f32 v49, v14;
	v12 =	vor.u32 v1, v12  }
0x144: {  	v58 =	vmul.f32 $1.000000000e+01, v3;
	v13 =	vcvt.f32.s32 v55;
	[tilespmem:v11+s21+$0x0] =	vst.idx.add.f32.msk $0xffff, v2;
	v7 =	vshll.u32 v54, $0x4  }
0x145: {  	v57 =	vtrunc.f32 v56;
	[tilespmem:v11+s22+$0x0] =	vst.idx.add.f32.msk $0xffff, v5;
	v14 =	vadd.f32 v14, v52;
	v7 =	vor.u32 v1, v7  }
0x146: {  	v13 =	vshll.u32 v13, $0x4;
	v5 =	vcvt.f32.s32 v57;
	[tilespmem:v15+s21+$0x0] =	vst.idx.add.f32.msk $0xffff, v2  }
0x147: {  	v16 =	vtrunc.f32 v58;
	v13 =	vor.u32 v1, v13;
	[tilespmem:v15+s22+$0x0] =	vst.idx.add.f32.msk $0xffff, v6;
	v59 =	vmul.f32 $1.000000000e+01, v14  }
0x148: {  	v16 =	vcvt.f32.s32 v16;
	v5 =	vshll.u32 v5, $0x4;
	[tilespmem:v12+s21+$0x0] =	vst.idx.add.f32.msk $0xffff, v2  }
0x149: {  	v5 =	vor.u32 v1, v5;
	v6 =	vtrunc.f32 v59;
	[tilespmem:v12+s22+$0x0] =	vst.idx.add.f32.msk $0xffff, v10  }
0x14a: {  	v60 =	vshll.u32 v16, $0x4;
	v6 =	vcvt.f32.s32 v6;
	[tilespmem:v7+s21+$0x0] =	vst.idx.add.f32.msk $0xffff, v2  }
0x14b: {  	v61 =	vor.u32 v1, v60;
	[tilespmem:v7+s22+$0x0] =	vst.idx.add.f32.msk $0xffff, v9  }
0x14c: {  	v6 =	vshll.u32 v6, $0x4;
	[tilespmem:v13+s21+$0x0] =	vst.idx.add.f32.msk $0xffff, v2  }
0x14d: {  	v6 =	vor.u32 v1, v6;
	[tilespmem:v13+s22+$0x0] =	vst.idx.add.f32.msk $0xffff, v8  }
0x14e: {  	[tilespmem:v5+s21+$0x0] =	vst.idx.add.f32.msk $0xffff, v2  }
0x14f: {  	[tilespmem:v5+s22+$0x0] =	vst.idx.add.f32.msk $0xffff, v4  }
0x150: {  	[tilespmem:v61+s21+$0x0] =	vst.idx.add.f32.msk $0xffff, v2  }
0x151: {  	[tilespmem:v61+s22+$0x0] =	vst.idx.add.f32.msk $0xffff, v3  }
0x152: {  	[tilespmem:v6+s21+$0x0] =	vst.idx.add.f32.msk $0xffff, v2  }
0x153: {  	s2 =	sshra.s32 s4, $0x2;
	p0 =	seq.s32 s30, $0xF;
	v3 =	vpack.i.b32.b16 v15, v11;
	[tilespmem:v6+s22+$0x0] =	vst.idx.add.f32.msk $0xffff, v14  }
.Ltmp7:
0x154: {  	v62 =	vpack.i.b32.b16 v7, v12;
	[tilespmem:s2+$0xA000] =	vst v3;
	(pc) =	sbr.rel @p0 .LBB2_12-.Ltmp7, $4  }
0x155: {  	s0 =	sor.u32 s11, s0;
	v63 =	vpack.i.b32.b16 v6, v61;
	[tilespmem:s2+$0xA010] =	vst v62  }
0x156: {  	s0 =	sshrl.u32 s0, $0x3;
	v3 =	vpack.i.b32.b16 v5, v13;
	[tilespmem:s2+$0xA030] =	vst v63  }
0x157: {  	s0 =	sadd.s32 s6, s0;
	[tilespmem:s2+$0xA020] =	vst v3  }
0x158: {  	[hbm4b:s0+s5] =	stream.linear.scatter [tilespmem:s26], [sflag:$0x4], $0x2000, $0x38;
	[tilespmem:$0xD200] =	vst v63  }
.Ltmp8:
0x159: {  	(pc) =	sbr.rel .LBB2_2-.Ltmp8, $4  }
0x15a: {  	s0 =	sadd.s32 s31, s12  }
0x15b: {  	s0 =	sshrl.u32 s0, $0x3  }
0x15c: {  	s30 =	sadd.s32 $0x1, s30;
	s0 =	sadd.s32 s1, s0  }
0x15d: {  	[tilespmem:s19], [sflag:$0x2] =	stream.linear.gather [hbm4b:s0+s5], $0x4000, $0x38;
	[tilespmem:$0xD200] =	vst v63  }
.LBB2_13:
0x15e: {  	_ =	sfence.sel $0x180000  }
0x15f: {  	[bflag:$0x0] =	sbarrier.arrive $0xFFFF  }
0x160: {  	_ =	strace $0x90000047  }
0x161: {  	s0 =	stileid.u32;
	[bflag:$0x2] =	sbarrier.arrive $0xFFFF  }
0x162: {  	p0 =	sne.s32 s0, $0x0;
	s0 =	rddreg [dreg:$0x5]  }
0x163: {  	s0 =	sadd.s32 @!p0 $0x100000, s0  }
0x164: {  	[sflag:s0] =	ssyncadd.tile.s32 @!p0 $0x1;
	_ =	shalt  }
.Lfunc_end2:
_tile_overlayer_lowered:
.L_overlay_start_2:
0x165: {  	(tag) =	ssettag $0x2  }
0x166: {  	s0 =	rddreg [dreg:$0x0];
	s2 =	stileid.u32  }
0x167: {  	s1 =	rddreg [dreg:$0x1];
	p0 =	sne.s32 s2, $0x0  }
0x168: {  	s3 =	rddreg [dreg:$0x2];
	[bflag:$0x3] =	sbarrier.arrive $0xFFFF;
	s2 =	simm.s32 @!p0 $0x1C05  }
0x169: {  	[timem:s3], [sflag:s2] =	dma.local @!p0 [hbm:s0], s1  }
0x16a: {  	s0 =	simm.s32 @!p0 $0x5  }
0x16b: {  	_ =	swait.ge @!p0 [sflag:s0], s1  }
0x16c: {  	s1 =	ssub.s32 @!p0 $0x0, s1;
	[sflag:s0] =	ssyncset.done @!p0 $0x0  }
0x16d: {  	[sflag:s0] =	ssyncadd.s32 @!p0 s1  }
0x16e: {  	[bflag:$0x3] =	sbarrier.arrive $0xFFFF  }
0x16f: {  	_ =	shalt  }

// kernel: _sc_run.7.cloned.1.call-start
scs
__scs_entry_jumppad:
0x0: {  	(pc) =	sbr.rel $0x88, $3  }
0x1: {  	(tag) =	ssettag $0x0;
	lr =	simm.s32 $0x1  }
0x2: {  	[smem:$0x3F9D] =	sst lr;
	_ =	strace $0xD0000000  }
0x3: {  	_ = 	snop  }
0x4: {  	_ = 	snop  }
0x5: {  	_ = 	snop  }
0x6: {  	_ = 	snop  }
0x7: {  	_ = 	snop  }
__scs_overlays_trampoline_lowered:
0x8: {  	[smem:$0x3FAC] =	sst s0  }
0x9: {  	[smem:$0x3FAD] =	sst s1  }
0xa: {  	[smem:$0x3FAE] =	sst s2  }
0xb: {  	[smem:$0x3FAF] =	sst s3  }
0xc: {  	[smem:$0x3FB0] =	sst s4  }
0xd: {  	[smem:$0x3FB1] =	sst s5  }
0xe: {  	[smem:$0x3FB2] =	sst s6  }
0xf: {  	[smem:$0x3FB3] =	sst s7  }
0x10: {  	[smem:$0x3FB4] =	sst s8  }
0x11: {  	[smem:$0x3FB5] =	sst s9;
	s0 =	simm.s32 @!p0 $0x0  }
0x12: {  	s1 =	sld [smem:$0x3F9B];
	s0 =	simm.s32 @p0 $0x1  }
0x13: {  	[smem:$0x3FB6] =	sst s0;
	s0 =	simm.s32 @!p1 $0x0  }
0x14: {  	s2 =	sld [smem:$0x3F9A];
	s0 =	simm.s32 @p1 $0x1  }
0x15: {  	[smem:$0x3FB7] =	sst s0;
	s0 =	simm.s32 @!p2 $0x0  }
0x16: {  	s3 =	sld [smem:$0x3FDB];
	s0 =	simm.s32 @p2 $0x1  }
0x17: {  	s4 =	simm.s32 $0x1BF5;
	[smem:$0x3FB9] =	sst s0  }
0x18: {  	s0 =	sld [smem:$0x3F9C];
	_ =	swait.ge [sflag:s4], $0x0  }
0x19: {  	s7 =	sld [smem:$0x3F9D]  }
0x1a: {  	s8 =	sadd.s32 $0xFFFFE003, lr  }
0x1b: {  	s9 =	sadd.s32 $0xFFFFFEF7, lr;
	s5 =	simm.s32 $0xFFFFFFFF;
	p2 =	slt.u32 s8, $0xFFFFF086  }
0x1c: {  	p1 =	slt.u32 s9, $0xF7A;
	s5 =	simm.s32 @!p2 $0x0  }
0x1d: {  	s5 =	simm.s32 @p1 $0x1;
	p0 =	seq.s32 s7, s2  }
0x1e: {  	s7 =	smul.u32 @!p0 $0xF7A, s2;
	p2 =	seq.s32 @!p0 s5, $0x0  }
0x1f: {  	s9 =	smul.u32 $0xF7A, s1;
	s8 =	simm.s32 @!p0 $0x1BF5;
	p2 =	por !p2, p0  }
0x20: {  	[sflag:s8] =	ssyncset.s32 @!p0 $0xFFFFF086;
	s6 =	sadd.s32 @!p0 s3, s7;
	s7 =	simm.s32 @!p0 $0x108  }
0x21: {  	s3 =	sadd.s32 s3, s9;
	s6 =	sadd.s32 @!p0 $0x88, s6;
	s7 =	simm.s32 @p2 $0x1082  }
0x22: {  	[simem:s7], [sflag:s8] =	dma.local @!p0 [hbm:s6], $0xF7A  }
0x23: {  	s9 =	sor.u32 $0xD0000000, s2;
	s6 =	simm.s32 $0x108;
	_ =	swait.ge @!p0 [sflag:s8], $0x0  }
0x24: {  	s3 =	sadd.s32 $0x88, s3;
	s6 =	simm.s32 @!p1 $0x1082;
	[sflag:s4] =	ssyncset.s32 $0xFFFFF086  }
0x25: {  	[simem:s6], [sflag:s4] =	dma.local [hbm:s3], $0xF7A  }
0x26: {  	[smem:$0x3F9D] =	sst s1;
	(tag) =	ssettag s2;
	_ =	strace s9  }
0x27: {  	s1 =	sld [smem:$0x3FAD]  }
0x28: {  	s2 =	sld [smem:$0x3FAE]  }
0x29: {  	s4 =	sld [smem:$0x3FB0]  }
0x2a: {  	p0 =	seq.s32 s5, $0x0;
	s5 =	sld [smem:$0x3FB1]  }
0x2b: {  	s6 =	sld [smem:$0x3FB2]  }
0x2c: {  	s7 =	sld [smem:$0x3FB3]  }
0x2d: {  	s3 =	simm.s32 $0x108;
	s8 =	sld [smem:$0x3FB4]  }
0x2e: {  	s3 =	simm.s32 @!p0 $0x1082;
	s9 =	sld [smem:$0x3FB5]  }
0x2f: {  	lr =	sadd.s32 s0, s3;
	s0 =	sld [smem:$0x3FAC]  }
0x30: {  	s3 =	sld [smem:$0x3FAF]  }
0x31: {  	[smem:$0x3FB8] =	sst s10  }
0x32: {  	s10 =	sld [smem:$0x3FB6];
	_ =	sdelay $0x3  }
0x33: {  	p0 =	seq.s32 s10, $0x1;
	s10 =	sld [smem:$0x3FB8];
	_ =	sdelay $0x3  }
0x34: {  	[smem:$0x3FB8] =	sst s10  }
0x35: {  	s10 =	sld [smem:$0x3FB7];
	_ =	sdelay $0x3  }
0x36: {  	p1 =	seq.s32 s10, $0x1;
	s10 =	sld [smem:$0x3FB8];
	_ =	sdelay $0x3  }
0x37: {  	[smem:$0x3FB8] =	sst s10  }
0x38: {  	s10 =	sld [smem:$0x3FB9]  }
0x39: {  	_ = 	snop;
	(pc) =	sbr.ind lr, $3  }
0x3a: {  	_ = 	snop  }
0x3b: {  	_ = 	snop  }
0x3c: {  	p2 =	seq.s32 s10, $0x1;
	s10 =	sld [smem:$0x3FB8]  }
0x3d: {  	_ =	shalt  }
0x3e: {  	_ =	shalt  }
0x3f: {  	_ =	shalt  }
0x40: {  	_ =	shalt  }
0x41: {  	_ =	shalt  }
0x42: {  	_ =	shalt  }
0x43: {  	_ =	shalt  }
0x44: {  	_ =	shalt  }
0x45: {  	_ =	shalt  }
0x46: {  	_ =	shalt  }
0x47: {  	_ =	shalt  }
0x48: {  	_ =	shalt  }
0x49: {  	_ =	shalt  }
0x4a: {  	_ =	shalt  }
0x4b: {  	_ =	shalt  }
0x4c: {  	_ =	shalt  }
0x4d: {  	_ =	shalt  }
0x4e: {  	_ =	shalt  }
0x4f: {  	_ =	shalt  }
0x50: {  	_ =	shalt  }
0x51: {  	_ =	shalt  }
0x52: {  	_ =	shalt  }
0x53: {  	_ =	shalt  }
0x54: {  	_ =	shalt  }
0x55: {  	_ =	shalt  }
0x56: {  	_ =	shalt  }
0x57: {  	_ =	shalt  }
0x58: {  	_ =	shalt  }
0x59: {  	_ =	shalt  }
0x5a: {  	_ =	shalt  }
0x5b: {  	_ =	shalt  }
0x5c: {  	_ =	shalt  }
0x5d: {  	_ =	shalt  }
0x5e: {  	_ =	shalt  }
0x5f: {  	_ =	shalt  }
0x60: {  	_ =	shalt  }
0x61: {  	_ =	shalt  }
0x62: {  	_ =	shalt  }
0x63: {  	_ =	shalt  }
0x64: {  	_ =	shalt  }
0x65: {  	_ =	shalt  }
0x66: {  	_ =	shalt  }
0x67: {  	_ =	shalt  }
0x68: {  	_ =	shalt  }
0x69: {  	_ =	shalt  }
0x6a: {  	_ =	shalt  }
0x6b: {  	_ =	shalt  }
0x6c: {  	_ =	shalt  }
0x6d: {  	_ =	shalt  }
0x6e: {  	_ =	shalt  }
0x6f: {  	_ =	shalt  }
0x70: {  	_ =	shalt  }
0x71: {  	_ =	shalt  }
0x72: {  	_ =	shalt  }
0x73: {  	_ =	shalt  }
0x74: {  	_ =	shalt  }
0x75: {  	_ =	shalt  }
0x76: {  	_ =	shalt  }
0x77: {  	_ =	shalt  }
0x78: {  	_ =	shalt  }
0x79: {  	_ =	shalt  }
0x7a: {  	_ =	shalt  }
0x7b: {  	_ =	shalt  }
0x7c: {  	_ =	shalt  }
0x7d: {  	_ =	shalt  }
0x7e: {  	_ =	shalt  }
0x7f: {  	_ =	shalt  }
0x80: {  	_ =	shalt  }
0x81: {  	_ =	shalt  }
0x82: {  	_ =	shalt  }
0x83: {  	_ =	shalt  }
0x84: {  	_ =	shalt  }
0x85: {  	_ =	shalt  }
0x86: {  	_ =	shalt  }
0x87: {  	_ =	shalt  }
.Lfunc_end0:
.L_simem_size_0:
called_computation.1_lowered:
.L_overlay_start_0:
0x88: {  	s2 =	sld [smem:$0x3FD9]  }
0x89: {  	s3 =	sld [smem:$0x3FFE];
	_ =	sdelay $0x1  }
0x8a: {  	s1 =	srdreg.scid  }
0x8b: {  	s0 =	sand.u32 $0x1, s1  }
0x8c: {  	s14 =	sshll.u32 s0, $0xA;
	s2 =	sadd.s32 s3, s2  }
0x8d: {  	s2 =	sadd.s32 s2, s14  }
0x8e: {  	[smem:$0x3FC4] =	sst s2  }
0x8f: {  	_ = 	snop  }
0x90: {  	s2 =	sld [smem:$0x3FD0];
	_ =	sdelay $0x2  }
0x91: {  	s4 =	simm.s32 $0xA;
	s5 =	simm.s32 $0x10;
	s15 =	sld [smem:$0x3FC8]  }
0x92: {  	[smem:s5], [sflag:s4] =	dma.local [hbm:s2], $0x1  }
0x93: {  	_ =	swait.eq [sflag:s4], $0x1  }
0x94: {  	[sflag:s4] =	ssyncset.done $0x0  }
0x95: {  	[sflag:s4] =	ssyncadd.s32 $0xFFFFFFFF  }
0x96: {  	s16 =	sld [smem:$0x11];
	(tm) =	ssettm $0x1  }
0x97: {  	s17 =	sld [smem:$0x3FFB];
	_ =	sdelay $0x3  }
0x98: {  	_ =	strace s17  }
0x99: {  	s4 =	sld [smem:$0x3FFC];
	_ =	sdelay $0x3  }
0x9a: {  	_ =	strace s4  }
0x9b: {  	s4 =	sld [smem:$0x3FFD];
	_ =	sdelay $0x3  }
0x9c: {  	_ =	strace s4  }
0x9d: {  	_ =	strace $0x8FFFFFFF  }
0x9e: {  	s18 =	sld [smem:$0x3FDB];
	_ =	sdelay $0x1  }
0x9f: {  	s19 =	simm.s32 $_scs_section_size  }
0xa0: {  	s6 =	simm.s32 $_size__tile_overlayer_lowered;
	s7 =	simm.s32 $_tile_overlayer_lowered  }
0xa1: {  	s22 =	simm.s32 $0x1BFF;
	s21 =	sshll.u32 s7, $0x1;
	s4 =	sadd.s32 s19, s18  }
0xa2: {  	s8 =	simm.s32 $0x0;
	s20 =	sshll.u32 s6, $0x1;
	s6 =	sadd.s32 s21, s4  }
0xa3: {  	[timem:s8], [sflag:s22] =	dma.local [hbm:s6], s20  }
0xa4: {  	_ =	swait.ge [sflag:s22], s20  }
0xa5: {  	s5 =	ssub.s32 $0x0, s20;
	[sflag:s22] =	ssyncset.done $0x0  }
0xa6: {  	[sflag:s22] =	ssyncadd.s32 s5;
	_ =	sdelay $0x1  }
0xa7: {  	s23 =	simm.s32 $0x1B8B  }
0xa8: {  	_ =	swait.ge [sflag:s23], $0x1  }
0xa9: {  	[sflag:s23] =	ssyncset.done $0x0  }
0xaa: {  	s25 =	simm.s32 $0x1B8E;
	s24 =	sld [smem:$0x3FFE];
	[sflag:s23] =	ssyncadd.s32 $0xFFFFFFFF  }
0xab: {  	s26 =	simm.s32 $execute0_lowered;
	[smem:$0x3FD2] =	sst s25  }
0xac: {  	s6 =	sshll.u32 s26, $0x1;
	_ =	strace $0x80000049;
	[dreg:$0x1] =	wrdreg $0xFFFFFFFF  }
0xad: {  	s28 =	simm.s32 $_size_execute0_lowered;
	s4 =	sadd.s32 s4, s6;
	[dreg:$0x0] =	wrdreg $0x0  }
0xae: {  	s6 =	sshll.u32 s28, $0x1;
	[dreg:$0x2] =	wrdreg s4  }
0xaf: {  	[dreg:$0x3] =	wrdreg s6  }
0xb0: {  	[dreg:$0x4] =	wrdreg $0xC0  }
0xb1: {  	_ =	task [dreg:s8], $0x5FFFF  }
0xb2: {  	[dreg:$0x1] =	wrdreg $0xFFFFFFFF  }
0xb3: {  	[dreg:$0x0] =	wrdreg $0x60  }
0xb4: {  	[dreg:$0x2] =	wrdreg s15  }
0xb5: {  	[dreg:$0x3] =	wrdreg s24  }
0xb6: {  	[dreg:$0x4] =	wrdreg s16  }
0xb7: {  	[dreg:$0x5] =	wrdreg $0x9  }
0xb8: {  	_ =	task.clear_ibuf [dreg:s8], $0x6FFFF;
	_ =	strace $0x90000049  }
0xb9: {  	s29 =	simm.s32 $0x9;
	_ =	strace $0x8000004B  }
0xba: {  	_ =	swait.ge [sflag:s29], $0x1  }
0xbb: {  	[sflag:s29] =	ssyncadd.s32 $0xFFFFFFFF  }
0xbc: {  	_ =	strace $0x9000004B  }
0xbd: {  	_ =	sfence  }
0xbe: {  	s30 =	sld [smem:$0x0];
	_ =	sdelay $0x2  }
0xbf: {  	s31 =	sshll.u32 s1, $0xD;
	s1 =	sshrl.u32 s1, $0x2  }
0xc0: {  	s3 =	sand.u32 $0x4000, s31;
	s1 =	sadd.s32 s1, s30  }
0xc1: {  	s0 =	sor.u32 s3, s0;
	s1 =	sshll.u32 s1, $0x11  }
0xc2: {  	s0 =	sor.u32 s1, s0  }
0xc3: {  	s0 =	sadd.s32 $0x8F2B, s0  }
0xc4: {  	[sflag:s0] =	ssyncadd.remote.s32 $0x1  }
0xc5: {  	_ =	sfence.sel $0xFFFF  }
0xc6: {  	[dreg:$0x0] =	wrdreg $0xFFFFFFFF;
	(pc) =	sbr.abs _section_cstart, $3  }
0xc7: {  	[dreg:$0x1] =	wrdreg $0xFFFFFFFF  }
0xc8: {  	_ =	task.clear_ibuf [dreg:s8], $0x2FFFF;
	_ =	strace $0x9FFFFFFF  }
0xc9: {  	(tm) =	ssettm $0x7FFFFFFF  }
tec
execute0_lowered:
.L_overlay_start_1:
0x0: {  	(tag) =	ssettag $0x1  }
0x1: {  	s1 =	rddreg [dreg:$0x0]  }
0x2: {  	s4 =	rddreg [dreg:$0x1]  }
0x3: {  	s11 =	rddreg [dreg:$0x2]  }
0x4: {  	s0 =	rddreg [dreg:$0x3];
	s5 =	srdreg.scid;
	s3 =	simm.s32 $0x0  }
0x5: {  	s2 =	stileid.u32;
	s14 =	simm.s32 $0x4000;
	s15 =	simm.s32 $0xA000  }
0x6: {  	s16 =	simm.s32 $0x1;
	s17 =	simm.s32 $0xC000;
	s18 =	simm.s32 $0x2  }
0x7: {  	s19 =	simm.s32 $0x3;
	s20 =	simm.s32 $0x0;
	s5 =	sand.u32 $0x1, s5  }
0x8: {  	[smem:$0x7FF] =	sst s3;
	s7 =	sshll.u32 s2, $0x1;
	s6 =	ssub.s32 $0x2, s5  }
0x9: {  	s4 =	sadd.s32 $0xC00, s4;
	s7 =	sor.u32 s5, s7;
	s8 =	sshrl.u32 s6, $0x1  }
.Ltmp0:
0xa: {  	s5 =	sshll.u32 s7, $0x13;
	s31 =	sshll.u32 s7, $0x10;
	(pc) =	sbr.rel .LBB2_1-.Ltmp0, $4  }
0xb: {  	s9 =	sshll.u32 s7, $0xF;
	s13 =	smul.u32 $0x14, s7;
	s12 =	ssub.s32 s6, s8  }
0xc: {  	s6 =	sshll.u32 s7, $0x12;
	s7 =	sadd.s32 s1, s31;
	s8 =	sadd.s32 s4, s9  }
0xd: {  	_ =	strace $0x8000004A;
	s9 =	sadd.s32 $0x800, s7;
	s10 =	sadd.s32 $0x400, s8  }
0xe: {  	v0 =	vimm.s32 $0x0;
	s11 =	sadd.s32 s11, s13;
	s12 =	smax.u32 s12, $0x1;
	s13 =	simm.s32 $0x8000  }
.LBB2_8:
0xf: {  	s20 =	sadd.s32 $0x1, s20  }
0x10: {  	p0 =	sne.s32 s20, s12  }
.Ltmp1:
0x11: {  	_ = 	snop;
	(pc) =	sbr.rel @!p0 .LBB2_9-.Ltmp1, $4  }
0x12: {  	[hbm4b:s11+s3] =	stream.linear.scatter [tilespmem:s17], [sflag:$0x3], $0xA0, $0x38;
	[tilespmem:$0xC100] =	vst v63  }
0x13: {  	_ =	swait.ge [sflag:s19], $0xA0  }
0x14: {  	[sflag:s19] =	ssyncset.done $0x0  }
0x15: {  	[sflag:s19] =	ssyncadd.s32 $0xFFFFFF60  }
.LBB2_1:
0x16: {  	[tilespmem:$0xC000] =	vst v0  }
0x17: {  	[tilespmem:$0xC010] =	vst v0  }
0x18: {  	[tilespmem:$0xC020] =	vst v0  }
0x19: {  	[tilespmem:$0xC030] =	vst v0  }
0x1a: {  	[tilespmem:$0xC040] =	vst v0  }
0x1b: {  	[tilespmem:$0xC050] =	vst v0  }
0x1c: {  	[tilespmem:$0xC060] =	vst v0  }
0x1d: {  	[tilespmem:$0xC070] =	vst v0  }
0x1e: {  	[tilespmem:$0xC080] =	vst v0  }
0x1f: {  	[tilespmem:$0xC090] =	vst v0  }
0x20: {  	[tilespmem:s3], [sflag:$0x1] =	stream.linear.gather [hbm4b:s7+s3], $0x4000, $0x38;
	[tilespmem:$0xC100] =	vst v63  }
0x21: {  	_ = 	snop  }
0x22: {  	[tilespmem:s13], [sflag:$0x1] =	stream.linear.gather [hbm4b:s8+s3], $0x2000, $0x38;
	[tilespmem:$0xC100] =	vst v63  }
0x23: {  	_ = 	snop  }
0x24: {  	[tilespmem:s14], [sflag:$0x2] =	stream.linear.gather [hbm4b:s9+s3], $0x4000, $0x38;
	[tilespmem:$0xC100] =	vst v63  }
0x25: {  	s21 =	simm.s32 $0x0  }
0x26: {  	[tilespmem:s15], [sflag:$0x2] =	stream.linear.gather [hbm4b:s10+s3], $0x2000, $0x38;
	[tilespmem:$0xC100] =	vst v63  }
.LBB2_2:
0x27: {  	_ =	swait.ge [sflag:s16], $0x4000  }
0x28: {  	[sflag:s16] =	ssyncset.done $0x0  }
0x29: {  	[sflag:s16] =	ssyncadd.s32 $0xFFFFC000  }
0x2a: {  	_ =	swait.ge [sflag:s16], $0x2000  }
0x2b: {  	[sflag:s16] =	ssyncset.done $0x0  }
0x2c: {  	s22 =	simm.s32 $0x0;
	s23 =	simm.s32 $0x40;
	[sflag:s16] =	ssyncadd.s32 $0xFFFFE000  }
.LBB2_3:
0x2d: {  	v1 =	vld [tilespmem:s23+$0xFFFFFFC0]  }
0x2e: {  	v2 =	vld [tilespmem:s23+$0xFFFFFFD0];
	s24 =	sshra.s32 s22, $0x2  }
0x2f: {  	v3 =	vld [tilespmem:s24+$0x8000]  }
0x30: {  	v4 =	vld [tilespmem:s23+$0xFFFFFFE0]  }
0x31: {  	v5 =	vld [tilespmem:s24+$0x8010]  }
0x32: {  	v6 =	vld [tilespmem:s23+$0xFFFFFFF0]  }
0x33: {  	v7 =	vld [tilespmem:s24+$0x8020]  }
0x34: {  	v8 =	vld [tilespmem:s23+$0x0];
	v9 =	vunpack.i.l.s16.s32 v3  }
0x35: {  	v10 =	vld [tilespmem:s24+$0x8030];
	v3 =	vunpack.i.u.s16.s32 v3  }
0x36: {  	v11 =	vld [tilespmem:s23+$0x10];
	v12 =	vunpack.i.l.s16.s32 v5  }
0x37: {  	v13 =	vld [tilespmem:s23+$0x20];
	v5 =	vunpack.i.u.s16.s32 v5  }
0x38: {  	v14 =	vld [tilespmem:s23+$0x30];
	v15 =	vunpack.i.l.s16.s32 v7  }
0x39: {  	v7 =	vunpack.i.u.s16.s32 v7;
	[tilespmem:v9+s17+$0x0] =	vst.idx.add.s32.msk $0xffff, v1  }
0x3a: {  	v1 =	vunpack.i.l.s16.s32 v10;
	[tilespmem:v3+s17+$0x0] =	vst.idx.add.s32.msk $0xffff, v2  }
0x3b: {  	p0 =	sne.s32 s22, $0x7F00;
	v2 =	vunpack.i.u.s16.s32 v10;
	[tilespmem:v12+s17+$0x0] =	vst.idx.add.s32.msk $0xffff, v4  }
.Ltmp2:
0x3c: {  	[tilespmem:v5+s17+$0x0] =	vst.idx.add.s32.msk $0xffff, v6;
	(pc) =	sbr.rel @p0 .LBB2_3-.Ltmp2, $4  }
0x3d: {  	[tilespmem:v15+s17+$0x0] =	vst.idx.add.s32.msk $0xffff, v8  }
0x3e: {  	[tilespmem:v7+s17+$0x0] =	vst.idx.add.s32.msk $0xffff, v11  }
0x3f: {  	[tilespmem:v1+s17+$0x0] =	vst.idx.add.s32.msk $0xffff, v13  }
0x40: {  	s23 =	sadd.s32 $0x80, s23;
	s22 =	sadd.s32 $0x100, s22;
	[tilespmem:v2+s17+$0x0] =	vst.idx.add.s32.msk $0xffff, v14  }
0x41: {  	s22 =	sshll.u32 s21, $0x1;
	p0 =	seq.s32 s21, $0xF  }
0x42: {  	s23 =	sadd.s32 @!p0 $0x2, s22  }
0x43: {  	s24 =	sshll.u32 @!p0 s23, $0xE  }
0x44: {  	s23 =	sshll.u32 @!p0 s23, $0xD;
	s24 =	sadd.s32 @!p0 s5, s24  }
0x45: {  	s23 =	sadd.s32 @!p0 s6, s23;
	s24 =	sshrl.u32 @!p0 s24, $0x3  }
0x46: {  	s25 =	simm.s32 @!p0 $0x0;
	s23 =	sshrl.u32 @!p0 s23, $0x3;
	s24 =	sadd.s32 @!p0 s1, s24  }
0x47: {  	[tilespmem:s25], [sflag:$0x1] =	stream.linear.gather @!p0 [hbm4b:s24+s25], $0x4000, $0x38;
	[tilespmem:$0xC100] =	vst v63  }
0x48: {  	s23 =	sadd.s32 @!p0 s4, s23;
	s24 =	simm.s32 @!p0 $0x8000  }
0x49: {  	[tilespmem:s24], [sflag:$0x1] =	stream.linear.gather @!p0 [hbm4b:s23+s25], $0x2000, $0x38;
	[tilespmem:$0xC100] =	vst v63  }
0x4a: {  	_ =	swait.ge [sflag:s18], $0x4000  }
0x4b: {  	[sflag:s18] =	ssyncset.done $0x0  }
0x4c: {  	[sflag:s18] =	ssyncadd.s32 $0xFFFFC000  }
0x4d: {  	_ =	swait.ge [sflag:s18], $0x2000  }
0x4e: {  	[sflag:s18] =	ssyncset.done $0x0  }
0x4f: {  	s23 =	simm.s32 $0x0;
	s24 =	simm.s32 $0x4040;
	[sflag:s18] =	ssyncadd.s32 $0xFFFFE000  }
.LBB2_5:
0x50: {  	v1 =	vld [tilespmem:s24+$0xFFFFFFC0]  }
0x51: {  	v2 =	vld [tilespmem:s24+$0xFFFFFFD0];
	s25 =	sshra.s32 s23, $0x2  }
0x52: {  	v3 =	vld [tilespmem:s25+$0xA000]  }
0x53: {  	v4 =	vld [tilespmem:s24+$0xFFFFFFE0]  }
0x54: {  	v5 =	vld [tilespmem:s25+$0xA010]  }
0x55: {  	v6 =	vld [tilespmem:s24+$0xFFFFFFF0]  }
0x56: {  	v7 =	vld [tilespmem:s25+$0xA020]  }
0x57: {  	v8 =	vld [tilespmem:s24+$0x0];
	v9 =	vunpack.i.l.s16.s32 v3  }
0x58: {  	v10 =	vld [tilespmem:s25+$0xA030];
	v3 =	vunpack.i.u.s16.s32 v3  }
0x59: {  	v11 =	vld [tilespmem:s24+$0x10];
	v12 =	vunpack.i.l.s16.s32 v5  }
0x5a: {  	v13 =	vld [tilespmem:s24+$0x20];
	v5 =	vunpack.i.u.s16.s32 v5  }
0x5b: {  	v14 =	vld [tilespmem:s24+$0x30];
	v15 =	vunpack.i.l.s16.s32 v7  }
0x5c: {  	v7 =	vunpack.i.u.s16.s32 v7;
	[tilespmem:v9+s17+$0x0] =	vst.idx.add.s32.msk $0xffff, v1  }
0x5d: {  	v1 =	vunpack.i.l.s16.s32 v10;
	[tilespmem:v3+s17+$0x0] =	vst.idx.add.s32.msk $0xffff, v2  }
0x5e: {  	p1 =	sne.s32 s23, $0x7F00;
	v2 =	vunpack.i.u.s16.s32 v10;
	[tilespmem:v12+s17+$0x0] =	vst.idx.add.s32.msk $0xffff, v4  }
.Ltmp3:
0x5f: {  	[tilespmem:v5+s17+$0x0] =	vst.idx.add.s32.msk $0xffff, v6;
	(pc) =	sbr.rel @p1 .LBB2_5-.Ltmp3, $4  }
0x60: {  	[tilespmem:v15+s17+$0x0] =	vst.idx.add.s32.msk $0xffff, v8  }
0x61: {  	[tilespmem:v7+s17+$0x0] =	vst.idx.add.s32.msk $0xffff, v11  }
0x62: {  	[tilespmem:v1+s17+$0x0] =	vst.idx.add.s32.msk $0xffff, v13  }
0x63: {  	s24 =	sadd.s32 $0x80, s24;
	s23 =	sadd.s32 $0x100, s23;
	[tilespmem:v2+s17+$0x0] =	vst.idx.add.s32.msk $0xffff, v14  }
.Ltmp4:
0x64: {  	(pc) =	sbr.rel @p0 .LBB2_8-.Ltmp4, $1  }
0x65: {  	_ =	sdelay $0x3  }
0x66: {  	s22 =	sadd.s32 $0x3, s22  }
0x67: {  	s23 =	sshll.u32 s22, $0xE  }
0x68: {  	s22 =	sshll.u32 s22, $0xD;
	s23 =	sadd.s32 s5, s23  }
.Ltmp5:
0x69: {  	s22 =	sadd.s32 s6, s22;
	s23 =	sshrl.u32 s23, $0x3;
	(pc) =	sbr.rel .LBB2_2-.Ltmp5, $4  }
0x6a: {  	s22 =	sshrl.u32 s22, $0x3;
	s23 =	sadd.s32 s1, s23  }
0x6b: {  	[tilespmem:s14], [sflag:$0x2] =	stream.linear.gather [hbm4b:s23+s3], $0x4000, $0x38;
	[tilespmem:$0xC100] =	vst v63  }
0x6c: {  	s21 =	sadd.s32 $0x1, s21;
	s22 =	sadd.s32 s4, s22  }
0x6d: {  	[tilespmem:s15], [sflag:$0x2] =	stream.linear.gather [hbm4b:s22+s3], $0x2000, $0x38;
	[tilespmem:$0xC100] =	vst v63  }
.LBB2_9:
0x6e: {  	_ =	sfence.sel $0x180000  }
0x6f: {  	[bflag:$0x0] =	sbarrier.arrive $0xFFFF  }
0x70: {  	p0 =	sne.s32 s2, $0x0;
	_ =	strace $0x9000004A  }
0x71: {  	s0 =	sadd.s32 @!p0 $0x100000, s0;
	[bflag:$0x2] =	sbarrier.arrive $0xFFFF  }
0x72: {  	[sflag:s0] =	ssyncadd.tile.s32 @!p0 $0x1;
	_ =	shalt  }
.Lfunc_end2:
_tile_overlayer_lowered:
.L_overlay_start_2:
0x73: {  	(tag) =	ssettag $0x2  }
0x74: {  	s0 =	rddreg [dreg:$0x0];
	s2 =	stileid.u32  }
0x75: {  	s1 =	rddreg [dreg:$0x1];
	p0 =	sne.s32 s2, $0x0  }
0x76: {  	s3 =	rddreg [dreg:$0x2];
	[bflag:$0x3] =	sbarrier.arrive $0xFFFF;
	s2 =	simm.s32 @!p0 $0x1C03  }
0x77: {  	[timem:s3], [sflag:s2] =	dma.local @!p0 [hbm:s0], s1  }
0x78: {  	s0 =	simm.s32 @!p0 $0x3  }
0x79: {  	_ =	swait.ge @!p0 [sflag:s0], s1  }
0x7a: {  	s1 =	ssub.s32 @!p0 $0x0, s1;
	[sflag:s0] =	ssyncset.done @!p0 $0x0  }
0x7b: {  	[sflag:s0] =	ssyncadd.s32 @!p0 s1  }
0x7c: {  	[bflag:$0x3] =	sbarrier.arrive $0xFFFF  }
0x7d: {  	_ =	shalt  }

</sc_bundles>
